<compile_context>
chip_gen: v7x
topology: tpu7x:2x2x1
jax: 0.10.2.dev20260603
libtpu: 0.0.44.dev20260713+nightly
codegen_flags: <defaults>
</compile_context>

<pallas_src>
import functools

import jax
import jax.numpy as jnp
from jax import lax
from jax.experimental import pallas as pl
from jax.experimental.pallas import tpu as pltpu
from jax.experimental.pallas import tpu_sc as plsc

N = 10000
E = 320000
ET = E + N
IN = 128
HID = 128
HEADS = 2
OUT = 128

NP_ = 10240
NSUB = 16
NCORE = 2
LANES = 16
C = 128
T = 20736
ETP = T * NSUB
NCH = T // C
RPT = NP_ // NSUB

RN = 256
RB = NP_ // RN



def _mm1_body(x_ref, w_ref, o_ref):
    o_ref[...] = jnp.dot(x_ref[...], w_ref[...],
                         preferred_element_type=jnp.float32)[None]


def _matmul1(x, W1):
    return pl.pallas_call(
        _mm1_body,
        grid=(HEADS, RB),
        in_specs=[
            pl.BlockSpec((RN, IN), lambda c, i: (i, 0)),
            pl.BlockSpec((IN, HID), lambda c, i: (0, c)),
        ],
        out_specs=pl.BlockSpec((1, RN, HID), lambda c, i: (c, i, 0)),
        out_shape=jax.ShapeDtypeStruct((HEADS, NP_, HID), jnp.float32),
    )(x, W1)


def _aux_body(x_ref, v_ref, o_ref):
    o_ref[...] = jax.lax.dot_general(
        v_ref[...], x_ref[...],
        dimension_numbers=(((1,), (1,)), ((), ())),
        preferred_element_type=jnp.float32)


def _aux1(x, V1):
    return pl.pallas_call(
        _aux_body,
        out_shape=jax.ShapeDtypeStruct((8, NP_), jnp.float32),
    )(x, V1)


def _mm2_body(h_ref, w_ref, b_ref, s_ref, t_ref, o_ref):
    h = h_ref[...]
    act0 = jnp.maximum(h[0] + b_ref[0], 0.0) * s_ref[0] + t_ref[0]
    act1 = jnp.maximum(h[1] + b_ref[1], 0.0) * s_ref[1] + t_ref[1]
    w = w_ref[...]
    acc = jnp.dot(act0, w[0:HID], preferred_element_type=jnp.float32)
    acc = acc + jnp.dot(act1, w[HID:2 * HID],
                        preferred_element_type=jnp.float32)
    o_ref[...] = acc


def _matmul2(h1, W2, b1r, s1r, t1r):
    return pl.pallas_call(
        _mm2_body,
        grid=(RB,),
        in_specs=[
            pl.BlockSpec((2, RN, HID), lambda i: (0, i, 0)),
            pl.BlockSpec((2 * HID, OUT), lambda i: (0, 0)),
            pl.BlockSpec((2, HID), lambda i: (0, 0)),
            pl.BlockSpec((2, HID), lambda i: (0, 0)),
            pl.BlockSpec((2, HID), lambda i: (0, 0)),
        ],
        out_specs=pl.BlockSpec((RN, OUT), lambda i: (i, 0)),
        out_shape=jax.ShapeDtypeStruct((NP_, OUT), jnp.float32),
    )(h1, W2, b1r, s1r, t1r)


def _aux2_body(h_ref, v_ref, b_ref, s_ref, t_ref, o_ref):
    h = h_ref[...]
    act0 = jnp.maximum(h[0] + b_ref[0], 0.0) * s_ref[0] + t_ref[0]
    act1 = jnp.maximum(h[1] + b_ref[1], 0.0) * s_ref[1] + t_ref[1]
    v = v_ref[...]
    a = jax.lax.dot_general(v[0], act0, (((1,), (1,)), ((), ())),
                            preferred_element_type=jnp.float32)
    a = a + jax.lax.dot_general(v[1], act1, (((1,), (1,)), ((), ())),
                                preferred_element_type=jnp.float32)
    o_ref[...] = a


def _aux2(h1, V2b, b1r, s1r, t1r):
    return pl.pallas_call(
        _aux2_body,
        out_shape=jax.ShapeDtypeStruct((8, NP_), jnp.float32),
    )(h1, V2b, b1r, s1r, t1r)


def _epi_body(h_ref, s_ref, t_ref, o_ref):
    h = h_ref[...]
    o_ref[...] = (h[0] + h[1]) * s_ref[...] + t_ref[...]


def _epilogue(h2, s2r, t2r):
    return pl.pallas_call(
        _epi_body,
        grid=(RB,),
        in_specs=[
            pl.BlockSpec((2, RN, OUT), lambda i: (0, i, 0)),
            pl.BlockSpec((1, OUT), lambda i: (0, 0)),
            pl.BlockSpec((1, OUT), lambda i: (0, 0)),
        ],
        out_specs=pl.BlockSpec((RN, OUT), lambda i: (i, 0)),
        out_shape=jax.ShapeDtypeStruct((NP_, OUT), jnp.float32),
    )(h2, s2r, t2r)



@functools.cache
def _make_sc_gat(layer1):
    F = 128
    FV = F // LANES
    mesh = plsc.VectorSubcoreMesh(core_axis_name="c", subcore_axis_name="s",
                                  num_cores=NCORE, num_subcores=NSUB)

    def body(h_ref, aux_ref, src_ref, dst_ref, o_ref,
             rows_v, asrc_v, adst_v, denom_v, srcc, dstc, coefc,
             gsrcc, acc_sp, den_sp, sem):
        cid = lax.axis_index("c")
        sid = lax.axis_index("s")
        z16 = jnp.zeros((LANES,), jnp.float32)

        def zrow(e, _):
            for j in range(FV):
                rows_v[e, pl.ds(j * LANES, LANES)] = z16
            return 0
        lax.fori_loop(0, C, zrow, 0)

        def zden(i, _):
            denom_v[pl.ds(i * LANES, LANES)] = z16
            return 0
        lax.fori_loop(0, NP_ // LANES, zden, 0)

        for k in range(RPT // C):
            pltpu.sync_copy(rows_v, acc_sp.at[pl.ds(sid * RPT + k * C, C)])
        pltpu.sync_copy(denom_v.at[pl.ds(0, RPT)],
                        den_sp.at[pl.ds(sid * RPT, RPT)])

        if layer1:
            pltpu.sync_copy(aux_ref.at[cid], asrc_v)
            pltpu.sync_copy(aux_ref.at[cid + 2], adst_v)
        else:
            pltpu.sync_copy(aux_ref.at[0], asrc_v)
            pltpu.sync_copy(aux_ref.at[1], adst_v)

        plsc.subcore_barrier()

        def p1(ch, _):
            base = sid * T + ch * C
            pltpu.sync_copy(src_ref.at[pl.ds(base, C)], srcc)
            pltpu.sync_copy(dst_ref.at[pl.ds(base, C)], dstc)
            for g in range(C // LANES):
                s16 = srcc[pl.ds(g * LANES, LANES)]
                d16 = dstc[pl.ds(g * LANES, LANES)]
                al = (plsc.load_gather(asrc_v, [s16])
                      + plsc.load_gather(adst_v, [d16]))
                al = jnp.maximum(al, 0.2 * al)
                ex = jnp.exp(al)
                glob = base + g * LANES + lax.iota(jnp.int32, LANES)
                ex = jnp.where(glob < ET, ex, 0.0)
                coefc[pl.ds(g * LANES, LANES)] = ex
            pltpu.sync_copy(coefc, den_sp.at[dstc], add=True)
            return 0
        lax.fori_loop(0, NCH, p1, 0)

        plsc.subcore_barrier()
        pltpu.sync_copy(den_sp, denom_v)

        if layer1:
            nch2 = NCH
        else:
            nch2 = NCH // 2

        def p2(ch, _):
            if layer1:
                base = sid * T + ch * C
            else:
                base = cid * (ETP // 2) + sid * (T // 2) + ch * C
            pltpu.sync_copy(src_ref.at[pl.ds(base, C)], srcc)
            pltpu.sync_copy(dst_ref.at[pl.ds(base, C)], dstc)
            if layer1:
                for g in range(C // LANES):
                    gsrcc[pl.ds(g * LANES, LANES)] = (
                        srcc[pl.ds(g * LANES, LANES)] + cid * NP_)
                pltpu.async_copy(h_ref.at[gsrcc], rows_v, sem).wait()
            else:
                pltpu.async_copy(h_ref.at[srcc], rows_v, sem).wait()
            for g in range(C // LANES):
                s16 = srcc[pl.ds(g * LANES, LANES)]
                d16 = dstc[pl.ds(g * LANES, LANES)]
                al = (plsc.load_gather(asrc_v, [s16])
                      + plsc.load_gather(adst_v, [d16]))
                al = jnp.maximum(al, 0.2 * al)
                ex = jnp.exp(al)
                glob = base + g * LANES + lax.iota(jnp.int32, LANES)
                ex = jnp.where(glob < ET, ex, 0.0)
                dn = plsc.load_gather(denom_v, [d16])
                coefc[pl.ds(g * LANES, LANES)] = ex / (dn + 1e-16)

            def scale(e, _):
                cv = plsc.load_gather(coefc, [jnp.full((LANES,), e,
                                                       jnp.int32)])
                for j in range(FV):
                    rv = rows_v[e, pl.ds(j * LANES, LANES)]
                    rows_v[e, pl.ds(j * LANES, LANES)] = rv * cv
                return 0
            lax.fori_loop(0, C, scale, 0)
            pltpu.sync_copy(rows_v, acc_sp.at[dstc], add=True)
            return 0
        lax.fori_loop(0, nch2, p2, 0)

        plsc.subcore_barrier()

        for k in range(RPT // C):
            r0 = sid * RPT + k * C
            pltpu.sync_copy(acc_sp.at[pl.ds(r0, C)], rows_v)
            pltpu.sync_copy(rows_v, o_ref.at[pl.ds(cid * NP_ + r0, C)])

    kern = pl.kernel(
        body,
        out_type=jax.ShapeDtypeStruct((NCORE * NP_, F), jnp.float32),
        mesh=mesh,
        compiler_params=pltpu.CompilerParams(needs_layout_passes=False),
        scratch_types=[
            pltpu.VMEM((C, F), jnp.float32),
            pltpu.VMEM((NP_,), jnp.float32),
            pltpu.VMEM((NP_,), jnp.float32),
            pltpu.VMEM((NP_,), jnp.float32),
            pltpu.VMEM((C,), jnp.int32),
            pltpu.VMEM((C,), jnp.int32),
            pltpu.VMEM((C,), jnp.float32),
            pltpu.VMEM((C,), jnp.int32),
            pltpu.VMEM_SHARED((NP_, F), jnp.float32),
            pltpu.VMEM_SHARED((NP_,), jnp.float32),
            pltpu.SemaphoreType.DMA,
        ],
    )
    return kern



def kernel(x, edge_index, edge_attr, W1, att_src1, att_dst1, b1, bn1_w,
           bn1_b, W2, att_src2, att_dst2, b2, bn2_w, bn2_b):
    f32 = jnp.float32
    xp = jnp.zeros((NP_, IN), f32).at[:N].set(x)
    loops = jnp.arange(N, dtype=edge_index.dtype)
    src = jnp.concatenate([edge_index[0], loops,
                           jnp.zeros((ETP - ET,), edge_index.dtype)])
    dst = jnp.concatenate([edge_index[1], loops,
                           jnp.zeros((ETP - ET,), edge_index.dtype)])

    W1h = W1.reshape(IN, HEADS, HID)
    V1 = jnp.zeros((8, IN), f32)
    for hh in range(HEADS):
        V1 = V1.at[hh].set(W1h[:, hh, :] @ att_src1[0, hh])
        V1 = V1.at[2 + hh].set(W1h[:, hh, :] @ att_dst1[0, hh])
    V2 = jnp.zeros((2, 8, HID), f32)
    vs2 = W2 @ att_src2[0, 0]
    vd2 = W2 @ att_dst2[0, 0]
    V2 = V2.at[0, 0].set(vs2[:HID]).at[1, 0].set(vs2[HID:])
    V2 = V2.at[0, 1].set(vd2[:HID]).at[1, 1].set(vd2[HID:])

    inv = 1.0 / jnp.sqrt(1.0 + 1e-5)
    b1r = b1.reshape(HEADS, HID)
    s1r = (bn1_w * inv).reshape(HEADS, HID)
    t1r = bn1_b.reshape(HEADS, HID)
    s2 = bn2_w * inv
    t2 = b2 * s2 + bn2_b
    s2r = s2.reshape(1, OUT)
    t2r = t2.reshape(1, OUT)

    h1 = _matmul1(xp, W1)
    aux1 = _aux1(xp, V1)
    o1 = _make_sc_gat(True)(h1.reshape(2 * NP_, HID), aux1, src, dst)
    o1 = o1.reshape(2, NP_, HID)

    h2 = _matmul2(o1, W2, b1r, s1r, t1r)
    aux2 = _aux2(o1, V2, b1r, s1r, t1r)
    o2 = _make_sc_gat(False)(h2, aux2, src, dst)
    o2 = o2.reshape(2, NP_, OUT)

    out = _epilogue(o2, s2r, t2r)
    return out[:N]

# --- scband reference (transcript-rebuilt; emitter-appended) ---
"""Pipeline reference for scband-gat-89215060673335 (READ-ONLY COPY).

The authoritative reference and input builder live on the scoring server;
editing this copy changes nothing except your own understanding.
"""

import jax, jax.numpy as jnp
import numpy as np

N = 10000
E = 320000
IN = 128
HID = 128
HEADS = 2
OUT = 128
D_EDGE = 16

def setup_inputs(seed: int = 0):
    key = jax.random.key(seed)
    ks = jax.random.split(key, 16)
    x = jax.random.normal(ks[0], (N, IN), dtype=jnp.float32)
    edge_index = jax.random.randint(ks[1], (2, E), 0, N, dtype=jnp.int32)
    edge_attr = jax.random.normal(ks[2], (E, D_EDGE), dtype=jnp.float32)
    W1 = jax.random.normal(ks[3], (IN, HEADS * HID), dtype=jnp.float32) * (1.0 / np.sqrt(IN))
    att_src1 = jax.random.normal(ks[4], (1, HEADS, HID), dtype=jnp.float32) * (1.0 / np.sqrt(HID))
    att_dst1 = jax.random.normal(ks[5], (1, HEADS, HID), dtype=jnp.float32) * (1.0 / np.sqrt(HID))
    b1 = jnp.zeros((HEADS * HID,), dtype=jnp.float32)
    bn1_w = jnp.ones((HEADS * HID,), dtype=jnp.float32)
    bn1_b = jnp.zeros((HEADS * HID,), dtype=jnp.float32)
    W2 = jax.random.normal(ks[6], (HEADS * HID, OUT), dtype=jnp.float32) * (1.0 / np.sqrt(HEADS * HID))
    att_src2 = jax.random.normal(ks[7], (1, 1, OUT), dtype=jnp.float32) * (1.0 / np.sqrt(OUT))
    att_dst2 = jax.random.normal(ks[8], (1, 1, OUT), dtype=jnp.float32) * (1.0 / np.sqrt(OUT))
    b2 = jnp.zeros((OUT,), dtype=jnp.float32)
    bn2_w = jnp.ones((OUT,), dtype=jnp.float32)
    bn2_b = jnp.zeros((OUT,), dtype=jnp.float32)
    return {"x": x, "edge_index": edge_index, "edge_attr": edge_attr,
            "W1": W1, "att_src1": att_src1, "att_dst1": att_dst1, "b1": b1,
            "bn1_w": bn1_w, "bn1_b": bn1_b,
            "W2": W2, "att_src2": att_src2, "att_dst2": att_dst2, "b2": b2,
            "bn2_w": bn2_w, "bn2_b": bn2_b}

def _gat_conv(x, src, dst, W, att_src, att_dst, bias, heads, out_ch):
    n = x.shape[0]
    h = (x @ W).reshape(n, heads, out_ch)
    a_src = (h * att_src).sum(-1)
    a_dst = (h * att_dst).sum(-1)
    alpha = a_src[src] + a_dst[dst]
    alpha = jax.nn.leaky_relu(alpha, 0.2)
    amax = jax.ops.segment_max(alpha, dst, num_segments=n)
    amax = jax.lax.stop_gradient(jnp.where(jnp.isfinite(amax), amax, 0.0))
    ex = jnp.exp(alpha - amax[dst])
    denom = jax.ops.segment_sum(ex, dst, num_segments=n)
    coef = ex / (denom[dst] + 1e-16)
    msg = h[src] * coef[:, :, None]
    out = jax.ops.segment_sum(msg, dst, num_segments=n)
    return out.reshape(n, heads * out_ch) + bias

def _bn_eval(x, gamma, beta):
    # BatchNorm1d in eval mode with fresh running stats (mean=0, var=1)
    return x * (gamma / jnp.sqrt(1.0 + 1e-5)) + beta

def reference(x, edge_index, edge_attr, W1, att_src1, att_dst1, b1, bn1_w, bn1_b, W2, att_src2, att_dst2, b2, bn2_w, bn2_b):
    n = x.shape[0]
    # add_self_loops=True in both GATConv layers
    loops = jnp.arange(n, dtype=edge_index.dtype)
    src = jnp.concatenate([edge_index[0], loops])
    dst = jnp.concatenate([edge_index[1], loops])
    # edge_attr is ignored: GATConv was constructed without edge_dim, so lin_edge is None
    h = _gat_conv(x, src, dst, W1, att_src1, att_dst1, b1, HEADS, HID)
    h = jax.nn.relu(h)
    h = _bn_eval(h, bn1_w, bn1_b)
    h = _gat_conv(h, src, dst, W2, att_src2, att_dst2, b2, 1, OUT)
    h = _bn_eval(h, bn2_w, bn2_b)
    return h

if __name__ == "__main__":
    import jax
    _d = setup_inputs()
    print(jax.jit(kernel)(*tuple(_d.values())))

</pallas_src>

<mosaic_0001>
#map = affine_map<(d0, d1) -> (0, 0)>
#map1 = affine_map<(d0, d1) -> (0)>
module attributes {stable_mosaic.version = 14 : i64} {
  func.func @body(%arg0: i32, %arg1: i32, %arg2: memref<20480x128xf32, #tpu.memory_space<hbm>>, %arg3: memref<8x10240xf32, #tpu.memory_space<hbm>>, %arg4: memref<331776xi32, #tpu.memory_space<hbm>>, %arg5: memref<331776xi32, #tpu.memory_space<hbm>>, %arg6: memref<20480x128xf32, #tpu.memory_space<hbm>>, %arg7: memref<128x128xf32, #tpu.memory_space<vmem>>, %arg8: memref<10240xf32, #tpu.memory_space<vmem>>, %arg9: memref<10240xf32, #tpu.memory_space<vmem>>, %arg10: memref<10240xf32, #tpu.memory_space<vmem>>, %arg11: memref<128xi32, #tpu.memory_space<vmem>>, %arg12: memref<128xi32, #tpu.memory_space<vmem>>, %arg13: memref<128xf32, #tpu.memory_space<vmem>>, %arg14: memref<128xi32, #tpu.memory_space<vmem>>, %arg15: memref<10240x128xf32, #tpu.memory_space<vmem_shared>>, %arg16: memref<10240xf32, #tpu.memory_space<vmem_shared>>, %arg17: memref<!tpu.dma_semaphore, #tpu.memory_space<semaphore_mem>>) attributes {dimension_semantics = [#tpu.dimension_semantics<core_parallel>, #tpu.dimension_semantics<subcore_parallel>], iteration_bounds = array<i64: 2, 16>, scalar_prefetch = 0 : i64, scratch_operands = 11 : i64, tpu.core_type = #tpu.core_type<sc_vector_subcore>, window_params = [{transform_indices = #map}, {transform_indices = #map}, {transform_indices = #map1}, {transform_indices = #map1}, {transform_indices = #map}]} {
    %broadcast_in_dim3A = arith.constant 0.000000e+00 : f32
    %broadcast_in_dim3A_0 = vector.broadcast %broadcast_in_dim3A : f32 to vector<16xf32>
    %scan3A = arith.constant 0 : i32
    %scan3A_1 = arith.constant 0 : i32
    %scan3A_2 = arith.constant 128 : i32
    %scan3A_3 = arith.addi %scan3A_1, %scan3A_2 : i32
    %scan3A_4 = arith.constant 1 : i32
    %scan3A_5 = scf.for %scan3A_87 = %scan3A_1 to %scan3A_3 step %scan3A_4 iter_args(%scan3A_88 = %scan3A) -> (i32)  : i32 {
      %swap3A = arith.index_cast %scan3A_87 : i32 to index
      %swap3A_89 = arith.constant 0 : index
      %swap3A_90 = tpu.vector_load %arg7[%swap3A, %swap3A_89] {strides = array<i32>} : memref<128x128xf32, #tpu.memory_space<vmem>>, vector<16xf32>,
      tpu.vector_store %arg7[%swap3A, %swap3A_89], %broadcast_in_dim3A_0 {strides = array<i32>} : memref<128x128xf32, #tpu.memory_space<vmem>>, vector<16xf32>,
      %swap3A_91 = arith.index_cast %scan3A_87 : i32 to index
      %swap3A_92 = arith.constant 16 : index
      %swap3A_93 = tpu.vector_load %arg7[%swap3A_91, %swap3A_92] {strides = array<i32>} : memref<128x128xf32, #tpu.memory_space<vmem>>, vector<16xf32>,
      tpu.vector_store %arg7[%swap3A_91, %swap3A_92], %broadcast_in_dim3A_0 {strides = array<i32>} : memref<128x128xf32, #tpu.memory_space<vmem>>, vector<16xf32>,
      %swap3A_94 = arith.index_cast %scan3A_87 : i32 to index
      %swap3A_95 = arith.constant 32 : index
      %swap3A_96 = tpu.vector_load %arg7[%swap3A_94, %swap3A_95] {strides = array<i32>} : memref<128x128xf32, #tpu.memory_space<vmem>>, vector<16xf32>,
      tpu.vector_store %arg7[%swap3A_94, %swap3A_95], %broadcast_in_dim3A_0 {strides = array<i32>} : memref<128x128xf32, #tpu.memory_space<vmem>>, vector<16xf32>,
      %swap3A_97 = arith.index_cast %scan3A_87 : i32 to index
      %swap3A_98 = arith.constant 48 : index
      %swap3A_99 = tpu.vector_load %arg7[%swap3A_97, %swap3A_98] {strides = array<i32>} : memref<128x128xf32, #tpu.memory_space<vmem>>, vector<16xf32>,
      tpu.vector_store %arg7[%swap3A_97, %swap3A_98], %broadcast_in_dim3A_0 {strides = array<i32>} : memref<128x128xf32, #tpu.memory_space<vmem>>, vector<16xf32>,
      %swap3A_100 = arith.index_cast %scan3A_87 : i32 to index
      %swap3A_101 = arith.constant 64 : index
      %swap3A_102 = tpu.vector_load %arg7[%swap3A_100, %swap3A_101] {strides = array<i32>} : memref<128x128xf32, #tpu.memory_space<vmem>>, vector<16xf32>,
      tpu.vector_store %arg7[%swap3A_100, %swap3A_101], %broadcast_in_dim3A_0 {strides = array<i32>} : memref<128x128xf32, #tpu.memory_space<vmem>>, vector<16xf32>,
      %swap3A_103 = arith.index_cast %scan3A_87 : i32 to index
      %swap3A_104 = arith.constant 80 : index
      %swap3A_105 = tpu.vector_load %arg7[%swap3A_103, %swap3A_104] {strides = array<i32>} : memref<128x128xf32, #tpu.memory_space<vmem>>, vector<16xf32>,
      tpu.vector_store %arg7[%swap3A_103, %swap3A_104], %broadcast_in_dim3A_0 {strides = array<i32>} : memref<128x128xf32, #tpu.memory_space<vmem>>, vector<16xf32>,
      %swap3A_106 = arith.index_cast %scan3A_87 : i32 to index
      %swap3A_107 = arith.constant 96 : index
      %swap3A_108 = tpu.vector_load %arg7[%swap3A_106, %swap3A_107] {strides = array<i32>} : memref<128x128xf32, #tpu.memory_space<vmem>>, vector<16xf32>,
      tpu.vector_store %arg7[%swap3A_106, %swap3A_107], %broadcast_in_dim3A_0 {strides = array<i32>} : memref<128x128xf32, #tpu.memory_space<vmem>>, vector<16xf32>,
      %swap3A_109 = arith.index_cast %scan3A_87 : i32 to index
      %swap3A_110 = arith.constant 112 : index
      %swap3A_111 = tpu.vector_load %arg7[%swap3A_109, %swap3A_110] {strides = array<i32>} : memref<128x128xf32, #tpu.memory_space<vmem>>, vector<16xf32>,
      tpu.vector_store %arg7[%swap3A_109, %swap3A_110], %broadcast_in_dim3A_0 {strides = array<i32>} : memref<128x128xf32, #tpu.memory_space<vmem>>, vector<16xf32>,
      %scan3A_112 = arith.constant 0 : i32
      scf.yield %scan3A_112 : i32
    }
    %scan3A_6 = arith.constant 128 : i32
    %scan3A_7 = arith.constant 0 : i32
    %scan3A_8 = arith.constant 0 : i32
    %scan3A_9 = arith.constant 640 : i32
    %scan3A_10 = arith.addi %scan3A_8, %scan3A_9 : i32
    %scan3A_11 = arith.constant 1 : i32
    %scan3A_12 = scf.for %scan3A_87 = %scan3A_8 to %scan3A_10 step %scan3A_11 iter_args(%scan3A_88 = %scan3A_7) -> (i32)  : i32 {
      %mul3A_89 = arith.constant 16 : i32
      %mul3A_90 = arith.muli %scan3A_87, %mul3A_89 : i32
      %swap3A = arith.index_cast %mul3A_90 : i32 to index
      %swap3A_91 = tpu.vector_load %arg10[%swap3A] {strides = array<i32>} : memref<10240xf32, #tpu.memory_space<vmem>>, vector<16xf32>,
      tpu.vector_store %arg10[%swap3A], %broadcast_in_dim3A_0 {strides = array<i32>} : memref<10240xf32, #tpu.memory_space<vmem>>, vector<16xf32>,
      %scan3A_92 = arith.constant 0 : i32
      scf.yield %scan3A_92 : i32
    }
    %scan3A_13 = arith.constant 640 : i32
    %mul3A = arith.constant 640 : i32
    %mul3A_14 = arith.muli %arg1, %mul3A : i32
    %add3A = arith.constant 0 : i32
    %add3A_15 = arith.addi %mul3A_14, %add3A : i32
    "tpu.region"() ({
      %run_scoped3A = tpu.sem_alloc : memref<!tpu.dma_semaphore, #tpu.memory_space<semaphore_mem>>
      %dma_start3A = arith.constant 0 : i32
      %dma_start3A_87 = tpu.memref_slice %arg15[%add3A_15, %dma_start3A] : memref<10240x128xf32, #tpu.memory_space<vmem_shared>> -> memref<128x128xf32, #tpu.memory_space<vmem_shared>>
      %dma_start3A_88 = arith.constant 0 : i32
      %dma_start3A_89 = tpu.memref_slice %arg15[%add3A_15, %dma_start3A_88] : memref<10240x128xf32, #tpu.memory_space<vmem_shared>> -> memref<128x128xf32, #tpu.memory_space<vmem_shared>>
      tpu.enqueue_dma source(%arg7 : memref<128x128xf32, #tpu.memory_space<vmem>>) target(%dma_start3A_89 : memref<128x128xf32, #tpu.memory_space<vmem_shared>>) target_semaphore(%run_scoped3A : memref<!tpu.dma_semaphore, #tpu.memory_space<semaphore_mem>>)
      %dma_wait3A = arith.constant 0 : i32
      %dma_wait3A_90 = tpu.memref_slice %arg15[%add3A_15, %dma_wait3A] : memref<10240x128xf32, #tpu.memory_space<vmem_shared>> -> memref<128x128xf32, #tpu.memory_space<vmem_shared>>
      %dma_wait3A_91 = arith.constant 0 : i32
      %dma_wait3A_92 = tpu.memref_slice %arg15[%add3A_15, %dma_wait3A_91] : memref<10240x128xf32, #tpu.memory_space<vmem_shared>> -> memref<128x128xf32, #tpu.memory_space<vmem_shared>>
      tpu.wait_dma2 semaphore(%run_scoped3A : memref<!tpu.dma_semaphore, #tpu.memory_space<semaphore_mem>>) src(%arg7 : memref<128x128xf32, #tpu.memory_space<vmem>>) dst(%dma_wait3A_92 : memref<128x128xf32, #tpu.memory_space<vmem_shared>>)
      tpu.yield
    }) : () -> ()
    %mul3A_16 = arith.constant 640 : i32
    %mul3A_17 = arith.muli %arg1, %mul3A_16 : i32
    %add3A_18 = arith.constant 128 : i32
    %add3A_19 = arith.addi %mul3A_17, %add3A_18 : i32
    "tpu.region"() ({
      %run_scoped3A = tpu.sem_alloc : memref<!tpu.dma_semaphore, #tpu.memory_space<semaphore_mem>>
      %dma_start3A = arith.constant 0 : i32
      %dma_start3A_87 = tpu.memref_slice %arg15[%add3A_19, %dma_start3A] : memref<10240x128xf32, #tpu.memory_space<vmem_shared>> -> memref<128x128xf32, #tpu.memory_space<vmem_shared>>
      %dma_start3A_88 = arith.constant 0 : i32
      %dma_start3A_89 = tpu.memref_slice %arg15[%add3A_19, %dma_start3A_88] : memref<10240x128xf32, #tpu.memory_space<vmem_shared>> -> memref<128x128xf32, #tpu.memory_space<vmem_shared>>
      tpu.enqueue_dma source(%arg7 : memref<128x128xf32, #tpu.memory_space<vmem>>) target(%dma_start3A_89 : memref<128x128xf32, #tpu.memory_space<vmem_shared>>) target_semaphore(%run_scoped3A : memref<!tpu.dma_semaphore, #tpu.memory_space<semaphore_mem>>)
      %dma_wait3A = arith.constant 0 : i32
      %dma_wait3A_90 = tpu.memref_slice %arg15[%add3A_19, %dma_wait3A] : memref<10240x128xf32, #tpu.memory_space<vmem_shared>> -> memref<128x128xf32, #tpu.memory_space<vmem_shared>>
      %dma_wait3A_91 = arith.constant 0 : i32
      %dma_wait3A_92 = tpu.memref_slice %arg15[%add3A_19, %dma_wait3A_91] : memref<10240x128xf32, #tpu.memory_space<vmem_shared>> -> memref<128x128xf32, #tpu.memory_space<vmem_shared>>
      tpu.wait_dma2 semaphore(%run_scoped3A : memref<!tpu.dma_semaphore, #tpu.memory_space<semaphore_mem>>) src(%arg7 : memref<128x128xf32, #tpu.memory_space<vmem>>) dst(%dma_wait3A_92 : memref<128x128xf32, #tpu.memory_space<vmem_shared>>)
      tpu.yield
    }) : () -> ()
    %mul3A_20 = arith.constant 640 : i32
    %mul3A_21 = arith.muli %arg1, %mul3A_20 : i32
    %add3A_22 = arith.constant 256 : i32
    %add3A_23 = arith.addi %mul3A_21, %add3A_22 : i32
    "tpu.region"() ({
      %run_scoped3A = tpu.sem_alloc : memref<!tpu.dma_semaphore, #tpu.memory_space<semaphore_mem>>
      %dma_start3A = arith.constant 0 : i32
      %dma_start3A_87 = tpu.memref_slice %arg15[%add3A_23, %dma_start3A] : memref<10240x128xf32, #tpu.memory_space<vmem_shared>> -> memref<128x128xf32, #tpu.memory_space<vmem_shared>>
      %dma_start3A_88 = arith.constant 0 : i32
      %dma_start3A_89 = tpu.memref_slice %arg15[%add3A_23, %dma_start3A_88] : memref<10240x128xf32, #tpu.memory_space<vmem_shared>> -> memref<128x128xf32, #tpu.memory_space<vmem_shared>>
      tpu.enqueue_dma source(%arg7 : memref<128x128xf32, #tpu.memory_space<vmem>>) target(%dma_start3A_89 : memref<128x128xf32, #tpu.memory_space<vmem_shared>>) target_semaphore(%run_scoped3A : memref<!tpu.dma_semaphore, #tpu.memory_space<semaphore_mem>>)
      %dma_wait3A = arith.constant 0 : i32
      %dma_wait3A_90 = tpu.memref_slice %arg15[%add3A_23, %dma_wait3A] : memref<10240x128xf32, #tpu.memory_space<vmem_shared>> -> memref<128x128xf32, #tpu.memory_space<vmem_shared>>
      %dma_wait3A_91 = arith.constant 0 : i32
      %dma_wait3A_92 = tpu.memref_slice %arg15[%add3A_23, %dma_wait3A_91] : memref<10240x128xf32, #tpu.memory_space<vmem_shared>> -> memref<128x128xf32, #tpu.memory_space<vmem_shared>>
      tpu.wait_dma2 semaphore(%run_scoped3A : memref<!tpu.dma_semaphore, #tpu.memory_space<semaphore_mem>>) src(%arg7 : memref<128x128xf32, #tpu.memory_space<vmem>>) dst(%dma_wait3A_92 : memref<128x128xf32, #tpu.memory_space<vmem_shared>>)
      tpu.yield
    }) : () -> ()
    %mul3A_24 = arith.constant 640 : i32
    %mul3A_25 = arith.muli %arg1, %mul3A_24 : i32
    %add3A_26 = arith.constant 384 : i32
    %add3A_27 = arith.addi %mul3A_25, %add3A_26 : i32
    "tpu.region"() ({
      %run_scoped3A = tpu.sem_alloc : memref<!tpu.dma_semaphore, #tpu.memory_space<semaphore_mem>>
      %dma_start3A = arith.constant 0 : i32
      %dma_start3A_87 = tpu.memref_slice %arg15[%add3A_27, %dma_start3A] : memref<10240x128xf32, #tpu.memory_space<vmem_shared>> -> memref<128x128xf32, #tpu.memory_space<vmem_shared>>
      %dma_start3A_88 = arith.constant 0 : i32
      %dma_start3A_89 = tpu.memref_slice %arg15[%add3A_27, %dma_start3A_88] : memref<10240x128xf32, #tpu.memory_space<vmem_shared>> -> memref<128x128xf32, #tpu.memory_space<vmem_shared>>
      tpu.enqueue_dma source(%arg7 : memref<128x128xf32, #tpu.memory_space<vmem>>) target(%dma_start3A_89 : memref<128x128xf32, #tpu.memory_space<vmem_shared>>) target_semaphore(%run_scoped3A : memref<!tpu.dma_semaphore, #tpu.memory_space<semaphore_mem>>)
      %dma_wait3A = arith.constant 0 : i32
      %dma_wait3A_90 = tpu.memref_slice %arg15[%add3A_27, %dma_wait3A] : memref<10240x128xf32, #tpu.memory_space<vmem_shared>> -> memref<128x128xf32, #tpu.memory_space<vmem_shared>>
      %dma_wait3A_91 = arith.constant 0 : i32
      %dma_wait3A_92 = tpu.memref_slice %arg15[%add3A_27, %dma_wait3A_91] : memref<10240x128xf32, #tpu.memory_space<vmem_shared>> -> memref<128x128xf32, #tpu.memory_space<vmem_shared>>
      tpu.wait_dma2 semaphore(%run_scoped3A : memref<!tpu.dma_semaphore, #tpu.memory_space<semaphore_mem>>) src(%arg7 : memref<128x128xf32, #tpu.memory_space<vmem>>) dst(%dma_wait3A_92 : memref<128x128xf32, #tpu.memory_space<vmem_shared>>)
      tpu.yield
    }) : () -> ()
    %mul3A_28 = arith.constant 640 : i32
    %mul3A_29 = arith.muli %arg1, %mul3A_28 : i32
    %add3A_30 = arith.constant 512 : i32
    %add3A_31 = arith.addi %mul3A_29, %add3A_30 : i32
    "tpu.region"() ({
      %run_scoped3A = tpu.sem_alloc : memref<!tpu.dma_semaphore, #tpu.memory_space<semaphore_mem>>
      %dma_start3A = arith.constant 0 : i32
      %dma_start3A_87 = tpu.memref_slice %arg15[%add3A_31, %dma_start3A] : memref<10240x128xf32, #tpu.memory_space<vmem_shared>> -> memref<128x128xf32, #tpu.memory_space<vmem_shared>>
      %dma_start3A_88 = arith.constant 0 : i32
      %dma_start3A_89 = tpu.memref_slice %arg15[%add3A_31, %dma_start3A_88] : memref<10240x128xf32, #tpu.memory_space<vmem_shared>> -> memref<128x128xf32, #tpu.memory_space<vmem_shared>>
      tpu.enqueue_dma source(%arg7 : memref<128x128xf32, #tpu.memory_space<vmem>>) target(%dma_start3A_89 : memref<128x128xf32, #tpu.memory_space<vmem_shared>>) target_semaphore(%run_scoped3A : memref<!tpu.dma_semaphore, #tpu.memory_space<semaphore_mem>>)
      %dma_wait3A = arith.constant 0 : i32
      %dma_wait3A_90 = tpu.memref_slice %arg15[%add3A_31, %dma_wait3A] : memref<10240x128xf32, #tpu.memory_space<vmem_shared>> -> memref<128x128xf32, #tpu.memory_space<vmem_shared>>
      %dma_wait3A_91 = arith.constant 0 : i32
      %dma_wait3A_92 = tpu.memref_slice %arg15[%add3A_31, %dma_wait3A_91] : memref<10240x128xf32, #tpu.memory_space<vmem_shared>> -> memref<128x128xf32, #tpu.memory_space<vmem_shared>>
      tpu.wait_dma2 semaphore(%run_scoped3A : memref<!tpu.dma_semaphore, #tpu.memory_space<semaphore_mem>>) src(%arg7 : memref<128x128xf32, #tpu.memory_space<vmem>>) dst(%dma_wait3A_92 : memref<128x128xf32, #tpu.memory_space<vmem_shared>>)
      tpu.yield
    }) : () -> ()
    %mul3A_32 = arith.constant 640 : i32
    %mul3A_33 = arith.muli %arg1, %mul3A_32 : i32
    "tpu.region"() ({
      %run_scoped3A = tpu.sem_alloc : memref<!tpu.dma_semaphore, #tpu.memory_space<semaphore_mem>>
      %dma_start3A = arith.constant 0 : i32
      %dma_start3A_87 = tpu.memref_slice %arg10[%dma_start3A] : memref<10240xf32, #tpu.memory_space<vmem>> -> memref<640xf32, #tpu.memory_space<vmem>>
      %dma_start3A_88 = tpu.memref_slice %arg16[%mul3A_33] : memref<10240xf32, #tpu.memory_space<vmem_shared>> -> memref<640xf32, #tpu.memory_space<vmem_shared>>
      %dma_start3A_89 = tpu.memref_slice %arg16[%mul3A_33] : memref<10240xf32, #tpu.memory_space<vmem_shared>> -> memref<640xf32, #tpu.memory_space<vmem_shared>>
      %dma_start3A_90 = arith.constant 0 : i32
      %dma_start3A_91 = tpu.memref_slice %arg10[%dma_start3A_90] : memref<10240xf32, #tpu.memory_space<vmem>> -> memref<640xf32, #tpu.memory_space<vmem>>
      tpu.enqueue_dma source(%dma_start3A_91 : memref<640xf32, #tpu.memory_space<vmem>>) target(%dma_start3A_89 : memref<640xf32, #tpu.memory_space<vmem_shared>>) target_semaphore(%run_scoped3A : memref<!tpu.dma_semaphore, #tpu.memory_space<semaphore_mem>>)
      %dma_wait3A = arith.constant 0 : i32
      %dma_wait3A_92 = tpu.memref_slice %arg10[%dma_wait3A] : memref<10240xf32, #tpu.memory_space<vmem>> -> memref<640xf32, #tpu.memory_space<vmem>>
      %dma_wait3A_93 = tpu.memref_slice %arg16[%mul3A_33] : memref<10240xf32, #tpu.memory_space<vmem_shared>> -> memref<640xf32, #tpu.memory_space<vmem_shared>>
      %dma_wait3A_94 = tpu.memref_slice %arg16[%mul3A_33] : memref<10240xf32, #tpu.memory_space<vmem_shared>> -> memref<640xf32, #tpu.memory_space<vmem_shared>>
      %dma_wait3A_95 = arith.constant 0 : i32
      %dma_wait3A_96 = tpu.memref_slice %arg10[%dma_wait3A_95] : memref<10240xf32, #tpu.memory_space<vmem>> -> memref<640xf32, #tpu.memory_space<vmem>>
      tpu.wait_dma2 semaphore(%run_scoped3A : memref<!tpu.dma_semaphore, #tpu.memory_space<semaphore_mem>>) src(%dma_wait3A_96 : memref<640xf32, #tpu.memory_space<vmem>>) dst(%dma_wait3A_94 : memref<640xf32, #tpu.memory_space<vmem_shared>>)
      tpu.yield
    }) : () -> ()
    "tpu.region"() ({
      %run_scoped3A = tpu.sem_alloc : memref<!tpu.dma_semaphore, #tpu.memory_space<semaphore_mem>>
      %dma_start3A = arith.constant 0 : i32
      %dma_start3A_87 = tpu.memref_slice %arg3[%arg0, %dma_start3A] : memref<8x10240xf32, #tpu.memory_space<hbm>> -> memref<1x10240xf32, #tpu.memory_space<hbm>>
      %dma_start3A_88 = tpu.memref_squeeze %dma_start3A_87 : memref<1x10240xf32, #tpu.memory_space<hbm>> -> memref<10240xf32, #tpu.memory_space<hbm>>
      %dma_start3A_89 = arith.constant 0 : i32
      %dma_start3A_90 = tpu.memref_slice %arg3[%arg0, %dma_start3A_89] : memref<8x10240xf32, #tpu.memory_space<hbm>> -> memref<1x10240xf32, #tpu.memory_space<hbm>>
      %dma_start3A_91 = tpu.memref_squeeze %dma_start3A_90 : memref<1x10240xf32, #tpu.memory_space<hbm>> -> memref<10240xf32, #tpu.memory_space<hbm>>
      tpu.enqueue_dma source(%dma_start3A_91 : memref<10240xf32, #tpu.memory_space<hbm>>) target(%arg8 : memref<10240xf32, #tpu.memory_space<vmem>>) target_semaphore(%run_scoped3A : memref<!tpu.dma_semaphore, #tpu.memory_space<semaphore_mem>>)
      %dma_wait3A = arith.constant 0 : i32
      %dma_wait3A_92 = tpu.memref_slice %arg3[%arg0, %dma_wait3A] : memref<8x10240xf32, #tpu.memory_space<hbm>> -> memref<1x10240xf32, #tpu.memory_space<hbm>>
      %dma_wait3A_93 = tpu.memref_squeeze %dma_wait3A_92 : memref<1x10240xf32, #tpu.memory_space<hbm>> -> memref<10240xf32, #tpu.memory_space<hbm>>
      %dma_wait3A_94 = arith.constant 0 : i32
      %dma_wait3A_95 = tpu.memref_slice %arg3[%arg0, %dma_wait3A_94] : memref<8x10240xf32, #tpu.memory_space<hbm>> -> memref<1x10240xf32, #tpu.memory_space<hbm>>
      %dma_wait3A_96 = tpu.memref_squeeze %dma_wait3A_95 : memref<1x10240xf32, #tpu.memory_space<hbm>> -> memref<10240xf32, #tpu.memory_space<hbm>>
      tpu.wait_dma2 semaphore(%run_scoped3A : memref<!tpu.dma_semaphore, #tpu.memory_space<semaphore_mem>>) src(%dma_wait3A_96 : memref<10240xf32, #tpu.memory_space<hbm>>) dst(%arg8 : memref<10240xf32, #tpu.memory_space<vmem>>)
      tpu.yield
    }) : () -> ()
    %add3A_34 = arith.constant 2 : i32
    %add3A_35 = arith.addi %arg0, %add3A_34 : i32
    "tpu.region"() ({
      %run_scoped3A = tpu.sem_alloc : memref<!tpu.dma_semaphore, #tpu.memory_space<semaphore_mem>>
      %dma_start3A = arith.constant 0 : i32
      %dma_start3A_87 = tpu.memref_slice %arg3[%add3A_35, %dma_start3A] : memref<8x10240xf32, #tpu.memory_space<hbm>> -> memref<1x10240xf32, #tpu.memory_space<hbm>>
      %dma_start3A_88 = tpu.memref_squeeze %dma_start3A_87 : memref<1x10240xf32, #tpu.memory_space<hbm>> -> memref<10240xf32, #tpu.memory_space<hbm>>
      %dma_start3A_89 = arith.constant 0 : i32
      %dma_start3A_90 = tpu.memref_slice %arg3[%add3A_35, %dma_start3A_89] : memref<8x10240xf32, #tpu.memory_space<hbm>> -> memref<1x10240xf32, #tpu.memory_space<hbm>>
      %dma_start3A_91 = tpu.memref_squeeze %dma_start3A_90 : memref<1x10240xf32, #tpu.memory_space<hbm>> -> memref<10240xf32, #tpu.memory_space<hbm>>
      tpu.enqueue_dma source(%dma_start3A_91 : memref<10240xf32, #tpu.memory_space<hbm>>) target(%arg9 : memref<10240xf32, #tpu.memory_space<vmem>>) target_semaphore(%run_scoped3A : memref<!tpu.dma_semaphore, #tpu.memory_space<semaphore_mem>>)
      %dma_wait3A = arith.constant 0 : i32
      %dma_wait3A_92 = tpu.memref_slice %arg3[%add3A_35, %dma_wait3A] : memref<8x10240xf32, #tpu.memory_space<hbm>> -> memref<1x10240xf32, #tpu.memory_space<hbm>>
      %dma_wait3A_93 = tpu.memref_squeeze %dma_wait3A_92 : memref<1x10240xf32, #tpu.memory_space<hbm>> -> memref<10240xf32, #tpu.memory_space<hbm>>
      %dma_wait3A_94 = arith.constant 0 : i32
      %dma_wait3A_95 = tpu.memref_slice %arg3[%add3A_35, %dma_wait3A_94] : memref<8x10240xf32, #tpu.memory_space<hbm>> -> memref<1x10240xf32, #tpu.memory_space<hbm>>
      %dma_wait3A_96 = tpu.memref_squeeze %dma_wait3A_95 : memref<1x10240xf32, #tpu.memory_space<hbm>> -> memref<10240xf32, #tpu.memory_space<hbm>>
      tpu.wait_dma2 semaphore(%run_scoped3A : memref<!tpu.dma_semaphore, #tpu.memory_space<semaphore_mem>>) src(%dma_wait3A_96 : memref<10240xf32, #tpu.memory_space<hbm>>) dst(%arg9 : memref<10240xf32, #tpu.memory_space<vmem>>)
      tpu.yield
    }) : () -> ()
    %barrier3A = arith.constant 0 : index
    tpu.barrier barrier_id(%barrier3A)
    %scan3A_36 = arith.constant 0 : i32
    %scan3A_37 = arith.constant 0 : i32
    %scan3A_38 = arith.constant 162 : i32
    %scan3A_39 = arith.addi %scan3A_37, %scan3A_38 : i32
    %scan3A_40 = arith.constant 1 : i32
    %scan3A_41 = scf.for %scan3A_87 = %scan3A_37 to %scan3A_39 step %scan3A_40 iter_args(%scan3A_88 = %scan3A_36) -> (i32)  : i32 {
      %mul3A_89 = arith.constant 20736 : i32
      %mul3A_90 = arith.muli %arg1, %mul3A_89 : i32
      %mul3A_91 = arith.constant 128 : i32
      %mul3A_92 = arith.muli %scan3A_87, %mul3A_91 : i32
      %add3A_93 = arith.addi %mul3A_90, %mul3A_92 : i32
      "tpu.region"() ({
        %run_scoped3A = tpu.sem_alloc : memref<!tpu.dma_semaphore, #tpu.memory_space<semaphore_mem>>
        %dma_start3A = tpu.memref_slice %arg4[%add3A_93] : memref<331776xi32, #tpu.memory_space<hbm>> -> memref<128xi32, #tpu.memory_space<hbm>>
        %dma_start3A_286 = tpu.memref_slice %arg4[%add3A_93] : memref<331776xi32, #tpu.memory_space<hbm>> -> memref<128xi32, #tpu.memory_space<hbm>>
        tpu.enqueue_dma source(%dma_start3A_286 : memref<128xi32, #tpu.memory_space<hbm>>) target(%arg11 : memref<128xi32, #tpu.memory_space<vmem>>) target_semaphore(%run_scoped3A : memref<!tpu.dma_semaphore, #tpu.memory_space<semaphore_mem>>)
        %dma_wait3A = tpu.memref_slice %arg4[%add3A_93] : memref<331776xi32, #tpu.memory_space<hbm>> -> memref<128xi32, #tpu.memory_space<hbm>>
        %dma_wait3A_287 = tpu.memref_slice %arg4[%add3A_93] : memref<331776xi32, #tpu.memory_space<hbm>> -> memref<128xi32, #tpu.memory_space<hbm>>
        tpu.wait_dma2 semaphore(%run_scoped3A : memref<!tpu.dma_semaphore, #tpu.memory_space<semaphore_mem>>) src(%dma_wait3A_287 : memref<128xi32, #tpu.memory_space<hbm>>) dst(%arg11 : memref<128xi32, #tpu.memory_space<vmem>>)
        tpu.yield
      }) : () -> ()
      "tpu.region"() ({
        %run_scoped3A = tpu.sem_alloc : memref<!tpu.dma_semaphore, #tpu.memory_space<semaphore_mem>>
        %dma_start3A = tpu.memref_slice %arg5[%add3A_93] : memref<331776xi32, #tpu.memory_space<hbm>> -> memref<128xi32, #tpu.memory_space<hbm>>
        %dma_start3A_286 = tpu.memref_slice %arg5[%add3A_93] : memref<331776xi32, #tpu.memory_space<hbm>> -> memref<128xi32, #tpu.memory_space<hbm>>
        tpu.enqueue_dma source(%dma_start3A_286 : memref<128xi32, #tpu.memory_space<hbm>>) target(%arg12 : memref<128xi32, #tpu.memory_space<vmem>>) target_semaphore(%run_scoped3A : memref<!tpu.dma_semaphore, #tpu.memory_space<semaphore_mem>>)
        %dma_wait3A = tpu.memref_slice %arg5[%add3A_93] : memref<331776xi32, #tpu.memory_space<hbm>> -> memref<128xi32, #tpu.memory_space<hbm>>
        %dma_wait3A_287 = tpu.memref_slice %arg5[%add3A_93] : memref<331776xi32, #tpu.memory_space<hbm>> -> memref<128xi32, #tpu.memory_space<hbm>>
        tpu.wait_dma2 semaphore(%run_scoped3A : memref<!tpu.dma_semaphore, #tpu.memory_space<semaphore_mem>>) src(%dma_wait3A_287 : memref<128xi32, #tpu.memory_space<hbm>>) dst(%arg12 : memref<128xi32, #tpu.memory_space<vmem>>)
        tpu.yield
      }) : () -> ()
      %get3A = arith.constant 0 : index
      %get3A_94 = tpu.vector_load %arg11[%get3A] {strides = array<i32>} : memref<128xi32, #tpu.memory_space<vmem>>, vector<16xi32>,
      %get3A_95 = arith.constant 0 : index
      %get3A_96 = tpu.vector_load %arg12[%get3A_95] {strides = array<i32>} : memref<128xi32, #tpu.memory_space<vmem>>, vector<16xi32>,
      %gather3A = tpu.vector_load_idx %arg8[%get3A_94] : memref<10240xf32, #tpu.memory_space<vmem>>[vector<16xi32>], vector<16xf32>,
      %gather3A_97 = tpu.vector_load_idx %arg9[%get3A_96] : memref<10240xf32, #tpu.memory_space<vmem>>[vector<16xi32>], vector<16xf32>,
      %add3A_98 = arith.addf %gather3A, %gather3A_97 : vector<16xf32>
      %mul3A_99 = arith.constant 2.000000e-01 : f32
      %mul3A_100 = vector.broadcast %mul3A_99 : f32 to vector<16xf32>
      %mul3A_101 = arith.mulf %mul3A_100, %add3A_98 : vector<16xf32>
      %max3A = arith.maximumf %add3A_98, %mul3A_101 : vector<16xf32>
      %exp3A = math.exp %max3A : vector<16xf32>
      %add3A_102 = arith.constant 0 : i32
      %add3A_103 = arith.addi %add3A_93, %add3A_102 : i32
      %iota3A = tpu.iota {dimensions = array<i32: 0>} : vector<16xi32>
      %add3A_104 = vector.broadcast %add3A_103 : i32 to vector<16xi32>
      %add3A_105 = arith.addi %add3A_104, %iota3A : vector<16xi32>
      %lt3A = arith.constant 330000 : i32
      %lt3A_106 = vector.broadcast %lt3A : i32 to vector<16xi32>
      %lt3A_107 = arith.cmpi slt, %add3A_105, %lt3A_106 : vector<16xi32>
      %jit3A = arith.constant 0.000000e+00 : f32
      %broadcast_in_dim3A_108 = vector.broadcast %jit3A : f32 to vector<16xf32>
      %select_n3A = arith.select %lt3A_107, %exp3A, %broadcast_in_dim3A_108 : vector<16xi1>, vector<16xf32>
      %swap3A = arith.constant 0 : index
      %swap3A_109 = tpu.vector_load %arg13[%swap3A] {strides = array<i32>} : memref<128xf32, #tpu.memory_space<vmem>>, vector<16xf32>,
      tpu.vector_store %arg13[%swap3A], %select_n3A {strides = array<i32>} : memref<128xf32, #tpu.memory_space<vmem>>, vector<16xf32>,
      %get3A_110 = arith.constant 16 : index
      %get3A_111 = tpu.vector_load %arg11[%get3A_110] {strides = array<i32>} : memref<128xi32, #tpu.memory_space<vmem>>, vector<16xi32>,
      %get3A_112 = arith.constant 16 : index
      %get3A_113 = tpu.vector_load %arg12[%get3A_112] {strides = array<i32>} : memref<128xi32, #tpu.memory_space<vmem>>, vector<16xi32>,
      %gather3A_114 = tpu.vector_load_idx %arg8[%get3A_111] : memref<10240xf32, #tpu.memory_space<vmem>>[vector<16xi32>], vector<16xf32>,
      %gather3A_115 = tpu.vector_load_idx %arg9[%get3A_113] : memref<10240xf32, #tpu.memory_space<vmem>>[vector<16xi32>], vector<16xf32>,
      %add3A_116 = arith.addf %gather3A_114, %gather3A_115 : vector<16xf32>
      %mul3A_117 = arith.constant 2.000000e-01 : f32
      %mul3A_118 = vector.broadcast %mul3A_117 : f32 to vector<16xf32>
      %mul3A_119 = arith.mulf %mul3A_118, %add3A_116 : vector<16xf32>
      %max3A_120 = arith.maximumf %add3A_116, %mul3A_119 : vector<16xf32>
      %exp3A_121 = math.exp %max3A_120 : vector<16xf32>
      %add3A_122 = arith.constant 16 : i32
      %add3A_123 = arith.addi %add3A_93, %add3A_122 : i32
      %iota3A_124 = tpu.iota {dimensions = array<i32: 0>} : vector<16xi32>
      %add3A_125 = vector.broadcast %add3A_123 : i32 to vector<16xi32>
      %add3A_126 = arith.addi %add3A_125, %iota3A_124 : vector<16xi32>
      %lt3A_127 = arith.constant 330000 : i32
      %lt3A_128 = vector.broadcast %lt3A_127 : i32 to vector<16xi32>
      %lt3A_129 = arith.cmpi slt, %add3A_126, %lt3A_128 : vector<16xi32>
      %jit3A_130 = arith.constant 0.000000e+00 : f32
      %broadcast_in_dim3A_131 = vector.broadcast %jit3A_130 : f32 to vector<16xf32>
      %select_n3A_132 = arith.select %lt3A_129, %exp3A_121, %broadcast_in_dim3A_131 : vector<16xi1>, vector<16xf32>
      %swap3A_133 = arith.constant 16 : index
      %swap3A_134 = tpu.vector_load %arg13[%swap3A_133] {strides = array<i32>} : memref<128xf32, #tpu.memory_space<vmem>>, vector<16xf32>,
      tpu.vector_store %arg13[%swap3A_133], %select_n3A_132 {strides = array<i32>} : memref<128xf32, #tpu.memory_space<vmem>>, vector<16xf32>,
      %get3A_135 = arith.constant 32 : index
      %get3A_136 = tpu.vector_load %arg11[%get3A_135] {strides = array<i32>} : memref<128xi32, #tpu.memory_space<vmem>>, vector<16xi32>,
      %get3A_137 = arith.constant 32 : index
      %get3A_138 = tpu.vector_load %arg12[%get3A_137] {strides = array<i32>} : memref<128xi32, #tpu.memory_space<vmem>>, vector<16xi32>,
      %gather3A_139 = tpu.vector_load_idx %arg8[%get3A_136] : memref<10240xf32, #tpu.memory_space<vmem>>[vector<16xi32>], vector<16xf32>,
      %gather3A_140 = tpu.vector_load_idx %arg9[%get3A_138] : memref<10240xf32, #tpu.memory_space<vmem>>[vector<16xi32>], vector<16xf32>,
      %add3A_141 = arith.addf %gather3A_139, %gather3A_140 : vector<16xf32>
      %mul3A_142 = arith.constant 2.000000e-01 : f32
      %mul3A_143 = vector.broadcast %mul3A_142 : f32 to vector<16xf32>
      %mul3A_144 = arith.mulf %mul3A_143, %add3A_141 : vector<16xf32>
      %max3A_145 = arith.maximumf %add3A_141, %mul3A_144 : vector<16xf32>
      %exp3A_146 = math.exp %max3A_145 : vector<16xf32>
      %add3A_147 = arith.constant 32 : i32
      %add3A_148 = arith.addi %add3A_93, %add3A_147 : i32
      %iota3A_149 = tpu.iota {dimensions = array<i32: 0>} : vector<16xi32>
      %add3A_150 = vector.broadcast %add3A_148 : i32 to vector<16xi32>
      %add3A_151 = arith.addi %add3A_150, %iota3A_149 : vector<16xi32>
      %lt3A_152 = arith.constant 330000 : i32
      %lt3A_153 = vector.broadcast %lt3A_152 : i32 to vector<16xi32>
      %lt3A_154 = arith.cmpi slt, %add3A_151, %lt3A_153 : vector<16xi32>
      %jit3A_155 = arith.constant 0.000000e+00 : f32
      %broadcast_in_dim3A_156 = vector.broadcast %jit3A_155 : f32 to vector<16xf32>
      %select_n3A_157 = arith.select %lt3A_154, %exp3A_146, %broadcast_in_dim3A_156 : vector<16xi1>, vector<16xf32>
      %swap3A_158 = arith.constant 32 : index
      %swap3A_159 = tpu.vector_load %arg13[%swap3A_158] {strides = array<i32>} : memref<128xf32, #tpu.memory_space<vmem>>, vector<16xf32>,
      tpu.vector_store %arg13[%swap3A_158], %select_n3A_157 {strides = array<i32>} : memref<128xf32, #tpu.memory_space<vmem>>, vector<16xf32>,
      %get3A_160 = arith.constant 48 : index
      %get3A_161 = tpu.vector_load %arg11[%get3A_160] {strides = array<i32>} : memref<128xi32, #tpu.memory_space<vmem>>, vector<16xi32>,
      %get3A_162 = arith.constant 48 : index
      %get3A_163 = tpu.vector_load %arg12[%get3A_162] {strides = array<i32>} : memref<128xi32, #tpu.memory_space<vmem>>, vector<16xi32>,
      %gather3A_164 = tpu.vector_load_idx %arg8[%get3A_161] : memref<10240xf32, #tpu.memory_space<vmem>>[vector<16xi32>], vector<16xf32>,
      %gather3A_165 = tpu.vector_load_idx %arg9[%get3A_163] : memref<10240xf32, #tpu.memory_space<vmem>>[vector<16xi32>], vector<16xf32>,
      %add3A_166 = arith.addf %gather3A_164, %gather3A_165 : vector<16xf32>
      %mul3A_167 = arith.constant 2.000000e-01 : f32
      %mul3A_168 = vector.broadcast %mul3A_167 : f32 to vector<16xf32>
      %mul3A_169 = arith.mulf %mul3A_168, %add3A_166 : vector<16xf32>
      %max3A_170 = arith.maximumf %add3A_166, %mul3A_169 : vector<16xf32>
      %exp3A_171 = math.exp %max3A_170 : vector<16xf32>
      %add3A_172 = arith.constant 48 : i32
      %add3A_173 = arith.addi %add3A_93, %add3A_172 : i32
      %iota3A_174 = tpu.iota {dimensions = array<i32: 0>} : vector<16xi32>
      %add3A_175 = vector.broadcast %add3A_173 : i32 to vector<16xi32>
      %add3A_176 = arith.addi %add3A_175, %iota3A_174 : vector<16xi32>
      %lt3A_177 = arith.constant 330000 : i32
      %lt3A_178 = vector.broadcast %lt3A_177 : i32 to vector<16xi32>
      %lt3A_179 = arith.cmpi slt, %add3A_176, %lt3A_178 : vector<16xi32>
      %jit3A_180 = arith.constant 0.000000e+00 : f32
      %broadcast_in_dim3A_181 = vector.broadcast %jit3A_180 : f32 to vector<16xf32>
      %select_n3A_182 = arith.select %lt3A_179, %exp3A_171, %broadcast_in_dim3A_181 : vector<16xi1>, vector<16xf32>
      %swap3A_183 = arith.constant 48 : index
      %swap3A_184 = tpu.vector_load %arg13[%swap3A_183] {strides = array<i32>} : memref<128xf32, #tpu.memory_space<vmem>>, vector<16xf32>,
      tpu.vector_store %arg13[%swap3A_183], %select_n3A_182 {strides = array<i32>} : memref<128xf32, #tpu.memory_space<vmem>>, vector<16xf32>,
      %get3A_185 = arith.constant 64 : index
      %get3A_186 = tpu.vector_load %arg11[%get3A_185] {strides = array<i32>} : memref<128xi32, #tpu.memory_space<vmem>>, vector<16xi32>,
      %get3A_187 = arith.constant 64 : index
      %get3A_188 = tpu.vector_load %arg12[%get3A_187] {strides = array<i32>} : memref<128xi32, #tpu.memory_space<vmem>>, vector<16xi32>,
      %gather3A_189 = tpu.vector_load_idx %arg8[%get3A_186] : memref<10240xf32, #tpu.memory_space<vmem>>[vector<16xi32>], vector<16xf32>,
      %gather3A_190 = tpu.vector_load_idx %arg9[%get3A_188] : memref<10240xf32, #tpu.memory_space<vmem>>[vector<16xi32>], vector<16xf32>,
      %add3A_191 = arith.addf %gather3A_189, %gather3A_190 : vector<16xf32>
      %mul3A_192 = arith.constant 2.000000e-01 : f32
      %mul3A_193 = vector.broadcast %mul3A_192 : f32 to vector<16xf32>
      %mul3A_194 = arith.mulf %mul3A_193, %add3A_191 : vector<16xf32>
      %max3A_195 = arith.maximumf %add3A_191, %mul3A_194 : vector<16xf32>
      %exp3A_196 = math.exp %max3A_195 : vector<16xf32>
      %add3A_197 = arith.constant 64 : i32
      %add3A_198 = arith.addi %add3A_93, %add3A_197 : i32
      %iota3A_199 = tpu.iota {dimensions = array<i32: 0>} : vector<16xi32>
      %add3A_200 = vector.broadcast %add3A_198 : i32 to vector<16xi32>
      %add3A_201 = arith.addi %add3A_200, %iota3A_199 : vector<16xi32>
      %lt3A_202 = arith.constant 330000 : i32
      %lt3A_203 = vector.broadcast %lt3A_202 : i32 to vector<16xi32>
      %lt3A_204 = arith.cmpi slt, %add3A_201, %lt3A_203 : vector<16xi32>
      %jit3A_205 = arith.constant 0.000000e+00 : f32
      %broadcast_in_dim3A_206 = vector.broadcast %jit3A_205 : f32 to vector<16xf32>
      %select_n3A_207 = arith.select %lt3A_204, %exp3A_196, %broadcast_in_dim3A_206 : vector<16xi1>, vector<16xf32>
      %swap3A_208 = arith.constant 64 : index
      %swap3A_209 = tpu.vector_load %arg13[%swap3A_208] {strides = array<i32>} : memref<128xf32, #tpu.memory_space<vmem>>, vector<16xf32>,
      tpu.vector_store %arg13[%swap3A_208], %select_n3A_207 {strides = array<i32>} : memref<128xf32, #tpu.memory_space<vmem>>, vector<16xf32>,
      %get3A_210 = arith.constant 80 : index
      %get3A_211 = tpu.vector_load %arg11[%get3A_210] {strides = array<i32>} : memref<128xi32, #tpu.memory_space<vmem>>, vector<16xi32>,
      %get3A_212 = arith.constant 80 : index
      %get3A_213 = tpu.vector_load %arg12[%get3A_212] {strides = array<i32>} : memref<128xi32, #tpu.memory_space<vmem>>, vector<16xi32>,
      %gather3A_214 = tpu.vector_load_idx %arg8[%get3A_211] : memref<10240xf32, #tpu.memory_space<vmem>>[vector<16xi32>], vector<16xf32>,
      %gather3A_215 = tpu.vector_load_idx %arg9[%get3A_213] : memref<10240xf32, #tpu.memory_space<vmem>>[vector<16xi32>], vector<16xf32>,
      %add3A_216 = arith.addf %gather3A_214, %gather3A_215 : vector<16xf32>
      %mul3A_217 = arith.constant 2.000000e-01 : f32
      %mul3A_218 = vector.broadcast %mul3A_217 : f32 to vector<16xf32>
      %mul3A_219 = arith.mulf %mul3A_218, %add3A_216 : vector<16xf32>
      %max3A_220 = arith.maximumf %add3A_216, %mul3A_219 : vector<16xf32>
      %exp3A_221 = math.exp %max3A_220 : vector<16xf32>
      %add3A_222 = arith.constant 80 : i32
      %add3A_223 = arith.addi %add3A_93, %add3A_222 : i32
      %iota3A_224 = tpu.iota {dimensions = array<i32: 0>} : vector<16xi32>
      %add3A_225 = vector.broadcast %add3A_223 : i32 to vector<16xi32>
      %add3A_226 = arith.addi %add3A_225, %iota3A_224 : vector<16xi32>
      %lt3A_227 = arith.constant 330000 : i32
      %lt3A_228 = vector.broadcast %lt3A_227 : i32 to vector<16xi32>
      %lt3A_229 = arith.cmpi slt, %add3A_226, %lt3A_228 : vector<16xi32>
      %jit3A_230 = arith.constant 0.000000e+00 : f32
      %broadcast_in_dim3A_231 = vector.broadcast %jit3A_230 : f32 to vector<16xf32>
      %select_n3A_232 = arith.select %lt3A_229, %exp3A_221, %broadcast_in_dim3A_231 : vector<16xi1>, vector<16xf32>
      %swap3A_233 = arith.constant 80 : index
      %swap3A_234 = tpu.vector_load %arg13[%swap3A_233] {strides = array<i32>} : memref<128xf32, #tpu.memory_space<vmem>>, vector<16xf32>,
      tpu.vector_store %arg13[%swap3A_233], %select_n3A_232 {strides = array<i32>} : memref<128xf32, #tpu.memory_space<vmem>>, vector<16xf32>,
      %get3A_235 = arith.constant 96 : index
      %get3A_236 = tpu.vector_load %arg11[%get3A_235] {strides = array<i32>} : memref<128xi32, #tpu.memory_space<vmem>>, vector<16xi32>,
      %get3A_237 = arith.constant 96 : index
      %get3A_238 = tpu.vector_load %arg12[%get3A_237] {strides = array<i32>} : memref<128xi32, #tpu.memory_space<vmem>>, vector<16xi32>,
      %gather3A_239 = tpu.vector_load_idx %arg8[%get3A_236] : memref<10240xf32, #tpu.memory_space<vmem>>[vector<16xi32>], vector<16xf32>,
      %gather3A_240 = tpu.vector_load_idx %arg9[%get3A_238] : memref<10240xf32, #tpu.memory_space<vmem>>[vector<16xi32>], vector<16xf32>,
      %add3A_241 = arith.addf %gather3A_239, %gather3A_240 : vector<16xf32>
      %mul3A_242 = arith.constant 2.000000e-01 : f32
      %mul3A_243 = vector.broadcast %mul3A_242 : f32 to vector<16xf32>
      %mul3A_244 = arith.mulf %mul3A_243, %add3A_241 : vector<16xf32>
      %max3A_245 = arith.maximumf %add3A_241, %mul3A_244 : vector<16xf32>
      %exp3A_246 = math.exp %max3A_245 : vector<16xf32>
      %add3A_247 = arith.constant 96 : i32
      %add3A_248 = arith.addi %add3A_93, %add3A_247 : i32
      %iota3A_249 = tpu.iota {dimensions = array<i32: 0>} : vector<16xi32>
      %add3A_250 = vector.broadcast %add3A_248 : i32 to vector<16xi32>
      %add3A_251 = arith.addi %add3A_250, %iota3A_249 : vector<16xi32>
      %lt3A_252 = arith.constant 330000 : i32
      %lt3A_253 = vector.broadcast %lt3A_252 : i32 to vector<16xi32>
      %lt3A_254 = arith.cmpi slt, %add3A_251, %lt3A_253 : vector<16xi32>
      %jit3A_255 = arith.constant 0.000000e+00 : f32
      %broadcast_in_dim3A_256 = vector.broadcast %jit3A_255 : f32 to vector<16xf32>
      %select_n3A_257 = arith.select %lt3A_254, %exp3A_246, %broadcast_in_dim3A_256 : vector<16xi1>, vector<16xf32>
      %swap3A_258 = arith.constant 96 : index
      %swap3A_259 = tpu.vector_load %arg13[%swap3A_258] {strides = array<i32>} : memref<128xf32, #tpu.memory_space<vmem>>, vector<16xf32>,
      tpu.vector_store %arg13[%swap3A_258], %select_n3A_257 {strides = array<i32>} : memref<128xf32, #tpu.memory_space<vmem>>, vector<16xf32>,
      %get3A_260 = arith.constant 112 : index
      %get3A_261 = tpu.vector_load %arg11[%get3A_260] {strides = array<i32>} : memref<128xi32, #tpu.memory_space<vmem>>, vector<16xi32>,
      %get3A_262 = arith.constant 112 : index
      %get3A_263 = tpu.vector_load %arg12[%get3A_262] {strides = array<i32>} : memref<128xi32, #tpu.memory_space<vmem>>, vector<16xi32>,
      %gather3A_264 = tpu.vector_load_idx %arg8[%get3A_261] : memref<10240xf32, #tpu.memory_space<vmem>>[vector<16xi32>], vector<16xf32>,
      %gather3A_265 = tpu.vector_load_idx %arg9[%get3A_263] : memref<10240xf32, #tpu.memory_space<vmem>>[vector<16xi32>], vector<16xf32>,
      %add3A_266 = arith.addf %gather3A_264, %gather3A_265 : vector<16xf32>
      %mul3A_267 = arith.constant 2.000000e-01 : f32
      %mul3A_268 = vector.broadcast %mul3A_267 : f32 to vector<16xf32>
      %mul3A_269 = arith.mulf %mul3A_268, %add3A_266 : vector<16xf32>
      %max3A_270 = arith.maximumf %add3A_266, %mul3A_269 : vector<16xf32>
      %exp3A_271 = math.exp %max3A_270 : vector<16xf32>
      %add3A_272 = arith.constant 112 : i32
      %add3A_273 = arith.addi %add3A_93, %add3A_272 : i32
      %iota3A_274 = tpu.iota {dimensions = array<i32: 0>} : vector<16xi32>
      %add3A_275 = vector.broadcast %add3A_273 : i32 to vector<16xi32>
      %add3A_276 = arith.addi %add3A_275, %iota3A_274 : vector<16xi32>
      %lt3A_277 = arith.constant 330000 : i32
      %lt3A_278 = vector.broadcast %lt3A_277 : i32 to vector<16xi32>
      %lt3A_279 = arith.cmpi slt, %add3A_276, %lt3A_278 : vector<16xi32>
      %jit3A_280 = arith.constant 0.000000e+00 : f32
      %broadcast_in_dim3A_281 = vector.broadcast %jit3A_280 : f32 to vector<16xf32>
      %select_n3A_282 = arith.select %lt3A_279, %exp3A_271, %broadcast_in_dim3A_281 : vector<16xi1>, vector<16xf32>
      %swap3A_283 = arith.constant 112 : index
      %swap3A_284 = tpu.vector_load %arg13[%swap3A_283] {strides = array<i32>} : memref<128xf32, #tpu.memory_space<vmem>>, vector<16xf32>,
      tpu.vector_store %arg13[%swap3A_283], %select_n3A_282 {strides = array<i32>} : memref<128xf32, #tpu.memory_space<vmem>>, vector<16xf32>,
      "tpu.region"() ({
        %run_scoped3A = tpu.sem_alloc : memref<!tpu.dma_semaphore, #tpu.memory_space<semaphore_mem>>
        %dma_start3A = arith.constant 0 : i32
        %dma_start3A_286 = tpu.memref_slice %arg16[%dma_start3A] : memref<10240xf32, #tpu.memory_space<vmem_shared>> -> memref<10240xf32, #tpu.memory_space<vmem_shared>>
        tpu.enqueue_indirect_dma source(%arg13 : memref<128xf32, #tpu.memory_space<vmem>>) target(%dma_start3A_286 : memref<10240xf32, #tpu.memory_space<vmem_shared>>) offsets(%arg12 : memref<128xi32, #tpu.memory_space<vmem>>) semaphore(%run_scoped3A : memref<!tpu.dma_semaphore, #tpu.memory_space<semaphore_mem>>) {add = true}
        %dma_wait3A = arith.constant 0 : i32
        %dma_wait3A_287 = tpu.memref_slice %arg16[%dma_wait3A] : memref<10240xf32, #tpu.memory_space<vmem_shared>> -> memref<10240xf32, #tpu.memory_space<vmem_shared>>
        tpu.wait_indirect_dma semaphore(%run_scoped3A : memref<!tpu.dma_semaphore, #tpu.memory_space<semaphore_mem>>) src(%arg13 : memref<128xf32, #tpu.memory_space<vmem>>) dst(%dma_wait3A_287 : memref<10240xf32, #tpu.memory_space<vmem_shared>>)
        tpu.yield
      }) : () -> ()
      %scan3A_285 = arith.constant 0 : i32
      scf.yield %scan3A_285 : i32
    }
    %scan3A_42 = arith.constant 162 : i32
    %barrier3A_43 = arith.constant 0 : index
    tpu.barrier barrier_id(%barrier3A_43)
    "tpu.region"() ({
      %run_scoped3A = tpu.sem_alloc : memref<!tpu.dma_semaphore, #tpu.memory_space<semaphore_mem>>
      tpu.enqueue_dma source(%arg16 : memref<10240xf32, #tpu.memory_space<vmem_shared>>) target(%arg10 : memref<10240xf32, #tpu.memory_space<vmem>>) target_semaphore(%run_scoped3A : memref<!tpu.dma_semaphore, #tpu.memory_space<semaphore_mem>>)
      tpu.wait_dma2 semaphore(%run_scoped3A : memref<!tpu.dma_semaphore, #tpu.memory_space<semaphore_mem>>) src(%arg16 : memref<10240xf32, #tpu.memory_space<vmem_shared>>) dst(%arg10 : memref<10240xf32, #tpu.memory_space<vmem>>)
      tpu.yield
    }) : () -> ()
    %scan3A_44 = arith.constant 0 : i32
    %scan3A_45 = arith.constant 0 : i32
    %scan3A_46 = arith.constant 162 : i32
    %scan3A_47 = arith.addi %scan3A_45, %scan3A_46 : i32
    %scan3A_48 = arith.constant 1 : i32
    %scan3A_49 = scf.for %scan3A_87 = %scan3A_45 to %scan3A_47 step %scan3A_48 iter_args(%scan3A_88 = %scan3A_44) -> (i32)  : i32 {
      %mul3A_89 = arith.constant 20736 : i32
      %mul3A_90 = arith.muli %arg1, %mul3A_89 : i32
      %mul3A_91 = arith.constant 128 : i32
      %mul3A_92 = arith.muli %scan3A_87, %mul3A_91 : i32
      %add3A_93 = arith.addi %mul3A_90, %mul3A_92 : i32
      "tpu.region"() ({
        %run_scoped3A = tpu.sem_alloc : memref<!tpu.dma_semaphore, #tpu.memory_space<semaphore_mem>>
        %dma_start3A_400 = tpu.memref_slice %arg4[%add3A_93] : memref<331776xi32, #tpu.memory_space<hbm>> -> memref<128xi32, #tpu.memory_space<hbm>>
        %dma_start3A_401 = tpu.memref_slice %arg4[%add3A_93] : memref<331776xi32, #tpu.memory_space<hbm>> -> memref<128xi32, #tpu.memory_space<hbm>>
        tpu.enqueue_dma source(%dma_start3A_401 : memref<128xi32, #tpu.memory_space<hbm>>) target(%arg11 : memref<128xi32, #tpu.memory_space<vmem>>) target_semaphore(%run_scoped3A : memref<!tpu.dma_semaphore, #tpu.memory_space<semaphore_mem>>)
        %dma_wait3A_402 = tpu.memref_slice %arg4[%add3A_93] : memref<331776xi32, #tpu.memory_space<hbm>> -> memref<128xi32, #tpu.memory_space<hbm>>
        %dma_wait3A_403 = tpu.memref_slice %arg4[%add3A_93] : memref<331776xi32, #tpu.memory_space<hbm>> -> memref<128xi32, #tpu.memory_space<hbm>>
        tpu.wait_dma2 semaphore(%run_scoped3A : memref<!tpu.dma_semaphore, #tpu.memory_space<semaphore_mem>>) src(%dma_wait3A_403 : memref<128xi32, #tpu.memory_space<hbm>>) dst(%arg11 : memref<128xi32, #tpu.memory_space<vmem>>)
        tpu.yield
      }) : () -> ()
      "tpu.region"() ({
        %run_scoped3A = tpu.sem_alloc : memref<!tpu.dma_semaphore, #tpu.memory_space<semaphore_mem>>
        %dma_start3A_400 = tpu.memref_slice %arg5[%add3A_93] : memref<331776xi32, #tpu.memory_space<hbm>> -> memref<128xi32, #tpu.memory_space<hbm>>
        %dma_start3A_401 = tpu.memref_slice %arg5[%add3A_93] : memref<331776xi32, #tpu.memory_space<hbm>> -> memref<128xi32, #tpu.memory_space<hbm>>
        tpu.enqueue_dma source(%dma_start3A_401 : memref<128xi32, #tpu.memory_space<hbm>>) target(%arg12 : memref<128xi32, #tpu.memory_space<vmem>>) target_semaphore(%run_scoped3A : memref<!tpu.dma_semaphore, #tpu.memory_space<semaphore_mem>>)
        %dma_wait3A_402 = tpu.memref_slice %arg5[%add3A_93] : memref<331776xi32, #tpu.memory_space<hbm>> -> memref<128xi32, #tpu.memory_space<hbm>>
        %dma_wait3A_403 = tpu.memref_slice %arg5[%add3A_93] : memref<331776xi32, #tpu.memory_space<hbm>> -> memref<128xi32, #tpu.memory_space<hbm>>
        tpu.wait_dma2 semaphore(%run_scoped3A : memref<!tpu.dma_semaphore, #tpu.memory_space<semaphore_mem>>) src(%dma_wait3A_403 : memref<128xi32, #tpu.memory_space<hbm>>) dst(%arg12 : memref<128xi32, #tpu.memory_space<vmem>>)
        tpu.yield
      }) : () -> ()
      %get3A = arith.constant 0 : index
      %get3A_94 = tpu.vector_load %arg11[%get3A] {strides = array<i32>} : memref<128xi32, #tpu.memory_space<vmem>>, vector<16xi32>,
      %mul3A_95 = arith.constant 10240 : i32
      %mul3A_96 = arith.muli %arg0, %mul3A_95 : i32
      %add3A_97 = vector.broadcast %mul3A_96 : i32 to vector<16xi32>
      %add3A_98 = arith.addi %get3A_94, %add3A_97 : vector<16xi32>
      %swap3A = arith.constant 0 : index
      %swap3A_99 = tpu.vector_load %arg14[%swap3A] {strides = array<i32>} : memref<128xi32, #tpu.memory_space<vmem>>, vector<16xi32>,
      tpu.vector_store %arg14[%swap3A], %add3A_98 {strides = array<i32>} : memref<128xi32, #tpu.memory_space<vmem>>, vector<16xi32>,
      %get3A_100 = arith.constant 16 : index
      %get3A_101 = tpu.vector_load %arg11[%get3A_100] {strides = array<i32>} : memref<128xi32, #tpu.memory_space<vmem>>, vector<16xi32>,
      %mul3A_102 = arith.constant 10240 : i32
      %mul3A_103 = arith.muli %arg0, %mul3A_102 : i32
      %add3A_104 = vector.broadcast %mul3A_103 : i32 to vector<16xi32>
      %add3A_105 = arith.addi %get3A_101, %add3A_104 : vector<16xi32>
      %swap3A_106 = arith.constant 16 : index
      %swap3A_107 = tpu.vector_load %arg14[%swap3A_106] {strides = array<i32>} : memref<128xi32, #tpu.memory_space<vmem>>, vector<16xi32>,
      tpu.vector_store %arg14[%swap3A_106], %add3A_105 {strides = array<i32>} : memref<128xi32, #tpu.memory_space<vmem>>, vector<16xi32>,
      %get3A_108 = arith.constant 32 : index
      %get3A_109 = tpu.vector_load %arg11[%get3A_108] {strides = array<i32>} : memref<128xi32, #tpu.memory_space<vmem>>, vector<16xi32>,
      %mul3A_110 = arith.constant 10240 : i32
      %mul3A_111 = arith.muli %arg0, %mul3A_110 : i32
      %add3A_112 = vector.broadcast %mul3A_111 : i32 to vector<16xi32>
      %add3A_113 = arith.addi %get3A_109, %add3A_112 : vector<16xi32>
      %swap3A_114 = arith.constant 32 : index
      %swap3A_115 = tpu.vector_load %arg14[%swap3A_114] {strides = array<i32>} : memref<128xi32, #tpu.memory_space<vmem>>, vector<16xi32>,
      tpu.vector_store %arg14[%swap3A_114], %add3A_113 {strides = array<i32>} : memref<128xi32, #tpu.memory_space<vmem>>, vector<16xi32>,
      %get3A_116 = arith.constant 48 : index
      %get3A_117 = tpu.vector_load %arg11[%get3A_116] {strides = array<i32>} : memref<128xi32, #tpu.memory_space<vmem>>, vector<16xi32>,
      %mul3A_118 = arith.constant 10240 : i32
      %mul3A_119 = arith.muli %arg0, %mul3A_118 : i32
      %add3A_120 = vector.broadcast %mul3A_119 : i32 to vector<16xi32>
      %add3A_121 = arith.addi %get3A_117, %add3A_120 : vector<16xi32>
      %swap3A_122 = arith.constant 48 : index
      %swap3A_123 = tpu.vector_load %arg14[%swap3A_122] {strides = array<i32>} : memref<128xi32, #tpu.memory_space<vmem>>, vector<16xi32>,
      tpu.vector_store %arg14[%swap3A_122], %add3A_121 {strides = array<i32>} : memref<128xi32, #tpu.memory_space<vmem>>, vector<16xi32>,
      %get3A_124 = arith.constant 64 : index
      %get3A_125 = tpu.vector_load %arg11[%get3A_124] {strides = array<i32>} : memref<128xi32, #tpu.memory_space<vmem>>, vector<16xi32>,
      %mul3A_126 = arith.constant 10240 : i32
      %mul3A_127 = arith.muli %arg0, %mul3A_126 : i32
      %add3A_128 = vector.broadcast %mul3A_127 : i32 to vector<16xi32>
      %add3A_129 = arith.addi %get3A_125, %add3A_128 : vector<16xi32>
      %swap3A_130 = arith.constant 64 : index
      %swap3A_131 = tpu.vector_load %arg14[%swap3A_130] {strides = array<i32>} : memref<128xi32, #tpu.memory_space<vmem>>, vector<16xi32>,
      tpu.vector_store %arg14[%swap3A_130], %add3A_129 {strides = array<i32>} : memref<128xi32, #tpu.memory_space<vmem>>, vector<16xi32>,
      %get3A_132 = arith.constant 80 : index
      %get3A_133 = tpu.vector_load %arg11[%get3A_132] {strides = array<i32>} : memref<128xi32, #tpu.memory_space<vmem>>, vector<16xi32>,
      %mul3A_134 = arith.constant 10240 : i32
      %mul3A_135 = arith.muli %arg0, %mul3A_134 : i32
      %add3A_136 = vector.broadcast %mul3A_135 : i32 to vector<16xi32>
      %add3A_137 = arith.addi %get3A_133, %add3A_136 : vector<16xi32>
      %swap3A_138 = arith.constant 80 : index
      %swap3A_139 = tpu.vector_load %arg14[%swap3A_138] {strides = array<i32>} : memref<128xi32, #tpu.memory_space<vmem>>, vector<16xi32>,
      tpu.vector_store %arg14[%swap3A_138], %add3A_137 {strides = array<i32>} : memref<128xi32, #tpu.memory_space<vmem>>, vector<16xi32>,
      %get3A_140 = arith.constant 96 : index
      %get3A_141 = tpu.vector_load %arg11[%get3A_140] {strides = array<i32>} : memref<128xi32, #tpu.memory_space<vmem>>, vector<16xi32>,
      %mul3A_142 = arith.constant 10240 : i32
      %mul3A_143 = arith.muli %arg0, %mul3A_142 : i32
      %add3A_144 = vector.broadcast %mul3A_143 : i32 to vector<16xi32>
      %add3A_145 = arith.addi %get3A_141, %add3A_144 : vector<16xi32>
      %swap3A_146 = arith.constant 96 : index
      %swap3A_147 = tpu.vector_load %arg14[%swap3A_146] {strides = array<i32>} : memref<128xi32, #tpu.memory_space<vmem>>, vector<16xi32>,
      tpu.vector_store %arg14[%swap3A_146], %add3A_145 {strides = array<i32>} : memref<128xi32, #tpu.memory_space<vmem>>, vector<16xi32>,
      %get3A_148 = arith.constant 112 : index
      %get3A_149 = tpu.vector_load %arg11[%get3A_148] {strides = array<i32>} : memref<128xi32, #tpu.memory_space<vmem>>, vector<16xi32>,
      %mul3A_150 = arith.constant 10240 : i32
      %mul3A_151 = arith.muli %arg0, %mul3A_150 : i32
      %add3A_152 = vector.broadcast %mul3A_151 : i32 to vector<16xi32>
      %add3A_153 = arith.addi %get3A_149, %add3A_152 : vector<16xi32>
      %swap3A_154 = arith.constant 112 : index
      %swap3A_155 = tpu.vector_load %arg14[%swap3A_154] {strides = array<i32>} : memref<128xi32, #tpu.memory_space<vmem>>, vector<16xi32>,
      tpu.vector_store %arg14[%swap3A_154], %add3A_153 {strides = array<i32>} : memref<128xi32, #tpu.memory_space<vmem>>, vector<16xi32>,
      %dma_start3A = arith.constant 0 : i32
      %dma_start3A_156 = arith.constant 0 : i32
      %dma_start3A_157 = tpu.memref_slice %arg2[%dma_start3A, %dma_start3A_156] : memref<20480x128xf32, #tpu.memory_space<hbm>> -> memref<20480x128xf32, #tpu.memory_space<hbm>>
      tpu.enqueue_indirect_dma source(%dma_start3A_157 : memref<20480x128xf32, #tpu.memory_space<hbm>>) target(%arg7 : memref<128x128xf32, #tpu.memory_space<vmem>>) offsets(%arg14 : memref<128xi32, #tpu.memory_space<vmem>>) semaphore(%arg17 : memref<!tpu.dma_semaphore, #tpu.memory_space<semaphore_mem>>)
      %dma_wait3A = arith.constant 0 : i32
      %dma_wait3A_158 = arith.constant 0 : i32
      %dma_wait3A_159 = tpu.memref_slice %arg2[%dma_wait3A, %dma_wait3A_158] : memref<20480x128xf32, #tpu.memory_space<hbm>> -> memref<20480x128xf32, #tpu.memory_space<hbm>>
      tpu.wait_indirect_dma semaphore(%arg17 : memref<!tpu.dma_semaphore, #tpu.memory_space<semaphore_mem>>) src(%dma_wait3A_159 : memref<20480x128xf32, #tpu.memory_space<hbm>>) dst(%arg7 : memref<128x128xf32, #tpu.memory_space<vmem>>)
      %get3A_160 = arith.constant 0 : index
      %get3A_161 = tpu.vector_load %arg11[%get3A_160] {strides = array<i32>} : memref<128xi32, #tpu.memory_space<vmem>>, vector<16xi32>,
      %get3A_162 = arith.constant 0 : index
      %get3A_163 = tpu.vector_load %arg12[%get3A_162] {strides = array<i32>} : memref<128xi32, #tpu.memory_space<vmem>>, vector<16xi32>,
      %gather3A = tpu.vector_load_idx %arg8[%get3A_161] : memref<10240xf32, #tpu.memory_space<vmem>>[vector<16xi32>], vector<16xf32>,
      %gather3A_164 = tpu.vector_load_idx %arg9[%get3A_163] : memref<10240xf32, #tpu.memory_space<vmem>>[vector<16xi32>], vector<16xf32>,
      %add3A_165 = arith.addf %gather3A, %gather3A_164 : vector<16xf32>
      %mul3A_166 = arith.constant 2.000000e-01 : f32
      %mul3A_167 = vector.broadcast %mul3A_166 : f32 to vector<16xf32>
      %mul3A_168 = arith.mulf %mul3A_167, %add3A_165 : vector<16xf32>
      %max3A = arith.maximumf %add3A_165, %mul3A_168 : vector<16xf32>
      %exp3A = math.exp %max3A : vector<16xf32>
      %add3A_169 = arith.constant 0 : i32
      %add3A_170 = arith.addi %add3A_93, %add3A_169 : i32
      %iota3A = tpu.iota {dimensions = array<i32: 0>} : vector<16xi32>
      %add3A_171 = vector.broadcast %add3A_170 : i32 to vector<16xi32>
      %add3A_172 = arith.addi %add3A_171, %iota3A : vector<16xi32>
      %lt3A = arith.constant 330000 : i32
      %lt3A_173 = vector.broadcast %lt3A : i32 to vector<16xi32>
      %lt3A_174 = arith.cmpi slt, %add3A_172, %lt3A_173 : vector<16xi32>
      %jit3A = arith.constant 0.000000e+00 : f32
      %broadcast_in_dim3A_175 = vector.broadcast %jit3A : f32 to vector<16xf32>
      %select_n3A = arith.select %lt3A_174, %exp3A, %broadcast_in_dim3A_175 : vector<16xi1>, vector<16xf32>
      %gather3A_176 = tpu.vector_load_idx %arg10[%get3A_163] : memref<10240xf32, #tpu.memory_space<vmem>>[vector<16xi32>], vector<16xf32>,
      %add3A_177 = arith.constant 1.000000e-16 : f32
      %add3A_178 = vector.broadcast %add3A_177 : f32 to vector<16xf32>
      %add3A_179 = arith.addf %gather3A_176, %add3A_178 : vector<16xf32>
      %div3A = arith.divf %select_n3A, %add3A_179 : vector<16xf32>
      %swap3A_180 = arith.constant 0 : index
      %swap3A_181 = tpu.vector_load %arg13[%swap3A_180] {strides = array<i32>} : memref<128xf32, #tpu.memory_space<vmem>>, vector<16xf32>,
      tpu.vector_store %arg13[%swap3A_180], %div3A {strides = array<i32>} : memref<128xf32, #tpu.memory_space<vmem>>, vector<16xf32>,
      %get3A_182 = arith.constant 16 : index
      %get3A_183 = tpu.vector_load %arg11[%get3A_182] {strides = array<i32>} : memref<128xi32, #tpu.memory_space<vmem>>, vector<16xi32>,
      %get3A_184 = arith.constant 16 : index
      %get3A_185 = tpu.vector_load %arg12[%get3A_184] {strides = array<i32>} : memref<128xi32, #tpu.memory_space<vmem>>, vector<16xi32>,
      %gather3A_186 = tpu.vector_load_idx %arg8[%get3A_183] : memref<10240xf32, #tpu.memory_space<vmem>>[vector<16xi32>], vector<16xf32>,
      %gather3A_187 = tpu.vector_load_idx %arg9[%get3A_185] : memref<10240xf32, #tpu.memory_space<vmem>>[vector<16xi32>], vector<16xf32>,
      %add3A_188 = arith.addf %gather3A_186, %gather3A_187 : vector<16xf32>
      %mul3A_189 = arith.constant 2.000000e-01 : f32
      %mul3A_190 = vector.broadcast %mul3A_189 : f32 to vector<16xf32>
      %mul3A_191 = arith.mulf %mul3A_190, %add3A_188 : vector<16xf32>
      %max3A_192 = arith.maximumf %add3A_188, %mul3A_191 : vector<16xf32>
      %exp3A_193 = math.exp %max3A_192 : vector<16xf32>
      %add3A_194 = arith.constant 16 : i32
      %add3A_195 = arith.addi %add3A_93, %add3A_194 : i32
      %iota3A_196 = tpu.iota {dimensions = array<i32: 0>} : vector<16xi32>
      %add3A_197 = vector.broadcast %add3A_195 : i32 to vector<16xi32>
      %add3A_198 = arith.addi %add3A_197, %iota3A_196 : vector<16xi32>
      %lt3A_199 = arith.constant 330000 : i32
      %lt3A_200 = vector.broadcast %lt3A_199 : i32 to vector<16xi32>
      %lt3A_201 = arith.cmpi slt, %add3A_198, %lt3A_200 : vector<16xi32>
      %jit3A_202 = arith.constant 0.000000e+00 : f32
      %broadcast_in_dim3A_203 = vector.broadcast %jit3A_202 : f32 to vector<16xf32>
      %select_n3A_204 = arith.select %lt3A_201, %exp3A_193, %broadcast_in_dim3A_203 : vector<16xi1>, vector<16xf32>
      %gather3A_205 = tpu.vector_load_idx %arg10[%get3A_185] : memref<10240xf32, #tpu.memory_space<vmem>>[vector<16xi32>], vector<16xf32>,
      %add3A_206 = arith.constant 1.000000e-16 : f32
      %add3A_207 = vector.broadcast %add3A_206 : f32 to vector<16xf32>
      %add3A_208 = arith.addf %gather3A_205, %add3A_207 : vector<16xf32>
      %div3A_209 = arith.divf %select_n3A_204, %add3A_208 : vector<16xf32>
      %swap3A_210 = arith.constant 16 : index
      %swap3A_211 = tpu.vector_load %arg13[%swap3A_210] {strides = array<i32>} : memref<128xf32, #tpu.memory_space<vmem>>, vector<16xf32>,
      tpu.vector_store %arg13[%swap3A_210], %div3A_209 {strides = array<i32>} : memref<128xf32, #tpu.memory_space<vmem>>, vector<16xf32>,
      %get3A_212 = arith.constant 32 : index
      %get3A_213 = tpu.vector_load %arg11[%get3A_212] {strides = array<i32>} : memref<128xi32, #tpu.memory_space<vmem>>, vector<16xi32>,
      %get3A_214 = arith.constant 32 : index
      %get3A_215 = tpu.vector_load %arg12[%get3A_214] {strides = array<i32>} : memref<128xi32, #tpu.memory_space<vmem>>, vector<16xi32>,
      %gather3A_216 = tpu.vector_load_idx %arg8[%get3A_213] : memref<10240xf32, #tpu.memory_space<vmem>>[vector<16xi32>], vector<16xf32>,
      %gather3A_217 = tpu.vector_load_idx %arg9[%get3A_215] : memref<10240xf32, #tpu.memory_space<vmem>>[vector<16xi32>], vector<16xf32>,
      %add3A_218 = arith.addf %gather3A_216, %gather3A_217 : vector<16xf32>
      %mul3A_219 = arith.constant 2.000000e-01 : f32
      %mul3A_220 = vector.broadcast %mul3A_219 : f32 to vector<16xf32>
      %mul3A_221 = arith.mulf %mul3A_220, %add3A_218 : vector<16xf32>
      %max3A_222 = arith.maximumf %add3A_218, %mul3A_221 : vector<16xf32>
      %exp3A_223 = math.exp %max3A_222 : vector<16xf32>
      %add3A_224 = arith.constant 32 : i32
      %add3A_225 = arith.addi %add3A_93, %add3A_224 : i32
      %iota3A_226 = tpu.iota {dimensions = array<i32: 0>} : vector<16xi32>
      %add3A_227 = vector.broadcast %add3A_225 : i32 to vector<16xi32>
      %add3A_228 = arith.addi %add3A_227, %iota3A_226 : vector<16xi32>
      %lt3A_229 = arith.constant 330000 : i32
      %lt3A_230 = vector.broadcast %lt3A_229 : i32 to vector<16xi32>
      %lt3A_231 = arith.cmpi slt, %add3A_228, %lt3A_230 : vector<16xi32>
      %jit3A_232 = arith.constant 0.000000e+00 : f32
      %broadcast_in_dim3A_233 = vector.broadcast %jit3A_232 : f32 to vector<16xf32>
      %select_n3A_234 = arith.select %lt3A_231, %exp3A_223, %broadcast_in_dim3A_233 : vector<16xi1>, vector<16xf32>
      %gather3A_235 = tpu.vector_load_idx %arg10[%get3A_215] : memref<10240xf32, #tpu.memory_space<vmem>>[vector<16xi32>], vector<16xf32>,
      %add3A_236 = arith.constant 1.000000e-16 : f32
      %add3A_237 = vector.broadcast %add3A_236 : f32 to vector<16xf32>
      %add3A_238 = arith.addf %gather3A_235, %add3A_237 : vector<16xf32>
      %div3A_239 = arith.divf %select_n3A_234, %add3A_238 : vector<16xf32>
      %swap3A_240 = arith.constant 32 : index
      %swap3A_241 = tpu.vector_load %arg13[%swap3A_240] {strides = array<i32>} : memref<128xf32, #tpu.memory_space<vmem>>, vector<16xf32>,
      tpu.vector_store %arg13[%swap3A_240], %div3A_239 {strides = array<i32>} : memref<128xf32, #tpu.memory_space<vmem>>, vector<16xf32>,
      %get3A_242 = arith.constant 48 : index
      %get3A_243 = tpu.vector_load %arg11[%get3A_242] {strides = array<i32>} : memref<128xi32, #tpu.memory_space<vmem>>, vector<16xi32>,
      %get3A_244 = arith.constant 48 : index
      %get3A_245 = tpu.vector_load %arg12[%get3A_244] {strides = array<i32>} : memref<128xi32, #tpu.memory_space<vmem>>, vector<16xi32>,
      %gather3A_246 = tpu.vector_load_idx %arg8[%get3A_243] : memref<10240xf32, #tpu.memory_space<vmem>>[vector<16xi32>], vector<16xf32>,
      %gather3A_247 = tpu.vector_load_idx %arg9[%get3A_245] : memref<10240xf32, #tpu.memory_space<vmem>>[vector<16xi32>], vector<16xf32>,
      %add3A_248 = arith.addf %gather3A_246, %gather3A_247 : vector<16xf32>
      %mul3A_249 = arith.constant 2.000000e-01 : f32
      %mul3A_250 = vector.broadcast %mul3A_249 : f32 to vector<16xf32>
      %mul3A_251 = arith.mulf %mul3A_250, %add3A_248 : vector<16xf32>
      %max3A_252 = arith.maximumf %add3A_248, %mul3A_251 : vector<16xf32>
      %exp3A_253 = math.exp %max3A_252 : vector<16xf32>
      %add3A_254 = arith.constant 48 : i32
      %add3A_255 = arith.addi %add3A_93, %add3A_254 : i32
      %iota3A_256 = tpu.iota {dimensions = array<i32: 0>} : vector<16xi32>
      %add3A_257 = vector.broadcast %add3A_255 : i32 to vector<16xi32>
      %add3A_258 = arith.addi %add3A_257, %iota3A_256 : vector<16xi32>
      %lt3A_259 = arith.constant 330000 : i32
      %lt3A_260 = vector.broadcast %lt3A_259 : i32 to vector<16xi32>
      %lt3A_261 = arith.cmpi slt, %add3A_258, %lt3A_260 : vector<16xi32>
      %jit3A_262 = arith.constant 0.000000e+00 : f32
      %broadcast_in_dim3A_263 = vector.broadcast %jit3A_262 : f32 to vector<16xf32>
      %select_n3A_264 = arith.select %lt3A_261, %exp3A_253, %broadcast_in_dim3A_263 : vector<16xi1>, vector<16xf32>
      %gather3A_265 = tpu.vector_load_idx %arg10[%get3A_245] : memref<10240xf32, #tpu.memory_space<vmem>>[vector<16xi32>], vector<16xf32>,
      %add3A_266 = arith.constant 1.000000e-16 : f32
      %add3A_267 = vector.broadcast %add3A_266 : f32 to vector<16xf32>
      %add3A_268 = arith.addf %gather3A_265, %add3A_267 : vector<16xf32>
      %div3A_269 = arith.divf %select_n3A_264, %add3A_268 : vector<16xf32>
      %swap3A_270 = arith.constant 48 : index
      %swap3A_271 = tpu.vector_load %arg13[%swap3A_270] {strides = array<i32>} : memref<128xf32, #tpu.memory_space<vmem>>, vector<16xf32>,
      tpu.vector_store %arg13[%swap3A_270], %div3A_269 {strides = array<i32>} : memref<128xf32, #tpu.memory_space<vmem>>, vector<16xf32>,
      %get3A_272 = arith.constant 64 : index
      %get3A_273 = tpu.vector_load %arg11[%get3A_272] {strides = array<i32>} : memref<128xi32, #tpu.memory_space<vmem>>, vector<16xi32>,
      %get3A_274 = arith.constant 64 : index
      %get3A_275 = tpu.vector_load %arg12[%get3A_274] {strides = array<i32>} : memref<128xi32, #tpu.memory_space<vmem>>, vector<16xi32>,
      %gather3A_276 = tpu.vector_load_idx %arg8[%get3A_273] : memref<10240xf32, #tpu.memory_space<vmem>>[vector<16xi32>], vector<16xf32>,
      %gather3A_277 = tpu.vector_load_idx %arg9[%get3A_275] : memref<10240xf32, #tpu.memory_space<vmem>>[vector<16xi32>], vector<16xf32>,
      %add3A_278 = arith.addf %gather3A_276, %gather3A_277 : vector<16xf32>
      %mul3A_279 = arith.constant 2.000000e-01 : f32
      %mul3A_280 = vector.broadcast %mul3A_279 : f32 to vector<16xf32>
      %mul3A_281 = arith.mulf %mul3A_280, %add3A_278 : vector<16xf32>
      %max3A_282 = arith.maximumf %add3A_278, %mul3A_281 : vector<16xf32>
      %exp3A_283 = math.exp %max3A_282 : vector<16xf32>
      %add3A_284 = arith.constant 64 : i32
      %add3A_285 = arith.addi %add3A_93, %add3A_284 : i32
      %iota3A_286 = tpu.iota {dimensions = array<i32: 0>} : vector<16xi32>
      %add3A_287 = vector.broadcast %add3A_285 : i32 to vector<16xi32>
      %add3A_288 = arith.addi %add3A_287, %iota3A_286 : vector<16xi32>
      %lt3A_289 = arith.constant 330000 : i32
      %lt3A_290 = vector.broadcast %lt3A_289 : i32 to vector<16xi32>
      %lt3A_291 = arith.cmpi slt, %add3A_288, %lt3A_290 : vector<16xi32>
      %jit3A_292 = arith.constant 0.000000e+00 : f32
      %broadcast_in_dim3A_293 = vector.broadcast %jit3A_292 : f32 to vector<16xf32>
      %select_n3A_294 = arith.select %lt3A_291, %exp3A_283, %broadcast_in_dim3A_293 : vector<16xi1>, vector<16xf32>
      %gather3A_295 = tpu.vector_load_idx %arg10[%get3A_275] : memref<10240xf32, #tpu.memory_space<vmem>>[vector<16xi32>], vector<16xf32>,
      %add3A_296 = arith.constant 1.000000e-16 : f32
      %add3A_297 = vector.broadcast %add3A_296 : f32 to vector<16xf32>
      %add3A_298 = arith.addf %gather3A_295, %add3A_297 : vector<16xf32>
      %div3A_299 = arith.divf %select_n3A_294, %add3A_298 : vector<16xf32>
      %swap3A_300 = arith.constant 64 : index
      %swap3A_301 = tpu.vector_load %arg13[%swap3A_300] {strides = array<i32>} : memref<128xf32, #tpu.memory_space<vmem>>, vector<16xf32>,
      tpu.vector_store %arg13[%swap3A_300], %div3A_299 {strides = array<i32>} : memref<128xf32, #tpu.memory_space<vmem>>, vector<16xf32>,
      %get3A_302 = arith.constant 80 : index
      %get3A_303 = tpu.vector_load %arg11[%get3A_302] {strides = array<i32>} : memref<128xi32, #tpu.memory_space<vmem>>, vector<16xi32>,
      %get3A_304 = arith.constant 80 : index
      %get3A_305 = tpu.vector_load %arg12[%get3A_304] {strides = array<i32>} : memref<128xi32, #tpu.memory_space<vmem>>, vector<16xi32>,
      %gather3A_306 = tpu.vector_load_idx %arg8[%get3A_303] : memref<10240xf32, #tpu.memory_space<vmem>>[vector<16xi32>], vector<16xf32>,
      %gather3A_307 = tpu.vector_load_idx %arg9[%get3A_305] : memref<10240xf32, #tpu.memory_space<vmem>>[vector<16xi32>], vector<16xf32>,
      %add3A_308 = arith.addf %gather3A_306, %gather3A_307 : vector<16xf32>
      %mul3A_309 = arith.constant 2.000000e-01 : f32
      %mul3A_310 = vector.broadcast %mul3A_309 : f32 to vector<16xf32>
      %mul3A_311 = arith.mulf %mul3A_310, %add3A_308 : vector<16xf32>
      %max3A_312 = arith.maximumf %add3A_308, %mul3A_311 : vector<16xf32>
      %exp3A_313 = math.exp %max3A_312 : vector<16xf32>
      %add3A_314 = arith.constant 80 : i32
      %add3A_315 = arith.addi %add3A_93, %add3A_314 : i32
      %iota3A_316 = tpu.iota {dimensions = array<i32: 0>} : vector<16xi32>
      %add3A_317 = vector.broadcast %add3A_315 : i32 to vector<16xi32>
      %add3A_318 = arith.addi %add3A_317, %iota3A_316 : vector<16xi32>
      %lt3A_319 = arith.constant 330000 : i32
      %lt3A_320 = vector.broadcast %lt3A_319 : i32 to vector<16xi32>
      %lt3A_321 = arith.cmpi slt, %add3A_318, %lt3A_320 : vector<16xi32>
      %jit3A_322 = arith.constant 0.000000e+00 : f32
      %broadcast_in_dim3A_323 = vector.broadcast %jit3A_322 : f32 to vector<16xf32>
      %select_n3A_324 = arith.select %lt3A_321, %exp3A_313, %broadcast_in_dim3A_323 : vector<16xi1>, vector<16xf32>
      %gather3A_325 = tpu.vector_load_idx %arg10[%get3A_305] : memref<10240xf32, #tpu.memory_space<vmem>>[vector<16xi32>], vector<16xf32>,
      %add3A_326 = arith.constant 1.000000e-16 : f32
      %add3A_327 = vector.broadcast %add3A_326 : f32 to vector<16xf32>
      %add3A_328 = arith.addf %gather3A_325, %add3A_327 : vector<16xf32>
      %div3A_329 = arith.divf %select_n3A_324, %add3A_328 : vector<16xf32>
      %swap3A_330 = arith.constant 80 : index
      %swap3A_331 = tpu.vector_load %arg13[%swap3A_330] {strides = array<i32>} : memref<128xf32, #tpu.memory_space<vmem>>, vector<16xf32>,
      tpu.vector_store %arg13[%swap3A_330], %div3A_329 {strides = array<i32>} : memref<128xf32, #tpu.memory_space<vmem>>, vector<16xf32>,
      %get3A_332 = arith.constant 96 : index
      %get3A_333 = tpu.vector_load %arg11[%get3A_332] {strides = array<i32>} : memref<128xi32, #tpu.memory_space<vmem>>, vector<16xi32>,
      %get3A_334 = arith.constant 96 : index
      %get3A_335 = tpu.vector_load %arg12[%get3A_334] {strides = array<i32>} : memref<128xi32, #tpu.memory_space<vmem>>, vector<16xi32>,
      %gather3A_336 = tpu.vector_load_idx %arg8[%get3A_333] : memref<10240xf32, #tpu.memory_space<vmem>>[vector<16xi32>], vector<16xf32>,
      %gather3A_337 = tpu.vector_load_idx %arg9[%get3A_335] : memref<10240xf32, #tpu.memory_space<vmem>>[vector<16xi32>], vector<16xf32>,
      %add3A_338 = arith.addf %gather3A_336, %gather3A_337 : vector<16xf32>
      %mul3A_339 = arith.constant 2.000000e-01 : f32
      %mul3A_340 = vector.broadcast %mul3A_339 : f32 to vector<16xf32>
      %mul3A_341 = arith.mulf %mul3A_340, %add3A_338 : vector<16xf32>
      %max3A_342 = arith.maximumf %add3A_338, %mul3A_341 : vector<16xf32>
      %exp3A_343 = math.exp %max3A_342 : vector<16xf32>
      %add3A_344 = arith.constant 96 : i32
      %add3A_345 = arith.addi %add3A_93, %add3A_344 : i32
      %iota3A_346 = tpu.iota {dimensions = array<i32: 0>} : vector<16xi32>
      %add3A_347 = vector.broadcast %add3A_345 : i32 to vector<16xi32>
      %add3A_348 = arith.addi %add3A_347, %iota3A_346 : vector<16xi32>
      %lt3A_349 = arith.constant 330000 : i32
      %lt3A_350 = vector.broadcast %lt3A_349 : i32 to vector<16xi32>
      %lt3A_351 = arith.cmpi slt, %add3A_348, %lt3A_350 : vector<16xi32>
      %jit3A_352 = arith.constant 0.000000e+00 : f32
      %broadcast_in_dim3A_353 = vector.broadcast %jit3A_352 : f32 to vector<16xf32>
      %select_n3A_354 = arith.select %lt3A_351, %exp3A_343, %broadcast_in_dim3A_353 : vector<16xi1>, vector<16xf32>
      %gather3A_355 = tpu.vector_load_idx %arg10[%get3A_335] : memref<10240xf32, #tpu.memory_space<vmem>>[vector<16xi32>], vector<16xf32>,
      %add3A_356 = arith.constant 1.000000e-16 : f32
      %add3A_357 = vector.broadcast %add3A_356 : f32 to vector<16xf32>
      %add3A_358 = arith.addf %gather3A_355, %add3A_357 : vector<16xf32>
      %div3A_359 = arith.divf %select_n3A_354, %add3A_358 : vector<16xf32>
      %swap3A_360 = arith.constant 96 : index
      %swap3A_361 = tpu.vector_load %arg13[%swap3A_360] {strides = array<i32>} : memref<128xf32, #tpu.memory_space<vmem>>, vector<16xf32>,
      tpu.vector_store %arg13[%swap3A_360], %div3A_359 {strides = array<i32>} : memref<128xf32, #tpu.memory_space<vmem>>, vector<16xf32>,
      %get3A_362 = arith.constant 112 : index
      %get3A_363 = tpu.vector_load %arg11[%get3A_362] {strides = array<i32>} : memref<128xi32, #tpu.memory_space<vmem>>, vector<16xi32>,
      %get3A_364 = arith.constant 112 : index
      %get3A_365 = tpu.vector_load %arg12[%get3A_364] {strides = array<i32>} : memref<128xi32, #tpu.memory_space<vmem>>, vector<16xi32>,
      %gather3A_366 = tpu.vector_load_idx %arg8[%get3A_363] : memref<10240xf32, #tpu.memory_space<vmem>>[vector<16xi32>], vector<16xf32>,
      %gather3A_367 = tpu.vector_load_idx %arg9[%get3A_365] : memref<10240xf32, #tpu.memory_space<vmem>>[vector<16xi32>], vector<16xf32>,
      %add3A_368 = arith.addf %gather3A_366, %gather3A_367 : vector<16xf32>
      %mul3A_369 = arith.constant 2.000000e-01 : f32
      %mul3A_370 = vector.broadcast %mul3A_369 : f32 to vector<16xf32>
      %mul3A_371 = arith.mulf %mul3A_370, %add3A_368 : vector<16xf32>
      %max3A_372 = arith.maximumf %add3A_368, %mul3A_371 : vector<16xf32>
      %exp3A_373 = math.exp %max3A_372 : vector<16xf32>
      %add3A_374 = arith.constant 112 : i32
      %add3A_375 = arith.addi %add3A_93, %add3A_374 : i32
      %iota3A_376 = tpu.iota {dimensions = array<i32: 0>} : vector<16xi32>
      %add3A_377 = vector.broadcast %add3A_375 : i32 to vector<16xi32>
      %add3A_378 = arith.addi %add3A_377, %iota3A_376 : vector<16xi32>
      %lt3A_379 = arith.constant 330000 : i32
      %lt3A_380 = vector.broadcast %lt3A_379 : i32 to vector<16xi32>
      %lt3A_381 = arith.cmpi slt, %add3A_378, %lt3A_380 : vector<16xi32>
      %jit3A_382 = arith.constant 0.000000e+00 : f32
      %broadcast_in_dim3A_383 = vector.broadcast %jit3A_382 : f32 to vector<16xf32>
      %select_n3A_384 = arith.select %lt3A_381, %exp3A_373, %broadcast_in_dim3A_383 : vector<16xi1>, vector<16xf32>
      %gather3A_385 = tpu.vector_load_idx %arg10[%get3A_365] : memref<10240xf32, #tpu.memory_space<vmem>>[vector<16xi32>], vector<16xf32>,
      %add3A_386 = arith.constant 1.000000e-16 : f32
      %add3A_387 = vector.broadcast %add3A_386 : f32 to vector<16xf32>
      %add3A_388 = arith.addf %gather3A_385, %add3A_387 : vector<16xf32>
      %div3A_389 = arith.divf %select_n3A_384, %add3A_388 : vector<16xf32>
      %swap3A_390 = arith.constant 112 : index
      %swap3A_391 = tpu.vector_load %arg13[%swap3A_390] {strides = array<i32>} : memref<128xf32, #tpu.memory_space<vmem>>, vector<16xf32>,
      tpu.vector_store %arg13[%swap3A_390], %div3A_389 {strides = array<i32>} : memref<128xf32, #tpu.memory_space<vmem>>, vector<16xf32>,
      %scan3A_392 = arith.constant 0 : i32
      %scan3A_393 = arith.constant 0 : i32
      %scan3A_394 = arith.constant 128 : i32
      %scan3A_395 = arith.addi %scan3A_393, %scan3A_394 : i32
      %scan3A_396 = arith.constant 1 : i32
      %scan3A_397 = scf.for %scan3A_400 = %scan3A_393 to %scan3A_395 step %scan3A_396 iter_args(%scan3A_401 = %scan3A_392) -> (i32)  : i32 {
        %broadcast_in_dim3A_402 = vector.broadcast %scan3A_400 : i32 to vector<16xi32>
        %gather3A_403 = tpu.vector_load_idx %arg13[%broadcast_in_dim3A_402] : memref<128xf32, #tpu.memory_space<vmem>>[vector<16xi32>], vector<16xf32>,
        %get3A_404 = arith.index_cast %scan3A_400 : i32 to index
        %get3A_405 = arith.constant 0 : index
        %get3A_406 = tpu.vector_load %arg7[%get3A_404, %get3A_405] {strides = array<i32>} : memref<128x128xf32, #tpu.memory_space<vmem>>, vector<16xf32>,
        %mul3A_407 = arith.mulf %get3A_406, %gather3A_403 : vector<16xf32>
        %swap3A_408 = arith.index_cast %scan3A_400 : i32 to index
        %swap3A_409 = arith.constant 0 : index
        %swap3A_410 = tpu.vector_load %arg7[%swap3A_408, %swap3A_409] {strides = array<i32>} : memref<128x128xf32, #tpu.memory_space<vmem>>, vector<16xf32>,
        tpu.vector_store %arg7[%swap3A_408, %swap3A_409], %mul3A_407 {strides = array<i32>} : memref<128x128xf32, #tpu.memory_space<vmem>>, vector<16xf32>,
        %get3A_411 = arith.index_cast %scan3A_400 : i32 to index
        %get3A_412 = arith.constant 16 : index
        %get3A_413 = tpu.vector_load %arg7[%get3A_411, %get3A_412] {strides = array<i32>} : memref<128x128xf32, #tpu.memory_space<vmem>>, vector<16xf32>,
        %mul3A_414 = arith.mulf %get3A_413, %gather3A_403 : vector<16xf32>
        %swap3A_415 = arith.index_cast %scan3A_400 : i32 to index
        %swap3A_416 = arith.constant 16 : index
        %swap3A_417 = tpu.vector_load %arg7[%swap3A_415, %swap3A_416] {strides = array<i32>} : memref<128x128xf32, #tpu.memory_space<vmem>>, vector<16xf32>,
        tpu.vector_store %arg7[%swap3A_415, %swap3A_416], %mul3A_414 {strides = array<i32>} : memref<128x128xf32, #tpu.memory_space<vmem>>, vector<16xf32>,
        %get3A_418 = arith.index_cast %scan3A_400 : i32 to index
        %get3A_419 = arith.constant 32 : index
        %get3A_420 = tpu.vector_load %arg7[%get3A_418, %get3A_419] {strides = array<i32>} : memref<128x128xf32, #tpu.memory_space<vmem>>, vector<16xf32>,
        %mul3A_421 = arith.mulf %get3A_420, %gather3A_403 : vector<16xf32>
        %swap3A_422 = arith.index_cast %scan3A_400 : i32 to index
        %swap3A_423 = arith.constant 32 : index
        %swap3A_424 = tpu.vector_load %arg7[%swap3A_422, %swap3A_423] {strides = array<i32>} : memref<128x128xf32, #tpu.memory_space<vmem>>, vector<16xf32>,
        tpu.vector_store %arg7[%swap3A_422, %swap3A_423], %mul3A_421 {strides = array<i32>} : memref<128x128xf32, #tpu.memory_space<vmem>>, vector<16xf32>,
        %get3A_425 = arith.index_cast %scan3A_400 : i32 to index
        %get3A_426 = arith.constant 48 : index
        %get3A_427 = tpu.vector_load %arg7[%get3A_425, %get3A_426] {strides = array<i32>} : memref<128x128xf32, #tpu.memory_space<vmem>>, vector<16xf32>,
        %mul3A_428 = arith.mulf %get3A_427, %gather3A_403 : vector<16xf32>
        %swap3A_429 = arith.index_cast %scan3A_400 : i32 to index
        %swap3A_430 = arith.constant 48 : index
        %swap3A_431 = tpu.vector_load %arg7[%swap3A_429, %swap3A_430] {strides = array<i32>} : memref<128x128xf32, #tpu.memory_space<vmem>>, vector<16xf32>,
        tpu.vector_store %arg7[%swap3A_429, %swap3A_430], %mul3A_428 {strides = array<i32>} : memref<128x128xf32, #tpu.memory_space<vmem>>, vector<16xf32>,
        %get3A_432 = arith.index_cast %scan3A_400 : i32 to index
        %get3A_433 = arith.constant 64 : index
        %get3A_434 = tpu.vector_load %arg7[%get3A_432, %get3A_433] {strides = array<i32>} : memref<128x128xf32, #tpu.memory_space<vmem>>, vector<16xf32>,
        %mul3A_435 = arith.mulf %get3A_434, %gather3A_403 : vector<16xf32>
        %swap3A_436 = arith.index_cast %scan3A_400 : i32 to index
        %swap3A_437 = arith.constant 64 : index
        %swap3A_438 = tpu.vector_load %arg7[%swap3A_436, %swap3A_437] {strides = array<i32>} : memref<128x128xf32, #tpu.memory_space<vmem>>, vector<16xf32>,
        tpu.vector_store %arg7[%swap3A_436, %swap3A_437], %mul3A_435 {strides = array<i32>} : memref<128x128xf32, #tpu.memory_space<vmem>>, vector<16xf32>,
        %get3A_439 = arith.index_cast %scan3A_400 : i32 to index
        %get3A_440 = arith.constant 80 : index
        %get3A_441 = tpu.vector_load %arg7[%get3A_439, %get3A_440] {strides = array<i32>} : memref<128x128xf32, #tpu.memory_space<vmem>>, vector<16xf32>,
        %mul3A_442 = arith.mulf %get3A_441, %gather3A_403 : vector<16xf32>
        %swap3A_443 = arith.index_cast %scan3A_400 : i32 to index
        %swap3A_444 = arith.constant 80 : index
        %swap3A_445 = tpu.vector_load %arg7[%swap3A_443, %swap3A_444] {strides = array<i32>} : memref<128x128xf32, #tpu.memory_space<vmem>>, vector<16xf32>,
        tpu.vector_store %arg7[%swap3A_443, %swap3A_444], %mul3A_442 {strides = array<i32>} : memref<128x128xf32, #tpu.memory_space<vmem>>, vector<16xf32>,
        %get3A_446 = arith.index_cast %scan3A_400 : i32 to index
        %get3A_447 = arith.constant 96 : index
        %get3A_448 = tpu.vector_load %arg7[%get3A_446, %get3A_447] {strides = array<i32>} : memref<128x128xf32, #tpu.memory_space<vmem>>, vector<16xf32>,
        %mul3A_449 = arith.mulf %get3A_448, %gather3A_403 : vector<16xf32>
        %swap3A_450 = arith.index_cast %scan3A_400 : i32 to index
        %swap3A_451 = arith.constant 96 : index
        %swap3A_452 = tpu.vector_load %arg7[%swap3A_450, %swap3A_451] {strides = array<i32>} : memref<128x128xf32, #tpu.memory_space<vmem>>, vector<16xf32>,
        tpu.vector_store %arg7[%swap3A_450, %swap3A_451], %mul3A_449 {strides = array<i32>} : memref<128x128xf32, #tpu.memory_space<vmem>>, vector<16xf32>,
        %get3A_453 = arith.index_cast %scan3A_400 : i32 to index
        %get3A_454 = arith.constant 112 : index
        %get3A_455 = tpu.vector_load %arg7[%get3A_453, %get3A_454] {strides = array<i32>} : memref<128x128xf32, #tpu.memory_space<vmem>>, vector<16xf32>,
        %mul3A_456 = arith.mulf %get3A_455, %gather3A_403 : vector<16xf32>
        %swap3A_457 = arith.index_cast %scan3A_400 : i32 to index
        %swap3A_458 = arith.constant 112 : index
        %swap3A_459 = tpu.vector_load %arg7[%swap3A_457, %swap3A_458] {strides = array<i32>} : memref<128x128xf32, #tpu.memory_space<vmem>>, vector<16xf32>,
        tpu.vector_store %arg7[%swap3A_457, %swap3A_458], %mul3A_456 {strides = array<i32>} : memref<128x128xf32, #tpu.memory_space<vmem>>, vector<16xf32>,
        %scan3A_460 = arith.constant 0 : i32
        scf.yield %scan3A_460 : i32
      }
      %scan3A_398 = arith.constant 128 : i32
      "tpu.region"() ({
        %run_scoped3A = tpu.sem_alloc : memref<!tpu.dma_semaphore, #tpu.memory_space<semaphore_mem>>
        %dma_start3A_400 = arith.constant 0 : i32
        %dma_start3A_401 = arith.constant 0 : i32
        %dma_start3A_402 = tpu.memref_slice %arg15[%dma_start3A_400, %dma_start3A_401] : memref<10240x128xf32, #tpu.memory_space<vmem_shared>> -> memref<10240x128xf32, #tpu.memory_space<vmem_shared>>
        tpu.enqueue_indirect_dma source(%arg7 : memref<128x128xf32, #tpu.memory_space<vmem>>) target(%dma_start3A_402 : memref<10240x128xf32, #tpu.memory_space<vmem_shared>>) offsets(%arg12 : memref<128xi32, #tpu.memory_space<vmem>>) semaphore(%run_scoped3A : memref<!tpu.dma_semaphore, #tpu.memory_space<semaphore_mem>>) {add = true}
        %dma_wait3A_403 = arith.constant 0 : i32
        %dma_wait3A_404 = arith.constant 0 : i32
        %dma_wait3A_405 = tpu.memref_slice %arg15[%dma_wait3A_403, %dma_wait3A_404] : memref<10240x128xf32, #tpu.memory_space<vmem_shared>> -> memref<10240x128xf32, #tpu.memory_space<vmem_shared>>
        tpu.wait_indirect_dma semaphore(%run_scoped3A : memref<!tpu.dma_semaphore, #tpu.memory_space<semaphore_mem>>) src(%arg7 : memref<128x128xf32, #tpu.memory_space<vmem>>) dst(%dma_wait3A_405 : memref<10240x128xf32, #tpu.memory_space<vmem_shared>>)
        tpu.yield
      }) : () -> ()
      %scan3A_399 = arith.constant 0 : i32
      scf.yield %scan3A_399 : i32
    }
    %scan3A_50 = arith.constant 162 : i32
    %barrier3A_51 = arith.constant 0 : index
    tpu.barrier barrier_id(%barrier3A_51)
    %mul3A_52 = arith.constant 640 : i32
    %mul3A_53 = arith.muli %arg1, %mul3A_52 : i32
    %add3A_54 = arith.constant 0 : i32
    %add3A_55 = arith.addi %mul3A_53, %add3A_54 : i32
    "tpu.region"() ({
      %run_scoped3A = tpu.sem_alloc : memref<!tpu.dma_semaphore, #tpu.memory_space<semaphore_mem>>
      %dma_start3A = arith.constant 0 : i32
      %dma_start3A_87 = tpu.memref_slice %arg15[%add3A_55, %dma_start3A] : memref<10240x128xf32, #tpu.memory_space<vmem_shared>> -> memref<128x128xf32, #tpu.memory_space<vmem_shared>>
      %dma_start3A_88 = arith.constant 0 : i32
      %dma_start3A_89 = tpu.memref_slice %arg15[%add3A_55, %dma_start3A_88] : memref<10240x128xf32, #tpu.memory_space<vmem_shared>> -> memref<128x128xf32, #tpu.memory_space<vmem_shared>>
      tpu.enqueue_dma source(%dma_start3A_89 : memref<128x128xf32, #tpu.memory_space<vmem_shared>>) target(%arg7 : memref<128x128xf32, #tpu.memory_space<vmem>>) target_semaphore(%run_scoped3A : memref<!tpu.dma_semaphore, #tpu.memory_space<semaphore_mem>>)
      %dma_wait3A = arith.constant 0 : i32
      %dma_wait3A_90 = tpu.memref_slice %arg15[%add3A_55, %dma_wait3A] : memref<10240x128xf32, #tpu.memory_space<vmem_shared>> -> memref<128x128xf32, #tpu.memory_space<vmem_shared>>
      %dma_wait3A_91 = arith.constant 0 : i32
      %dma_wait3A_92 = tpu.memref_slice %arg15[%add3A_55, %dma_wait3A_91] : memref<10240x128xf32, #tpu.memory_space<vmem_shared>> -> memref<128x128xf32, #tpu.memory_space<vmem_shared>>
      tpu.wait_dma2 semaphore(%run_scoped3A : memref<!tpu.dma_semaphore, #tpu.memory_space<semaphore_mem>>) src(%dma_wait3A_92 : memref<128x128xf32, #tpu.memory_space<vmem_shared>>) dst(%arg7 : memref<128x128xf32, #tpu.memory_space<vmem>>)
      tpu.yield
    }) : () -> ()
    %mul3A_56 = arith.constant 10240 : i32
    %mul3A_57 = arith.muli %arg0, %mul3A_56 : i32
    %add3A_58 = arith.addi %mul3A_57, %add3A_55 : i32
    "tpu.region"() ({
      %run_scoped3A = tpu.sem_alloc : memref<!tpu.dma_semaphore, #tpu.memory_space<semaphore_mem>>
      %dma_start3A = arith.constant 0 : i32
      %dma_start3A_87 = tpu.memref_slice %arg6[%add3A_58, %dma_start3A] : memref<20480x128xf32, #tpu.memory_space<hbm>> -> memref<128x128xf32, #tpu.memory_space<hbm>>
      %dma_start3A_88 = arith.constant 0 : i32
      %dma_start3A_89 = tpu.memref_slice %arg6[%add3A_58, %dma_start3A_88] : memref<20480x128xf32, #tpu.memory_space<hbm>> -> memref<128x128xf32, #tpu.memory_space<hbm>>
      tpu.enqueue_dma source(%arg7 : memref<128x128xf32, #tpu.memory_space<vmem>>) target(%dma_start3A_89 : memref<128x128xf32, #tpu.memory_space<hbm>>) target_semaphore(%run_scoped3A : memref<!tpu.dma_semaphore, #tpu.memory_space<semaphore_mem>>)
      %dma_wait3A = arith.constant 0 : i32
      %dma_wait3A_90 = tpu.memref_slice %arg6[%add3A_58, %dma_wait3A] : memref<20480x128xf32, #tpu.memory_space<hbm>> -> memref<128x128xf32, #tpu.memory_space<hbm>>
      %dma_wait3A_91 = arith.constant 0 : i32
      %dma_wait3A_92 = tpu.memref_slice %arg6[%add3A_58, %dma_wait3A_91] : memref<20480x128xf32, #tpu.memory_space<hbm>> -> memref<128x128xf32, #tpu.memory_space<hbm>>
      tpu.wait_dma2 semaphore(%run_scoped3A : memref<!tpu.dma_semaphore, #tpu.memory_space<semaphore_mem>>) src(%arg7 : memref<128x128xf32, #tpu.memory_space<vmem>>) dst(%dma_wait3A_92 : memref<128x128xf32, #tpu.memory_space<hbm>>)
      tpu.yield
    }) : () -> ()
    %mul3A_59 = arith.constant 640 : i32
    %mul3A_60 = arith.muli %arg1, %mul3A_59 : i32
    %add3A_61 = arith.constant 128 : i32
    %add3A_62 = arith.addi %mul3A_60, %add3A_61 : i32
    "tpu.region"() ({
      %run_scoped3A = tpu.sem_alloc : memref<!tpu.dma_semaphore, #tpu.memory_space<semaphore_mem>>
      %dma_start3A = arith.constant 0 : i32
      %dma_start3A_87 = tpu.memref_slice %arg15[%add3A_62, %dma_start3A] : memref<10240x128xf32, #tpu.memory_space<vmem_shared>> -> memref<128x128xf32, #tpu.memory_space<vmem_shared>>
      %dma_start3A_88 = arith.constant 0 : i32
      %dma_start3A_89 = tpu.memref_slice %arg15[%add3A_62, %dma_start3A_88] : memref<10240x128xf32, #tpu.memory_space<vmem_shared>> -> memref<128x128xf32, #tpu.memory_space<vmem_shared>>
      tpu.enqueue_dma source(%dma_start3A_89 : memref<128x128xf32, #tpu.memory_space<vmem_shared>>) target(%arg7 : memref<128x128xf32, #tpu.memory_space<vmem>>) target_semaphore(%run_scoped3A : memref<!tpu.dma_semaphore, #tpu.memory_space<semaphore_mem>>)
      %dma_wait3A = arith.constant 0 : i32
      %dma_wait3A_90 = tpu.memref_slice %arg15[%add3A_62, %dma_wait3A] : memref<10240x128xf32, #tpu.memory_space<vmem_shared>> -> memref<128x128xf32, #tpu.memory_space<vmem_shared>>
      %dma_wait3A_91 = arith.constant 0 : i32
      %dma_wait3A_92 = tpu.memref_slice %arg15[%add3A_62, %dma_wait3A_91] : memref<10240x128xf32, #tpu.memory_space<vmem_shared>> -> memref<128x128xf32, #tpu.memory_space<vmem_shared>>
      tpu.wait_dma2 semaphore(%run_scoped3A : memref<!tpu.dma_semaphore, #tpu.memory_space<semaphore_mem>>) src(%dma_wait3A_92 : memref<128x128xf32, #tpu.memory_space<vmem_shared>>) dst(%arg7 : memref<128x128xf32, #tpu.memory_space<vmem>>)
      tpu.yield
    }) : () -> ()
    %mul3A_63 = arith.constant 10240 : i32
    %mul3A_64 = arith.muli %arg0, %mul3A_63 : i32
    %add3A_65 = arith.addi %mul3A_64, %add3A_62 : i32
    "tpu.region"() ({
      %run_scoped3A = tpu.sem_alloc : memref<!tpu.dma_semaphore, #tpu.memory_space<semaphore_mem>>
      %dma_start3A = arith.constant 0 : i32
      %dma_start3A_87 = tpu.memref_slice %arg6[%add3A_65, %dma_start3A] : memref<20480x128xf32, #tpu.memory_space<hbm>> -> memref<128x128xf32, #tpu.memory_space<hbm>>
      %dma_start3A_88 = arith.constant 0 : i32
      %dma_start3A_89 = tpu.memref_slice %arg6[%add3A_65, %dma_start3A_88] : memref<20480x128xf32, #tpu.memory_space<hbm>> -> memref<128x128xf32, #tpu.memory_space<hbm>>
      tpu.enqueue_dma source(%arg7 : memref<128x128xf32, #tpu.memory_space<vmem>>) target(%dma_start3A_89 : memref<128x128xf32, #tpu.memory_space<hbm>>) target_semaphore(%run_scoped3A : memref<!tpu.dma_semaphore, #tpu.memory_space<semaphore_mem>>)
      %dma_wait3A = arith.constant 0 : i32
      %dma_wait3A_90 = tpu.memref_slice %arg6[%add3A_65, %dma_wait3A] : memref<20480x128xf32, #tpu.memory_space<hbm>> -> memref<128x128xf32, #tpu.memory_space<hbm>>
      %dma_wait3A_91 = arith.constant 0 : i32
      %dma_wait3A_92 = tpu.memref_slice %arg6[%add3A_65, %dma_wait3A_91] : memref<20480x128xf32, #tpu.memory_space<hbm>> -> memref<128x128xf32, #tpu.memory_space<hbm>>
      tpu.wait_dma2 semaphore(%run_scoped3A : memref<!tpu.dma_semaphore, #tpu.memory_space<semaphore_mem>>) src(%arg7 : memref<128x128xf32, #tpu.memory_space<vmem>>) dst(%dma_wait3A_92 : memref<128x128xf32, #tpu.memory_space<hbm>>)
      tpu.yield
    }) : () -> ()
    %mul3A_66 = arith.constant 640 : i32
    %mul3A_67 = arith.muli %arg1, %mul3A_66 : i32
    %add3A_68 = arith.constant 256 : i32
    %add3A_69 = arith.addi %mul3A_67, %add3A_68 : i32
    "tpu.region"() ({
      %run_scoped3A = tpu.sem_alloc : memref<!tpu.dma_semaphore, #tpu.memory_space<semaphore_mem>>
      %dma_start3A = arith.constant 0 : i32
      %dma_start3A_87 = tpu.memref_slice %arg15[%add3A_69, %dma_start3A] : memref<10240x128xf32, #tpu.memory_space<vmem_shared>> -> memref<128x128xf32, #tpu.memory_space<vmem_shared>>
      %dma_start3A_88 = arith.constant 0 : i32
      %dma_start3A_89 = tpu.memref_slice %arg15[%add3A_69, %dma_start3A_88] : memref<10240x128xf32, #tpu.memory_space<vmem_shared>> -> memref<128x128xf32, #tpu.memory_space<vmem_shared>>
      tpu.enqueue_dma source(%dma_start3A_89 : memref<128x128xf32, #tpu.memory_space<vmem_shared>>) target(%arg7 : memref<128x128xf32, #tpu.memory_space<vmem>>) target_semaphore(%run_scoped3A : memref<!tpu.dma_semaphore, #tpu.memory_space<semaphore_mem>>)
      %dma_wait3A = arith.constant 0 : i32
      %dma_wait3A_90 = tpu.memref_slice %arg15[%add3A_69, %dma_wait3A] : memref<10240x128xf32, #tpu.memory_space<vmem_shared>> -> memref<128x128xf32, #tpu.memory_space<vmem_shared>>
      %dma_wait3A_91 = arith.constant 0 : i32
      %dma_wait3A_92 = tpu.memref_slice %arg15[%add3A_69, %dma_wait3A_91] : memref<10240x128xf32, #tpu.memory_space<vmem_shared>> -> memref<128x128xf32, #tpu.memory_space<vmem_shared>>
      tpu.wait_dma2 semaphore(%run_scoped3A : memref<!tpu.dma_semaphore, #tpu.memory_space<semaphore_mem>>) src(%dma_wait3A_92 : memref<128x128xf32, #tpu.memory_space<vmem_shared>>) dst(%arg7 : memref<128x128xf32, #tpu.memory_space<vmem>>)
      tpu.yield
    }) : () -> ()
    %mul3A_70 = arith.constant 10240 : i32
    %mul3A_71 = arith.muli %arg0, %mul3A_70 : i32
    %add3A_72 = arith.addi %mul3A_71, %add3A_69 : i32
    "tpu.region"() ({
      %run_scoped3A = tpu.sem_alloc : memref<!tpu.dma_semaphore, #tpu.memory_space<semaphore_mem>>
      %dma_start3A = arith.constant 0 : i32
      %dma_start3A_87 = tpu.memref_slice %arg6[%add3A_72, %dma_start3A] : memref<20480x128xf32, #tpu.memory_space<hbm>> -> memref<128x128xf32, #tpu.memory_space<hbm>>
      %dma_start3A_88 = arith.constant 0 : i32
      %dma_start3A_89 = tpu.memref_slice %arg6[%add3A_72, %dma_start3A_88] : memref<20480x128xf32, #tpu.memory_space<hbm>> -> memref<128x128xf32, #tpu.memory_space<hbm>>
      tpu.enqueue_dma source(%arg7 : memref<128x128xf32, #tpu.memory_space<vmem>>) target(%dma_start3A_89 : memref<128x128xf32, #tpu.memory_space<hbm>>) target_semaphore(%run_scoped3A : memref<!tpu.dma_semaphore, #tpu.memory_space<semaphore_mem>>)
      %dma_wait3A = arith.constant 0 : i32
      %dma_wait3A_90 = tpu.memref_slice %arg6[%add3A_72, %dma_wait3A] : memref<20480x128xf32, #tpu.memory_space<hbm>> -> memref<128x128xf32, #tpu.memory_space<hbm>>
      %dma_wait3A_91 = arith.constant 0 : i32
      %dma_wait3A_92 = tpu.memref_slice %arg6[%add3A_72, %dma_wait3A_91] : memref<20480x128xf32, #tpu.memory_space<hbm>> -> memref<128x128xf32, #tpu.memory_space<hbm>>
      tpu.wait_dma2 semaphore(%run_scoped3A : memref<!tpu.dma_semaphore, #tpu.memory_space<semaphore_mem>>) src(%arg7 : memref<128x128xf32, #tpu.memory_space<vmem>>) dst(%dma_wait3A_92 : memref<128x128xf32, #tpu.memory_space<hbm>>)
      tpu.yield
    }) : () -> ()
    %mul3A_73 = arith.constant 640 : i32
    %mul3A_74 = arith.muli %arg1, %mul3A_73 : i32
    %add3A_75 = arith.constant 384 : i32
    %add3A_76 = arith.addi %mul3A_74, %add3A_75 : i32
    "tpu.region"() ({
      %run_scoped3A = tpu.sem_alloc : memref<!tpu.dma_semaphore, #tpu.memory_space<semaphore_mem>>
      %dma_start3A = arith.constant 0 : i32
      %dma_start3A_87 = tpu.memref_slice %arg15[%add3A_76, %dma_start3A] : memref<10240x128xf32, #tpu.memory_space<vmem_shared>> -> memref<128x128xf32, #tpu.memory_space<vmem_shared>>
      %dma_start3A_88 = arith.constant 0 : i32
      %dma_start3A_89 = tpu.memref_slice %arg15[%add3A_76, %dma_start3A_88] : memref<10240x128xf32, #tpu.memory_space<vmem_shared>> -> memref<128x128xf32, #tpu.memory_space<vmem_shared>>
      tpu.enqueue_dma source(%dma_start3A_89 : memref<128x128xf32, #tpu.memory_space<vmem_shared>>) target(%arg7 : memref<128x128xf32, #tpu.memory_space<vmem>>) target_semaphore(%run_scoped3A : memref<!tpu.dma_semaphore, #tpu.memory_space<semaphore_mem>>)
      %dma_wait3A = arith.constant 0 : i32
      %dma_wait3A_90 = tpu.memref_slice %arg15[%add3A_76, %dma_wait3A] : memref<10240x128xf32, #tpu.memory_space<vmem_shared>> -> memref<128x128xf32, #tpu.memory_space<vmem_shared>>
      %dma_wait3A_91 = arith.constant 0 : i32
      %dma_wait3A_92 = tpu.memref_slice %arg15[%add3A_76, %dma_wait3A_91] : memref<10240x128xf32, #tpu.memory_space<vmem_shared>> -> memref<128x128xf32, #tpu.memory_space<vmem_shared>>
      tpu.wait_dma2 semaphore(%run_scoped3A : memref<!tpu.dma_semaphore, #tpu.memory_space<semaphore_mem>>) src(%dma_wait3A_92 : memref<128x128xf32, #tpu.memory_space<vmem_shared>>) dst(%arg7 : memref<128x128xf32, #tpu.memory_space<vmem>>)
      tpu.yield
    }) : () -> ()
    %mul3A_77 = arith.constant 10240 : i32
    %mul3A_78 = arith.muli %arg0, %mul3A_77 : i32
    %add3A_79 = arith.addi %mul3A_78, %add3A_76 : i32
    "tpu.region"() ({
      %run_scoped3A = tpu.sem_alloc : memref<!tpu.dma_semaphore, #tpu.memory_space<semaphore_mem>>
      %dma_start3A = arith.constant 0 : i32
      %dma_start3A_87 = tpu.memref_slice %arg6[%add3A_79, %dma_start3A] : memref<20480x128xf32, #tpu.memory_space<hbm>> -> memref<128x128xf32, #tpu.memory_space<hbm>>
      %dma_start3A_88 = arith.constant 0 : i32
      %dma_start3A_89 = tpu.memref_slice %arg6[%add3A_79, %dma_start3A_88] : memref<20480x128xf32, #tpu.memory_space<hbm>> -> memref<128x128xf32, #tpu.memory_space<hbm>>
      tpu.enqueue_dma source(%arg7 : memref<128x128xf32, #tpu.memory_space<vmem>>) target(%dma_start3A_89 : memref<128x128xf32, #tpu.memory_space<hbm>>) target_semaphore(%run_scoped3A : memref<!tpu.dma_semaphore, #tpu.memory_space<semaphore_mem>>)
      %dma_wait3A = arith.constant 0 : i32
      %dma_wait3A_90 = tpu.memref_slice %arg6[%add3A_79, %dma_wait3A] : memref<20480x128xf32, #tpu.memory_space<hbm>> -> memref<128x128xf32, #tpu.memory_space<hbm>>
      %dma_wait3A_91 = arith.constant 0 : i32
      %dma_wait3A_92 = tpu.memref_slice %arg6[%add3A_79, %dma_wait3A_91] : memref<20480x128xf32, #tpu.memory_space<hbm>> -> memref<128x128xf32, #tpu.memory_space<hbm>>
      tpu.wait_dma2 semaphore(%run_scoped3A : memref<!tpu.dma_semaphore, #tpu.memory_space<semaphore_mem>>) src(%arg7 : memref<128x128xf32, #tpu.memory_space<vmem>>) dst(%dma_wait3A_92 : memref<128x128xf32, #tpu.memory_space<hbm>>)
      tpu.yield
    }) : () -> ()
    %mul3A_80 = arith.constant 640 : i32
    %mul3A_81 = arith.muli %arg1, %mul3A_80 : i32
    %add3A_82 = arith.constant 512 : i32
    %add3A_83 = arith.addi %mul3A_81, %add3A_82 : i32
    "tpu.region"() ({
      %run_scoped3A = tpu.sem_alloc : memref<!tpu.dma_semaphore, #tpu.memory_space<semaphore_mem>>
      %dma_start3A = arith.constant 0 : i32
      %dma_start3A_87 = tpu.memref_slice %arg15[%add3A_83, %dma_start3A] : memref<10240x128xf32, #tpu.memory_space<vmem_shared>> -> memref<128x128xf32, #tpu.memory_space<vmem_shared>>
      %dma_start3A_88 = arith.constant 0 : i32
      %dma_start3A_89 = tpu.memref_slice %arg15[%add3A_83, %dma_start3A_88] : memref<10240x128xf32, #tpu.memory_space<vmem_shared>> -> memref<128x128xf32, #tpu.memory_space<vmem_shared>>
      tpu.enqueue_dma source(%dma_start3A_89 : memref<128x128xf32, #tpu.memory_space<vmem_shared>>) target(%arg7 : memref<128x128xf32, #tpu.memory_space<vmem>>) target_semaphore(%run_scoped3A : memref<!tpu.dma_semaphore, #tpu.memory_space<semaphore_mem>>)
      %dma_wait3A = arith.constant 0 : i32
      %dma_wait3A_90 = tpu.memref_slice %arg15[%add3A_83, %dma_wait3A] : memref<10240x128xf32, #tpu.memory_space<vmem_shared>> -> memref<128x128xf32, #tpu.memory_space<vmem_shared>>
      %dma_wait3A_91 = arith.constant 0 : i32
      %dma_wait3A_92 = tpu.memref_slice %arg15[%add3A_83, %dma_wait3A_91] : memref<10240x128xf32, #tpu.memory_space<vmem_shared>> -> memref<128x128xf32, #tpu.memory_space<vmem_shared>>
      tpu.wait_dma2 semaphore(%run_scoped3A : memref<!tpu.dma_semaphore, #tpu.memory_space<semaphore_mem>>) src(%dma_wait3A_92 : memref<128x128xf32, #tpu.memory_space<vmem_shared>>) dst(%arg7 : memref<128x128xf32, #tpu.memory_space<vmem>>)
      tpu.yield
    }) : () -> ()
    %mul3A_84 = arith.constant 10240 : i32
    %mul3A_85 = arith.muli %arg0, %mul3A_84 : i32
    %add3A_86 = arith.addi %mul3A_85, %add3A_83 : i32
    "tpu.region"() ({
      %run_scoped3A = tpu.sem_alloc : memref<!tpu.dma_semaphore, #tpu.memory_space<semaphore_mem>>
      %dma_start3A = arith.constant 0 : i32
      %dma_start3A_87 = tpu.memref_slice %arg6[%add3A_86, %dma_start3A] : memref<20480x128xf32, #tpu.memory_space<hbm>> -> memref<128x128xf32, #tpu.memory_space<hbm>>
      %dma_start3A_88 = arith.constant 0 : i32
      %dma_start3A_89 = tpu.memref_slice %arg6[%add3A_86, %dma_start3A_88] : memref<20480x128xf32, #tpu.memory_space<hbm>> -> memref<128x128xf32, #tpu.memory_space<hbm>>
      tpu.enqueue_dma source(%arg7 : memref<128x128xf32, #tpu.memory_space<vmem>>) target(%dma_start3A_89 : memref<128x128xf32, #tpu.memory_space<hbm>>) target_semaphore(%run_scoped3A : memref<!tpu.dma_semaphore, #tpu.memory_space<semaphore_mem>>)
      %dma_wait3A = arith.constant 0 : i32
      %dma_wait3A_90 = tpu.memref_slice %arg6[%add3A_86, %dma_wait3A] : memref<20480x128xf32, #tpu.memory_space<hbm>> -> memref<128x128xf32, #tpu.memory_space<hbm>>
      %dma_wait3A_91 = arith.constant 0 : i32
      %dma_wait3A_92 = tpu.memref_slice %arg6[%add3A_86, %dma_wait3A_91] : memref<20480x128xf32, #tpu.memory_space<hbm>> -> memref<128x128xf32, #tpu.memory_space<hbm>>
      tpu.wait_dma2 semaphore(%run_scoped3A : memref<!tpu.dma_semaphore, #tpu.memory_space<semaphore_mem>>) src(%arg7 : memref<128x128xf32, #tpu.memory_space<vmem>>) dst(%dma_wait3A_92 : memref<128x128xf32, #tpu.memory_space<hbm>>)
      tpu.yield
    }) : () -> ()
    return
  }
}

#map = affine_map<(d0, d1) -> (0, 0)>
#map1 = affine_map<(d0, d1) -> (0)>
module attributes {stable_mosaic.version = 14 : i64} {
  func.func @body(%arg0: i32, %arg1: i32, %arg2: memref<10240x128xf32, #tpu.memory_space<hbm>>, %arg3: memref<8x10240xf32, #tpu.memory_space<hbm>>, %arg4: memref<331776xi32, #tpu.memory_space<hbm>>, %arg5: memref<331776xi32, #tpu.memory_space<hbm>>, %arg6: memref<20480x128xf32, #tpu.memory_space<hbm>>, %arg7: memref<128x128xf32, #tpu.memory_space<vmem>>, %arg8: memref<10240xf32, #tpu.memory_space<vmem>>, %arg9: memref<10240xf32, #tpu.memory_space<vmem>>, %arg10: memref<10240xf32, #tpu.memory_space<vmem>>, %arg11: memref<128xi32, #tpu.memory_space<vmem>>, %arg12: memref<128xi32, #tpu.memory_space<vmem>>, %arg13: memref<128xf32, #tpu.memory_space<vmem>>, %arg14: memref<128xi32, #tpu.memory_space<vmem>>, %arg15: memref<10240x128xf32, #tpu.memory_space<vmem_shared>>, %arg16: memref<10240xf32, #tpu.memory_space<vmem_shared>>, %arg17: memref<!tpu.dma_semaphore, #tpu.memory_space<semaphore_mem>>) attributes {dimension_semantics = [#tpu.dimension_semantics<core_parallel>, #tpu.dimension_semantics<subcore_parallel>], iteration_bounds = array<i64: 2, 16>, scalar_prefetch = 0 : i64, scratch_operands = 11 : i64, tpu.core_type = #tpu.core_type<sc_vector_subcore>, window_params = [{transform_indices = #map}, {transform_indices = #map}, {transform_indices = #map1}, {transform_indices = #map1}, {transform_indices = #map}]} {
    %broadcast_in_dim3A = arith.constant 0.000000e+00 : f32
    %broadcast_in_dim3A_0 = vector.broadcast %broadcast_in_dim3A : f32 to vector<16xf32>
    %scan3A = arith.constant 0 : i32
    %scan3A_1 = arith.constant 0 : i32
    %scan3A_2 = arith.constant 128 : i32
    %scan3A_3 = arith.addi %scan3A_1, %scan3A_2 : i32
    %scan3A_4 = arith.constant 1 : i32
    %scan3A_5 = scf.for %scan3A_86 = %scan3A_1 to %scan3A_3 step %scan3A_4 iter_args(%scan3A_87 = %scan3A) -> (i32)  : i32 {
      %swap3A = arith.index_cast %scan3A_86 : i32 to index
      %swap3A_88 = arith.constant 0 : index
      %swap3A_89 = tpu.vector_load %arg7[%swap3A, %swap3A_88] {strides = array<i32>} : memref<128x128xf32, #tpu.memory_space<vmem>>, vector<16xf32>,
      tpu.vector_store %arg7[%swap3A, %swap3A_88], %broadcast_in_dim3A_0 {strides = array<i32>} : memref<128x128xf32, #tpu.memory_space<vmem>>, vector<16xf32>,
      %swap3A_90 = arith.index_cast %scan3A_86 : i32 to index
      %swap3A_91 = arith.constant 16 : index
      %swap3A_92 = tpu.vector_load %arg7[%swap3A_90, %swap3A_91] {strides = array<i32>} : memref<128x128xf32, #tpu.memory_space<vmem>>, vector<16xf32>,
      tpu.vector_store %arg7[%swap3A_90, %swap3A_91], %broadcast_in_dim3A_0 {strides = array<i32>} : memref<128x128xf32, #tpu.memory_space<vmem>>, vector<16xf32>,
      %swap3A_93 = arith.index_cast %scan3A_86 : i32 to index
      %swap3A_94 = arith.constant 32 : index
      %swap3A_95 = tpu.vector_load %arg7[%swap3A_93, %swap3A_94] {strides = array<i32>} : memref<128x128xf32, #tpu.memory_space<vmem>>, vector<16xf32>,
      tpu.vector_store %arg7[%swap3A_93, %swap3A_94], %broadcast_in_dim3A_0 {strides = array<i32>} : memref<128x128xf32, #tpu.memory_space<vmem>>, vector<16xf32>,
      %swap3A_96 = arith.index_cast %scan3A_86 : i32 to index
      %swap3A_97 = arith.constant 48 : index
      %swap3A_98 = tpu.vector_load %arg7[%swap3A_96, %swap3A_97] {strides = array<i32>} : memref<128x128xf32, #tpu.memory_space<vmem>>, vector<16xf32>,
      tpu.vector_store %arg7[%swap3A_96, %swap3A_97], %broadcast_in_dim3A_0 {strides = array<i32>} : memref<128x128xf32, #tpu.memory_space<vmem>>, vector<16xf32>,
      %swap3A_99 = arith.index_cast %scan3A_86 : i32 to index
      %swap3A_100 = arith.constant 64 : index
      %swap3A_101 = tpu.vector_load %arg7[%swap3A_99, %swap3A_100] {strides = array<i32>} : memref<128x128xf32, #tpu.memory_space<vmem>>, vector<16xf32>,
      tpu.vector_store %arg7[%swap3A_99, %swap3A_100], %broadcast_in_dim3A_0 {strides = array<i32>} : memref<128x128xf32, #tpu.memory_space<vmem>>, vector<16xf32>,
      %swap3A_102 = arith.index_cast %scan3A_86 : i32 to index
      %swap3A_103 = arith.constant 80 : index
      %swap3A_104 = tpu.vector_load %arg7[%swap3A_102, %swap3A_103] {strides = array<i32>} : memref<128x128xf32, #tpu.memory_space<vmem>>, vector<16xf32>,
      tpu.vector_store %arg7[%swap3A_102, %swap3A_103], %broadcast_in_dim3A_0 {strides = array<i32>} : memref<128x128xf32, #tpu.memory_space<vmem>>, vector<16xf32>,
      %swap3A_105 = arith.index_cast %scan3A_86 : i32 to index
      %swap3A_106 = arith.constant 96 : index
      %swap3A_107 = tpu.vector_load %arg7[%swap3A_105, %swap3A_106] {strides = array<i32>} : memref<128x128xf32, #tpu.memory_space<vmem>>, vector<16xf32>,
      tpu.vector_store %arg7[%swap3A_105, %swap3A_106], %broadcast_in_dim3A_0 {strides = array<i32>} : memref<128x128xf32, #tpu.memory_space<vmem>>, vector<16xf32>,
      %swap3A_108 = arith.index_cast %scan3A_86 : i32 to index
      %swap3A_109 = arith.constant 112 : index
      %swap3A_110 = tpu.vector_load %arg7[%swap3A_108, %swap3A_109] {strides = array<i32>} : memref<128x128xf32, #tpu.memory_space<vmem>>, vector<16xf32>,
      tpu.vector_store %arg7[%swap3A_108, %swap3A_109], %broadcast_in_dim3A_0 {strides = array<i32>} : memref<128x128xf32, #tpu.memory_space<vmem>>, vector<16xf32>,
      %scan3A_111 = arith.constant 0 : i32
      scf.yield %scan3A_111 : i32
    }
    %scan3A_6 = arith.constant 128 : i32
    %scan3A_7 = arith.constant 0 : i32
    %scan3A_8 = arith.constant 0 : i32
    %scan3A_9 = arith.constant 640 : i32
    %scan3A_10 = arith.addi %scan3A_8, %scan3A_9 : i32
    %scan3A_11 = arith.constant 1 : i32
    %scan3A_12 = scf.for %scan3A_86 = %scan3A_8 to %scan3A_10 step %scan3A_11 iter_args(%scan3A_87 = %scan3A_7) -> (i32)  : i32 {
      %mul3A_88 = arith.constant 16 : i32
      %mul3A_89 = arith.muli %scan3A_86, %mul3A_88 : i32
      %swap3A = arith.index_cast %mul3A_89 : i32 to index
      %swap3A_90 = tpu.vector_load %arg10[%swap3A] {strides = array<i32>} : memref<10240xf32, #tpu.memory_space<vmem>>, vector<16xf32>,
      tpu.vector_store %arg10[%swap3A], %broadcast_in_dim3A_0 {strides = array<i32>} : memref<10240xf32, #tpu.memory_space<vmem>>, vector<16xf32>,
      %scan3A_91 = arith.constant 0 : i32
      scf.yield %scan3A_91 : i32
    }
    %scan3A_13 = arith.constant 640 : i32
    %mul3A = arith.constant 640 : i32
    %mul3A_14 = arith.muli %arg1, %mul3A : i32
    %add3A = arith.constant 0 : i32
    %add3A_15 = arith.addi %mul3A_14, %add3A : i32
    "tpu.region"() ({
      %run_scoped3A_86 = tpu.sem_alloc : memref<!tpu.dma_semaphore, #tpu.memory_space<semaphore_mem>>
      %dma_start3A = arith.constant 0 : i32
      %dma_start3A_87 = tpu.memref_slice %arg15[%add3A_15, %dma_start3A] : memref<10240x128xf32, #tpu.memory_space<vmem_shared>> -> memref<128x128xf32, #tpu.memory_space<vmem_shared>>
      %dma_start3A_88 = arith.constant 0 : i32
      %dma_start3A_89 = tpu.memref_slice %arg15[%add3A_15, %dma_start3A_88] : memref<10240x128xf32, #tpu.memory_space<vmem_shared>> -> memref<128x128xf32, #tpu.memory_space<vmem_shared>>
      tpu.enqueue_dma source(%arg7 : memref<128x128xf32, #tpu.memory_space<vmem>>) target(%dma_start3A_89 : memref<128x128xf32, #tpu.memory_space<vmem_shared>>) target_semaphore(%run_scoped3A_86 : memref<!tpu.dma_semaphore, #tpu.memory_space<semaphore_mem>>)
      %dma_wait3A = arith.constant 0 : i32
      %dma_wait3A_90 = tpu.memref_slice %arg15[%add3A_15, %dma_wait3A] : memref<10240x128xf32, #tpu.memory_space<vmem_shared>> -> memref<128x128xf32, #tpu.memory_space<vmem_shared>>
      %dma_wait3A_91 = arith.constant 0 : i32
      %dma_wait3A_92 = tpu.memref_slice %arg15[%add3A_15, %dma_wait3A_91] : memref<10240x128xf32, #tpu.memory_space<vmem_shared>> -> memref<128x128xf32, #tpu.memory_space<vmem_shared>>
      tpu.wait_dma2 semaphore(%run_scoped3A_86 : memref<!tpu.dma_semaphore, #tpu.memory_space<semaphore_mem>>) src(%arg7 : memref<128x128xf32, #tpu.memory_space<vmem>>) dst(%dma_wait3A_92 : memref<128x128xf32, #tpu.memory_space<vmem_shared>>)
      tpu.yield
    }) : () -> ()
    %mul3A_16 = arith.constant 640 : i32
    %mul3A_17 = arith.muli %arg1, %mul3A_16 : i32
    %add3A_18 = arith.constant 128 : i32
    %add3A_19 = arith.addi %mul3A_17, %add3A_18 : i32
    "tpu.region"() ({
      %run_scoped3A_86 = tpu.sem_alloc : memref<!tpu.dma_semaphore, #tpu.memory_space<semaphore_mem>>
      %dma_start3A = arith.constant 0 : i32
      %dma_start3A_87 = tpu.memref_slice %arg15[%add3A_19, %dma_start3A] : memref<10240x128xf32, #tpu.memory_space<vmem_shared>> -> memref<128x128xf32, #tpu.memory_space<vmem_shared>>
      %dma_start3A_88 = arith.constant 0 : i32
      %dma_start3A_89 = tpu.memref_slice %arg15[%add3A_19, %dma_start3A_88] : memref<10240x128xf32, #tpu.memory_space<vmem_shared>> -> memref<128x128xf32, #tpu.memory_space<vmem_shared>>
      tpu.enqueue_dma source(%arg7 : memref<128x128xf32, #tpu.memory_space<vmem>>) target(%dma_start3A_89 : memref<128x128xf32, #tpu.memory_space<vmem_shared>>) target_semaphore(%run_scoped3A_86 : memref<!tpu.dma_semaphore, #tpu.memory_space<semaphore_mem>>)
      %dma_wait3A = arith.constant 0 : i32
      %dma_wait3A_90 = tpu.memref_slice %arg15[%add3A_19, %dma_wait3A] : memref<10240x128xf32, #tpu.memory_space<vmem_shared>> -> memref<128x128xf32, #tpu.memory_space<vmem_shared>>
      %dma_wait3A_91 = arith.constant 0 : i32
      %dma_wait3A_92 = tpu.memref_slice %arg15[%add3A_19, %dma_wait3A_91] : memref<10240x128xf32, #tpu.memory_space<vmem_shared>> -> memref<128x128xf32, #tpu.memory_space<vmem_shared>>
      tpu.wait_dma2 semaphore(%run_scoped3A_86 : memref<!tpu.dma_semaphore, #tpu.memory_space<semaphore_mem>>) src(%arg7 : memref<128x128xf32, #tpu.memory_space<vmem>>) dst(%dma_wait3A_92 : memref<128x128xf32, #tpu.memory_space<vmem_shared>>)
      tpu.yield
    }) : () -> ()
    %mul3A_20 = arith.constant 640 : i32
    %mul3A_21 = arith.muli %arg1, %mul3A_20 : i32
    %add3A_22 = arith.constant 256 : i32
    %add3A_23 = arith.addi %mul3A_21, %add3A_22 : i32
    "tpu.region"() ({
      %run_scoped3A_86 = tpu.sem_alloc : memref<!tpu.dma_semaphore, #tpu.memory_space<semaphore_mem>>
      %dma_start3A = arith.constant 0 : i32
      %dma_start3A_87 = tpu.memref_slice %arg15[%add3A_23, %dma_start3A] : memref<10240x128xf32, #tpu.memory_space<vmem_shared>> -> memref<128x128xf32, #tpu.memory_space<vmem_shared>>
      %dma_start3A_88 = arith.constant 0 : i32
      %dma_start3A_89 = tpu.memref_slice %arg15[%add3A_23, %dma_start3A_88] : memref<10240x128xf32, #tpu.memory_space<vmem_shared>> -> memref<128x128xf32, #tpu.memory_space<vmem_shared>>
      tpu.enqueue_dma source(%arg7 : memref<128x128xf32, #tpu.memory_space<vmem>>) target(%dma_start3A_89 : memref<128x128xf32, #tpu.memory_space<vmem_shared>>) target_semaphore(%run_scoped3A_86 : memref<!tpu.dma_semaphore, #tpu.memory_space<semaphore_mem>>)
      %dma_wait3A = arith.constant 0 : i32
      %dma_wait3A_90 = tpu.memref_slice %arg15[%add3A_23, %dma_wait3A] : memref<10240x128xf32, #tpu.memory_space<vmem_shared>> -> memref<128x128xf32, #tpu.memory_space<vmem_shared>>
      %dma_wait3A_91 = arith.constant 0 : i32
      %dma_wait3A_92 = tpu.memref_slice %arg15[%add3A_23, %dma_wait3A_91] : memref<10240x128xf32, #tpu.memory_space<vmem_shared>> -> memref<128x128xf32, #tpu.memory_space<vmem_shared>>
      tpu.wait_dma2 semaphore(%run_scoped3A_86 : memref<!tpu.dma_semaphore, #tpu.memory_space<semaphore_mem>>) src(%arg7 : memref<128x128xf32, #tpu.memory_space<vmem>>) dst(%dma_wait3A_92 : memref<128x128xf32, #tpu.memory_space<vmem_shared>>)
      tpu.yield
    }) : () -> ()
    %mul3A_24 = arith.constant 640 : i32
    %mul3A_25 = arith.muli %arg1, %mul3A_24 : i32
    %add3A_26 = arith.constant 384 : i32
    %add3A_27 = arith.addi %mul3A_25, %add3A_26 : i32
    "tpu.region"() ({
      %run_scoped3A_86 = tpu.sem_alloc : memref<!tpu.dma_semaphore, #tpu.memory_space<semaphore_mem>>
      %dma_start3A = arith.constant 0 : i32
      %dma_start3A_87 = tpu.memref_slice %arg15[%add3A_27, %dma_start3A] : memref<10240x128xf32, #tpu.memory_space<vmem_shared>> -> memref<128x128xf32, #tpu.memory_space<vmem_shared>>
      %dma_start3A_88 = arith.constant 0 : i32
      %dma_start3A_89 = tpu.memref_slice %arg15[%add3A_27, %dma_start3A_88] : memref<10240x128xf32, #tpu.memory_space<vmem_shared>> -> memref<128x128xf32, #tpu.memory_space<vmem_shared>>
      tpu.enqueue_dma source(%arg7 : memref<128x128xf32, #tpu.memory_space<vmem>>) target(%dma_start3A_89 : memref<128x128xf32, #tpu.memory_space<vmem_shared>>) target_semaphore(%run_scoped3A_86 : memref<!tpu.dma_semaphore, #tpu.memory_space<semaphore_mem>>)
      %dma_wait3A = arith.constant 0 : i32
      %dma_wait3A_90 = tpu.memref_slice %arg15[%add3A_27, %dma_wait3A] : memref<10240x128xf32, #tpu.memory_space<vmem_shared>> -> memref<128x128xf32, #tpu.memory_space<vmem_shared>>
      %dma_wait3A_91 = arith.constant 0 : i32
      %dma_wait3A_92 = tpu.memref_slice %arg15[%add3A_27, %dma_wait3A_91] : memref<10240x128xf32, #tpu.memory_space<vmem_shared>> -> memref<128x128xf32, #tpu.memory_space<vmem_shared>>
      tpu.wait_dma2 semaphore(%run_scoped3A_86 : memref<!tpu.dma_semaphore, #tpu.memory_space<semaphore_mem>>) src(%arg7 : memref<128x128xf32, #tpu.memory_space<vmem>>) dst(%dma_wait3A_92 : memref<128x128xf32, #tpu.memory_space<vmem_shared>>)
      tpu.yield
    }) : () -> ()
    %mul3A_28 = arith.constant 640 : i32
    %mul3A_29 = arith.muli %arg1, %mul3A_28 : i32
    %add3A_30 = arith.constant 512 : i32
    %add3A_31 = arith.addi %mul3A_29, %add3A_30 : i32
    "tpu.region"() ({
      %run_scoped3A_86 = tpu.sem_alloc : memref<!tpu.dma_semaphore, #tpu.memory_space<semaphore_mem>>
      %dma_start3A = arith.constant 0 : i32
      %dma_start3A_87 = tpu.memref_slice %arg15[%add3A_31, %dma_start3A] : memref<10240x128xf32, #tpu.memory_space<vmem_shared>> -> memref<128x128xf32, #tpu.memory_space<vmem_shared>>
      %dma_start3A_88 = arith.constant 0 : i32
      %dma_start3A_89 = tpu.memref_slice %arg15[%add3A_31, %dma_start3A_88] : memref<10240x128xf32, #tpu.memory_space<vmem_shared>> -> memref<128x128xf32, #tpu.memory_space<vmem_shared>>
      tpu.enqueue_dma source(%arg7 : memref<128x128xf32, #tpu.memory_space<vmem>>) target(%dma_start3A_89 : memref<128x128xf32, #tpu.memory_space<vmem_shared>>) target_semaphore(%run_scoped3A_86 : memref<!tpu.dma_semaphore, #tpu.memory_space<semaphore_mem>>)
      %dma_wait3A = arith.constant 0 : i32
      %dma_wait3A_90 = tpu.memref_slice %arg15[%add3A_31, %dma_wait3A] : memref<10240x128xf32, #tpu.memory_space<vmem_shared>> -> memref<128x128xf32, #tpu.memory_space<vmem_shared>>
      %dma_wait3A_91 = arith.constant 0 : i32
      %dma_wait3A_92 = tpu.memref_slice %arg15[%add3A_31, %dma_wait3A_91] : memref<10240x128xf32, #tpu.memory_space<vmem_shared>> -> memref<128x128xf32, #tpu.memory_space<vmem_shared>>
      tpu.wait_dma2 semaphore(%run_scoped3A_86 : memref<!tpu.dma_semaphore, #tpu.memory_space<semaphore_mem>>) src(%arg7 : memref<128x128xf32, #tpu.memory_space<vmem>>) dst(%dma_wait3A_92 : memref<128x128xf32, #tpu.memory_space<vmem_shared>>)
      tpu.yield
    }) : () -> ()
    %mul3A_32 = arith.constant 640 : i32
    %mul3A_33 = arith.muli %arg1, %mul3A_32 : i32
    "tpu.region"() ({
      %run_scoped3A_86 = tpu.sem_alloc : memref<!tpu.dma_semaphore, #tpu.memory_space<semaphore_mem>>
      %dma_start3A = arith.constant 0 : i32
      %dma_start3A_87 = tpu.memref_slice %arg10[%dma_start3A] : memref<10240xf32, #tpu.memory_space<vmem>> -> memref<640xf32, #tpu.memory_space<vmem>>
      %dma_start3A_88 = tpu.memref_slice %arg16[%mul3A_33] : memref<10240xf32, #tpu.memory_space<vmem_shared>> -> memref<640xf32, #tpu.memory_space<vmem_shared>>
      %dma_start3A_89 = tpu.memref_slice %arg16[%mul3A_33] : memref<10240xf32, #tpu.memory_space<vmem_shared>> -> memref<640xf32, #tpu.memory_space<vmem_shared>>
      %dma_start3A_90 = arith.constant 0 : i32
      %dma_start3A_91 = tpu.memref_slice %arg10[%dma_start3A_90] : memref<10240xf32, #tpu.memory_space<vmem>> -> memref<640xf32, #tpu.memory_space<vmem>>
      tpu.enqueue_dma source(%dma_start3A_91 : memref<640xf32, #tpu.memory_space<vmem>>) target(%dma_start3A_89 : memref<640xf32, #tpu.memory_space<vmem_shared>>) target_semaphore(%run_scoped3A_86 : memref<!tpu.dma_semaphore, #tpu.memory_space<semaphore_mem>>)
      %dma_wait3A = arith.constant 0 : i32
      %dma_wait3A_92 = tpu.memref_slice %arg10[%dma_wait3A] : memref<10240xf32, #tpu.memory_space<vmem>> -> memref<640xf32, #tpu.memory_space<vmem>>
      %dma_wait3A_93 = tpu.memref_slice %arg16[%mul3A_33] : memref<10240xf32, #tpu.memory_space<vmem_shared>> -> memref<640xf32, #tpu.memory_space<vmem_shared>>
      %dma_wait3A_94 = tpu.memref_slice %arg16[%mul3A_33] : memref<10240xf32, #tpu.memory_space<vmem_shared>> -> memref<640xf32, #tpu.memory_space<vmem_shared>>
      %dma_wait3A_95 = arith.constant 0 : i32
      %dma_wait3A_96 = tpu.memref_slice %arg10[%dma_wait3A_95] : memref<10240xf32, #tpu.memory_space<vmem>> -> memref<640xf32, #tpu.memory_space<vmem>>
      tpu.wait_dma2 semaphore(%run_scoped3A_86 : memref<!tpu.dma_semaphore, #tpu.memory_space<semaphore_mem>>) src(%dma_wait3A_96 : memref<640xf32, #tpu.memory_space<vmem>>) dst(%dma_wait3A_94 : memref<640xf32, #tpu.memory_space<vmem_shared>>)
      tpu.yield
    }) : () -> ()
    %run_scoped3A = arith.constant 0 : i32
    "tpu.region"() ({
      %run_scoped3A_86 = tpu.sem_alloc : memref<!tpu.dma_semaphore, #tpu.memory_space<semaphore_mem>>
      %dma_start3A = arith.constant 0 : i32
      %dma_start3A_87 = tpu.memref_slice %arg3[%run_scoped3A, %dma_start3A] : memref<8x10240xf32, #tpu.memory_space<hbm>> -> memref<1x10240xf32, #tpu.memory_space<hbm>>
      %dma_start3A_88 = tpu.memref_squeeze %dma_start3A_87 : memref<1x10240xf32, #tpu.memory_space<hbm>> -> memref<10240xf32, #tpu.memory_space<hbm>>
      %dma_start3A_89 = arith.constant 0 : i32
      %dma_start3A_90 = tpu.memref_slice %arg3[%run_scoped3A, %dma_start3A_89] : memref<8x10240xf32, #tpu.memory_space<hbm>> -> memref<1x10240xf32, #tpu.memory_space<hbm>>
      %dma_start3A_91 = tpu.memref_squeeze %dma_start3A_90 : memref<1x10240xf32, #tpu.memory_space<hbm>> -> memref<10240xf32, #tpu.memory_space<hbm>>
      tpu.enqueue_dma source(%dma_start3A_91 : memref<10240xf32, #tpu.memory_space<hbm>>) target(%arg8 : memref<10240xf32, #tpu.memory_space<vmem>>) target_semaphore(%run_scoped3A_86 : memref<!tpu.dma_semaphore, #tpu.memory_space<semaphore_mem>>)
      %dma_wait3A = arith.constant 0 : i32
      %dma_wait3A_92 = tpu.memref_slice %arg3[%run_scoped3A, %dma_wait3A] : memref<8x10240xf32, #tpu.memory_space<hbm>> -> memref<1x10240xf32, #tpu.memory_space<hbm>>
      %dma_wait3A_93 = tpu.memref_squeeze %dma_wait3A_92 : memref<1x10240xf32, #tpu.memory_space<hbm>> -> memref<10240xf32, #tpu.memory_space<hbm>>
      %dma_wait3A_94 = arith.constant 0 : i32
      %dma_wait3A_95 = tpu.memref_slice %arg3[%run_scoped3A, %dma_wait3A_94] : memref<8x10240xf32, #tpu.memory_space<hbm>> -> memref<1x10240xf32, #tpu.memory_space<hbm>>
      %dma_wait3A_96 = tpu.memref_squeeze %dma_wait3A_95 : memref<1x10240xf32, #tpu.memory_space<hbm>> -> memref<10240xf32, #tpu.memory_space<hbm>>
      tpu.wait_dma2 semaphore(%run_scoped3A_86 : memref<!tpu.dma_semaphore, #tpu.memory_space<semaphore_mem>>) src(%dma_wait3A_96 : memref<10240xf32, #tpu.memory_space<hbm>>) dst(%arg8 : memref<10240xf32, #tpu.memory_space<vmem>>)
      tpu.yield
    }) : () -> ()
    %run_scoped3A_34 = arith.constant 1 : i32
    "tpu.region"() ({
      %run_scoped3A_86 = tpu.sem_alloc : memref<!tpu.dma_semaphore, #tpu.memory_space<semaphore_mem>>
      %dma_start3A = arith.constant 0 : i32
      %dma_start3A_87 = tpu.memref_slice %arg3[%run_scoped3A_34, %dma_start3A] : memref<8x10240xf32, #tpu.memory_space<hbm>> -> memref<1x10240xf32, #tpu.memory_space<hbm>>
      %dma_start3A_88 = tpu.memref_squeeze %dma_start3A_87 : memref<1x10240xf32, #tpu.memory_space<hbm>> -> memref<10240xf32, #tpu.memory_space<hbm>>
      %dma_start3A_89 = arith.constant 0 : i32
      %dma_start3A_90 = tpu.memref_slice %arg3[%run_scoped3A_34, %dma_start3A_89] : memref<8x10240xf32, #tpu.memory_space<hbm>> -> memref<1x10240xf32, #tpu.memory_space<hbm>>
      %dma_start3A_91 = tpu.memref_squeeze %dma_start3A_90 : memref<1x10240xf32, #tpu.memory_space<hbm>> -> memref<10240xf32, #tpu.memory_space<hbm>>
      tpu.enqueue_dma source(%dma_start3A_91 : memref<10240xf32, #tpu.memory_space<hbm>>) target(%arg9 : memref<10240xf32, #tpu.memory_space<vmem>>) target_semaphore(%run_scoped3A_86 : memref<!tpu.dma_semaphore, #tpu.memory_space<semaphore_mem>>)
      %dma_wait3A = arith.constant 0 : i32
      %dma_wait3A_92 = tpu.memref_slice %arg3[%run_scoped3A_34, %dma_wait3A] : memref<8x10240xf32, #tpu.memory_space<hbm>> -> memref<1x10240xf32, #tpu.memory_space<hbm>>
      %dma_wait3A_93 = tpu.memref_squeeze %dma_wait3A_92 : memref<1x10240xf32, #tpu.memory_space<hbm>> -> memref<10240xf32, #tpu.memory_space<hbm>>
      %dma_wait3A_94 = arith.constant 0 : i32
      %dma_wait3A_95 = tpu.memref_slice %arg3[%run_scoped3A_34, %dma_wait3A_94] : memref<8x10240xf32, #tpu.memory_space<hbm>> -> memref<1x10240xf32, #tpu.memory_space<hbm>>
      %dma_wait3A_96 = tpu.memref_squeeze %dma_wait3A_95 : memref<1x10240xf32, #tpu.memory_space<hbm>> -> memref<10240xf32, #tpu.memory_space<hbm>>
      tpu.wait_dma2 semaphore(%run_scoped3A_86 : memref<!tpu.dma_semaphore, #tpu.memory_space<semaphore_mem>>) src(%dma_wait3A_96 : memref<10240xf32, #tpu.memory_space<hbm>>) dst(%arg9 : memref<10240xf32, #tpu.memory_space<vmem>>)
      tpu.yield
    }) : () -> ()
    %barrier3A = arith.constant 0 : index
    tpu.barrier barrier_id(%barrier3A)
    %scan3A_35 = arith.constant 0 : i32
    %scan3A_36 = arith.constant 0 : i32
    %scan3A_37 = arith.constant 162 : i32
    %scan3A_38 = arith.addi %scan3A_36, %scan3A_37 : i32
    %scan3A_39 = arith.constant 1 : i32
    %scan3A_40 = scf.for %scan3A_86 = %scan3A_36 to %scan3A_38 step %scan3A_39 iter_args(%scan3A_87 = %scan3A_35) -> (i32)  : i32 {
      %mul3A_88 = arith.constant 20736 : i32
      %mul3A_89 = arith.muli %arg1, %mul3A_88 : i32
      %mul3A_90 = arith.constant 128 : i32
      %mul3A_91 = arith.muli %scan3A_86, %mul3A_90 : i32
      %add3A_92 = arith.addi %mul3A_89, %mul3A_91 : i32
      "tpu.region"() ({
        %run_scoped3A_285 = tpu.sem_alloc : memref<!tpu.dma_semaphore, #tpu.memory_space<semaphore_mem>>
        %dma_start3A = tpu.memref_slice %arg4[%add3A_92] : memref<331776xi32, #tpu.memory_space<hbm>> -> memref<128xi32, #tpu.memory_space<hbm>>
        %dma_start3A_286 = tpu.memref_slice %arg4[%add3A_92] : memref<331776xi32, #tpu.memory_space<hbm>> -> memref<128xi32, #tpu.memory_space<hbm>>
        tpu.enqueue_dma source(%dma_start3A_286 : memref<128xi32, #tpu.memory_space<hbm>>) target(%arg11 : memref<128xi32, #tpu.memory_space<vmem>>) target_semaphore(%run_scoped3A_285 : memref<!tpu.dma_semaphore, #tpu.memory_space<semaphore_mem>>)
        %dma_wait3A = tpu.memref_slice %arg4[%add3A_92] : memref<331776xi32, #tpu.memory_space<hbm>> -> memref<128xi32, #tpu.memory_space<hbm>>
        %dma_wait3A_287 = tpu.memref_slice %arg4[%add3A_92] : memref<331776xi32, #tpu.memory_space<hbm>> -> memref<128xi32, #tpu.memory_space<hbm>>
        tpu.wait_dma2 semaphore(%run_scoped3A_285 : memref<!tpu.dma_semaphore, #tpu.memory_space<semaphore_mem>>) src(%dma_wait3A_287 : memref<128xi32, #tpu.memory_space<hbm>>) dst(%arg11 : memref<128xi32, #tpu.memory_space<vmem>>)
        tpu.yield
      }) : () -> ()
      "tpu.region"() ({
        %run_scoped3A_285 = tpu.sem_alloc : memref<!tpu.dma_semaphore, #tpu.memory_space<semaphore_mem>>
        %dma_start3A = tpu.memref_slice %arg5[%add3A_92] : memref<331776xi32, #tpu.memory_space<hbm>> -> memref<128xi32, #tpu.memory_space<hbm>>
        %dma_start3A_286 = tpu.memref_slice %arg5[%add3A_92] : memref<331776xi32, #tpu.memory_space<hbm>> -> memref<128xi32, #tpu.memory_space<hbm>>
        tpu.enqueue_dma source(%dma_start3A_286 : memref<128xi32, #tpu.memory_space<hbm>>) target(%arg12 : memref<128xi32, #tpu.memory_space<vmem>>) target_semaphore(%run_scoped3A_285 : memref<!tpu.dma_semaphore, #tpu.memory_space<semaphore_mem>>)
        %dma_wait3A = tpu.memref_slice %arg5[%add3A_92] : memref<331776xi32, #tpu.memory_space<hbm>> -> memref<128xi32, #tpu.memory_space<hbm>>
        %dma_wait3A_287 = tpu.memref_slice %arg5[%add3A_92] : memref<331776xi32, #tpu.memory_space<hbm>> -> memref<128xi32, #tpu.memory_space<hbm>>
        tpu.wait_dma2 semaphore(%run_scoped3A_285 : memref<!tpu.dma_semaphore, #tpu.memory_space<semaphore_mem>>) src(%dma_wait3A_287 : memref<128xi32, #tpu.memory_space<hbm>>) dst(%arg12 : memref<128xi32, #tpu.memory_space<vmem>>)
        tpu.yield
      }) : () -> ()
      %get3A = arith.constant 0 : index
      %get3A_93 = tpu.vector_load %arg11[%get3A] {strides = array<i32>} : memref<128xi32, #tpu.memory_space<vmem>>, vector<16xi32>,
      %get3A_94 = arith.constant 0 : index
      %get3A_95 = tpu.vector_load %arg12[%get3A_94] {strides = array<i32>} : memref<128xi32, #tpu.memory_space<vmem>>, vector<16xi32>,
      %gather3A = tpu.vector_load_idx %arg8[%get3A_93] : memref<10240xf32, #tpu.memory_space<vmem>>[vector<16xi32>], vector<16xf32>,
      %gather3A_96 = tpu.vector_load_idx %arg9[%get3A_95] : memref<10240xf32, #tpu.memory_space<vmem>>[vector<16xi32>], vector<16xf32>,
      %add3A_97 = arith.addf %gather3A, %gather3A_96 : vector<16xf32>
      %mul3A_98 = arith.constant 2.000000e-01 : f32
      %mul3A_99 = vector.broadcast %mul3A_98 : f32 to vector<16xf32>
      %mul3A_100 = arith.mulf %mul3A_99, %add3A_97 : vector<16xf32>
      %max3A = arith.maximumf %add3A_97, %mul3A_100 : vector<16xf32>
      %exp3A = math.exp %max3A : vector<16xf32>
      %add3A_101 = arith.constant 0 : i32
      %add3A_102 = arith.addi %add3A_92, %add3A_101 : i32
      %iota3A = tpu.iota {dimensions = array<i32: 0>} : vector<16xi32>
      %add3A_103 = vector.broadcast %add3A_102 : i32 to vector<16xi32>
      %add3A_104 = arith.addi %add3A_103, %iota3A : vector<16xi32>
      %lt3A = arith.constant 330000 : i32
      %lt3A_105 = vector.broadcast %lt3A : i32 to vector<16xi32>
      %lt3A_106 = arith.cmpi slt, %add3A_104, %lt3A_105 : vector<16xi32>
      %jit3A = arith.constant 0.000000e+00 : f32
      %broadcast_in_dim3A_107 = vector.broadcast %jit3A : f32 to vector<16xf32>
      %select_n3A = arith.select %lt3A_106, %exp3A, %broadcast_in_dim3A_107 : vector<16xi1>, vector<16xf32>
      %swap3A = arith.constant 0 : index
      %swap3A_108 = tpu.vector_load %arg13[%swap3A] {strides = array<i32>} : memref<128xf32, #tpu.memory_space<vmem>>, vector<16xf32>,
      tpu.vector_store %arg13[%swap3A], %select_n3A {strides = array<i32>} : memref<128xf32, #tpu.memory_space<vmem>>, vector<16xf32>,
      %get3A_109 = arith.constant 16 : index
      %get3A_110 = tpu.vector_load %arg11[%get3A_109] {strides = array<i32>} : memref<128xi32, #tpu.memory_space<vmem>>, vector<16xi32>,
      %get3A_111 = arith.constant 16 : index
      %get3A_112 = tpu.vector_load %arg12[%get3A_111] {strides = array<i32>} : memref<128xi32, #tpu.memory_space<vmem>>, vector<16xi32>,
      %gather3A_113 = tpu.vector_load_idx %arg8[%get3A_110] : memref<10240xf32, #tpu.memory_space<vmem>>[vector<16xi32>], vector<16xf32>,
      %gather3A_114 = tpu.vector_load_idx %arg9[%get3A_112] : memref<10240xf32, #tpu.memory_space<vmem>>[vector<16xi32>], vector<16xf32>,
      %add3A_115 = arith.addf %gather3A_113, %gather3A_114 : vector<16xf32>
      %mul3A_116 = arith.constant 2.000000e-01 : f32
      %mul3A_117 = vector.broadcast %mul3A_116 : f32 to vector<16xf32>
      %mul3A_118 = arith.mulf %mul3A_117, %add3A_115 : vector<16xf32>
      %max3A_119 = arith.maximumf %add3A_115, %mul3A_118 : vector<16xf32>
      %exp3A_120 = math.exp %max3A_119 : vector<16xf32>
      %add3A_121 = arith.constant 16 : i32
      %add3A_122 = arith.addi %add3A_92, %add3A_121 : i32
      %iota3A_123 = tpu.iota {dimensions = array<i32: 0>} : vector<16xi32>
      %add3A_124 = vector.broadcast %add3A_122 : i32 to vector<16xi32>
      %add3A_125 = arith.addi %add3A_124, %iota3A_123 : vector<16xi32>
      %lt3A_126 = arith.constant 330000 : i32
      %lt3A_127 = vector.broadcast %lt3A_126 : i32 to vector<16xi32>
      %lt3A_128 = arith.cmpi slt, %add3A_125, %lt3A_127 : vector<16xi32>
      %jit3A_129 = arith.constant 0.000000e+00 : f32
      %broadcast_in_dim3A_130 = vector.broadcast %jit3A_129 : f32 to vector<16xf32>
      %select_n3A_131 = arith.select %lt3A_128, %exp3A_120, %broadcast_in_dim3A_130 : vector<16xi1>, vector<16xf32>
      %swap3A_132 = arith.constant 16 : index
      %swap3A_133 = tpu.vector_load %arg13[%swap3A_132] {strides = array<i32>} : memref<128xf32, #tpu.memory_space<vmem>>, vector<16xf32>,
      tpu.vector_store %arg13[%swap3A_132], %select_n3A_131 {strides = array<i32>} : memref<128xf32, #tpu.memory_space<vmem>>, vector<16xf32>,
      %get3A_134 = arith.constant 32 : index
      %get3A_135 = tpu.vector_load %arg11[%get3A_134] {strides = array<i32>} : memref<128xi32, #tpu.memory_space<vmem>>, vector<16xi32>,
      %get3A_136 = arith.constant 32 : index
      %get3A_137 = tpu.vector_load %arg12[%get3A_136] {strides = array<i32>} : memref<128xi32, #tpu.memory_space<vmem>>, vector<16xi32>,
      %gather3A_138 = tpu.vector_load_idx %arg8[%get3A_135] : memref<10240xf32, #tpu.memory_space<vmem>>[vector<16xi32>], vector<16xf32>,
      %gather3A_139 = tpu.vector_load_idx %arg9[%get3A_137] : memref<10240xf32, #tpu.memory_space<vmem>>[vector<16xi32>], vector<16xf32>,
      %add3A_140 = arith.addf %gather3A_138, %gather3A_139 : vector<16xf32>
      %mul3A_141 = arith.constant 2.000000e-01 : f32
      %mul3A_142 = vector.broadcast %mul3A_141 : f32 to vector<16xf32>
      %mul3A_143 = arith.mulf %mul3A_142, %add3A_140 : vector<16xf32>
      %max3A_144 = arith.maximumf %add3A_140, %mul3A_143 : vector<16xf32>
      %exp3A_145 = math.exp %max3A_144 : vector<16xf32>
      %add3A_146 = arith.constant 32 : i32
      %add3A_147 = arith.addi %add3A_92, %add3A_146 : i32
      %iota3A_148 = tpu.iota {dimensions = array<i32: 0>} : vector<16xi32>
      %add3A_149 = vector.broadcast %add3A_147 : i32 to vector<16xi32>
      %add3A_150 = arith.addi %add3A_149, %iota3A_148 : vector<16xi32>
      %lt3A_151 = arith.constant 330000 : i32
      %lt3A_152 = vector.broadcast %lt3A_151 : i32 to vector<16xi32>
      %lt3A_153 = arith.cmpi slt, %add3A_150, %lt3A_152 : vector<16xi32>
      %jit3A_154 = arith.constant 0.000000e+00 : f32
      %broadcast_in_dim3A_155 = vector.broadcast %jit3A_154 : f32 to vector<16xf32>
      %select_n3A_156 = arith.select %lt3A_153, %exp3A_145, %broadcast_in_dim3A_155 : vector<16xi1>, vector<16xf32>
      %swap3A_157 = arith.constant 32 : index
      %swap3A_158 = tpu.vector_load %arg13[%swap3A_157] {strides = array<i32>} : memref<128xf32, #tpu.memory_space<vmem>>, vector<16xf32>,
      tpu.vector_store %arg13[%swap3A_157], %select_n3A_156 {strides = array<i32>} : memref<128xf32, #tpu.memory_space<vmem>>, vector<16xf32>,
      %get3A_159 = arith.constant 48 : index
      %get3A_160 = tpu.vector_load %arg11[%get3A_159] {strides = array<i32>} : memref<128xi32, #tpu.memory_space<vmem>>, vector<16xi32>,
      %get3A_161 = arith.constant 48 : index
      %get3A_162 = tpu.vector_load %arg12[%get3A_161] {strides = array<i32>} : memref<128xi32, #tpu.memory_space<vmem>>, vector<16xi32>,
      %gather3A_163 = tpu.vector_load_idx %arg8[%get3A_160] : memref<10240xf32, #tpu.memory_space<vmem>>[vector<16xi32>], vector<16xf32>,
      %gather3A_164 = tpu.vector_load_idx %arg9[%get3A_162] : memref<10240xf32, #tpu.memory_space<vmem>>[vector<16xi32>], vector<16xf32>,
      %add3A_165 = arith.addf %gather3A_163, %gather3A_164 : vector<16xf32>
      %mul3A_166 = arith.constant 2.000000e-01 : f32
      %mul3A_167 = vector.broadcast %mul3A_166 : f32 to vector<16xf32>
      %mul3A_168 = arith.mulf %mul3A_167, %add3A_165 : vector<16xf32>
      %max3A_169 = arith.maximumf %add3A_165, %mul3A_168 : vector<16xf32>
      %exp3A_170 = math.exp %max3A_169 : vector<16xf32>
      %add3A_171 = arith.constant 48 : i32
      %add3A_172 = arith.addi %add3A_92, %add3A_171 : i32
      %iota3A_173 = tpu.iota {dimensions = array<i32: 0>} : vector<16xi32>
      %add3A_174 = vector.broadcast %add3A_172 : i32 to vector<16xi32>
      %add3A_175 = arith.addi %add3A_174, %iota3A_173 : vector<16xi32>
      %lt3A_176 = arith.constant 330000 : i32
      %lt3A_177 = vector.broadcast %lt3A_176 : i32 to vector<16xi32>
      %lt3A_178 = arith.cmpi slt, %add3A_175, %lt3A_177 : vector<16xi32>
      %jit3A_179 = arith.constant 0.000000e+00 : f32
      %broadcast_in_dim3A_180 = vector.broadcast %jit3A_179 : f32 to vector<16xf32>
      %select_n3A_181 = arith.select %lt3A_178, %exp3A_170, %broadcast_in_dim3A_180 : vector<16xi1>, vector<16xf32>
      %swap3A_182 = arith.constant 48 : index
      %swap3A_183 = tpu.vector_load %arg13[%swap3A_182] {strides = array<i32>} : memref<128xf32, #tpu.memory_space<vmem>>, vector<16xf32>,
      tpu.vector_store %arg13[%swap3A_182], %select_n3A_181 {strides = array<i32>} : memref<128xf32, #tpu.memory_space<vmem>>, vector<16xf32>,
      %get3A_184 = arith.constant 64 : index
      %get3A_185 = tpu.vector_load %arg11[%get3A_184] {strides = array<i32>} : memref<128xi32, #tpu.memory_space<vmem>>, vector<16xi32>,
      %get3A_186 = arith.constant 64 : index
      %get3A_187 = tpu.vector_load %arg12[%get3A_186] {strides = array<i32>} : memref<128xi32, #tpu.memory_space<vmem>>, vector<16xi32>,
      %gather3A_188 = tpu.vector_load_idx %arg8[%get3A_185] : memref<10240xf32, #tpu.memory_space<vmem>>[vector<16xi32>], vector<16xf32>,
      %gather3A_189 = tpu.vector_load_idx %arg9[%get3A_187] : memref<10240xf32, #tpu.memory_space<vmem>>[vector<16xi32>], vector<16xf32>,
      %add3A_190 = arith.addf %gather3A_188, %gather3A_189 : vector<16xf32>
      %mul3A_191 = arith.constant 2.000000e-01 : f32
      %mul3A_192 = vector.broadcast %mul3A_191 : f32 to vector<16xf32>
      %mul3A_193 = arith.mulf %mul3A_192, %add3A_190 : vector<16xf32>
      %max3A_194 = arith.maximumf %add3A_190, %mul3A_193 : vector<16xf32>
      %exp3A_195 = math.exp %max3A_194 : vector<16xf32>
      %add3A_196 = arith.constant 64 : i32
      %add3A_197 = arith.addi %add3A_92, %add3A_196 : i32
      %iota3A_198 = tpu.iota {dimensions = array<i32: 0>} : vector<16xi32>
      %add3A_199 = vector.broadcast %add3A_197 : i32 to vector<16xi32>
      %add3A_200 = arith.addi %add3A_199, %iota3A_198 : vector<16xi32>
      %lt3A_201 = arith.constant 330000 : i32
      %lt3A_202 = vector.broadcast %lt3A_201 : i32 to vector<16xi32>
      %lt3A_203 = arith.cmpi slt, %add3A_200, %lt3A_202 : vector<16xi32>
      %jit3A_204 = arith.constant 0.000000e+00 : f32
      %broadcast_in_dim3A_205 = vector.broadcast %jit3A_204 : f32 to vector<16xf32>
      %select_n3A_206 = arith.select %lt3A_203, %exp3A_195, %broadcast_in_dim3A_205 : vector<16xi1>, vector<16xf32>
      %swap3A_207 = arith.constant 64 : index
      %swap3A_208 = tpu.vector_load %arg13[%swap3A_207] {strides = array<i32>} : memref<128xf32, #tpu.memory_space<vmem>>, vector<16xf32>,
      tpu.vector_store %arg13[%swap3A_207], %select_n3A_206 {strides = array<i32>} : memref<128xf32, #tpu.memory_space<vmem>>, vector<16xf32>,
      %get3A_209 = arith.constant 80 : index
      %get3A_210 = tpu.vector_load %arg11[%get3A_209] {strides = array<i32>} : memref<128xi32, #tpu.memory_space<vmem>>, vector<16xi32>,
      %get3A_211 = arith.constant 80 : index
      %get3A_212 = tpu.vector_load %arg12[%get3A_211] {strides = array<i32>} : memref<128xi32, #tpu.memory_space<vmem>>, vector<16xi32>,
      %gather3A_213 = tpu.vector_load_idx %arg8[%get3A_210] : memref<10240xf32, #tpu.memory_space<vmem>>[vector<16xi32>], vector<16xf32>,
      %gather3A_214 = tpu.vector_load_idx %arg9[%get3A_212] : memref<10240xf32, #tpu.memory_space<vmem>>[vector<16xi32>], vector<16xf32>,
      %add3A_215 = arith.addf %gather3A_213, %gather3A_214 : vector<16xf32>
      %mul3A_216 = arith.constant 2.000000e-01 : f32
      %mul3A_217 = vector.broadcast %mul3A_216 : f32 to vector<16xf32>
      %mul3A_218 = arith.mulf %mul3A_217, %add3A_215 : vector<16xf32>
      %max3A_219 = arith.maximumf %add3A_215, %mul3A_218 : vector<16xf32>
      %exp3A_220 = math.exp %max3A_219 : vector<16xf32>
      %add3A_221 = arith.constant 80 : i32
      %add3A_222 = arith.addi %add3A_92, %add3A_221 : i32
      %iota3A_223 = tpu.iota {dimensions = array<i32: 0>} : vector<16xi32>
      %add3A_224 = vector.broadcast %add3A_222 : i32 to vector<16xi32>
      %add3A_225 = arith.addi %add3A_224, %iota3A_223 : vector<16xi32>
      %lt3A_226 = arith.constant 330000 : i32
      %lt3A_227 = vector.broadcast %lt3A_226 : i32 to vector<16xi32>
      %lt3A_228 = arith.cmpi slt, %add3A_225, %lt3A_227 : vector<16xi32>
      %jit3A_229 = arith.constant 0.000000e+00 : f32
      %broadcast_in_dim3A_230 = vector.broadcast %jit3A_229 : f32 to vector<16xf32>
      %select_n3A_231 = arith.select %lt3A_228, %exp3A_220, %broadcast_in_dim3A_230 : vector<16xi1>, vector<16xf32>
      %swap3A_232 = arith.constant 80 : index
      %swap3A_233 = tpu.vector_load %arg13[%swap3A_232] {strides = array<i32>} : memref<128xf32, #tpu.memory_space<vmem>>, vector<16xf32>,
      tpu.vector_store %arg13[%swap3A_232], %select_n3A_231 {strides = array<i32>} : memref<128xf32, #tpu.memory_space<vmem>>, vector<16xf32>,
      %get3A_234 = arith.constant 96 : index
      %get3A_235 = tpu.vector_load %arg11[%get3A_234] {strides = array<i32>} : memref<128xi32, #tpu.memory_space<vmem>>, vector<16xi32>,
      %get3A_236 = arith.constant 96 : index
      %get3A_237 = tpu.vector_load %arg12[%get3A_236] {strides = array<i32>} : memref<128xi32, #tpu.memory_space<vmem>>, vector<16xi32>,
      %gather3A_238 = tpu.vector_load_idx %arg8[%get3A_235] : memref<10240xf32, #tpu.memory_space<vmem>>[vector<16xi32>], vector<16xf32>,
      %gather3A_239 = tpu.vector_load_idx %arg9[%get3A_237] : memref<10240xf32, #tpu.memory_space<vmem>>[vector<16xi32>], vector<16xf32>,
      %add3A_240 = arith.addf %gather3A_238, %gather3A_239 : vector<16xf32>
      %mul3A_241 = arith.constant 2.000000e-01 : f32
      %mul3A_242 = vector.broadcast %mul3A_241 : f32 to vector<16xf32>
      %mul3A_243 = arith.mulf %mul3A_242, %add3A_240 : vector<16xf32>
      %max3A_244 = arith.maximumf %add3A_240, %mul3A_243 : vector<16xf32>
      %exp3A_245 = math.exp %max3A_244 : vector<16xf32>
      %add3A_246 = arith.constant 96 : i32
      %add3A_247 = arith.addi %add3A_92, %add3A_246 : i32
      %iota3A_248 = tpu.iota {dimensions = array<i32: 0>} : vector<16xi32>
      %add3A_249 = vector.broadcast %add3A_247 : i32 to vector<16xi32>
      %add3A_250 = arith.addi %add3A_249, %iota3A_248 : vector<16xi32>
      %lt3A_251 = arith.constant 330000 : i32
      %lt3A_252 = vector.broadcast %lt3A_251 : i32 to vector<16xi32>
      %lt3A_253 = arith.cmpi slt, %add3A_250, %lt3A_252 : vector<16xi32>
      %jit3A_254 = arith.constant 0.000000e+00 : f32
      %broadcast_in_dim3A_255 = vector.broadcast %jit3A_254 : f32 to vector<16xf32>
      %select_n3A_256 = arith.select %lt3A_253, %exp3A_245, %broadcast_in_dim3A_255 : vector<16xi1>, vector<16xf32>
      %swap3A_257 = arith.constant 96 : index
      %swap3A_258 = tpu.vector_load %arg13[%swap3A_257] {strides = array<i32>} : memref<128xf32, #tpu.memory_space<vmem>>, vector<16xf32>,
      tpu.vector_store %arg13[%swap3A_257], %select_n3A_256 {strides = array<i32>} : memref<128xf32, #tpu.memory_space<vmem>>, vector<16xf32>,
      %get3A_259 = arith.constant 112 : index
      %get3A_260 = tpu.vector_load %arg11[%get3A_259] {strides = array<i32>} : memref<128xi32, #tpu.memory_space<vmem>>, vector<16xi32>,
      %get3A_261 = arith.constant 112 : index
      %get3A_262 = tpu.vector_load %arg12[%get3A_261] {strides = array<i32>} : memref<128xi32, #tpu.memory_space<vmem>>, vector<16xi32>,
      %gather3A_263 = tpu.vector_load_idx %arg8[%get3A_260] : memref<10240xf32, #tpu.memory_space<vmem>>[vector<16xi32>], vector<16xf32>,
      %gather3A_264 = tpu.vector_load_idx %arg9[%get3A_262] : memref<10240xf32, #tpu.memory_space<vmem>>[vector<16xi32>], vector<16xf32>,
      %add3A_265 = arith.addf %gather3A_263, %gather3A_264 : vector<16xf32>
      %mul3A_266 = arith.constant 2.000000e-01 : f32
      %mul3A_267 = vector.broadcast %mul3A_266 : f32 to vector<16xf32>
      %mul3A_268 = arith.mulf %mul3A_267, %add3A_265 : vector<16xf32>
      %max3A_269 = arith.maximumf %add3A_265, %mul3A_268 : vector<16xf32>
      %exp3A_270 = math.exp %max3A_269 : vector<16xf32>
      %add3A_271 = arith.constant 112 : i32
      %add3A_272 = arith.addi %add3A_92, %add3A_271 : i32
      %iota3A_273 = tpu.iota {dimensions = array<i32: 0>} : vector<16xi32>
      %add3A_274 = vector.broadcast %add3A_272 : i32 to vector<16xi32>
      %add3A_275 = arith.addi %add3A_274, %iota3A_273 : vector<16xi32>
      %lt3A_276 = arith.constant 330000 : i32
      %lt3A_277 = vector.broadcast %lt3A_276 : i32 to vector<16xi32>
      %lt3A_278 = arith.cmpi slt, %add3A_275, %lt3A_277 : vector<16xi32>
      %jit3A_279 = arith.constant 0.000000e+00 : f32
      %broadcast_in_dim3A_280 = vector.broadcast %jit3A_279 : f32 to vector<16xf32>
      %select_n3A_281 = arith.select %lt3A_278, %exp3A_270, %broadcast_in_dim3A_280 : vector<16xi1>, vector<16xf32>
      %swap3A_282 = arith.constant 112 : index
      %swap3A_283 = tpu.vector_load %arg13[%swap3A_282] {strides = array<i32>} : memref<128xf32, #tpu.memory_space<vmem>>, vector<16xf32>,
      tpu.vector_store %arg13[%swap3A_282], %select_n3A_281 {strides = array<i32>} : memref<128xf32, #tpu.memory_space<vmem>>, vector<16xf32>,
      "tpu.region"() ({
        %run_scoped3A_285 = tpu.sem_alloc : memref<!tpu.dma_semaphore, #tpu.memory_space<semaphore_mem>>
        %dma_start3A = arith.constant 0 : i32
        %dma_start3A_286 = tpu.memref_slice %arg16[%dma_start3A] : memref<10240xf32, #tpu.memory_space<vmem_shared>> -> memref<10240xf32, #tpu.memory_space<vmem_shared>>
        tpu.enqueue_indirect_dma source(%arg13 : memref<128xf32, #tpu.memory_space<vmem>>) target(%dma_start3A_286 : memref<10240xf32, #tpu.memory_space<vmem_shared>>) offsets(%arg12 : memref<128xi32, #tpu.memory_space<vmem>>) semaphore(%run_scoped3A_285 : memref<!tpu.dma_semaphore, #tpu.memory_space<semaphore_mem>>) {add = true}
        %dma_wait3A = arith.constant 0 : i32
        %dma_wait3A_287 = tpu.memref_slice %arg16[%dma_wait3A] : memref<10240xf32, #tpu.memory_space<vmem_shared>> -> memref<10240xf32, #tpu.memory_space<vmem_shared>>
        tpu.wait_indirect_dma semaphore(%run_scoped3A_285 : memref<!tpu.dma_semaphore, #tpu.memory_space<semaphore_mem>>) src(%arg13 : memref<128xf32, #tpu.memory_space<vmem>>) dst(%dma_wait3A_287 : memref<10240xf32, #tpu.memory_space<vmem_shared>>)
        tpu.yield
      }) : () -> ()
      %scan3A_284 = arith.constant 0 : i32
      scf.yield %scan3A_284 : i32
    }
    %scan3A_41 = arith.constant 162 : i32
    %barrier3A_42 = arith.constant 0 : index
    tpu.barrier barrier_id(%barrier3A_42)
    "tpu.region"() ({
      %run_scoped3A_86 = tpu.sem_alloc : memref<!tpu.dma_semaphore, #tpu.memory_space<semaphore_mem>>
      tpu.enqueue_dma source(%arg16 : memref<10240xf32, #tpu.memory_space<vmem_shared>>) target(%arg10 : memref<10240xf32, #tpu.memory_space<vmem>>) target_semaphore(%run_scoped3A_86 : memref<!tpu.dma_semaphore, #tpu.memory_space<semaphore_mem>>)
      tpu.wait_dma2 semaphore(%run_scoped3A_86 : memref<!tpu.dma_semaphore, #tpu.memory_space<semaphore_mem>>) src(%arg16 : memref<10240xf32, #tpu.memory_space<vmem_shared>>) dst(%arg10 : memref<10240xf32, #tpu.memory_space<vmem>>)
      tpu.yield
    }) : () -> ()
    %scan3A_43 = arith.constant 0 : i32
    %scan3A_44 = arith.constant 0 : i32
    %scan3A_45 = arith.constant 81 : i32
    %scan3A_46 = arith.addi %scan3A_44, %scan3A_45 : i32
    %scan3A_47 = arith.constant 1 : i32
    %scan3A_48 = scf.for %scan3A_86 = %scan3A_44 to %scan3A_46 step %scan3A_47 iter_args(%scan3A_87 = %scan3A_43) -> (i32)  : i32 {
      %mul3A_88 = arith.constant 165888 : i32
      %mul3A_89 = arith.muli %arg0, %mul3A_88 : i32
      %mul3A_90 = arith.constant 10368 : i32
      %mul3A_91 = arith.muli %arg1, %mul3A_90 : i32
      %add3A_92 = arith.addi %mul3A_89, %mul3A_91 : i32
      %mul3A_93 = arith.constant 128 : i32
      %mul3A_94 = arith.muli %scan3A_86, %mul3A_93 : i32
      %add3A_95 = arith.addi %add3A_92, %mul3A_94 : i32
      "tpu.region"() ({
        %run_scoped3A_338 = tpu.sem_alloc : memref<!tpu.dma_semaphore, #tpu.memory_space<semaphore_mem>>
        %dma_start3A_339 = tpu.memref_slice %arg4[%add3A_95] : memref<331776xi32, #tpu.memory_space<hbm>> -> memref<128xi32, #tpu.memory_space<hbm>>
        %dma_start3A_340 = tpu.memref_slice %arg4[%add3A_95] : memref<331776xi32, #tpu.memory_space<hbm>> -> memref<128xi32, #tpu.memory_space<hbm>>
        tpu.enqueue_dma source(%dma_start3A_340 : memref<128xi32, #tpu.memory_space<hbm>>) target(%arg11 : memref<128xi32, #tpu.memory_space<vmem>>) target_semaphore(%run_scoped3A_338 : memref<!tpu.dma_semaphore, #tpu.memory_space<semaphore_mem>>)
        %dma_wait3A_341 = tpu.memref_slice %arg4[%add3A_95] : memref<331776xi32, #tpu.memory_space<hbm>> -> memref<128xi32, #tpu.memory_space<hbm>>
        %dma_wait3A_342 = tpu.memref_slice %arg4[%add3A_95] : memref<331776xi32, #tpu.memory_space<hbm>> -> memref<128xi32, #tpu.memory_space<hbm>>
        tpu.wait_dma2 semaphore(%run_scoped3A_338 : memref<!tpu.dma_semaphore, #tpu.memory_space<semaphore_mem>>) src(%dma_wait3A_342 : memref<128xi32, #tpu.memory_space<hbm>>) dst(%arg11 : memref<128xi32, #tpu.memory_space<vmem>>)
        tpu.yield
      }) : () -> ()
      "tpu.region"() ({
        %run_scoped3A_338 = tpu.sem_alloc : memref<!tpu.dma_semaphore, #tpu.memory_space<semaphore_mem>>
        %dma_start3A_339 = tpu.memref_slice %arg5[%add3A_95] : memref<331776xi32, #tpu.memory_space<hbm>> -> memref<128xi32, #tpu.memory_space<hbm>>
        %dma_start3A_340 = tpu.memref_slice %arg5[%add3A_95] : memref<331776xi32, #tpu.memory_space<hbm>> -> memref<128xi32, #tpu.memory_space<hbm>>
        tpu.enqueue_dma source(%dma_start3A_340 : memref<128xi32, #tpu.memory_space<hbm>>) target(%arg12 : memref<128xi32, #tpu.memory_space<vmem>>) target_semaphore(%run_scoped3A_338 : memref<!tpu.dma_semaphore, #tpu.memory_space<semaphore_mem>>)
        %dma_wait3A_341 = tpu.memref_slice %arg5[%add3A_95] : memref<331776xi32, #tpu.memory_space<hbm>> -> memref<128xi32, #tpu.memory_space<hbm>>
        %dma_wait3A_342 = tpu.memref_slice %arg5[%add3A_95] : memref<331776xi32, #tpu.memory_space<hbm>> -> memref<128xi32, #tpu.memory_space<hbm>>
        tpu.wait_dma2 semaphore(%run_scoped3A_338 : memref<!tpu.dma_semaphore, #tpu.memory_space<semaphore_mem>>) src(%dma_wait3A_342 : memref<128xi32, #tpu.memory_space<hbm>>) dst(%arg12 : memref<128xi32, #tpu.memory_space<vmem>>)
        tpu.yield
      }) : () -> ()
      %dma_start3A = arith.constant 0 : i32
      %dma_start3A_96 = arith.constant 0 : i32
      %dma_start3A_97 = tpu.memref_slice %arg2[%dma_start3A, %dma_start3A_96] : memref<10240x128xf32, #tpu.memory_space<hbm>> -> memref<10240x128xf32, #tpu.memory_space<hbm>>
      tpu.enqueue_indirect_dma source(%dma_start3A_97 : memref<10240x128xf32, #tpu.memory_space<hbm>>) target(%arg7 : memref<128x128xf32, #tpu.memory_space<vmem>>) offsets(%arg11 : memref<128xi32, #tpu.memory_space<vmem>>) semaphore(%arg17 : memref<!tpu.dma_semaphore, #tpu.memory_space<semaphore_mem>>)
      %dma_wait3A = arith.constant 0 : i32
      %dma_wait3A_98 = arith.constant 0 : i32
      %dma_wait3A_99 = tpu.memref_slice %arg2[%dma_wait3A, %dma_wait3A_98] : memref<10240x128xf32, #tpu.memory_space<hbm>> -> memref<10240x128xf32, #tpu.memory_space<hbm>>
      tpu.wait_indirect_dma semaphore(%arg17 : memref<!tpu.dma_semaphore, #tpu.memory_space<semaphore_mem>>) src(%dma_wait3A_99 : memref<10240x128xf32, #tpu.memory_space<hbm>>) dst(%arg7 : memref<128x128xf32, #tpu.memory_space<vmem>>)
      %get3A = arith.constant 0 : index
      %get3A_100 = tpu.vector_load %arg11[%get3A] {strides = array<i32>} : memref<128xi32, #tpu.memory_space<vmem>>, vector<16xi32>,
      %get3A_101 = arith.constant 0 : index
      %get3A_102 = tpu.vector_load %arg12[%get3A_101] {strides = array<i32>} : memref<128xi32, #tpu.memory_space<vmem>>, vector<16xi32>,
      %gather3A = tpu.vector_load_idx %arg8[%get3A_100] : memref<10240xf32, #tpu.memory_space<vmem>>[vector<16xi32>], vector<16xf32>,
      %gather3A_103 = tpu.vector_load_idx %arg9[%get3A_102] : memref<10240xf32, #tpu.memory_space<vmem>>[vector<16xi32>], vector<16xf32>,
      %add3A_104 = arith.addf %gather3A, %gather3A_103 : vector<16xf32>
      %mul3A_105 = arith.constant 2.000000e-01 : f32
      %mul3A_106 = vector.broadcast %mul3A_105 : f32 to vector<16xf32>
      %mul3A_107 = arith.mulf %mul3A_106, %add3A_104 : vector<16xf32>
      %max3A = arith.maximumf %add3A_104, %mul3A_107 : vector<16xf32>
      %exp3A = math.exp %max3A : vector<16xf32>
      %add3A_108 = arith.constant 0 : i32
      %add3A_109 = arith.addi %add3A_95, %add3A_108 : i32
      %iota3A = tpu.iota {dimensions = array<i32: 0>} : vector<16xi32>
      %add3A_110 = vector.broadcast %add3A_109 : i32 to vector<16xi32>
      %add3A_111 = arith.addi %add3A_110, %iota3A : vector<16xi32>
      %lt3A = arith.constant 330000 : i32
      %lt3A_112 = vector.broadcast %lt3A : i32 to vector<16xi32>
      %lt3A_113 = arith.cmpi slt, %add3A_111, %lt3A_112 : vector<16xi32>
      %jit3A = arith.constant 0.000000e+00 : f32
      %broadcast_in_dim3A_114 = vector.broadcast %jit3A : f32 to vector<16xf32>
      %select_n3A = arith.select %lt3A_113, %exp3A, %broadcast_in_dim3A_114 : vector<16xi1>, vector<16xf32>
      %gather3A_115 = tpu.vector_load_idx %arg10[%get3A_102] : memref<10240xf32, #tpu.memory_space<vmem>>[vector<16xi32>], vector<16xf32>,
      %add3A_116 = arith.constant 1.000000e-16 : f32
      %add3A_117 = vector.broadcast %add3A_116 : f32 to vector<16xf32>
      %add3A_118 = arith.addf %gather3A_115, %add3A_117 : vector<16xf32>
      %div3A = arith.divf %select_n3A, %add3A_118 : vector<16xf32>
      %swap3A = arith.constant 0 : index
      %swap3A_119 = tpu.vector_load %arg13[%swap3A] {strides = array<i32>} : memref<128xf32, #tpu.memory_space<vmem>>, vector<16xf32>,
      tpu.vector_store %arg13[%swap3A], %div3A {strides = array<i32>} : memref<128xf32, #tpu.memory_space<vmem>>, vector<16xf32>,
      %get3A_120 = arith.constant 16 : index
      %get3A_121 = tpu.vector_load %arg11[%get3A_120] {strides = array<i32>} : memref<128xi32, #tpu.memory_space<vmem>>, vector<16xi32>,
      %get3A_122 = arith.constant 16 : index
      %get3A_123 = tpu.vector_load %arg12[%get3A_122] {strides = array<i32>} : memref<128xi32, #tpu.memory_space<vmem>>, vector<16xi32>,
      %gather3A_124 = tpu.vector_load_idx %arg8[%get3A_121] : memref<10240xf32, #tpu.memory_space<vmem>>[vector<16xi32>], vector<16xf32>,
      %gather3A_125 = tpu.vector_load_idx %arg9[%get3A_123] : memref<10240xf32, #tpu.memory_space<vmem>>[vector<16xi32>], vector<16xf32>,
      %add3A_126 = arith.addf %gather3A_124, %gather3A_125 : vector<16xf32>
      %mul3A_127 = arith.constant 2.000000e-01 : f32
      %mul3A_128 = vector.broadcast %mul3A_127 : f32 to vector<16xf32>
      %mul3A_129 = arith.mulf %mul3A_128, %add3A_126 : vector<16xf32>
      %max3A_130 = arith.maximumf %add3A_126, %mul3A_129 : vector<16xf32>
      %exp3A_131 = math.exp %max3A_130 : vector<16xf32>
      %add3A_132 = arith.constant 16 : i32
      %add3A_133 = arith.addi %add3A_95, %add3A_132 : i32
      %iota3A_134 = tpu.iota {dimensions = array<i32: 0>} : vector<16xi32>
      %add3A_135 = vector.broadcast %add3A_133 : i32 to vector<16xi32>
      %add3A_136 = arith.addi %add3A_135, %iota3A_134 : vector<16xi32>
      %lt3A_137 = arith.constant 330000 : i32
      %lt3A_138 = vector.broadcast %lt3A_137 : i32 to vector<16xi32>
      %lt3A_139 = arith.cmpi slt, %add3A_136, %lt3A_138 : vector<16xi32>
      %jit3A_140 = arith.constant 0.000000e+00 : f32
      %broadcast_in_dim3A_141 = vector.broadcast %jit3A_140 : f32 to vector<16xf32>
      %select_n3A_142 = arith.select %lt3A_139, %exp3A_131, %broadcast_in_dim3A_141 : vector<16xi1>, vector<16xf32>
      %gather3A_143 = tpu.vector_load_idx %arg10[%get3A_123] : memref<10240xf32, #tpu.memory_space<vmem>>[vector<16xi32>], vector<16xf32>,
      %add3A_144 = arith.constant 1.000000e-16 : f32
      %add3A_145 = vector.broadcast %add3A_144 : f32 to vector<16xf32>
      %add3A_146 = arith.addf %gather3A_143, %add3A_145 : vector<16xf32>
      %div3A_147 = arith.divf %select_n3A_142, %add3A_146 : vector<16xf32>
      %swap3A_148 = arith.constant 16 : index
      %swap3A_149 = tpu.vector_load %arg13[%swap3A_148] {strides = array<i32>} : memref<128xf32, #tpu.memory_space<vmem>>, vector<16xf32>,
      tpu.vector_store %arg13[%swap3A_148], %div3A_147 {strides = array<i32>} : memref<128xf32, #tpu.memory_space<vmem>>, vector<16xf32>,
      %get3A_150 = arith.constant 32 : index
      %get3A_151 = tpu.vector_load %arg11[%get3A_150] {strides = array<i32>} : memref<128xi32, #tpu.memory_space<vmem>>, vector<16xi32>,
      %get3A_152 = arith.constant 32 : index
      %get3A_153 = tpu.vector_load %arg12[%get3A_152] {strides = array<i32>} : memref<128xi32, #tpu.memory_space<vmem>>, vector<16xi32>,
      %gather3A_154 = tpu.vector_load_idx %arg8[%get3A_151] : memref<10240xf32, #tpu.memory_space<vmem>>[vector<16xi32>], vector<16xf32>,
      %gather3A_155 = tpu.vector_load_idx %arg9[%get3A_153] : memref<10240xf32, #tpu.memory_space<vmem>>[vector<16xi32>], vector<16xf32>,
      %add3A_156 = arith.addf %gather3A_154, %gather3A_155 : vector<16xf32>
      %mul3A_157 = arith.constant 2.000000e-01 : f32
      %mul3A_158 = vector.broadcast %mul3A_157 : f32 to vector<16xf32>
      %mul3A_159 = arith.mulf %mul3A_158, %add3A_156 : vector<16xf32>
      %max3A_160 = arith.maximumf %add3A_156, %mul3A_159 : vector<16xf32>
      %exp3A_161 = math.exp %max3A_160 : vector<16xf32>
      %add3A_162 = arith.constant 32 : i32
      %add3A_163 = arith.addi %add3A_95, %add3A_162 : i32
      %iota3A_164 = tpu.iota {dimensions = array<i32: 0>} : vector<16xi32>
      %add3A_165 = vector.broadcast %add3A_163 : i32 to vector<16xi32>
      %add3A_166 = arith.addi %add3A_165, %iota3A_164 : vector<16xi32>
      %lt3A_167 = arith.constant 330000 : i32
      %lt3A_168 = vector.broadcast %lt3A_167 : i32 to vector<16xi32>
      %lt3A_169 = arith.cmpi slt, %add3A_166, %lt3A_168 : vector<16xi32>
      %jit3A_170 = arith.constant 0.000000e+00 : f32
      %broadcast_in_dim3A_171 = vector.broadcast %jit3A_170 : f32 to vector<16xf32>
      %select_n3A_172 = arith.select %lt3A_169, %exp3A_161, %broadcast_in_dim3A_171 : vector<16xi1>, vector<16xf32>
      %gather3A_173 = tpu.vector_load_idx %arg10[%get3A_153] : memref<10240xf32, #tpu.memory_space<vmem>>[vector<16xi32>], vector<16xf32>,
      %add3A_174 = arith.constant 1.000000e-16 : f32
      %add3A_175 = vector.broadcast %add3A_174 : f32 to vector<16xf32>
      %add3A_176 = arith.addf %gather3A_173, %add3A_175 : vector<16xf32>
      %div3A_177 = arith.divf %select_n3A_172, %add3A_176 : vector<16xf32>
      %swap3A_178 = arith.constant 32 : index
      %swap3A_179 = tpu.vector_load %arg13[%swap3A_178] {strides = array<i32>} : memref<128xf32, #tpu.memory_space<vmem>>, vector<16xf32>,
      tpu.vector_store %arg13[%swap3A_178], %div3A_177 {strides = array<i32>} : memref<128xf32, #tpu.memory_space<vmem>>, vector<16xf32>,
      %get3A_180 = arith.constant 48 : index
      %get3A_181 = tpu.vector_load %arg11[%get3A_180] {strides = array<i32>} : memref<128xi32, #tpu.memory_space<vmem>>, vector<16xi32>,
      %get3A_182 = arith.constant 48 : index
      %get3A_183 = tpu.vector_load %arg12[%get3A_182] {strides = array<i32>} : memref<128xi32, #tpu.memory_space<vmem>>, vector<16xi32>,
      %gather3A_184 = tpu.vector_load_idx %arg8[%get3A_181] : memref<10240xf32, #tpu.memory_space<vmem>>[vector<16xi32>], vector<16xf32>,
      %gather3A_185 = tpu.vector_load_idx %arg9[%get3A_183] : memref<10240xf32, #tpu.memory_space<vmem>>[vector<16xi32>], vector<16xf32>,
      %add3A_186 = arith.addf %gather3A_184, %gather3A_185 : vector<16xf32>
      %mul3A_187 = arith.constant 2.000000e-01 : f32
      %mul3A_188 = vector.broadcast %mul3A_187 : f32 to vector<16xf32>
      %mul3A_189 = arith.mulf %mul3A_188, %add3A_186 : vector<16xf32>
      %max3A_190 = arith.maximumf %add3A_186, %mul3A_189 : vector<16xf32>
      %exp3A_191 = math.exp %max3A_190 : vector<16xf32>
      %add3A_192 = arith.constant 48 : i32
      %add3A_193 = arith.addi %add3A_95, %add3A_192 : i32
      %iota3A_194 = tpu.iota {dimensions = array<i32: 0>} : vector<16xi32>
      %add3A_195 = vector.broadcast %add3A_193 : i32 to vector<16xi32>
      %add3A_196 = arith.addi %add3A_195, %iota3A_194 : vector<16xi32>
      %lt3A_197 = arith.constant 330000 : i32
      %lt3A_198 = vector.broadcast %lt3A_197 : i32 to vector<16xi32>
      %lt3A_199 = arith.cmpi slt, %add3A_196, %lt3A_198 : vector<16xi32>
      %jit3A_200 = arith.constant 0.000000e+00 : f32
      %broadcast_in_dim3A_201 = vector.broadcast %jit3A_200 : f32 to vector<16xf32>
      %select_n3A_202 = arith.select %lt3A_199, %exp3A_191, %broadcast_in_dim3A_201 : vector<16xi1>, vector<16xf32>
      %gather3A_203 = tpu.vector_load_idx %arg10[%get3A_183] : memref<10240xf32, #tpu.memory_space<vmem>>[vector<16xi32>], vector<16xf32>,
      %add3A_204 = arith.constant 1.000000e-16 : f32
      %add3A_205 = vector.broadcast %add3A_204 : f32 to vector<16xf32>
      %add3A_206 = arith.addf %gather3A_203, %add3A_205 : vector<16xf32>
      %div3A_207 = arith.divf %select_n3A_202, %add3A_206 : vector<16xf32>
      %swap3A_208 = arith.constant 48 : index
      %swap3A_209 = tpu.vector_load %arg13[%swap3A_208] {strides = array<i32>} : memref<128xf32, #tpu.memory_space<vmem>>, vector<16xf32>,
      tpu.vector_store %arg13[%swap3A_208], %div3A_207 {strides = array<i32>} : memref<128xf32, #tpu.memory_space<vmem>>, vector<16xf32>,
      %get3A_210 = arith.constant 64 : index
      %get3A_211 = tpu.vector_load %arg11[%get3A_210] {strides = array<i32>} : memref<128xi32, #tpu.memory_space<vmem>>, vector<16xi32>,
      %get3A_212 = arith.constant 64 : index
      %get3A_213 = tpu.vector_load %arg12[%get3A_212] {strides = array<i32>} : memref<128xi32, #tpu.memory_space<vmem>>, vector<16xi32>,
      %gather3A_214 = tpu.vector_load_idx %arg8[%get3A_211] : memref<10240xf32, #tpu.memory_space<vmem>>[vector<16xi32>], vector<16xf32>,
      %gather3A_215 = tpu.vector_load_idx %arg9[%get3A_213] : memref<10240xf32, #tpu.memory_space<vmem>>[vector<16xi32>], vector<16xf32>,
      %add3A_216 = arith.addf %gather3A_214, %gather3A_215 : vector<16xf32>
      %mul3A_217 = arith.constant 2.000000e-01 : f32
      %mul3A_218 = vector.broadcast %mul3A_217 : f32 to vector<16xf32>
      %mul3A_219 = arith.mulf %mul3A_218, %add3A_216 : vector<16xf32>
      %max3A_220 = arith.maximumf %add3A_216, %mul3A_219 : vector<16xf32>
      %exp3A_221 = math.exp %max3A_220 : vector<16xf32>
      %add3A_222 = arith.constant 64 : i32
      %add3A_223 = arith.addi %add3A_95, %add3A_222 : i32
      %iota3A_224 = tpu.iota {dimensions = array<i32: 0>} : vector<16xi32>
      %add3A_225 = vector.broadcast %add3A_223 : i32 to vector<16xi32>
      %add3A_226 = arith.addi %add3A_225, %iota3A_224 : vector<16xi32>
      %lt3A_227 = arith.constant 330000 : i32
      %lt3A_228 = vector.broadcast %lt3A_227 : i32 to vector<16xi32>
      %lt3A_229 = arith.cmpi slt, %add3A_226, %lt3A_228 : vector<16xi32>
      %jit3A_230 = arith.constant 0.000000e+00 : f32
      %broadcast_in_dim3A_231 = vector.broadcast %jit3A_230 : f32 to vector<16xf32>
      %select_n3A_232 = arith.select %lt3A_229, %exp3A_221, %broadcast_in_dim3A_231 : vector<16xi1>, vector<16xf32>
      %gather3A_233 = tpu.vector_load_idx %arg10[%get3A_213] : memref<10240xf32, #tpu.memory_space<vmem>>[vector<16xi32>], vector<16xf32>,
      %add3A_234 = arith.constant 1.000000e-16 : f32
      %add3A_235 = vector.broadcast %add3A_234 : f32 to vector<16xf32>
      %add3A_236 = arith.addf %gather3A_233, %add3A_235 : vector<16xf32>
      %div3A_237 = arith.divf %select_n3A_232, %add3A_236 : vector<16xf32>
      %swap3A_238 = arith.constant 64 : index
      %swap3A_239 = tpu.vector_load %arg13[%swap3A_238] {strides = array<i32>} : memref<128xf32, #tpu.memory_space<vmem>>, vector<16xf32>,
      tpu.vector_store %arg13[%swap3A_238], %div3A_237 {strides = array<i32>} : memref<128xf32, #tpu.memory_space<vmem>>, vector<16xf32>,
      %get3A_240 = arith.constant 80 : index
      %get3A_241 = tpu.vector_load %arg11[%get3A_240] {strides = array<i32>} : memref<128xi32, #tpu.memory_space<vmem>>, vector<16xi32>,
      %get3A_242 = arith.constant 80 : index
      %get3A_243 = tpu.vector_load %arg12[%get3A_242] {strides = array<i32>} : memref<128xi32, #tpu.memory_space<vmem>>, vector<16xi32>,
      %gather3A_244 = tpu.vector_load_idx %arg8[%get3A_241] : memref<10240xf32, #tpu.memory_space<vmem>>[vector<16xi32>], vector<16xf32>,
      %gather3A_245 = tpu.vector_load_idx %arg9[%get3A_243] : memref<10240xf32, #tpu.memory_space<vmem>>[vector<16xi32>], vector<16xf32>,
      %add3A_246 = arith.addf %gather3A_244, %gather3A_245 : vector<16xf32>
      %mul3A_247 = arith.constant 2.000000e-01 : f32
      %mul3A_248 = vector.broadcast %mul3A_247 : f32 to vector<16xf32>
      %mul3A_249 = arith.mulf %mul3A_248, %add3A_246 : vector<16xf32>
      %max3A_250 = arith.maximumf %add3A_246, %mul3A_249 : vector<16xf32>
      %exp3A_251 = math.exp %max3A_250 : vector<16xf32>
      %add3A_252 = arith.constant 80 : i32
      %add3A_253 = arith.addi %add3A_95, %add3A_252 : i32
      %iota3A_254 = tpu.iota {dimensions = array<i32: 0>} : vector<16xi32>
      %add3A_255 = vector.broadcast %add3A_253 : i32 to vector<16xi32>
      %add3A_256 = arith.addi %add3A_255, %iota3A_254 : vector<16xi32>
      %lt3A_257 = arith.constant 330000 : i32
      %lt3A_258 = vector.broadcast %lt3A_257 : i32 to vector<16xi32>
      %lt3A_259 = arith.cmpi slt, %add3A_256, %lt3A_258 : vector<16xi32>
      %jit3A_260 = arith.constant 0.000000e+00 : f32
      %broadcast_in_dim3A_261 = vector.broadcast %jit3A_260 : f32 to vector<16xf32>
      %select_n3A_262 = arith.select %lt3A_259, %exp3A_251, %broadcast_in_dim3A_261 : vector<16xi1>, vector<16xf32>
      %gather3A_263 = tpu.vector_load_idx %arg10[%get3A_243] : memref<10240xf32, #tpu.memory_space<vmem>>[vector<16xi32>], vector<16xf32>,
      %add3A_264 = arith.constant 1.000000e-16 : f32
      %add3A_265 = vector.broadcast %add3A_264 : f32 to vector<16xf32>
      %add3A_266 = arith.addf %gather3A_263, %add3A_265 : vector<16xf32>
      %div3A_267 = arith.divf %select_n3A_262, %add3A_266 : vector<16xf32>
      %swap3A_268 = arith.constant 80 : index
      %swap3A_269 = tpu.vector_load %arg13[%swap3A_268] {strides = array<i32>} : memref<128xf32, #tpu.memory_space<vmem>>, vector<16xf32>,
      tpu.vector_store %arg13[%swap3A_268], %div3A_267 {strides = array<i32>} : memref<128xf32, #tpu.memory_space<vmem>>, vector<16xf32>,
      %get3A_270 = arith.constant 96 : index
      %get3A_271 = tpu.vector_load %arg11[%get3A_270] {strides = array<i32>} : memref<128xi32, #tpu.memory_space<vmem>>, vector<16xi32>,
      %get3A_272 = arith.constant 96 : index
      %get3A_273 = tpu.vector_load %arg12[%get3A_272] {strides = array<i32>} : memref<128xi32, #tpu.memory_space<vmem>>, vector<16xi32>,
      %gather3A_274 = tpu.vector_load_idx %arg8[%get3A_271] : memref<10240xf32, #tpu.memory_space<vmem>>[vector<16xi32>], vector<16xf32>,
      %gather3A_275 = tpu.vector_load_idx %arg9[%get3A_273] : memref<10240xf32, #tpu.memory_space<vmem>>[vector<16xi32>], vector<16xf32>,
      %add3A_276 = arith.addf %gather3A_274, %gather3A_275 : vector<16xf32>
      %mul3A_277 = arith.constant 2.000000e-01 : f32
      %mul3A_278 = vector.broadcast %mul3A_277 : f32 to vector<16xf32>
      %mul3A_279 = arith.mulf %mul3A_278, %add3A_276 : vector<16xf32>
      %max3A_280 = arith.maximumf %add3A_276, %mul3A_279 : vector<16xf32>
      %exp3A_281 = math.exp %max3A_280 : vector<16xf32>
      %add3A_282 = arith.constant 96 : i32
      %add3A_283 = arith.addi %add3A_95, %add3A_282 : i32
      %iota3A_284 = tpu.iota {dimensions = array<i32: 0>} : vector<16xi32>
      %add3A_285 = vector.broadcast %add3A_283 : i32 to vector<16xi32>
      %add3A_286 = arith.addi %add3A_285, %iota3A_284 : vector<16xi32>
      %lt3A_287 = arith.constant 330000 : i32
      %lt3A_288 = vector.broadcast %lt3A_287 : i32 to vector<16xi32>
      %lt3A_289 = arith.cmpi slt, %add3A_286, %lt3A_288 : vector<16xi32>
      %jit3A_290 = arith.constant 0.000000e+00 : f32
      %broadcast_in_dim3A_291 = vector.broadcast %jit3A_290 : f32 to vector<16xf32>
      %select_n3A_292 = arith.select %lt3A_289, %exp3A_281, %broadcast_in_dim3A_291 : vector<16xi1>, vector<16xf32>
      %gather3A_293 = tpu.vector_load_idx %arg10[%get3A_273] : memref<10240xf32, #tpu.memory_space<vmem>>[vector<16xi32>], vector<16xf32>,
      %add3A_294 = arith.constant 1.000000e-16 : f32
      %add3A_295 = vector.broadcast %add3A_294 : f32 to vector<16xf32>
      %add3A_296 = arith.addf %gather3A_293, %add3A_295 : vector<16xf32>
      %div3A_297 = arith.divf %select_n3A_292, %add3A_296 : vector<16xf32>
      %swap3A_298 = arith.constant 96 : index
      %swap3A_299 = tpu.vector_load %arg13[%swap3A_298] {strides = array<i32>} : memref<128xf32, #tpu.memory_space<vmem>>, vector<16xf32>,
      tpu.vector_store %arg13[%swap3A_298], %div3A_297 {strides = array<i32>} : memref<128xf32, #tpu.memory_space<vmem>>, vector<16xf32>,
      %get3A_300 = arith.constant 112 : index
      %get3A_301 = tpu.vector_load %arg11[%get3A_300] {strides = array<i32>} : memref<128xi32, #tpu.memory_space<vmem>>, vector<16xi32>,
      %get3A_302 = arith.constant 112 : index
      %get3A_303 = tpu.vector_load %arg12[%get3A_302] {strides = array<i32>} : memref<128xi32, #tpu.memory_space<vmem>>, vector<16xi32>,
      %gather3A_304 = tpu.vector_load_idx %arg8[%get3A_301] : memref<10240xf32, #tpu.memory_space<vmem>>[vector<16xi32>], vector<16xf32>,
      %gather3A_305 = tpu.vector_load_idx %arg9[%get3A_303] : memref<10240xf32, #tpu.memory_space<vmem>>[vector<16xi32>], vector<16xf32>,
      %add3A_306 = arith.addf %gather3A_304, %gather3A_305 : vector<16xf32>
      %mul3A_307 = arith.constant 2.000000e-01 : f32
      %mul3A_308 = vector.broadcast %mul3A_307 : f32 to vector<16xf32>
      %mul3A_309 = arith.mulf %mul3A_308, %add3A_306 : vector<16xf32>
      %max3A_310 = arith.maximumf %add3A_306, %mul3A_309 : vector<16xf32>
      %exp3A_311 = math.exp %max3A_310 : vector<16xf32>
      %add3A_312 = arith.constant 112 : i32
      %add3A_313 = arith.addi %add3A_95, %add3A_312 : i32
      %iota3A_314 = tpu.iota {dimensions = array<i32: 0>} : vector<16xi32>
      %add3A_315 = vector.broadcast %add3A_313 : i32 to vector<16xi32>
      %add3A_316 = arith.addi %add3A_315, %iota3A_314 : vector<16xi32>
      %lt3A_317 = arith.constant 330000 : i32
      %lt3A_318 = vector.broadcast %lt3A_317 : i32 to vector<16xi32>
      %lt3A_319 = arith.cmpi slt, %add3A_316, %lt3A_318 : vector<16xi32>
      %jit3A_320 = arith.constant 0.000000e+00 : f32
      %broadcast_in_dim3A_321 = vector.broadcast %jit3A_320 : f32 to vector<16xf32>
      %select_n3A_322 = arith.select %lt3A_319, %exp3A_311, %broadcast_in_dim3A_321 : vector<16xi1>, vector<16xf32>
      %gather3A_323 = tpu.vector_load_idx %arg10[%get3A_303] : memref<10240xf32, #tpu.memory_space<vmem>>[vector<16xi32>], vector<16xf32>,
      %add3A_324 = arith.constant 1.000000e-16 : f32
      %add3A_325 = vector.broadcast %add3A_324 : f32 to vector<16xf32>
      %add3A_326 = arith.addf %gather3A_323, %add3A_325 : vector<16xf32>
      %div3A_327 = arith.divf %select_n3A_322, %add3A_326 : vector<16xf32>
      %swap3A_328 = arith.constant 112 : index
      %swap3A_329 = tpu.vector_load %arg13[%swap3A_328] {strides = array<i32>} : memref<128xf32, #tpu.memory_space<vmem>>, vector<16xf32>,
      tpu.vector_store %arg13[%swap3A_328], %div3A_327 {strides = array<i32>} : memref<128xf32, #tpu.memory_space<vmem>>, vector<16xf32>,
      %scan3A_330 = arith.constant 0 : i32
      %scan3A_331 = arith.constant 0 : i32
      %scan3A_332 = arith.constant 128 : i32
      %scan3A_333 = arith.addi %scan3A_331, %scan3A_332 : i32
      %scan3A_334 = arith.constant 1 : i32
      %scan3A_335 = scf.for %scan3A_338 = %scan3A_331 to %scan3A_333 step %scan3A_334 iter_args(%scan3A_339 = %scan3A_330) -> (i32)  : i32 {
        %broadcast_in_dim3A_340 = vector.broadcast %scan3A_338 : i32 to vector<16xi32>
        %gather3A_341 = tpu.vector_load_idx %arg13[%broadcast_in_dim3A_340] : memref<128xf32, #tpu.memory_space<vmem>>[vector<16xi32>], vector<16xf32>,
        %get3A_342 = arith.index_cast %scan3A_338 : i32 to index
        %get3A_343 = arith.constant 0 : index
        %get3A_344 = tpu.vector_load %arg7[%get3A_342, %get3A_343] {strides = array<i32>} : memref<128x128xf32, #tpu.memory_space<vmem>>, vector<16xf32>,
        %mul3A_345 = arith.mulf %get3A_344, %gather3A_341 : vector<16xf32>
        %swap3A_346 = arith.index_cast %scan3A_338 : i32 to index
        %swap3A_347 = arith.constant 0 : index
        %swap3A_348 = tpu.vector_load %arg7[%swap3A_346, %swap3A_347] {strides = array<i32>} : memref<128x128xf32, #tpu.memory_space<vmem>>, vector<16xf32>,
        tpu.vector_store %arg7[%swap3A_346, %swap3A_347], %mul3A_345 {strides = array<i32>} : memref<128x128xf32, #tpu.memory_space<vmem>>, vector<16xf32>,
        %get3A_349 = arith.index_cast %scan3A_338 : i32 to index
        %get3A_350 = arith.constant 16 : index
        %get3A_351 = tpu.vector_load %arg7[%get3A_349, %get3A_350] {strides = array<i32>} : memref<128x128xf32, #tpu.memory_space<vmem>>, vector<16xf32>,
        %mul3A_352 = arith.mulf %get3A_351, %gather3A_341 : vector<16xf32>
        %swap3A_353 = arith.index_cast %scan3A_338 : i32 to index
        %swap3A_354 = arith.constant 16 : index
        %swap3A_355 = tpu.vector_load %arg7[%swap3A_353, %swap3A_354] {strides = array<i32>} : memref<128x128xf32, #tpu.memory_space<vmem>>, vector<16xf32>,
        tpu.vector_store %arg7[%swap3A_353, %swap3A_354], %mul3A_352 {strides = array<i32>} : memref<128x128xf32, #tpu.memory_space<vmem>>, vector<16xf32>,
        %get3A_356 = arith.index_cast %scan3A_338 : i32 to index
        %get3A_357 = arith.constant 32 : index
        %get3A_358 = tpu.vector_load %arg7[%get3A_356, %get3A_357] {strides = array<i32>} : memref<128x128xf32, #tpu.memory_space<vmem>>, vector<16xf32>,
        %mul3A_359 = arith.mulf %get3A_358, %gather3A_341 : vector<16xf32>
        %swap3A_360 = arith.index_cast %scan3A_338 : i32 to index
        %swap3A_361 = arith.constant 32 : index
        %swap3A_362 = tpu.vector_load %arg7[%swap3A_360, %swap3A_361] {strides = array<i32>} : memref<128x128xf32, #tpu.memory_space<vmem>>, vector<16xf32>,
        tpu.vector_store %arg7[%swap3A_360, %swap3A_361], %mul3A_359 {strides = array<i32>} : memref<128x128xf32, #tpu.memory_space<vmem>>, vector<16xf32>,
        %get3A_363 = arith.index_cast %scan3A_338 : i32 to index
        %get3A_364 = arith.constant 48 : index
        %get3A_365 = tpu.vector_load %arg7[%get3A_363, %get3A_364] {strides = array<i32>} : memref<128x128xf32, #tpu.memory_space<vmem>>, vector<16xf32>,
        %mul3A_366 = arith.mulf %get3A_365, %gather3A_341 : vector<16xf32>
        %swap3A_367 = arith.index_cast %scan3A_338 : i32 to index
        %swap3A_368 = arith.constant 48 : index
        %swap3A_369 = tpu.vector_load %arg7[%swap3A_367, %swap3A_368] {strides = array<i32>} : memref<128x128xf32, #tpu.memory_space<vmem>>, vector<16xf32>,
        tpu.vector_store %arg7[%swap3A_367, %swap3A_368], %mul3A_366 {strides = array<i32>} : memref<128x128xf32, #tpu.memory_space<vmem>>, vector<16xf32>,
        %get3A_370 = arith.index_cast %scan3A_338 : i32 to index
        %get3A_371 = arith.constant 64 : index
        %get3A_372 = tpu.vector_load %arg7[%get3A_370, %get3A_371] {strides = array<i32>} : memref<128x128xf32, #tpu.memory_space<vmem>>, vector<16xf32>,
        %mul3A_373 = arith.mulf %get3A_372, %gather3A_341 : vector<16xf32>
        %swap3A_374 = arith.index_cast %scan3A_338 : i32 to index
        %swap3A_375 = arith.constant 64 : index
        %swap3A_376 = tpu.vector_load %arg7[%swap3A_374, %swap3A_375] {strides = array<i32>} : memref<128x128xf32, #tpu.memory_space<vmem>>, vector<16xf32>,
        tpu.vector_store %arg7[%swap3A_374, %swap3A_375], %mul3A_373 {strides = array<i32>} : memref<128x128xf32, #tpu.memory_space<vmem>>, vector<16xf32>,
        %get3A_377 = arith.index_cast %scan3A_338 : i32 to index
        %get3A_378 = arith.constant 80 : index
        %get3A_379 = tpu.vector_load %arg7[%get3A_377, %get3A_378] {strides = array<i32>} : memref<128x128xf32, #tpu.memory_space<vmem>>, vector<16xf32>,
        %mul3A_380 = arith.mulf %get3A_379, %gather3A_341 : vector<16xf32>
        %swap3A_381 = arith.index_cast %scan3A_338 : i32 to index
        %swap3A_382 = arith.constant 80 : index
        %swap3A_383 = tpu.vector_load %arg7[%swap3A_381, %swap3A_382] {strides = array<i32>} : memref<128x128xf32, #tpu.memory_space<vmem>>, vector<16xf32>,
        tpu.vector_store %arg7[%swap3A_381, %swap3A_382], %mul3A_380 {strides = array<i32>} : memref<128x128xf32, #tpu.memory_space<vmem>>, vector<16xf32>,
        %get3A_384 = arith.index_cast %scan3A_338 : i32 to index
        %get3A_385 = arith.constant 96 : index
        %get3A_386 = tpu.vector_load %arg7[%get3A_384, %get3A_385] {strides = array<i32>} : memref<128x128xf32, #tpu.memory_space<vmem>>, vector<16xf32>,
        %mul3A_387 = arith.mulf %get3A_386, %gather3A_341 : vector<16xf32>
        %swap3A_388 = arith.index_cast %scan3A_338 : i32 to index
        %swap3A_389 = arith.constant 96 : index
        %swap3A_390 = tpu.vector_load %arg7[%swap3A_388, %swap3A_389] {strides = array<i32>} : memref<128x128xf32, #tpu.memory_space<vmem>>, vector<16xf32>,
        tpu.vector_store %arg7[%swap3A_388, %swap3A_389], %mul3A_387 {strides = array<i32>} : memref<128x128xf32, #tpu.memory_space<vmem>>, vector<16xf32>,
        %get3A_391 = arith.index_cast %scan3A_338 : i32 to index
        %get3A_392 = arith.constant 112 : index
        %get3A_393 = tpu.vector_load %arg7[%get3A_391, %get3A_392] {strides = array<i32>} : memref<128x128xf32, #tpu.memory_space<vmem>>, vector<16xf32>,
        %mul3A_394 = arith.mulf %get3A_393, %gather3A_341 : vector<16xf32>
        %swap3A_395 = arith.index_cast %scan3A_338 : i32 to index
        %swap3A_396 = arith.constant 112 : index
        %swap3A_397 = tpu.vector_load %arg7[%swap3A_395, %swap3A_396] {strides = array<i32>} : memref<128x128xf32, #tpu.memory_space<vmem>>, vector<16xf32>,
        tpu.vector_store %arg7[%swap3A_395, %swap3A_396], %mul3A_394 {strides = array<i32>} : memref<128x128xf32, #tpu.memory_space<vmem>>, vector<16xf32>,
        %scan3A_398 = arith.constant 0 : i32
        scf.yield %scan3A_398 : i32
      }
      %scan3A_336 = arith.constant 128 : i32
      "tpu.region"() ({
        %run_scoped3A_338 = tpu.sem_alloc : memref<!tpu.dma_semaphore, #tpu.memory_space<semaphore_mem>>
        %dma_start3A_339 = arith.constant 0 : i32
        %dma_start3A_340 = arith.constant 0 : i32
        %dma_start3A_341 = tpu.memref_slice %arg15[%dma_start3A_339, %dma_start3A_340] : memref<10240x128xf32, #tpu.memory_space<vmem_shared>> -> memref<10240x128xf32, #tpu.memory_space<vmem_shared>>
        tpu.enqueue_indirect_dma source(%arg7 : memref<128x128xf32, #tpu.memory_space<vmem>>) target(%dma_start3A_341 : memref<10240x128xf32, #tpu.memory_space<vmem_shared>>) offsets(%arg12 : memref<128xi32, #tpu.memory_space<vmem>>) semaphore(%run_scoped3A_338 : memref<!tpu.dma_semaphore, #tpu.memory_space<semaphore_mem>>) {add = true}
        %dma_wait3A_342 = arith.constant 0 : i32
        %dma_wait3A_343 = arith.constant 0 : i32
        %dma_wait3A_344 = tpu.memref_slice %arg15[%dma_wait3A_342, %dma_wait3A_343] : memref<10240x128xf32, #tpu.memory_space<vmem_shared>> -> memref<10240x128xf32, #tpu.memory_space<vmem_shared>>
        tpu.wait_indirect_dma semaphore(%run_scoped3A_338 : memref<!tpu.dma_semaphore, #tpu.memory_space<semaphore_mem>>) src(%arg7 : memref<128x128xf32, #tpu.memory_space<vmem>>) dst(%dma_wait3A_344 : memref<10240x128xf32, #tpu.memory_space<vmem_shared>>)
        tpu.yield
      }) : () -> ()
      %scan3A_337 = arith.constant 0 : i32
      scf.yield %scan3A_337 : i32
    }
    %scan3A_49 = arith.constant 81 : i32
    %barrier3A_50 = arith.constant 0 : index
    tpu.barrier barrier_id(%barrier3A_50)
    %mul3A_51 = arith.constant 640 : i32
    %mul3A_52 = arith.muli %arg1, %mul3A_51 : i32
    %add3A_53 = arith.constant 0 : i32
    %add3A_54 = arith.addi %mul3A_52, %add3A_53 : i32
    "tpu.region"() ({
      %run_scoped3A_86 = tpu.sem_alloc : memref<!tpu.dma_semaphore, #tpu.memory_space<semaphore_mem>>
      %dma_start3A = arith.constant 0 : i32
      %dma_start3A_87 = tpu.memref_slice %arg15[%add3A_54, %dma_start3A] : memref<10240x128xf32, #tpu.memory_space<vmem_shared>> -> memref<128x128xf32, #tpu.memory_space<vmem_shared>>
      %dma_start3A_88 = arith.constant 0 : i32
      %dma_start3A_89 = tpu.memref_slice %arg15[%add3A_54, %dma_start3A_88] : memref<10240x128xf32, #tpu.memory_space<vmem_shared>> -> memref<128x128xf32, #tpu.memory_space<vmem_shared>>
      tpu.enqueue_dma source(%dma_start3A_89 : memref<128x128xf32, #tpu.memory_space<vmem_shared>>) target(%arg7 : memref<128x128xf32, #tpu.memory_space<vmem>>) target_semaphore(%run_scoped3A_86 : memref<!tpu.dma_semaphore, #tpu.memory_space<semaphore_mem>>)
      %dma_wait3A = arith.constant 0 : i32
      %dma_wait3A_90 = tpu.memref_slice %arg15[%add3A_54, %dma_wait3A] : memref<10240x128xf32, #tpu.memory_space<vmem_shared>> -> memref<128x128xf32, #tpu.memory_space<vmem_shared>>
      %dma_wait3A_91 = arith.constant 0 : i32
      %dma_wait3A_92 = tpu.memref_slice %arg15[%add3A_54, %dma_wait3A_91] : memref<10240x128xf32, #tpu.memory_space<vmem_shared>> -> memref<128x128xf32, #tpu.memory_space<vmem_shared>>
      tpu.wait_dma2 semaphore(%run_scoped3A_86 : memref<!tpu.dma_semaphore, #tpu.memory_space<semaphore_mem>>) src(%dma_wait3A_92 : memref<128x128xf32, #tpu.memory_space<vmem_shared>>) dst(%arg7 : memref<128x128xf32, #tpu.memory_space<vmem>>)
      tpu.yield
    }) : () -> ()
    %mul3A_55 = arith.constant 10240 : i32
    %mul3A_56 = arith.muli %arg0, %mul3A_55 : i32
    %add3A_57 = arith.addi %mul3A_56, %add3A_54 : i32
    "tpu.region"() ({
      %run_scoped3A_86 = tpu.sem_alloc : memref<!tpu.dma_semaphore, #tpu.memory_space<semaphore_mem>>
      %dma_start3A = arith.constant 0 : i32
      %dma_start3A_87 = tpu.memref_slice %arg6[%add3A_57, %dma_start3A] : memref<20480x128xf32, #tpu.memory_space<hbm>> -> memref<128x128xf32, #tpu.memory_space<hbm>>
      %dma_start3A_88 = arith.constant 0 : i32
      %dma_start3A_89 = tpu.memref_slice %arg6[%add3A_57, %dma_start3A_88] : memref<20480x128xf32, #tpu.memory_space<hbm>> -> memref<128x128xf32, #tpu.memory_space<hbm>>
      tpu.enqueue_dma source(%arg7 : memref<128x128xf32, #tpu.memory_space<vmem>>) target(%dma_start3A_89 : memref<128x128xf32, #tpu.memory_space<hbm>>) target_semaphore(%run_scoped3A_86 : memref<!tpu.dma_semaphore, #tpu.memory_space<semaphore_mem>>)
      %dma_wait3A = arith.constant 0 : i32
      %dma_wait3A_90 = tpu.memref_slice %arg6[%add3A_57, %dma_wait3A] : memref<20480x128xf32, #tpu.memory_space<hbm>> -> memref<128x128xf32, #tpu.memory_space<hbm>>
      %dma_wait3A_91 = arith.constant 0 : i32
      %dma_wait3A_92 = tpu.memref_slice %arg6[%add3A_57, %dma_wait3A_91] : memref<20480x128xf32, #tpu.memory_space<hbm>> -> memref<128x128xf32, #tpu.memory_space<hbm>>
      tpu.wait_dma2 semaphore(%run_scoped3A_86 : memref<!tpu.dma_semaphore, #tpu.memory_space<semaphore_mem>>) src(%arg7 : memref<128x128xf32, #tpu.memory_space<vmem>>) dst(%dma_wait3A_92 : memref<128x128xf32, #tpu.memory_space<hbm>>)
      tpu.yield
    }) : () -> ()
    %mul3A_58 = arith.constant 640 : i32
    %mul3A_59 = arith.muli %arg1, %mul3A_58 : i32
    %add3A_60 = arith.constant 128 : i32
    %add3A_61 = arith.addi %mul3A_59, %add3A_60 : i32
    "tpu.region"() ({
      %run_scoped3A_86 = tpu.sem_alloc : memref<!tpu.dma_semaphore, #tpu.memory_space<semaphore_mem>>
      %dma_start3A = arith.constant 0 : i32
      %dma_start3A_87 = tpu.memref_slice %arg15[%add3A_61, %dma_start3A] : memref<10240x128xf32, #tpu.memory_space<vmem_shared>> -> memref<128x128xf32, #tpu.memory_space<vmem_shared>>
      %dma_start3A_88 = arith.constant 0 : i32
      %dma_start3A_89 = tpu.memref_slice %arg15[%add3A_61, %dma_start3A_88] : memref<10240x128xf32, #tpu.memory_space<vmem_shared>> -> memref<128x128xf32, #tpu.memory_space<vmem_shared>>
      tpu.enqueue_dma source(%dma_start3A_89 : memref<128x128xf32, #tpu.memory_space<vmem_shared>>) target(%arg7 : memref<128x128xf32, #tpu.memory_space<vmem>>) target_semaphore(%run_scoped3A_86 : memref<!tpu.dma_semaphore, #tpu.memory_space<semaphore_mem>>)
      %dma_wait3A = arith.constant 0 : i32
      %dma_wait3A_90 = tpu.memref_slice %arg15[%add3A_61, %dma_wait3A] : memref<10240x128xf32, #tpu.memory_space<vmem_shared>> -> memref<128x128xf32, #tpu.memory_space<vmem_shared>>
      %dma_wait3A_91 = arith.constant 0 : i32
      %dma_wait3A_92 = tpu.memref_slice %arg15[%add3A_61, %dma_wait3A_91] : memref<10240x128xf32, #tpu.memory_space<vmem_shared>> -> memref<128x128xf32, #tpu.memory_space<vmem_shared>>
      tpu.wait_dma2 semaphore(%run_scoped3A_86 : memref<!tpu.dma_semaphore, #tpu.memory_space<semaphore_mem>>) src(%dma_wait3A_92 : memref<128x128xf32, #tpu.memory_space<vmem_shared>>) dst(%arg7 : memref<128x128xf32, #tpu.memory_space<vmem>>)
      tpu.yield
    }) : () -> ()
    %mul3A_62 = arith.constant 10240 : i32
    %mul3A_63 = arith.muli %arg0, %mul3A_62 : i32
    %add3A_64 = arith.addi %mul3A_63, %add3A_61 : i32
    "tpu.region"() ({
      %run_scoped3A_86 = tpu.sem_alloc : memref<!tpu.dma_semaphore, #tpu.memory_space<semaphore_mem>>
      %dma_start3A = arith.constant 0 : i32
      %dma_start3A_87 = tpu.memref_slice %arg6[%add3A_64, %dma_start3A] : memref<20480x128xf32, #tpu.memory_space<hbm>> -> memref<128x128xf32, #tpu.memory_space<hbm>>
      %dma_start3A_88 = arith.constant 0 : i32
      %dma_start3A_89 = tpu.memref_slice %arg6[%add3A_64, %dma_start3A_88] : memref<20480x128xf32, #tpu.memory_space<hbm>> -> memref<128x128xf32, #tpu.memory_space<hbm>>
      tpu.enqueue_dma source(%arg7 : memref<128x128xf32, #tpu.memory_space<vmem>>) target(%dma_start3A_89 : memref<128x128xf32, #tpu.memory_space<hbm>>) target_semaphore(%run_scoped3A_86 : memref<!tpu.dma_semaphore, #tpu.memory_space<semaphore_mem>>)
      %dma_wait3A = arith.constant 0 : i32
      %dma_wait3A_90 = tpu.memref_slice %arg6[%add3A_64, %dma_wait3A] : memref<20480x128xf32, #tpu.memory_space<hbm>> -> memref<128x128xf32, #tpu.memory_space<hbm>>
      %dma_wait3A_91 = arith.constant 0 : i32
      %dma_wait3A_92 = tpu.memref_slice %arg6[%add3A_64, %dma_wait3A_91] : memref<20480x128xf32, #tpu.memory_space<hbm>> -> memref<128x128xf32, #tpu.memory_space<hbm>>
      tpu.wait_dma2 semaphore(%run_scoped3A_86 : memref<!tpu.dma_semaphore, #tpu.memory_space<semaphore_mem>>) src(%arg7 : memref<128x128xf32, #tpu.memory_space<vmem>>) dst(%dma_wait3A_92 : memref<128x128xf32, #tpu.memory_space<hbm>>)
      tpu.yield
    }) : () -> ()
    %mul3A_65 = arith.constant 640 : i32
    %mul3A_66 = arith.muli %arg1, %mul3A_65 : i32
    %add3A_67 = arith.constant 256 : i32
    %add3A_68 = arith.addi %mul3A_66, %add3A_67 : i32
    "tpu.region"() ({
      %run_scoped3A_86 = tpu.sem_alloc : memref<!tpu.dma_semaphore, #tpu.memory_space<semaphore_mem>>
      %dma_start3A = arith.constant 0 : i32
      %dma_start3A_87 = tpu.memref_slice %arg15[%add3A_68, %dma_start3A] : memref<10240x128xf32, #tpu.memory_space<vmem_shared>> -> memref<128x128xf32, #tpu.memory_space<vmem_shared>>
      %dma_start3A_88 = arith.constant 0 : i32
      %dma_start3A_89 = tpu.memref_slice %arg15[%add3A_68, %dma_start3A_88] : memref<10240x128xf32, #tpu.memory_space<vmem_shared>> -> memref<128x128xf32, #tpu.memory_space<vmem_shared>>
      tpu.enqueue_dma source(%dma_start3A_89 : memref<128x128xf32, #tpu.memory_space<vmem_shared>>) target(%arg7 : memref<128x128xf32, #tpu.memory_space<vmem>>) target_semaphore(%run_scoped3A_86 : memref<!tpu.dma_semaphore, #tpu.memory_space<semaphore_mem>>)
      %dma_wait3A = arith.constant 0 : i32
      %dma_wait3A_90 = tpu.memref_slice %arg15[%add3A_68, %dma_wait3A] : memref<10240x128xf32, #tpu.memory_space<vmem_shared>> -> memref<128x128xf32, #tpu.memory_space<vmem_shared>>
      %dma_wait3A_91 = arith.constant 0 : i32
      %dma_wait3A_92 = tpu.memref_slice %arg15[%add3A_68, %dma_wait3A_91] : memref<10240x128xf32, #tpu.memory_space<vmem_shared>> -> memref<128x128xf32, #tpu.memory_space<vmem_shared>>
      tpu.wait_dma2 semaphore(%run_scoped3A_86 : memref<!tpu.dma_semaphore, #tpu.memory_space<semaphore_mem>>) src(%dma_wait3A_92 : memref<128x128xf32, #tpu.memory_space<vmem_shared>>) dst(%arg7 : memref<128x128xf32, #tpu.memory_space<vmem>>)
      tpu.yield
    }) : () -> ()
    %mul3A_69 = arith.constant 10240 : i32
    %mul3A_70 = arith.muli %arg0, %mul3A_69 : i32
    %add3A_71 = arith.addi %mul3A_70, %add3A_68 : i32
    "tpu.region"() ({
      %run_scoped3A_86 = tpu.sem_alloc : memref<!tpu.dma_semaphore, #tpu.memory_space<semaphore_mem>>
      %dma_start3A = arith.constant 0 : i32
      %dma_start3A_87 = tpu.memref_slice %arg6[%add3A_71, %dma_start3A] : memref<20480x128xf32, #tpu.memory_space<hbm>> -> memref<128x128xf32, #tpu.memory_space<hbm>>
      %dma_start3A_88 = arith.constant 0 : i32
      %dma_start3A_89 = tpu.memref_slice %arg6[%add3A_71, %dma_start3A_88] : memref<20480x128xf32, #tpu.memory_space<hbm>> -> memref<128x128xf32, #tpu.memory_space<hbm>>
      tpu.enqueue_dma source(%arg7 : memref<128x128xf32, #tpu.memory_space<vmem>>) target(%dma_start3A_89 : memref<128x128xf32, #tpu.memory_space<hbm>>) target_semaphore(%run_scoped3A_86 : memref<!tpu.dma_semaphore, #tpu.memory_space<semaphore_mem>>)
      %dma_wait3A = arith.constant 0 : i32
      %dma_wait3A_90 = tpu.memref_slice %arg6[%add3A_71, %dma_wait3A] : memref<20480x128xf32, #tpu.memory_space<hbm>> -> memref<128x128xf32, #tpu.memory_space<hbm>>
      %dma_wait3A_91 = arith.constant 0 : i32
      %dma_wait3A_92 = tpu.memref_slice %arg6[%add3A_71, %dma_wait3A_91] : memref<20480x128xf32, #tpu.memory_space<hbm>> -> memref<128x128xf32, #tpu.memory_space<hbm>>
      tpu.wait_dma2 semaphore(%run_scoped3A_86 : memref<!tpu.dma_semaphore, #tpu.memory_space<semaphore_mem>>) src(%arg7 : memref<128x128xf32, #tpu.memory_space<vmem>>) dst(%dma_wait3A_92 : memref<128x128xf32, #tpu.memory_space<hbm>>)
      tpu.yield
    }) : () -> ()
    %mul3A_72 = arith.constant 640 : i32
    %mul3A_73 = arith.muli %arg1, %mul3A_72 : i32
    %add3A_74 = arith.constant 384 : i32
    %add3A_75 = arith.addi %mul3A_73, %add3A_74 : i32
    "tpu.region"() ({
      %run_scoped3A_86 = tpu.sem_alloc : memref<!tpu.dma_semaphore, #tpu.memory_space<semaphore_mem>>
      %dma_start3A = arith.constant 0 : i32
      %dma_start3A_87 = tpu.memref_slice %arg15[%add3A_75, %dma_start3A] : memref<10240x128xf32, #tpu.memory_space<vmem_shared>> -> memref<128x128xf32, #tpu.memory_space<vmem_shared>>
      %dma_start3A_88 = arith.constant 0 : i32
      %dma_start3A_89 = tpu.memref_slice %arg15[%add3A_75, %dma_start3A_88] : memref<10240x128xf32, #tpu.memory_space<vmem_shared>> -> memref<128x128xf32, #tpu.memory_space<vmem_shared>>
      tpu.enqueue_dma source(%dma_start3A_89 : memref<128x128xf32, #tpu.memory_space<vmem_shared>>) target(%arg7 : memref<128x128xf32, #tpu.memory_space<vmem>>) target_semaphore(%run_scoped3A_86 : memref<!tpu.dma_semaphore, #tpu.memory_space<semaphore_mem>>)
      %dma_wait3A = arith.constant 0 : i32
      %dma_wait3A_90 = tpu.memref_slice %arg15[%add3A_75, %dma_wait3A] : memref<10240x128xf32, #tpu.memory_space<vmem_shared>> -> memref<128x128xf32, #tpu.memory_space<vmem_shared>>
      %dma_wait3A_91 = arith.constant 0 : i32
      %dma_wait3A_92 = tpu.memref_slice %arg15[%add3A_75, %dma_wait3A_91] : memref<10240x128xf32, #tpu.memory_space<vmem_shared>> -> memref<128x128xf32, #tpu.memory_space<vmem_shared>>
      tpu.wait_dma2 semaphore(%run_scoped3A_86 : memref<!tpu.dma_semaphore, #tpu.memory_space<semaphore_mem>>) src(%dma_wait3A_92 : memref<128x128xf32, #tpu.memory_space<vmem_shared>>) dst(%arg7 : memref<128x128xf32, #tpu.memory_space<vmem>>)
      tpu.yield
    }) : () -> ()
    %mul3A_76 = arith.constant 10240 : i32
    %mul3A_77 = arith.muli %arg0, %mul3A_76 : i32
    %add3A_78 = arith.addi %mul3A_77, %add3A_75 : i32
    "tpu.region"() ({
      %run_scoped3A_86 = tpu.sem_alloc : memref<!tpu.dma_semaphore, #tpu.memory_space<semaphore_mem>>
      %dma_start3A = arith.constant 0 : i32
      %dma_start3A_87 = tpu.memref_slice %arg6[%add3A_78, %dma_start3A] : memref<20480x128xf32, #tpu.memory_space<hbm>> -> memref<128x128xf32, #tpu.memory_space<hbm>>
      %dma_start3A_88 = arith.constant 0 : i32
      %dma_start3A_89 = tpu.memref_slice %arg6[%add3A_78, %dma_start3A_88] : memref<20480x128xf32, #tpu.memory_space<hbm>> -> memref<128x128xf32, #tpu.memory_space<hbm>>
      tpu.enqueue_dma source(%arg7 : memref<128x128xf32, #tpu.memory_space<vmem>>) target(%dma_start3A_89 : memref<128x128xf32, #tpu.memory_space<hbm>>) target_semaphore(%run_scoped3A_86 : memref<!tpu.dma_semaphore, #tpu.memory_space<semaphore_mem>>)
      %dma_wait3A = arith.constant 0 : i32
      %dma_wait3A_90 = tpu.memref_slice %arg6[%add3A_78, %dma_wait3A] : memref<20480x128xf32, #tpu.memory_space<hbm>> -> memref<128x128xf32, #tpu.memory_space<hbm>>
      %dma_wait3A_91 = arith.constant 0 : i32
      %dma_wait3A_92 = tpu.memref_slice %arg6[%add3A_78, %dma_wait3A_91] : memref<20480x128xf32, #tpu.memory_space<hbm>> -> memref<128x128xf32, #tpu.memory_space<hbm>>
      tpu.wait_dma2 semaphore(%run_scoped3A_86 : memref<!tpu.dma_semaphore, #tpu.memory_space<semaphore_mem>>) src(%arg7 : memref<128x128xf32, #tpu.memory_space<vmem>>) dst(%dma_wait3A_92 : memref<128x128xf32, #tpu.memory_space<hbm>>)
      tpu.yield
    }) : () -> ()
    %mul3A_79 = arith.constant 640 : i32
    %mul3A_80 = arith.muli %arg1, %mul3A_79 : i32
    %add3A_81 = arith.constant 512 : i32
    %add3A_82 = arith.addi %mul3A_80, %add3A_81 : i32
    "tpu.region"() ({
      %run_scoped3A_86 = tpu.sem_alloc : memref<!tpu.dma_semaphore, #tpu.memory_space<semaphore_mem>>
      %dma_start3A = arith.constant 0 : i32
      %dma_start3A_87 = tpu.memref_slice %arg15[%add3A_82, %dma_start3A] : memref<10240x128xf32, #tpu.memory_space<vmem_shared>> -> memref<128x128xf32, #tpu.memory_space<vmem_shared>>
      %dma_start3A_88 = arith.constant 0 : i32
      %dma_start3A_89 = tpu.memref_slice %arg15[%add3A_82, %dma_start3A_88] : memref<10240x128xf32, #tpu.memory_space<vmem_shared>> -> memref<128x128xf32, #tpu.memory_space<vmem_shared>>
      tpu.enqueue_dma source(%dma_start3A_89 : memref<128x128xf32, #tpu.memory_space<vmem_shared>>) target(%arg7 : memref<128x128xf32, #tpu.memory_space<vmem>>) target_semaphore(%run_scoped3A_86 : memref<!tpu.dma_semaphore, #tpu.memory_space<semaphore_mem>>)
      %dma_wait3A = arith.constant 0 : i32
      %dma_wait3A_90 = tpu.memref_slice %arg15[%add3A_82, %dma_wait3A] : memref<10240x128xf32, #tpu.memory_space<vmem_shared>> -> memref<128x128xf32, #tpu.memory_space<vmem_shared>>
      %dma_wait3A_91 = arith.constant 0 : i32
      %dma_wait3A_92 = tpu.memref_slice %arg15[%add3A_82, %dma_wait3A_91] : memref<10240x128xf32, #tpu.memory_space<vmem_shared>> -> memref<128x128xf32, #tpu.memory_space<vmem_shared>>
      tpu.wait_dma2 semaphore(%run_scoped3A_86 : memref<!tpu.dma_semaphore, #tpu.memory_space<semaphore_mem>>) src(%dma_wait3A_92 : memref<128x128xf32, #tpu.memory_space<vmem_shared>>) dst(%arg7 : memref<128x128xf32, #tpu.memory_space<vmem>>)
      tpu.yield
    }) : () -> ()
    %mul3A_83 = arith.constant 10240 : i32
    %mul3A_84 = arith.muli %arg0, %mul3A_83 : i32
    %add3A_85 = arith.addi %mul3A_84, %add3A_82 : i32
    "tpu.region"() ({
      %run_scoped3A_86 = tpu.sem_alloc : memref<!tpu.dma_semaphore, #tpu.memory_space<semaphore_mem>>
      %dma_start3A = arith.constant 0 : i32
      %dma_start3A_87 = tpu.memref_slice %arg6[%add3A_85, %dma_start3A] : memref<20480x128xf32, #tpu.memory_space<hbm>> -> memref<128x128xf32, #tpu.memory_space<hbm>>
      %dma_start3A_88 = arith.constant 0 : i32
      %dma_start3A_89 = tpu.memref_slice %arg6[%add3A_85, %dma_start3A_88] : memref<20480x128xf32, #tpu.memory_space<hbm>> -> memref<128x128xf32, #tpu.memory_space<hbm>>
      tpu.enqueue_dma source(%arg7 : memref<128x128xf32, #tpu.memory_space<vmem>>) target(%dma_start3A_89 : memref<128x128xf32, #tpu.memory_space<hbm>>) target_semaphore(%run_scoped3A_86 : memref<!tpu.dma_semaphore, #tpu.memory_space<semaphore_mem>>)
      %dma_wait3A = arith.constant 0 : i32
      %dma_wait3A_90 = tpu.memref_slice %arg6[%add3A_85, %dma_wait3A] : memref<20480x128xf32, #tpu.memory_space<hbm>> -> memref<128x128xf32, #tpu.memory_space<hbm>>
      %dma_wait3A_91 = arith.constant 0 : i32
      %dma_wait3A_92 = tpu.memref_slice %arg6[%add3A_85, %dma_wait3A_91] : memref<20480x128xf32, #tpu.memory_space<hbm>> -> memref<128x128xf32, #tpu.memory_space<hbm>>
      tpu.wait_dma2 semaphore(%run_scoped3A_86 : memref<!tpu.dma_semaphore, #tpu.memory_space<semaphore_mem>>) src(%arg7 : memref<128x128xf32, #tpu.memory_space<vmem>>) dst(%dma_wait3A_92 : memref<128x128xf32, #tpu.memory_space<hbm>>)
      tpu.yield
    }) : () -> ()
    return
  }
}

module attributes {stable_mosaic.version = 14 : i64} {
  func.func @_mm1_body(%arg0: i32, %arg1: i32, %arg2: memref<256x128xf32, #tpu.memory_space<vmem>>, %arg3: memref<128x128xf32, #tpu.memory_space<vmem>>, %arg4: memref<1x256x128xf32, #tpu.memory_space<vmem>>) attributes {dimension_semantics = [#tpu.dimension_semantics<arbitrary>, #tpu.dimension_semantics<arbitrary>], iteration_bounds = array<i64: 2, 40>, scalar_prefetch = 0 : i64, scratch_operands = 0 : i64, tpu.core_type = #tpu.core_type<tc>, window_params = [{transform_indices = @transform_0, window_bounds = array<i64: 256, 128>}, {transform_indices = @transform_1, window_bounds = array<i64: 128, 128>}, {transform_indices = @transform_2, window_bounds = array<i64: 1, 256, 128>}]} {
    %get3A = arith.constant 0 : index
    %get3A_0 = arith.constant 0 : index
    %get3A_1 = vector.load %arg2[%get3A, %get3A_0] : memref<256x128xf32, #tpu.memory_space<vmem>>, vector<256x128xf32>
    %get3A_2 = arith.constant 0 : index
    %get3A_3 = arith.constant 0 : index
    %get3A_4 = vector.load %arg3[%get3A_2, %get3A_3] : memref<128x128xf32, #tpu.memory_space<vmem>>, vector<128x128xf32>
    %dot_general3A = arith.constant dense<0.000000e+00> : vector<256x128xf32>
    %dot_general3A_5 = tpu.matmul %get3A_1, %get3A_4, %dot_general3A {dimension_numbers = #tpu.dot_dimension_numbers<[1], [0], [0], [1], [0, 0, 1, 1], [], []>, transpose_lhs_hint = false} : vector<256x128xf32>, vector<128x128xf32>, vector<256x128xf32> -> vector<256x128xf32>
    %broadcast_in_dim3A = vector.shape_cast %dot_general3A_5 : vector<256x128xf32> to vector<1x256x128xf32>
    %swap3A = arith.constant 0 : index
    %swap3A_6 = arith.constant 0 : index
    %swap3A_7 = arith.constant 0 : index
    %swap3A_8 = vector.load %arg4[%swap3A, %swap3A_6, %swap3A_7] : memref<1x256x128xf32, #tpu.memory_space<vmem>>, vector<1x256x128xf32>
    tpu.vector_store %arg4[%swap3A, %swap3A_6, %swap3A_7], %broadcast_in_dim3A {strides = array<i32>} : memref<1x256x128xf32, #tpu.memory_space<vmem>>, vector<1x256x128xf32>,
    return
  }
  func.func @transform_0(%arg0: i32, %arg1: i32) -> (i32, i32) {
    %c0_i32 = arith.constant 0 : i32
    %c0_i32_0 = arith.constant 0 : i32
    return %arg1, %c0_i32 : i32, i32
  }
  func.func @transform_1(%arg0: i32, %arg1: i32) -> (i32, i32) {
    %c0_i32 = arith.constant 0 : i32
    %c0_i32_0 = arith.constant 0 : i32
    return %c0_i32, %arg0 : i32, i32
  }
  func.func @transform_2(%arg0: i32, %arg1: i32) -> (i32, i32, i32) {
    %c0_i32 = arith.constant 0 : i32
    %c0_i32_0 = arith.constant 0 : i32
    return %arg0, %arg1, %c0_i32 : i32, i32, i32
  }
}

module attributes {stable_mosaic.version = 14 : i64} {
  func.func @_aux_body(%arg0: memref<10240x128xf32, #tpu.memory_space<vmem>>, %arg1: memref<8x128xf32, #tpu.memory_space<vmem>>, %arg2: memref<8x10240xf32, #tpu.memory_space<vmem>>) attributes {dimension_semantics = [], scalar_prefetch = 0 : i64, scratch_operands = 0 : i64, tpu.core_type = #tpu.core_type<tc>} {
    %get3A = arith.constant 0 : index
    %get3A_0 = arith.constant 0 : index
    %get3A_1 = vector.load %arg1[%get3A, %get3A_0] : memref<8x128xf32, #tpu.memory_space<vmem>>, vector<8x128xf32>
    %get3A_2 = arith.constant 0 : index
    %get3A_3 = arith.constant 0 : index
    %get3A_4 = vector.load %arg0[%get3A_2, %get3A_3] : memref<10240x128xf32, #tpu.memory_space<vmem>>, vector<10240x128xf32>
    %dot_general3A = arith.constant dense<0.000000e+00> : vector<8x10240xf32>
    %dot_general3A_5 = tpu.matmul %get3A_1, %get3A_4, %dot_general3A {dimension_numbers = #tpu.dot_dimension_numbers<[1], [1], [0], [0], [0, 0, 1, 0], [], []>, transpose_lhs_hint = false} : vector<8x128xf32>, vector<10240x128xf32>, vector<8x10240xf32> -> vector<8x10240xf32>
    %swap3A = arith.constant 0 : index
    %swap3A_6 = arith.constant 0 : index
    %swap3A_7 = vector.load %arg2[%swap3A, %swap3A_6] : memref<8x10240xf32, #tpu.memory_space<vmem>>, vector<8x10240xf32>
    tpu.vector_store %arg2[%swap3A, %swap3A_6], %dot_general3A_5 {strides = array<i32>} : memref<8x10240xf32, #tpu.memory_space<vmem>>, vector<8x10240xf32>,
    return
  }
}

module attributes {stable_mosaic.version = 14 : i64} {
  func.func @_aux2_body(%arg0: memref<2x10240x128xf32, #tpu.memory_space<vmem>>, %arg1: memref<2x8x128xf32, #tpu.memory_space<vmem>>, %arg2: memref<2x128xf32, #tpu.memory_space<vmem>>, %arg3: memref<2x128xf32, #tpu.memory_space<vmem>>, %arg4: memref<2x128xf32, #tpu.memory_space<vmem>>, %arg5: memref<8x10240xf32, #tpu.memory_space<vmem>>) attributes {dimension_semantics = [], scalar_prefetch = 0 : i64, scratch_operands = 0 : i64, tpu.core_type = #tpu.core_type<tc>} {
    %get3A = arith.constant 0 : index
    %get3A_0 = arith.constant 0 : index
    %get3A_1 = arith.constant 0 : index
    %get3A_2 = vector.load %arg0[%get3A, %get3A_0, %get3A_1] : memref<2x10240x128xf32, #tpu.memory_space<vmem>>, vector<2x10240x128xf32>
    %slice3A = vector.extract_strided_slice %get3A_2 {offsets = [0, 0, 0], sizes = [1, 10240, 128], strides = [1, 1, 1]} : vector<2x10240x128xf32> to vector<1x10240x128xf32>
    %squeeze3A = vector.shape_cast %slice3A : vector<1x10240x128xf32> to vector<10240x128xf32>
    %get3A_3 = arith.constant 0 : index
    %get3A_4 = arith.constant 0 : index
    %get3A_5 = vector.load %arg2[%get3A_3, %get3A_4] : memref<2x128xf32, #tpu.memory_space<vmem>>, vector<1x128xf32>
    %get3A_6 = vector.shape_cast %get3A_5 : vector<1x128xf32> to vector<128xf32>
    %broadcast_in_dim3A = vector.shape_cast %get3A_6 : vector<128xf32> to vector<1x128xf32>
    %add3A = vector.broadcast %broadcast_in_dim3A : vector<1x128xf32> to vector<10240x128xf32>
    %add3A_7 = arith.addf %squeeze3A, %add3A : vector<10240x128xf32>
    %max3A = arith.constant 0.000000e+00 : f32
    %max3A_8 = vector.broadcast %max3A : f32 to vector<10240x128xf32>
    %max3A_9 = arith.maximumf %add3A_7, %max3A_8 : vector<10240x128xf32>
    %get3A_10 = arith.constant 0 : index
    %get3A_11 = arith.constant 0 : index
    %get3A_12 = vector.load %arg3[%get3A_10, %get3A_11] : memref<2x128xf32, #tpu.memory_space<vmem>>, vector<1x128xf32>
    %get3A_13 = vector.shape_cast %get3A_12 : vector<1x128xf32> to vector<128xf32>
    %broadcast_in_dim3A_14 = vector.shape_cast %get3A_13 : vector<128xf32> to vector<1x128xf32>
    %mul3A = vector.broadcast %broadcast_in_dim3A_14 : vector<1x128xf32> to vector<10240x128xf32>
    %mul3A_15 = arith.mulf %max3A_9, %mul3A : vector<10240x128xf32>
    %get3A_16 = arith.constant 0 : index
    %get3A_17 = arith.constant 0 : index
    %get3A_18 = vector.load %arg4[%get3A_16, %get3A_17] : memref<2x128xf32, #tpu.memory_space<vmem>>, vector<1x128xf32>
    %get3A_19 = vector.shape_cast %get3A_18 : vector<1x128xf32> to vector<128xf32>
    %broadcast_in_dim3A_20 = vector.shape_cast %get3A_19 : vector<128xf32> to vector<1x128xf32>
    %add3A_21 = vector.broadcast %broadcast_in_dim3A_20 : vector<1x128xf32> to vector<10240x128xf32>
    %add3A_22 = arith.addf %mul3A_15, %add3A_21 : vector<10240x128xf32>
    %slice3A_23 = vector.extract_strided_slice %get3A_2 {offsets = [1, 0, 0], sizes = [1, 10240, 128], strides = [1, 1, 1]} : vector<2x10240x128xf32> to vector<1x10240x128xf32>
    %squeeze3A_24 = vector.shape_cast %slice3A_23 : vector<1x10240x128xf32> to vector<10240x128xf32>
    %get3A_25 = arith.constant 1 : index
    %get3A_26 = arith.constant 0 : index
    %get3A_27 = vector.load %arg2[%get3A_25, %get3A_26] : memref<2x128xf32, #tpu.memory_space<vmem>>, vector<1x128xf32>
    %get3A_28 = vector.shape_cast %get3A_27 : vector<1x128xf32> to vector<128xf32>
    %broadcast_in_dim3A_29 = vector.shape_cast %get3A_28 : vector<128xf32> to vector<1x128xf32>
    %add3A_30 = vector.broadcast %broadcast_in_dim3A_29 : vector<1x128xf32> to vector<10240x128xf32>
    %add3A_31 = arith.addf %squeeze3A_24, %add3A_30 : vector<10240x128xf32>
    %max3A_32 = arith.constant 0.000000e+00 : f32
    %max3A_33 = vector.broadcast %max3A_32 : f32 to vector<10240x128xf32>
    %max3A_34 = arith.maximumf %add3A_31, %max3A_33 : vector<10240x128xf32>
    %get3A_35 = arith.constant 1 : index
    %get3A_36 = arith.constant 0 : index
    %get3A_37 = vector.load %arg3[%get3A_35, %get3A_36] : memref<2x128xf32, #tpu.memory_space<vmem>>, vector<1x128xf32>
    %get3A_38 = vector.shape_cast %get3A_37 : vector<1x128xf32> to vector<128xf32>
    %broadcast_in_dim3A_39 = vector.shape_cast %get3A_38 : vector<128xf32> to vector<1x128xf32>
    %mul3A_40 = vector.broadcast %broadcast_in_dim3A_39 : vector<1x128xf32> to vector<10240x128xf32>
    %mul3A_41 = arith.mulf %max3A_34, %mul3A_40 : vector<10240x128xf32>
    %get3A_42 = arith.constant 1 : index
    %get3A_43 = arith.constant 0 : index
    %get3A_44 = vector.load %arg4[%get3A_42, %get3A_43] : memref<2x128xf32, #tpu.memory_space<vmem>>, vector<1x128xf32>
    %get3A_45 = vector.shape_cast %get3A_44 : vector<1x128xf32> to vector<128xf32>
    %broadcast_in_dim3A_46 = vector.shape_cast %get3A_45 : vector<128xf32> to vector<1x128xf32>
    %add3A_47 = vector.broadcast %broadcast_in_dim3A_46 : vector<1x128xf32> to vector<10240x128xf32>
    %add3A_48 = arith.addf %mul3A_41, %add3A_47 : vector<10240x128xf32>
    %get3A_49 = arith.constant 0 : index
    %get3A_50 = arith.constant 0 : index
    %get3A_51 = arith.constant 0 : index
    %get3A_52 = vector.load %arg1[%get3A_49, %get3A_50, %get3A_51] : memref<2x8x128xf32, #tpu.memory_space<vmem>>, vector<2x8x128xf32>
    %slice3A_53 = vector.extract_strided_slice %get3A_52 {offsets = [0, 0, 0], sizes = [1, 8, 128], strides = [1, 1, 1]} : vector<2x8x128xf32> to vector<1x8x128xf32>
    %squeeze3A_54 = vector.shape_cast %slice3A_53 : vector<1x8x128xf32> to vector<8x128xf32>
    %dot_general3A = arith.constant dense<0.000000e+00> : vector<8x10240xf32>
    %dot_general3A_55 = tpu.matmul %squeeze3A_54, %add3A_22, %dot_general3A {dimension_numbers = #tpu.dot_dimension_numbers<[1], [1], [0], [0], [0, 0, 1, 0], [], []>, transpose_lhs_hint = false} : vector<8x128xf32>, vector<10240x128xf32>, vector<8x10240xf32> -> vector<8x10240xf32>
    %slice3A_56 = vector.extract_strided_slice %get3A_52 {offsets = [1, 0, 0], sizes = [1, 8, 128], strides = [1, 1, 1]} : vector<2x8x128xf32> to vector<1x8x128xf32>
    %squeeze3A_57 = vector.shape_cast %slice3A_56 : vector<1x8x128xf32> to vector<8x128xf32>
    %dot_general3A_58 = arith.constant dense<0.000000e+00> : vector<8x10240xf32>
    %dot_general3A_59 = tpu.matmul %squeeze3A_57, %add3A_48, %dot_general3A_58 {dimension_numbers = #tpu.dot_dimension_numbers<[1], [1], [0], [0], [0, 0, 1, 0], [], []>, transpose_lhs_hint = false} : vector<8x128xf32>, vector<10240x128xf32>, vector<8x10240xf32> -> vector<8x10240xf32>
    %add3A_60 = arith.addf %dot_general3A_55, %dot_general3A_59 : vector<8x10240xf32>
    %swap3A = arith.constant 0 : index
    %swap3A_61 = arith.constant 0 : index
    %swap3A_62 = vector.load %arg5[%swap3A, %swap3A_61] : memref<8x10240xf32, #tpu.memory_space<vmem>>, vector<8x10240xf32>
    tpu.vector_store %arg5[%swap3A, %swap3A_61], %add3A_60 {strides = array<i32>} : memref<8x10240xf32, #tpu.memory_space<vmem>>, vector<8x10240xf32>,
    return
  }
}

module attributes {stable_mosaic.version = 14 : i64} {
  func.func @_mm2_body(%arg0: i32, %arg1: memref<2x256x128xf32, #tpu.memory_space<vmem>>, %arg2: memref<256x128xf32, #tpu.memory_space<vmem>>, %arg3: memref<2x128xf32, #tpu.memory_space<vmem>>, %arg4: memref<2x128xf32, #tpu.memory_space<vmem>>, %arg5: memref<2x128xf32, #tpu.memory_space<vmem>>, %arg6: memref<256x128xf32, #tpu.memory_space<vmem>>) attributes {dimension_semantics = [#tpu.dimension_semantics<arbitrary>], iteration_bounds = array<i64: 40>, scalar_prefetch = 0 : i64, scratch_operands = 0 : i64, tpu.core_type = #tpu.core_type<tc>, window_params = [{transform_indices = @transform_0, window_bounds = array<i64: 2, 256, 128>}, {pipeline_mode = #tpu.pipeline_mode<synchronous>, transform_indices = @transform_1, window_bounds = array<i64: 256, 128>}, {pipeline_mode = #tpu.pipeline_mode<synchronous>, transform_indices = @transform_2, window_bounds = array<i64: 2, 128>}, {pipeline_mode = #tpu.pipeline_mode<synchronous>, transform_indices = @transform_3, window_bounds = array<i64: 2, 128>}, {pipeline_mode = #tpu.pipeline_mode<synchronous>, transform_indices = @transform_4, window_bounds = array<i64: 2, 128>}, {transform_indices = @transform_5, window_bounds = array<i64: 256, 128>}]} {
    %get3A = arith.constant 0 : index
    %get3A_0 = arith.constant 0 : index
    %get3A_1 = arith.constant 0 : index
    %get3A_2 = vector.load %arg1[%get3A, %get3A_0, %get3A_1] : memref<2x256x128xf32, #tpu.memory_space<vmem>>, vector<2x256x128xf32>
    %slice3A = vector.extract_strided_slice %get3A_2 {offsets = [0, 0, 0], sizes = [1, 256, 128], strides = [1, 1, 1]} : vector<2x256x128xf32> to vector<1x256x128xf32>
    %squeeze3A = vector.shape_cast %slice3A : vector<1x256x128xf32> to vector<256x128xf32>
    %get3A_3 = arith.constant 0 : index
    %get3A_4 = arith.constant 0 : index
    %get3A_5 = vector.load %arg3[%get3A_3, %get3A_4] : memref<2x128xf32, #tpu.memory_space<vmem>>, vector<1x128xf32>
    %get3A_6 = vector.shape_cast %get3A_5 : vector<1x128xf32> to vector<128xf32>
    %broadcast_in_dim3A = vector.shape_cast %get3A_6 : vector<128xf32> to vector<1x128xf32>
    %add3A = vector.broadcast %broadcast_in_dim3A : vector<1x128xf32> to vector<256x128xf32>
    %add3A_7 = arith.addf %squeeze3A, %add3A : vector<256x128xf32>
    %max3A = arith.constant 0.000000e+00 : f32
    %max3A_8 = vector.broadcast %max3A : f32 to vector<256x128xf32>
    %max3A_9 = arith.maximumf %add3A_7, %max3A_8 : vector<256x128xf32>
    %get3A_10 = arith.constant 0 : index
    %get3A_11 = arith.constant 0 : index
    %get3A_12 = vector.load %arg4[%get3A_10, %get3A_11] : memref<2x128xf32, #tpu.memory_space<vmem>>, vector<1x128xf32>
    %get3A_13 = vector.shape_cast %get3A_12 : vector<1x128xf32> to vector<128xf32>
    %broadcast_in_dim3A_14 = vector.shape_cast %get3A_13 : vector<128xf32> to vector<1x128xf32>
    %mul3A = vector.broadcast %broadcast_in_dim3A_14 : vector<1x128xf32> to vector<256x128xf32>
    %mul3A_15 = arith.mulf %max3A_9, %mul3A : vector<256x128xf32>
    %get3A_16 = arith.constant 0 : index
    %get3A_17 = arith.constant 0 : index
    %get3A_18 = vector.load %arg5[%get3A_16, %get3A_17] : memref<2x128xf32, #tpu.memory_space<vmem>>, vector<1x128xf32>
    %get3A_19 = vector.shape_cast %get3A_18 : vector<1x128xf32> to vector<128xf32>
    %broadcast_in_dim3A_20 = vector.shape_cast %get3A_19 : vector<128xf32> to vector<1x128xf32>
    %add3A_21 = vector.broadcast %broadcast_in_dim3A_20 : vector<1x128xf32> to vector<256x128xf32>
    %add3A_22 = arith.addf %mul3A_15, %add3A_21 : vector<256x128xf32>
    %slice3A_23 = vector.extract_strided_slice %get3A_2 {offsets = [1, 0, 0], sizes = [1, 256, 128], strides = [1, 1, 1]} : vector<2x256x128xf32> to vector<1x256x128xf32>
    %squeeze3A_24 = vector.shape_cast %slice3A_23 : vector<1x256x128xf32> to vector<256x128xf32>
    %get3A_25 = arith.constant 1 : index
    %get3A_26 = arith.constant 0 : index
    %get3A_27 = vector.load %arg3[%get3A_25, %get3A_26] : memref<2x128xf32, #tpu.memory_space<vmem>>, vector<1x128xf32>
    %get3A_28 = vector.shape_cast %get3A_27 : vector<1x128xf32> to vector<128xf32>
    %broadcast_in_dim3A_29 = vector.shape_cast %get3A_28 : vector<128xf32> to vector<1x128xf32>
    %add3A_30 = vector.broadcast %broadcast_in_dim3A_29 : vector<1x128xf32> to vector<256x128xf32>
    %add3A_31 = arith.addf %squeeze3A_24, %add3A_30 : vector<256x128xf32>
    %max3A_32 = arith.constant 0.000000e+00 : f32
    %max3A_33 = vector.broadcast %max3A_32 : f32 to vector<256x128xf32>
    %max3A_34 = arith.maximumf %add3A_31, %max3A_33 : vector<256x128xf32>
    %get3A_35 = arith.constant 1 : index
    %get3A_36 = arith.constant 0 : index
    %get3A_37 = vector.load %arg4[%get3A_35, %get3A_36] : memref<2x128xf32, #tpu.memory_space<vmem>>, vector<1x128xf32>
    %get3A_38 = vector.shape_cast %get3A_37 : vector<1x128xf32> to vector<128xf32>
    %broadcast_in_dim3A_39 = vector.shape_cast %get3A_38 : vector<128xf32> to vector<1x128xf32>
    %mul3A_40 = vector.broadcast %broadcast_in_dim3A_39 : vector<1x128xf32> to vector<256x128xf32>
    %mul3A_41 = arith.mulf %max3A_34, %mul3A_40 : vector<256x128xf32>
    %get3A_42 = arith.constant 1 : index
    %get3A_43 = arith.constant 0 : index
    %get3A_44 = vector.load %arg5[%get3A_42, %get3A_43] : memref<2x128xf32, #tpu.memory_space<vmem>>, vector<1x128xf32>
    %get3A_45 = vector.shape_cast %get3A_44 : vector<1x128xf32> to vector<128xf32>
    %broadcast_in_dim3A_46 = vector.shape_cast %get3A_45 : vector<128xf32> to vector<1x128xf32>
    %add3A_47 = vector.broadcast %broadcast_in_dim3A_46 : vector<1x128xf32> to vector<256x128xf32>
    %add3A_48 = arith.addf %mul3A_41, %add3A_47 : vector<256x128xf32>
    %get3A_49 = arith.constant 0 : index
    %get3A_50 = arith.constant 0 : index
    %get3A_51 = vector.load %arg2[%get3A_49, %get3A_50] : memref<256x128xf32, #tpu.memory_space<vmem>>, vector<256x128xf32>
    %slice3A_52 = vector.extract_strided_slice %get3A_51 {offsets = [0, 0], sizes = [128, 128], strides = [1, 1]} : vector<256x128xf32> to vector<128x128xf32>
    %dot_general3A = arith.constant dense<0.000000e+00> : vector<256x128xf32>
    %dot_general3A_53 = tpu.matmul %add3A_22, %slice3A_52, %dot_general3A {dimension_numbers = #tpu.dot_dimension_numbers<[1], [0], [0], [1], [0, 0, 1, 1], [], []>, transpose_lhs_hint = false} : vector<256x128xf32>, vector<128x128xf32>, vector<256x128xf32> -> vector<256x128xf32>
    %slice3A_54 = vector.extract_strided_slice %get3A_51 {offsets = [128, 0], sizes = [128, 128], strides = [1, 1]} : vector<256x128xf32> to vector<128x128xf32>
    %dot_general3A_55 = arith.constant dense<0.000000e+00> : vector<256x128xf32>
    %dot_general3A_56 = tpu.matmul %add3A_48, %slice3A_54, %dot_general3A_55 {dimension_numbers = #tpu.dot_dimension_numbers<[1], [0], [0], [1], [0, 0, 1, 1], [], []>, transpose_lhs_hint = false} : vector<256x128xf32>, vector<128x128xf32>, vector<256x128xf32> -> vector<256x128xf32>
    %add3A_57 = arith.addf %dot_general3A_53, %dot_general3A_56 : vector<256x128xf32>
    %swap3A = arith.constant 0 : index
    %swap3A_58 = arith.constant 0 : index
    %swap3A_59 = vector.load %arg6[%swap3A, %swap3A_58] : memref<256x128xf32, #tpu.memory_space<vmem>>, vector<256x128xf32>
    tpu.vector_store %arg6[%swap3A, %swap3A_58], %add3A_57 {strides = array<i32>} : memref<256x128xf32, #tpu.memory_space<vmem>>, vector<256x128xf32>,
    return
  }
  func.func @transform_0(%arg0: i32) -> (i32, i32, i32) {
    %c0_i32 = arith.constant 0 : i32
    %c0_i32_0 = arith.constant 0 : i32
    %c0_i32_1 = arith.constant 0 : i32
    return %c0_i32, %arg0, %c0_i32_0 : i32, i32, i32
  }
  func.func @transform_1(%arg0: i32) -> (i32, i32) {
    %c0_i32 = arith.constant 0 : i32
    %c0_i32_0 = arith.constant 0 : i32
    %c0_i32_1 = arith.constant 0 : i32
    return %c0_i32, %c0_i32_0 : i32, i32
  }
  func.func @transform_2(%arg0: i32) -> (i32, i32) {
    %c0_i32 = arith.constant 0 : i32
    %c0_i32_0 = arith.constant 0 : i32
    %c0_i32_1 = arith.constant 0 : i32
    return %c0_i32, %c0_i32_0 : i32, i32
  }
  func.func @transform_3(%arg0: i32) -> (i32, i32) {
    %c0_i32 = arith.constant 0 : i32
    %c0_i32_0 = arith.constant 0 : i32
    %c0_i32_1 = arith.constant 0 : i32
    return %c0_i32, %c0_i32_0 : i32, i32
  }
  func.func @transform_4(%arg0: i32) -> (i32, i32) {
    %c0_i32 = arith.constant 0 : i32
    %c0_i32_0 = arith.constant 0 : i32
    %c0_i32_1 = arith.constant 0 : i32
    return %c0_i32, %c0_i32_0 : i32, i32
  }
  func.func @transform_5(%arg0: i32) -> (i32, i32) {
    %c0_i32 = arith.constant 0 : i32
    %c0_i32_0 = arith.constant 0 : i32
    return %arg0, %c0_i32 : i32, i32
  }
}

module attributes {stable_mosaic.version = 14 : i64} {
  func.func @_epi_body(%arg0: i32, %arg1: memref<2x256x128xf32, #tpu.memory_space<vmem>>, %arg2: memref<1x128xf32, #tpu.memory_space<vmem>>, %arg3: memref<1x128xf32, #tpu.memory_space<vmem>>, %arg4: memref<256x128xf32, #tpu.memory_space<vmem>>) attributes {dimension_semantics = [#tpu.dimension_semantics<arbitrary>], iteration_bounds = array<i64: 40>, scalar_prefetch = 0 : i64, scratch_operands = 0 : i64, tpu.core_type = #tpu.core_type<tc>, window_params = [{transform_indices = @transform_0, window_bounds = array<i64: 2, 256, 128>}, {pipeline_mode = #tpu.pipeline_mode<synchronous>, transform_indices = @transform_1, window_bounds = array<i64: 1, 128>}, {pipeline_mode = #tpu.pipeline_mode<synchronous>, transform_indices = @transform_2, window_bounds = array<i64: 1, 128>}, {transform_indices = @transform_3, window_bounds = array<i64: 256, 128>}]} {
    %get3A = arith.constant 0 : index
    %get3A_0 = arith.constant 0 : index
    %get3A_1 = arith.constant 0 : index
    %get3A_2 = vector.load %arg1[%get3A, %get3A_0, %get3A_1] : memref<2x256x128xf32, #tpu.memory_space<vmem>>, vector<2x256x128xf32>
    %slice3A = vector.extract_strided_slice %get3A_2 {offsets = [0, 0, 0], sizes = [1, 256, 128], strides = [1, 1, 1]} : vector<2x256x128xf32> to vector<1x256x128xf32>
    %squeeze3A = vector.shape_cast %slice3A : vector<1x256x128xf32> to vector<256x128xf32>
    %slice3A_3 = vector.extract_strided_slice %get3A_2 {offsets = [1, 0, 0], sizes = [1, 256, 128], strides = [1, 1, 1]} : vector<2x256x128xf32> to vector<1x256x128xf32>
    %squeeze3A_4 = vector.shape_cast %slice3A_3 : vector<1x256x128xf32> to vector<256x128xf32>
    %add3A = arith.addf %squeeze3A, %squeeze3A_4 : vector<256x128xf32>
    %get3A_5 = arith.constant 0 : index
    %get3A_6 = arith.constant 0 : index
    %get3A_7 = vector.load %arg2[%get3A_5, %get3A_6] : memref<1x128xf32, #tpu.memory_space<vmem>>, vector<1x128xf32>
    %mul3A = vector.broadcast %get3A_7 : vector<1x128xf32> to vector<256x128xf32>
    %mul3A_8 = arith.mulf %add3A, %mul3A : vector<256x128xf32>
    %get3A_9 = arith.constant 0 : index
    %get3A_10 = arith.constant 0 : index
    %get3A_11 = vector.load %arg3[%get3A_9, %get3A_10] : memref<1x128xf32, #tpu.memory_space<vmem>>, vector<1x128xf32>
    %add3A_12 = vector.broadcast %get3A_11 : vector<1x128xf32> to vector<256x128xf32>
    %add3A_13 = arith.addf %mul3A_8, %add3A_12 : vector<256x128xf32>
    %swap3A = arith.constant 0 : index
    %swap3A_14 = arith.constant 0 : index
    %swap3A_15 = vector.load %arg4[%swap3A, %swap3A_14] : memref<256x128xf32, #tpu.memory_space<vmem>>, vector<256x128xf32>
    tpu.vector_store %arg4[%swap3A, %swap3A_14], %add3A_13 {strides = array<i32>} : memref<256x128xf32, #tpu.memory_space<vmem>>, vector<256x128xf32>,
    return
  }
  func.func @transform_0(%arg0: i32) -> (i32, i32, i32) {
    %c0_i32 = arith.constant 0 : i32
    %c0_i32_0 = arith.constant 0 : i32
    %c0_i32_1 = arith.constant 0 : i32
    return %c0_i32, %arg0, %c0_i32_0 : i32, i32, i32
  }
  func.func @transform_1(%arg0: i32) -> (i32, i32) {
    %c0_i32 = arith.constant 0 : i32
    %c0_i32_0 = arith.constant 0 : i32
    %c0_i32_1 = arith.constant 0 : i32
    return %c0_i32, %c0_i32_0 : i32, i32
  }
  func.func @transform_2(%arg0: i32) -> (i32, i32) {
    %c0_i32 = arith.constant 0 : i32
    %c0_i32_0 = arith.constant 0 : i32
    %c0_i32_1 = arith.constant 0 : i32
    return %c0_i32, %c0_i32_0 : i32, i32
  }
  func.func @transform_3(%arg0: i32) -> (i32, i32) {
    %c0_i32 = arith.constant 0 : i32
    %c0_i32_0 = arith.constant 0 : i32
    return %arg0, %c0_i32 : i32, i32
  }
}

</mosaic_0001>

<sc_bundles>
// kernel: kernel.12.cloned.1.call-start
scs
__scs_entry_jumppad:
0x0: {  	(pc) =	sbr.rel $0x88, $3  }
0x1: {  	(tag) =	ssettag $0x0;
	lr =	simm.s32 $0x1  }
0x2: {  	[smem:$0x3F93] =	sst lr;
	_ =	strace $0xD0000000  }
0x3: {  	_ = 	snop  }
0x4: {  	_ = 	snop  }
0x5: {  	_ = 	snop  }
0x6: {  	_ = 	snop  }
0x7: {  	_ = 	snop  }
__scs_overlays_trampoline_lowered:
0x8: {  	[smem:$0x3FA2] =	sst s0  }
0x9: {  	[smem:$0x3FA3] =	sst s1  }
0xa: {  	[smem:$0x3FA4] =	sst s2  }
0xb: {  	[smem:$0x3FA5] =	sst s3  }
0xc: {  	[smem:$0x3FA6] =	sst s4  }
0xd: {  	[smem:$0x3FA7] =	sst s5  }
0xe: {  	[smem:$0x3FA8] =	sst s6  }
0xf: {  	[smem:$0x3FA9] =	sst s7  }
0x10: {  	[smem:$0x3FAA] =	sst s8  }
0x11: {  	[smem:$0x3FAB] =	sst s9;
	s0 =	simm.s32 @!p0 $0x0  }
0x12: {  	s1 =	sld [smem:$0x3F91];
	s0 =	simm.s32 @p0 $0x1  }
0x13: {  	[smem:$0x3FAC] =	sst s0;
	s0 =	simm.s32 @!p1 $0x0  }
0x14: {  	s2 =	sld [smem:$0x3F90];
	s0 =	simm.s32 @p1 $0x1  }
0x15: {  	[smem:$0x3FAD] =	sst s0;
	s0 =	simm.s32 @!p2 $0x0  }
0x16: {  	s3 =	sld [smem:$0x3FDB];
	s0 =	simm.s32 @p2 $0x1  }
0x17: {  	s4 =	simm.s32 $0x1BF5;
	[smem:$0x3FAF] =	sst s0  }
0x18: {  	s0 =	sld [smem:$0x3F92];
	_ =	swait.ge [sflag:s4], $0x0  }
0x19: {  	s7 =	sld [smem:$0x3F93]  }
0x1a: {  	s8 =	sadd.s32 $0xFFFFE003, lr  }
0x1b: {  	s9 =	sadd.s32 $0xFFFFFEF7, lr;
	s5 =	simm.s32 $0xFFFFFFFF;
	p2 =	slt.u32 s8, $0xFFFFF086  }
0x1c: {  	p1 =	slt.u32 s9, $0xF7A;
	s5 =	simm.s32 @!p2 $0x0  }
0x1d: {  	s5 =	simm.s32 @p1 $0x1;
	p0 =	seq.s32 s7, s2  }
0x1e: {  	s7 =	smul.u32 @!p0 $0xF7A, s2;
	p2 =	seq.s32 @!p0 s5, $0x0  }
0x1f: {  	s9 =	smul.u32 $0xF7A, s1;
	s8 =	simm.s32 @!p0 $0x1BF5;
	p2 =	por !p2, p0  }
0x20: {  	[sflag:s8] =	ssyncset.s32 @!p0 $0xFFFFF086;
	s6 =	sadd.s32 @!p0 s3, s7;
	s7 =	simm.s32 @!p0 $0x108  }
0x21: {  	s3 =	sadd.s32 s3, s9;
	s6 =	sadd.s32 @!p0 $0x88, s6;
	s7 =	simm.s32 @p2 $0x1082  }
0x22: {  	[simem:s7], [sflag:s8] =	dma.local @!p0 [hbm:s6], $0xF7A  }
0x23: {  	s9 =	sor.u32 $0xD0000000, s2;
	s6 =	simm.s32 $0x108;
	_ =	swait.ge @!p0 [sflag:s8], $0x0  }
0x24: {  	s3 =	sadd.s32 $0x88, s3;
	s6 =	simm.s32 @!p1 $0x1082;
	[sflag:s4] =	ssyncset.s32 $0xFFFFF086  }
0x25: {  	[simem:s6], [sflag:s4] =	dma.local [hbm:s3], $0xF7A  }
0x26: {  	[smem:$0x3F93] =	sst s1;
	(tag) =	ssettag s2;
	_ =	strace s9  }
0x27: {  	s1 =	sld [smem:$0x3FA3]  }
0x28: {  	s2 =	sld [smem:$0x3FA4]  }
0x29: {  	s4 =	sld [smem:$0x3FA6]  }
0x2a: {  	p0 =	seq.s32 s5, $0x0;
	s5 =	sld [smem:$0x3FA7]  }
0x2b: {  	s6 =	sld [smem:$0x3FA8]  }
0x2c: {  	s7 =	sld [smem:$0x3FA9]  }
0x2d: {  	s3 =	simm.s32 $0x108;
	s8 =	sld [smem:$0x3FAA]  }
0x2e: {  	s3 =	simm.s32 @!p0 $0x1082;
	s9 =	sld [smem:$0x3FAB]  }
0x2f: {  	lr =	sadd.s32 s0, s3;
	s0 =	sld [smem:$0x3FA2]  }
0x30: {  	s3 =	sld [smem:$0x3FA5]  }
0x31: {  	[smem:$0x3FAE] =	sst s10  }
0x32: {  	s10 =	sld [smem:$0x3FAC];
	_ =	sdelay $0x3  }
0x33: {  	p0 =	seq.s32 s10, $0x1;
	s10 =	sld [smem:$0x3FAE];
	_ =	sdelay $0x3  }
0x34: {  	[smem:$0x3FAE] =	sst s10  }
0x35: {  	s10 =	sld [smem:$0x3FAD];
	_ =	sdelay $0x3  }
0x36: {  	p1 =	seq.s32 s10, $0x1;
	s10 =	sld [smem:$0x3FAE];
	_ =	sdelay $0x3  }
0x37: {  	[smem:$0x3FAE] =	sst s10  }
0x38: {  	s10 =	sld [smem:$0x3FAF]  }
0x39: {  	_ = 	snop;
	(pc) =	sbr.ind lr, $3  }
0x3a: {  	_ = 	snop  }
0x3b: {  	_ = 	snop  }
0x3c: {  	p2 =	seq.s32 s10, $0x1;
	s10 =	sld [smem:$0x3FAE]  }
0x3d: {  	_ =	shalt  }
0x3e: {  	_ =	shalt  }
0x3f: {  	_ =	shalt  }
0x40: {  	_ =	shalt  }
0x41: {  	_ =	shalt  }
0x42: {  	_ =	shalt  }
0x43: {  	_ =	shalt  }
0x44: {  	_ =	shalt  }
0x45: {  	_ =	shalt  }
0x46: {  	_ =	shalt  }
0x47: {  	_ =	shalt  }
0x48: {  	_ =	shalt  }
0x49: {  	_ =	shalt  }
0x4a: {  	_ =	shalt  }
0x4b: {  	_ =	shalt  }
0x4c: {  	_ =	shalt  }
0x4d: {  	_ =	shalt  }
0x4e: {  	_ =	shalt  }
0x4f: {  	_ =	shalt  }
0x50: {  	_ =	shalt  }
0x51: {  	_ =	shalt  }
0x52: {  	_ =	shalt  }
0x53: {  	_ =	shalt  }
0x54: {  	_ =	shalt  }
0x55: {  	_ =	shalt  }
0x56: {  	_ =	shalt  }
0x57: {  	_ =	shalt  }
0x58: {  	_ =	shalt  }
0x59: {  	_ =	shalt  }
0x5a: {  	_ =	shalt  }
0x5b: {  	_ =	shalt  }
0x5c: {  	_ =	shalt  }
0x5d: {  	_ =	shalt  }
0x5e: {  	_ =	shalt  }
0x5f: {  	_ =	shalt  }
0x60: {  	_ =	shalt  }
0x61: {  	_ =	shalt  }
0x62: {  	_ =	shalt  }
0x63: {  	_ =	shalt  }
0x64: {  	_ =	shalt  }
0x65: {  	_ =	shalt  }
0x66: {  	_ =	shalt  }
0x67: {  	_ =	shalt  }
0x68: {  	_ =	shalt  }
0x69: {  	_ =	shalt  }
0x6a: {  	_ =	shalt  }
0x6b: {  	_ =	shalt  }
0x6c: {  	_ =	shalt  }
0x6d: {  	_ =	shalt  }
0x6e: {  	_ =	shalt  }
0x6f: {  	_ =	shalt  }
0x70: {  	_ =	shalt  }
0x71: {  	_ =	shalt  }
0x72: {  	_ =	shalt  }
0x73: {  	_ =	shalt  }
0x74: {  	_ =	shalt  }
0x75: {  	_ =	shalt  }
0x76: {  	_ =	shalt  }
0x77: {  	_ =	shalt  }
0x78: {  	_ =	shalt  }
0x79: {  	_ =	shalt  }
0x7a: {  	_ =	shalt  }
0x7b: {  	_ =	shalt  }
0x7c: {  	_ =	shalt  }
0x7d: {  	_ =	shalt  }
0x7e: {  	_ =	shalt  }
0x7f: {  	_ =	shalt  }
0x80: {  	_ =	shalt  }
0x81: {  	_ =	shalt  }
0x82: {  	_ =	shalt  }
0x83: {  	_ =	shalt  }
0x84: {  	_ =	shalt  }
0x85: {  	_ =	shalt  }
0x86: {  	_ =	shalt  }
0x87: {  	_ =	shalt  }
.Lfunc_end0:
.L_simem_size_0:
called_computation.1_lowered:
.L_overlay_start_0:
0x88: {  	s2 =	sld [smem:$0x3FD9]  }
0x89: {  	s3 =	sld [smem:$0x3FFE];
	_ =	sdelay $0x1  }
0x8a: {  	s1 =	srdreg.scid  }
0x8b: {  	s0 =	sand.u32 $0x1, s1  }
0x8c: {  	s17 =	sshll.u32 s0, $0xA;
	s2 =	sadd.s32 s3, s2  }
0x8d: {  	s2 =	sadd.s32 s2, s17  }
0x8e: {  	[smem:$0x3FBA] =	sst s2  }
0x8f: {  	_ = 	snop  }
0x90: {  	s2 =	sld [smem:$0x3FD0];
	(tm) =	ssettm $0x1  }
0x91: {  	s18 =	sld [smem:$0x3FFB];
	_ =	sdelay $0x3  }
0x92: {  	_ =	strace s18  }
0x93: {  	s3 =	sld [smem:$0x3FFC];
	_ =	sdelay $0x3  }
0x94: {  	_ =	strace s3  }
0x95: {  	s3 =	sld [smem:$0x3FFD];
	_ =	sdelay $0x3  }
0x96: {  	_ =	strace s3  }
0x97: {  	_ =	strace $0x8FFFFFFF  }
0x98: {  	s19 =	sld [smem:$0x3FDB];
	_ =	sdelay $0x1  }
0x99: {  	s4 =	simm.s32 $_scs_section_size  }
0x9a: {  	s5 =	simm.s32 $_size__tile_overlayer_lowered;
	s6 =	simm.s32 $_tile_overlayer_lowered  }
0x9b: {  	s22 =	simm.s32 $0x1BFF;
	s21 =	sshll.u32 s6, $0x1;
	s3 =	sadd.s32 s4, s19  }
0x9c: {  	s7 =	simm.s32 $0x0;
	s20 =	sshll.u32 s5, $0x1;
	s5 =	sadd.s32 s21, s3  }
0x9d: {  	[timem:s7], [sflag:s22] =	dma.local [hbm:s5], s20  }
0x9e: {  	_ =	swait.ge [sflag:s22], s20  }
0x9f: {  	s4 =	ssub.s32 $0x0, s20;
	[sflag:s22] =	ssyncset.done $0x0  }
0xa0: {  	[sflag:s22] =	ssyncadd.s32 s4;
	_ =	sdelay $0x1  }
0xa1: {  	s23 =	simm.s32 $0x1B8B  }
0xa2: {  	_ =	swait.ge [sflag:s23], $0x1  }
0xa3: {  	[sflag:s23] =	ssyncset.done $0x0  }
0xa4: {  	s25 =	simm.s32 $0x1B8E;
	s24 =	sld [smem:$0x3FFE];
	[sflag:s23] =	ssyncadd.s32 $0xFFFFFFFF  }
0xa5: {  	s26 =	simm.s32 $execute0_lowered;
	[smem:$0x3FD2] =	sst s25  }
0xa6: {  	s5 =	sshll.u32 s26, $0x1;
	_ =	strace $0x80000049;
	[dreg:$0x1] =	wrdreg $0xFFFFFFFF  }
0xa7: {  	s28 =	simm.s32 $_size_execute0_lowered;
	s3 =	sadd.s32 s3, s5;
	[dreg:$0x0] =	wrdreg $0x0  }
0xa8: {  	s5 =	sshll.u32 s28, $0x1;
	[dreg:$0x2] =	wrdreg s3  }
0xa9: {  	[dreg:$0x3] =	wrdreg s5  }
0xaa: {  	[dreg:$0x4] =	wrdreg $0xC0  }
0xab: {  	_ =	task [dreg:s7], $0x5FFFF  }
0xac: {  	[dreg:$0x1] =	wrdreg $0xFFFFFFFF  }
0xad: {  	[dreg:$0x0] =	wrdreg $0x60  }
0xae: {  	[dreg:$0x2] =	wrdreg s24  }
0xaf: {  	[dreg:$0x3] =	wrdreg s2  }
0xb0: {  	[dreg:$0x4] =	wrdreg $0xB9800  }
0xb1: {  	[dreg:$0x5] =	wrdreg $0x1F9800  }
0xb2: {  	[dreg:$0x6] =	wrdreg $0x9  }
0xb3: {  	_ =	task.clear_ibuf [dreg:s7], $0x7FFFF;
	_ =	strace $0x90000049  }
0xb4: {  	s29 =	simm.s32 $0x9;
	_ =	strace $0x8000004B  }
0xb5: {  	_ =	swait.ge [sflag:s29], $0x1  }
0xb6: {  	[sflag:s29] =	ssyncadd.s32 $0xFFFFFFFF  }
0xb7: {  	_ =	strace $0x9000004B  }
0xb8: {  	_ =	sfence  }
0xb9: {  	s30 =	sld [smem:$0x0];
	_ =	sdelay $0x2  }
0xba: {  	s31 =	sshll.u32 s1, $0xD;
	s1 =	sshrl.u32 s1, $0x2  }
0xbb: {  	s3 =	sand.u32 $0x4000, s31;
	s1 =	sadd.s32 s1, s30  }
0xbc: {  	s0 =	sor.u32 s3, s0;
	s1 =	sshll.u32 s1, $0x11  }
0xbd: {  	s0 =	sor.u32 s1, s0  }
0xbe: {  	s0 =	sadd.s32 $0x8F2B, s0  }
0xbf: {  	[sflag:s0] =	ssyncadd.remote.s32 $0x1  }
0xc0: {  	_ =	sfence.sel $0xFFFF  }
0xc1: {  	[dreg:$0x0] =	wrdreg $0xFFFFFFFF;
	(pc) =	sbr.abs _section_cstart, $3  }
0xc2: {  	[dreg:$0x1] =	wrdreg $0xFFFFFFFF  }
0xc3: {  	_ =	task.clear_ibuf [dreg:s7], $0x2FFFF;
	_ =	strace $0x9FFFFFFF  }
0xc4: {  	(tm) =	ssettm $0x7FFFFFFF  }
0xc5: {  	_ =	shalt  }
tec
execute0_lowered:
.L_overlay_start_1:
0x0: {  	(tag) =	ssettag $0x1  }
0x1: {  	s0 =	rddreg [dreg:$0x0]  }
0x2: {  	s1 =	rddreg [dreg:$0x1]  }
0x3: {  	s2 =	rddreg [dreg:$0x2]  }
0x4: {  	s3 =	rddreg [dreg:$0x3]  }
0x5: {  	s5 =	simm.s32 $0x0;
	s4 =	srdreg.scid;
	s20 =	stileid.u32  }
0x6: {  	s28 =	simm.s32 $0x9000;
	s29 =	simm.s32 $0x80;
	s31 =	simm.s32 $0x4000  }
0x7: {  	[smem:$0x7FF] =	sst s5;
	s4 =	sand.u32 $0x1, s4;
	s9 =	smul.u32 $0x280, s20  }
0x8: {  	s6 =	sadd.s32 $0x2C00, s0;
	s8 =	sadd.s32 $0x2AC00, s0;
	s11 =	smul.u32 $0x50000, s20  }
0x9: {  	s14 =	sadd.s32 $0x5F600, s0;
	_ =	strace $0x8000004A;
	s7 =	ssub.s32 $0x2, s4  }
0xa: {  	[dreg:$0x5] =	wrdreg s8;
	s8 =	sadd.s32 $0x55400, s0;
	s17 =	smul.u32 $0x28800, s4  }
0xb: {  	s4 =	smul.u32 $0x2800, s4;
	s0 =	sadd.s32 $0x2AC10, s0;
	s10 =	sshrl.u32 s7, $0x1  }
0xc: {  	s26 =	sshrl.u32 s11, $0x2;
	s30 =	sadd.s32 $0x80, s9;
	s15 =	sadd.s32 $0x100, s9  }
0xd: {  	s18 =	sadd.s32 $0x180, s9;
	s19 =	sadd.s32 $0x200, s9;
	s25 =	sadd.s32 s9, s3  }
0xe: {  	[dreg:$0x9] =	wrdreg s0;
	s7 =	ssub.s32 s7, s10;
	s21 =	sadd.s32 s26, s2  }
0xf: {  	s16 =	sshll.u32 s30, $0x7;
	s12 =	sshll.u32 s15, $0x7;
	s24 =	sshll.u32 s18, $0x7  }
0x10: {  	s13 =	sshll.u32 s19, $0x7;
	[dreg:$0x8] =	wrdreg s25;
	s26 =	sadd.s32 s9, s4  }
0x11: {  	s30 =	sadd.s32 s4, s30;
	s11 =	sadd.s32 s4, s15;
	s15 =	sadd.s32 s4, s18  }
0x12: {  	s4 =	sadd.s32 s4, s19;
	s18 =	smul.u32 $0xA20, s20;
	s22 =	sadd.s32 s16, s2  }
0x13: {  	s23 =	sadd.s32 s12, s2;
	s16 =	smul.u32 $0x2880, s20;
	s12 =	sadd.s32 s24, s2  }
0x14: {  	s24 =	sadd.s32 s13, s2;
	s0 =	sshll.u32 s26, $0x4;
	s25 =	smax.u32 s7, $0x1  }
0x15: {  	s10 =	sshll.u32 s30, $0x4;
	s13 =	sshll.u32 s11, $0x4;
	[dreg:$0xf] =	wrdreg s25  }
0x16: {  	s9 =	sshll.u32 s15, $0x4;
	s7 =	simm.s32 $0xB880;
	[dreg:$0x6] =	wrdreg s12  }
0x17: {  	s15 =	simm.s32 $0x1;
	s0 =	sadd.s32 s14, s0;
	[dreg:$0x7] =	wrdreg s22  }
0x18: {  	s19 =	sadd.s32 s14, s9;
	s26 =	sadd.s32 s18, s8;
	[dreg:$0xa] =	wrdreg s0  }
0x19: {  	s30 =	sadd.s32 s18, s1;
	s18 =	simm.s32 $0x0;
	[dreg:$0xd] =	wrdreg s19  }
0x1a: {  	s16 =	sadd.s32 s16, s17;
	s17 =	smul.u32 $0x5100, s20;
	[dreg:$0x10] =	wrdreg s26  }
0x1b: {  	s0 =	sadd.s32 s14, s10;
	s20 =	sshll.u32 s4, $0x4;
	[dreg:$0x11] =	wrdreg s30  }
0x1c: {  	s26 =	simm.s32 $0x2;
	[dreg:$0xb] =	wrdreg s0;
	s0 =	sadd.s32 s14, s13  }
0x1d: {  	s4 =	simm.s32 $0xB800;
	[dreg:$0xc] =	wrdreg s0;
	s0 =	sadd.s32 s14, s20  }
0x1e: {  	v0 =	vimm.f32 $0.0e+00;
	s14 =	simm.s32 $0xB900;
	[dreg:$0xe] =	wrdreg s0;
	s0 =	simm.s32 $0x6800  }
.LBB2_1:
0x1f: {  	s9 =	simm.s32 $0x0;
	s10 =	simm.s32 $0x200  }
.LBB2_2:
0x20: {  	p0 =	sne.s32 s10, $0xFE00;
	[tilespmem:s9+$0x70] =	vst v0  }
0x21: {  	[tilespmem:s9+$0x0] =	vst v0  }
0x22: {  	[tilespmem:s9+$0x10] =	vst v0  }
.Ltmp0:
0x23: {  	[tilespmem:s9+$0x20] =	vst v0;
	(pc) =	sbr.rel @p0 .LBB2_2-.Ltmp0, $4  }
0x24: {  	[tilespmem:s9+$0x30] =	vst v0  }
0x25: {  	[tilespmem:s9+$0x40] =	vst v0  }
0x26: {  	[tilespmem:s9+$0x50] =	vst v0  }
0x27: {  	[tilespmem:s9+$0x60] =	vst v0;
	s9 =	sshra.s32 s10, $0x2;
	s10 =	sadd.s32 $0x200, s10  }
0x28: {  	[tilespmem:s9+$0x70] =	vst v0  }
0x29: {  	[tilespmem:s9+$0x0] =	vst v0  }
0x2a: {  	[tilespmem:s9+$0x10] =	vst v0  }
0x2b: {  	[tilespmem:s9+$0x20] =	vst v0  }
0x2c: {  	[tilespmem:s9+$0x30] =	vst v0  }
0x2d: {  	[tilespmem:s9+$0x40] =	vst v0  }
0x2e: {  	[tilespmem:s9+$0x50] =	vst v0  }
0x2f: {  	[tilespmem:s9+$0x60] =	vst v0;
	s9 =	simm.s32 $0x40;
	s10 =	simm.s32 $0x0  }
.LBB2_4:
0x30: {  	p0 =	sne.s32 s9, $0x9FC0;
	[tilespmem:s10+$0x9000] =	vst v0;
	s10 =	smov.u32 s9;
	s9 =	sadd.s32 $0x40, s9  }
.Ltmp1:
0x31: {  	(pc) =	sbr.rel @p0 .LBB2_4-.Ltmp1, $2  }
0x32: {  	_ =	sdelay $0x2  }
0x33: {  	s10 =	sshra.s32 s10, $0x2  }
0x34: {  	[tilespmem:s10+$0x9000] =	vst v0;
	s9 =	simm.s32 $0x0  }
0x35: {  	[spmem:s21] =	stream.linear.scatter [tilespmem:s9], [sflag:$0x2], $0x4000, $0x38;
	[tilespmem:$0x1FC00] =	vst v63  }
0x36: {  	_ =	swait.ge [sflag:s26], $0x4000  }
0x37: {  	[sflag:s26] =	ssyncset.done $0x0  }
0x38: {  	[sflag:s26] =	ssyncadd.s32 $0xFFFFC000  }
0x39: {  	[spmem:s22] =	stream.linear.scatter [tilespmem:s9], [sflag:$0x2], $0x4000, $0x38;
	[tilespmem:$0x1FC00] =	vst v63  }
0x3a: {  	_ =	swait.ge [sflag:s26], $0x4000  }
0x3b: {  	[sflag:s26] =	ssyncset.done $0x0  }
0x3c: {  	[sflag:s26] =	ssyncadd.s32 $0xFFFFC000  }
0x3d: {  	[spmem:s23] =	stream.linear.scatter [tilespmem:s9], [sflag:$0x2], $0x4000, $0x38;
	[tilespmem:$0x1FC00] =	vst v63  }
0x3e: {  	_ =	swait.ge [sflag:s26], $0x4000  }
0x3f: {  	[sflag:s26] =	ssyncset.done $0x0  }
0x40: {  	[sflag:s26] =	ssyncadd.s32 $0xFFFFC000  }
0x41: {  	[spmem:s12] =	stream.linear.scatter [tilespmem:s9], [sflag:$0x2], $0x4000, $0x38;
	[tilespmem:$0x1FC00] =	vst v63  }
0x42: {  	_ =	swait.ge [sflag:s26], $0x4000  }
0x43: {  	[sflag:s26] =	ssyncset.done $0x0  }
0x44: {  	[sflag:s26] =	ssyncadd.s32 $0xFFFFC000  }
0x45: {  	[spmem:s24] =	stream.linear.scatter [tilespmem:s9], [sflag:$0x2], $0x4000, $0x38;
	[tilespmem:$0x1FC00] =	vst v63  }
0x46: {  	_ =	swait.ge [sflag:s26], $0x4000  }
0x47: {  	[sflag:s26] =	ssyncset.done $0x0  }
0x48: {  	s22 =	rddreg [dreg:$0x8];
	[sflag:s26] =	ssyncadd.s32 $0xFFFFC000  }
0x49: {  	[spmem:s22] =	stream.linear.scatter [tilespmem:s28], [sflag:$0x2], $0x280, $0x38;
	[tilespmem:$0x1FC00] =	vst v63  }
0x4a: {  	_ =	swait.ge [sflag:s26], $0x280  }
0x4b: {  	s20 =	smov.u32 s23;
	s30 =	smov.u32 s24;
	[sflag:s26] =	ssyncset.done $0x0  }
0x4c: {  	s24 =	simm.s32 $0x400;
	s23 =	rddreg [dreg:$0x5];
	[sflag:s26] =	ssyncadd.s32 $0xFFFFFD80  }
0x4d: {  	[tilespmem:s31], [sflag:$0x2] =	stream.strided.gather [hbm4b:s23+s29], $0x2800, s24, s29, $0x38;
	[tilespmem:$0x1FC00] =	vst v63  }
0x4e: {  	_ =	swait.ge [sflag:s26], $0x2800  }
0x4f: {  	[sflag:s26] =	ssyncset.done $0x0  }
0x50: {  	s25 =	rddreg [dreg:$0x9];
	[sflag:s26] =	ssyncadd.s32 $0xFFFFD800  }
0x51: {  	[tilespmem:s0], [sflag:$0x2] =	stream.strided.gather [hbm4b:s25+s29], $0x2800, s24, s29, $0x38;
	[tilespmem:$0x1FC00] =	vst v63  }
0x52: {  	_ =	swait.ge [sflag:s26], $0x2800  }
0x53: {  	[sflag:s26] =	ssyncset.done $0x0  }
0x54: {  	[sflag:s26] =	ssyncadd.s32 $0xFFFFD800  }
0x55: {  	[bflag:$0x0] =	sbarrier.arrive $0xFFFF  }
0x56: {  	s25 =	rddreg [dreg:$0x11]  }
0x57: {  	[tilespmem:s4], [sflag:$0x2] =	stream.linear.gather [hbm4b:s25+s5], $0x80, $0x38;
	[tilespmem:$0x1FC00] =	vst v63  }
0x58: {  	_ =	swait.ge [sflag:s26], $0x80  }
0x59: {  	[sflag:s26] =	ssyncset.done $0x0  }
0x5a: {  	s24 =	rddreg [dreg:$0x10];
	[sflag:s26] =	ssyncadd.s32 $0xFFFFFF80  }
0x5b: {  	[tilespmem:s7], [sflag:$0x2] =	stream.linear.gather [hbm4b:s24+s5], $0x80, $0x38;
	[tilespmem:$0x1FC00] =	vst v63  }
0x5c: {  	_ =	swait.ge [sflag:s26], $0x80  }
0x5d: {  	[sflag:s26] =	ssyncset.done $0x0  }
0x5e: {  	[sflag:s26] =	ssyncadd.s32 $0xFFFFFF80  }
0x5f: {  	v1 =	vld [tilespmem:$0xB800]  }
0x60: {  	v2 =	vld [tilespmem:$0xB880];
	_ =	sdelay $0x6  }
0x61: {  	v1 =	vld.idx.msk [tilespmem:v1+s31+$0x0], $0xffff  }
0x62: {  	v2 =	vld.idx.msk [tilespmem:v2+s0+$0x0], $0xffff;
	_ =	sdelay $0x4  }
0x63: {  	v1 =	vadd.f32 v2, v1;
	_ =	sdelay $0x1  }
0x64: {  	v2 =	vmul.f32 $2.000000030e-01, v1;
	_ =	sdelay $0x1  }
0x65: {  	v1 =	vmax.f32 v1, v2  }
0x66: {  	v1 =	vmul.f32 $1.442695020e+00, v1;
	_ =	sdelay $0x1  }
0x67: {  	(erf) = vpow2.f32 v1;
	_ =	sdelay $0x3  }
0x68: {  	v1 =	vld [tilespmem:$0xB810]  }
0x69: {  	v2 =	vld [tilespmem:$0xB890];
	_ =	sdelay $0x2  }
0x6a: {  	s9 =	sadd.s32 $0x0, s17  }
0x6b: {  	p0 =	slt.u32 s9, $0x50910;
	v3 =	vpop (erf)  }
0x6c: {  	v3 =	vpsel !p0, $0x0, v3  }
0x6d: {  	[tilespmem:$0xB900] =	vst v3  }
0x6e: {  	v1 =	vld.idx.msk [tilespmem:v1+s31+$0x0], $0xffff  }
0x6f: {  	v2 =	vld.idx.msk [tilespmem:v2+s0+$0x0], $0xffff;
	_ =	sdelay $0x4  }
0x70: {  	v1 =	vadd.f32 v2, v1;
	_ =	sdelay $0x1  }
0x71: {  	v2 =	vmul.f32 $2.000000030e-01, v1;
	_ =	sdelay $0x1  }
0x72: {  	v1 =	vmax.f32 v1, v2  }
0x73: {  	v1 =	vmul.f32 $1.442695020e+00, v1;
	_ =	sdelay $0x1  }
0x74: {  	(erf) = vpow2.f32 v1;
	_ =	sdelay $0x3  }
0x75: {  	v1 =	vld [tilespmem:$0xB820]  }
0x76: {  	v2 =	vld [tilespmem:$0xB8A0];
	_ =	sdelay $0x2  }
0x77: {  	s11 =	sadd.s32 $0x10, s9  }
0x78: {  	p1 =	slt.u32 s11, $0x50910;
	v3 =	vpop (erf)  }
0x79: {  	v3 =	vpsel !p1, $0x0, v3  }
0x7a: {  	[tilespmem:$0xB910] =	vst v3  }
0x7b: {  	v1 =	vld.idx.msk [tilespmem:v1+s31+$0x0], $0xffff  }
0x7c: {  	v2 =	vld.idx.msk [tilespmem:v2+s0+$0x0], $0xffff;
	_ =	sdelay $0x4  }
0x7d: {  	v1 =	vadd.f32 v2, v1;
	_ =	sdelay $0x1  }
0x7e: {  	v2 =	vmul.f32 $2.000000030e-01, v1;
	_ =	sdelay $0x1  }
0x7f: {  	v1 =	vmax.f32 v1, v2  }
0x80: {  	v1 =	vmul.f32 $1.442695020e+00, v1;
	_ =	sdelay $0x1  }
0x81: {  	(erf) = vpow2.f32 v1;
	_ =	sdelay $0x3  }
0x82: {  	v1 =	vld [tilespmem:$0xB830]  }
0x83: {  	v2 =	vld [tilespmem:$0xB8B0];
	_ =	sdelay $0x2  }
0x84: {  	s12 =	sadd.s32 $0x20, s9  }
0x85: {  	p2 =	slt.u32 s12, $0x50910;
	v3 =	vpop (erf)  }
0x86: {  	v3 =	vpsel !p2, $0x0, v3  }
0x87: {  	[tilespmem:$0xB920] =	vst v3  }
0x88: {  	v1 =	vld.idx.msk [tilespmem:v1+s31+$0x0], $0xffff  }
0x89: {  	v2 =	vld.idx.msk [tilespmem:v2+s0+$0x0], $0xffff;
	_ =	sdelay $0x4  }
0x8a: {  	v1 =	vadd.f32 v2, v1;
	_ =	sdelay $0x1  }
0x8b: {  	v2 =	vmul.f32 $2.000000030e-01, v1;
	_ =	sdelay $0x1  }
0x8c: {  	v1 =	vmax.f32 v1, v2  }
0x8d: {  	v1 =	vmul.f32 $1.442695020e+00, v1;
	_ =	sdelay $0x1  }
0x8e: {  	(erf) = vpow2.f32 v1;
	_ =	sdelay $0x3  }
0x8f: {  	v1 =	vld [tilespmem:$0xB840]  }
0x90: {  	v2 =	vld [tilespmem:$0xB8C0];
	_ =	sdelay $0x2  }
0x91: {  	s19 =	sadd.s32 $0x30, s9  }
0x92: {  	p3 =	slt.u32 s19, $0x50910;
	v3 =	vpop (erf)  }
0x93: {  	v3 =	vpsel !p3, $0x0, v3  }
0x94: {  	[tilespmem:$0xB930] =	vst v3  }
0x95: {  	v1 =	vld.idx.msk [tilespmem:v1+s31+$0x0], $0xffff  }
0x96: {  	v2 =	vld.idx.msk [tilespmem:v2+s0+$0x0], $0xffff;
	_ =	sdelay $0x4  }
0x97: {  	v1 =	vadd.f32 v2, v1;
	_ =	sdelay $0x1  }
0x98: {  	v2 =	vmul.f32 $2.000000030e-01, v1;
	_ =	sdelay $0x1  }
0x99: {  	v1 =	vmax.f32 v1, v2  }
0x9a: {  	v1 =	vmul.f32 $1.442695020e+00, v1;
	_ =	sdelay $0x1  }
0x9b: {  	(erf) = vpow2.f32 v1;
	_ =	sdelay $0x3  }
0x9c: {  	v1 =	vld [tilespmem:$0xB850]  }
0x9d: {  	v2 =	vld [tilespmem:$0xB8D0];
	_ =	sdelay $0x2  }
0x9e: {  	s13 =	smov.u32 s21;
	s21 =	sadd.s32 $0x40, s9  }
0x9f: {  	p4 =	slt.u32 s21, $0x50910;
	v3 =	vpop (erf)  }
0xa0: {  	v3 =	vpsel !p4, $0x0, v3  }
0xa1: {  	[tilespmem:$0xB940] =	vst v3  }
0xa2: {  	v1 =	vld.idx.msk [tilespmem:v1+s31+$0x0], $0xffff  }
0xa3: {  	v2 =	vld.idx.msk [tilespmem:v2+s0+$0x0], $0xffff;
	_ =	sdelay $0x4  }
0xa4: {  	v1 =	vadd.f32 v2, v1;
	_ =	sdelay $0x1  }
0xa5: {  	v2 =	vmul.f32 $2.000000030e-01, v1;
	_ =	sdelay $0x1  }
0xa6: {  	v1 =	vmax.f32 v1, v2  }
0xa7: {  	v1 =	vmul.f32 $1.442695020e+00, v1;
	_ =	sdelay $0x1  }
0xa8: {  	(erf) = vpow2.f32 v1;
	_ =	sdelay $0x3  }
0xa9: {  	v1 =	vld [tilespmem:$0xB860]  }
0xaa: {  	v2 =	vld [tilespmem:$0xB8E0];
	_ =	sdelay $0x2  }
0xab: {  	s22 =	sadd.s32 $0x50, s9  }
0xac: {  	p5 =	slt.u32 s22, $0x50910;
	v3 =	vpop (erf)  }
0xad: {  	v3 =	vpsel !p5, $0x0, v3  }
0xae: {  	[tilespmem:$0xB950] =	vst v3  }
0xaf: {  	v1 =	vld.idx.msk [tilespmem:v1+s31+$0x0], $0xffff  }
0xb0: {  	v2 =	vld.idx.msk [tilespmem:v2+s0+$0x0], $0xffff;
	_ =	sdelay $0x4  }
0xb1: {  	v1 =	vadd.f32 v2, v1;
	_ =	sdelay $0x1  }
0xb2: {  	v2 =	vmul.f32 $2.000000030e-01, v1;
	_ =	sdelay $0x1  }
0xb3: {  	v1 =	vmax.f32 v1, v2  }
0xb4: {  	v1 =	vmul.f32 $1.442695020e+00, v1;
	_ =	sdelay $0x1  }
0xb5: {  	(erf) = vpow2.f32 v1;
	_ =	sdelay $0x3  }
0xb6: {  	v1 =	vld [tilespmem:$0xB870]  }
0xb7: {  	v2 =	vld [tilespmem:$0xB8F0];
	_ =	sdelay $0x2  }
0xb8: {  	s23 =	sadd.s32 $0x60, s9  }
0xb9: {  	p6 =	slt.u32 s23, $0x50910;
	v3 =	vpop (erf)  }
0xba: {  	v3 =	vpsel !p6, $0x0, v3  }
0xbb: {  	[tilespmem:$0xB960] =	vst v3  }
0xbc: {  	v1 =	vld.idx.msk [tilespmem:v1+s31+$0x0], $0xffff  }
0xbd: {  	v2 =	vld.idx.msk [tilespmem:v2+s0+$0x0], $0xffff;
	_ =	sdelay $0x4  }
0xbe: {  	v1 =	vadd.f32 v2, v1;
	_ =	sdelay $0x1  }
0xbf: {  	v2 =	vmul.f32 $2.000000030e-01, v1;
	_ =	sdelay $0x1  }
0xc0: {  	v1 =	vmax.f32 v1, v2  }
0xc1: {  	v1 =	vmul.f32 $1.442695020e+00, v1;
	_ =	sdelay $0x1  }
0xc2: {  	s9 =	sadd.s32 $0x70, s9;
	(erf) = vpow2.f32 v1  }
0xc3: {  	s19 =	simm.s32 $0x80;
	p1 =	slt.u32 s9, $0x50910  }
.LBB2_6:
0xc4: {  	_ =	sdelay $0x4  }
0xc5: {  	p0 =	sne.s32 s19, $0x5080;
	s24 =	sadd.s32 $0x10, s24;
	s25 =	sadd.s32 $0x10, s25  }
0xc6: {  	s9 =	smov.u32 s19;
	s19 =	sadd.s32 $0x80, s19  }
0xc7: {  	v1 =	vpop (erf)  }
0xc8: {  	v1 =	vpsel !p1, $0x0, v1  }
0xc9: {  	[tilespmem:$0xB970] =	vst v1  }
0xca: {  	[spmem:s3] =	stream.indirect.scatter.add.f32 [tilespmem:s14], [sflag:$0x2], $0x1, s7, s29, $0xb8;
	[tilespmem:$0x1FC00] =	vst v63  }
0xcb: {  	_ =	swait.ge [sflag:s26], $0x80  }
0xcc: {  	[sflag:s26] =	ssyncset.done $0x0  }
0xcd: {  	[sflag:s26] =	ssyncadd.s32 $0xFFFFFF80  }
0xce: {  	[tilespmem:s4], [sflag:$0x2] =	stream.linear.gather [hbm4b:s25+s5], $0x80, $0x38;
	[tilespmem:$0x1FC00] =	vst v63  }
0xcf: {  	_ =	swait.ge [sflag:s26], $0x80  }
0xd0: {  	[sflag:s26] =	ssyncset.done $0x0  }
0xd1: {  	[sflag:s26] =	ssyncadd.s32 $0xFFFFFF80  }
0xd2: {  	[tilespmem:s7], [sflag:$0x2] =	stream.linear.gather [hbm4b:s24+s5], $0x80, $0x38;
	[tilespmem:$0x1FC00] =	vst v63  }
0xd3: {  	_ =	swait.ge [sflag:s26], $0x80  }
0xd4: {  	[sflag:s26] =	ssyncset.done $0x0  }
0xd5: {  	[sflag:s26] =	ssyncadd.s32 $0xFFFFFF80  }
0xd6: {  	v1 =	vld [tilespmem:$0xB800]  }
0xd7: {  	v2 =	vld [tilespmem:$0xB880];
	_ =	sdelay $0x6  }
0xd8: {  	v1 =	vld.idx.msk [tilespmem:v1+s31+$0x0], $0xffff  }
0xd9: {  	v2 =	vld.idx.msk [tilespmem:v2+s0+$0x0], $0xffff;
	_ =	sdelay $0x5  }
0xda: {  	v1 =	vadd.f32 v2, v1;
	_ =	sdelay $0x1  }
0xdb: {  	v2 =	vmul.f32 $2.000000030e-01, v1;
	_ =	sdelay $0x1  }
0xdc: {  	v1 =	vmax.f32 v1, v2  }
0xdd: {  	v1 =	vmul.f32 $1.442695020e+00, v1;
	_ =	sdelay $0x1  }
0xde: {  	(erf) = vpow2.f32 v1;
	_ =	sdelay $0x2  }
0xdf: {  	v1 =	vld [tilespmem:$0xB890]  }
0xe0: {  	v2 =	vld [tilespmem:$0xB810];
	_ =	sdelay $0x2  }
0xe1: {  	s21 =	sadd.s32 s9, s17  }
0xe2: {  	s12 =	sadd.s32 $0x10, s21;
	s11 =	sadd.s32 $0x20, s21;
	p1 =	slt.u32 s21, $0x50910  }
0xe3: {  	s10 =	sadd.s32 $0x30, s21;
	s9 =	sadd.s32 $0x40, s21;
	s23 =	sadd.s32 $0x50, s21;
	v3 =	vpop (erf)  }
0xe4: {  	s22 =	sadd.s32 $0x60, s21;
	s21 =	sadd.s32 $0x70, s21;
	v3 =	vpsel !p1, $0x0, v3  }
0xe5: {  	[tilespmem:$0xB900] =	vst v3  }
0xe6: {  	v2 =	vld.idx.msk [tilespmem:v2+s31+$0x0], $0xffff  }
0xe7: {  	v1 =	vld.idx.msk [tilespmem:v1+s0+$0x0], $0xffff;
	_ =	sdelay $0x5  }
0xe8: {  	v1 =	vadd.f32 v1, v2;
	_ =	sdelay $0x1  }
0xe9: {  	v2 =	vmul.f32 $2.000000030e-01, v1;
	_ =	sdelay $0x1  }
0xea: {  	v1 =	vmax.f32 v1, v2  }
0xeb: {  	v1 =	vmul.f32 $1.442695020e+00, v1;
	_ =	sdelay $0x1  }
0xec: {  	(erf) = vpow2.f32 v1;
	_ =	sdelay $0x2  }
0xed: {  	v1 =	vld [tilespmem:$0xB8A0]  }
0xee: {  	v2 =	vld [tilespmem:$0xB820];
	_ =	sdelay $0x2  }
0xef: {  	p1 =	slt.u32 s12, $0x50910;
	_ =	sdelay $0x1  }
0xf0: {  	v3 =	vpop (erf)  }
0xf1: {  	v3 =	vpsel !p1, $0x0, v3  }
0xf2: {  	[tilespmem:$0xB910] =	vst v3  }
0xf3: {  	v2 =	vld.idx.msk [tilespmem:v2+s31+$0x0], $0xffff  }
0xf4: {  	v1 =	vld.idx.msk [tilespmem:v1+s0+$0x0], $0xffff;
	_ =	sdelay $0x5  }
0xf5: {  	v1 =	vadd.f32 v1, v2;
	_ =	sdelay $0x1  }
0xf6: {  	v2 =	vmul.f32 $2.000000030e-01, v1;
	_ =	sdelay $0x1  }
0xf7: {  	v1 =	vmax.f32 v1, v2  }
0xf8: {  	v1 =	vmul.f32 $1.442695020e+00, v1;
	_ =	sdelay $0x1  }
0xf9: {  	(erf) = vpow2.f32 v1;
	_ =	sdelay $0x2  }
0xfa: {  	v1 =	vld [tilespmem:$0xB8B0]  }
0xfb: {  	v2 =	vld [tilespmem:$0xB830];
	_ =	sdelay $0x1  }
0xfc: {  	p1 =	slt.u32 s11, $0x50910;
	_ =	sdelay $0x2  }
0xfd: {  	v3 =	vpop (erf)  }
0xfe: {  	v3 =	vpsel !p1, $0x0, v3  }
0xff: {  	[tilespmem:$0xB920] =	vst v3  }
0x100: {  	v2 =	vld.idx.msk [tilespmem:v2+s31+$0x0], $0xffff  }
0x101: {  	v1 =	vld.idx.msk [tilespmem:v1+s0+$0x0], $0xffff;
	_ =	sdelay $0x5  }
0x102: {  	v1 =	vadd.f32 v1, v2;
	_ =	sdelay $0x1  }
0x103: {  	v2 =	vmul.f32 $2.000000030e-01, v1;
	_ =	sdelay $0x1  }
0x104: {  	v1 =	vmax.f32 v1, v2  }
0x105: {  	v1 =	vmul.f32 $1.442695020e+00, v1;
	_ =	sdelay $0x1  }
0x106: {  	(erf) = vpow2.f32 v1;
	_ =	sdelay $0x2  }
0x107: {  	v1 =	vld [tilespmem:$0xB8C0]  }
0x108: {  	v2 =	vld [tilespmem:$0xB840]  }
0x109: {  	p1 =	slt.u32 s10, $0x50910;
	_ =	sdelay $0x3  }
0x10a: {  	v3 =	vpop (erf)  }
0x10b: {  	v3 =	vpsel !p1, $0x0, v3  }
0x10c: {  	[tilespmem:$0xB930] =	vst v3  }
0x10d: {  	v2 =	vld.idx.msk [tilespmem:v2+s31+$0x0], $0xffff  }
0x10e: {  	v1 =	vld.idx.msk [tilespmem:v1+s0+$0x0], $0xffff;
	_ =	sdelay $0x5  }
0x10f: {  	v1 =	vadd.f32 v1, v2;
	_ =	sdelay $0x1  }
0x110: {  	v2 =	vmul.f32 $2.000000030e-01, v1;
	_ =	sdelay $0x1  }
0x111: {  	v1 =	vmax.f32 v1, v2  }
0x112: {  	v1 =	vmul.f32 $1.442695020e+00, v1;
	_ =	sdelay $0x1  }
0x113: {  	(erf) = vpow2.f32 v1;
	_ =	sdelay $0x2  }
0x114: {  	v1 =	vld [tilespmem:$0xB8D0]  }
0x115: {  	p1 =	slt.u32 s9, $0x50910;
	v2 =	vld [tilespmem:$0xB850];
	_ =	sdelay $0x4  }
0x116: {  	v3 =	vpop (erf)  }
0x117: {  	v3 =	vpsel !p1, $0x0, v3  }
0x118: {  	[tilespmem:$0xB940] =	vst v3  }
0x119: {  	v2 =	vld.idx.msk [tilespmem:v2+s31+$0x0], $0xffff  }
0x11a: {  	v1 =	vld.idx.msk [tilespmem:v1+s0+$0x0], $0xffff;
	_ =	sdelay $0x5  }
0x11b: {  	v1 =	vadd.f32 v1, v2;
	_ =	sdelay $0x1  }
0x11c: {  	v2 =	vmul.f32 $2.000000030e-01, v1;
	_ =	sdelay $0x1  }
0x11d: {  	v1 =	vmax.f32 v1, v2  }
0x11e: {  	v1 =	vmul.f32 $1.442695020e+00, v1;
	_ =	sdelay $0x1  }
0x11f: {  	(erf) = vpow2.f32 v1;
	_ =	sdelay $0x2  }
0x120: {  	p1 =	slt.u32 s23, $0x50910;
	v1 =	vld [tilespmem:$0xB8E0]  }
0x121: {  	v2 =	vld [tilespmem:$0xB860];
	_ =	sdelay $0x4  }
0x122: {  	v3 =	vpop (erf)  }
0x123: {  	v3 =	vpsel !p1, $0x0, v3  }
0x124: {  	[tilespmem:$0xB950] =	vst v3  }
0x125: {  	v2 =	vld.idx.msk [tilespmem:v2+s31+$0x0], $0xffff  }
0x126: {  	v1 =	vld.idx.msk [tilespmem:v1+s0+$0x0], $0xffff;
	_ =	sdelay $0x5  }
0x127: {  	v1 =	vadd.f32 v1, v2;
	_ =	sdelay $0x1  }
0x128: {  	v2 =	vmul.f32 $2.000000030e-01, v1;
	_ =	sdelay $0x1  }
0x129: {  	v1 =	vmax.f32 v1, v2  }
0x12a: {  	v1 =	vmul.f32 $1.442695020e+00, v1;
	_ =	sdelay $0x1  }
0x12b: {  	(erf) = vpow2.f32 v1;
	_ =	sdelay $0x1  }
0x12c: {  	p1 =	slt.u32 s22, $0x50910  }
0x12d: {  	v1 =	vld [tilespmem:$0xB8F0]  }
0x12e: {  	v2 =	vld [tilespmem:$0xB870];
	_ =	sdelay $0x4  }
0x12f: {  	v3 =	vpop (erf)  }
0x130: {  	v3 =	vpsel !p1, $0x0, v3  }
0x131: {  	[tilespmem:$0xB960] =	vst v3  }
0x132: {  	v2 =	vld.idx.msk [tilespmem:v2+s31+$0x0], $0xffff  }
0x133: {  	v1 =	vld.idx.msk [tilespmem:v1+s0+$0x0], $0xffff;
	_ =	sdelay $0x5  }
0x134: {  	v1 =	vadd.f32 v1, v2;
	_ =	sdelay $0x1  }
0x135: {  	v2 =	vmul.f32 $2.000000030e-01, v1;
	_ =	sdelay $0x1  }
.Ltmp2:
0x136: {  	v1 =	vmax.f32 v1, v2;
	(pc) =	sbr.rel @p0 .LBB2_6-.Ltmp2, $3  }
0x137: {  	v1 =	vmul.f32 $1.442695020e+00, v1;
	_ =	sdelay $0x1  }
0x138: {  	(erf) = vpow2.f32 v1  }
0x139: {  	p1 =	slt.u32 s21, $0x50910  }
0x13a: {  	_ =	sdelay $0x6  }
0x13b: {  	v1 =	vpop (erf)  }
0x13c: {  	v1 =	vpsel !p1, $0x0, v1  }
0x13d: {  	[tilespmem:$0xB970] =	vst v1  }
0x13e: {  	[spmem:s3] =	stream.indirect.scatter.add.f32 [tilespmem:s14], [sflag:$0x2], $0x1, s7, s29, $0xb8;
	[tilespmem:$0x1FC00] =	vst v63  }
0x13f: {  	_ =	swait.ge [sflag:s26], $0x80  }
0x140: {  	[sflag:s26] =	ssyncset.done $0x0  }
0x141: {  	[sflag:s26] =	ssyncadd.s32 $0xFFFFFF80  }
0x142: {  	[bflag:$0x0] =	sbarrier.arrive $0xFFFF  }
0x143: {  	[tilespmem:s28], [sflag:$0x2] =	stream.linear.gather [spmem:s3], $0x2800, $0x38;
	[tilespmem:$0x1FC00] =	vst v63  }
0x144: {  	_ =	swait.ge [sflag:s26], $0x2800  }
0x145: {  	s19 =	simm.s32 $0x0;
	s21 =	simm.s32 $0x0;
	[sflag:s26] =	ssyncset.done $0x0  }
0x146: {  	s23 =	smov.u32 s20;
	s24 =	smov.u32 s30;
	[sflag:s26] =	ssyncadd.s32 $0xFFFFD800  }
.LBB2_8:
0x147: {  	s9 =	sshll.u32 s21, $0x7  }
0x148: {  	s22 =	sadd.s32 s9, s16  }
0x149: {  	s9 =	sshrl.u32 s22, $0x3  }
0x14a: {  	s10 =	sadd.s32 s1, s9  }
0x14b: {  	[tilespmem:s4], [sflag:$0x2] =	stream.linear.gather [hbm4b:s10+s19], $0x80, $0x38;
	[tilespmem:$0x1FC00] =	vst v63  }
0x14c: {  	_ =	swait.ge [sflag:s26], $0x80  }
0x14d: {  	[sflag:s26] =	ssyncset.done $0x0  }
0x14e: {  	s9 =	sadd.s32 s8, s9;
	[sflag:s26] =	ssyncadd.s32 $0xFFFFFF80  }
0x14f: {  	[tilespmem:s7], [sflag:$0x2] =	stream.linear.gather [hbm4b:s9+s19], $0x80, $0x38;
	[tilespmem:$0x1FC00] =	vst v63  }
0x150: {  	_ =	swait.ge [sflag:s26], $0x80  }
0x151: {  	[sflag:s26] =	ssyncset.done $0x0  }
0x152: {  	[sflag:s26] =	ssyncadd.s32 $0xFFFFFF80  }
0x153: {  	[tilespmem:s19], [sflag:$0x1] =	stream.indirect.gather [hbm4b:s6+s29], $0x80, s4, s29, $0xb8;
	[tilespmem:$0x1FC00] =	vst v63  }
0x154: {  	_ =	swait.ge [sflag:s15], $0x4000  }
0x155: {  	[sflag:s15] =	ssyncset.done $0x0  }
0x156: {  	[sflag:s15] =	ssyncadd.s32 $0xFFFFC000  }
0x157: {  	v1 =	vld [tilespmem:$0xB800]  }
0x158: {  	v2 =	vld [tilespmem:$0xB880];
	_ =	sdelay $0x6  }
0x159: {  	v1 =	vld.idx.msk [tilespmem:v1+s31+$0x0], $0xffff  }
0x15a: {  	v3 =	vld.idx.msk [tilespmem:v2+s0+$0x0], $0xffff;
	_ =	sdelay $0x4  }
0x15b: {  	v1 =	vadd.f32 v3, v1  }
0x15c: {  	v2 =	vld.idx.msk [tilespmem:v2+s28+$0x0], $0xffff  }
0x15d: {  	v3 =	vmul.f32 $2.000000030e-01, v1;
	_ =	sdelay $0x1  }
0x15e: {  	v1 =	vmax.f32 v1, v3  }
0x15f: {  	v1 =	vmul.f32 $1.442695020e+00, v1  }
0x160: {  	v2 =	vadd.f32 $1.000000020e-16, v2  }
0x161: {  	(erf) = vpow2.f32 v1  }
0x162: {  	(erf) = vrcp.f32 v2;
	_ =	sdelay $0x4  }
0x163: {  	v1 =	vld [tilespmem:$0xB810]  }
0x164: {  	v2 =	vld [tilespmem:$0xB890];
	_ =	sdelay $0x1  }
0x165: {  	p0 =	slt.u32 s22, $0x50910;
	v3 =	vpop (erf)  }
0x166: {  	v3 =	vpsel !p0, $0x0, v3;
	v4 =	vpop (erf)  }
0x167: {  	v3 =	vmul.f32 v3, v4;
	_ =	sdelay $0x1  }
0x168: {  	[tilespmem:$0xB900] =	vst v3  }
0x169: {  	v1 =	vld.idx.msk [tilespmem:v1+s31+$0x0], $0xffff  }
0x16a: {  	v3 =	vld.idx.msk [tilespmem:v2+s0+$0x0], $0xffff;
	_ =	sdelay $0x4  }
0x16b: {  	v1 =	vadd.f32 v3, v1  }
0x16c: {  	v2 =	vld.idx.msk [tilespmem:v2+s28+$0x0], $0xffff  }
0x16d: {  	v3 =	vmul.f32 $2.000000030e-01, v1;
	_ =	sdelay $0x1  }
0x16e: {  	v1 =	vmax.f32 v1, v3  }
0x16f: {  	v1 =	vmul.f32 $1.442695020e+00, v1  }
0x170: {  	v2 =	vadd.f32 $1.000000020e-16, v2  }
0x171: {  	(erf) = vpow2.f32 v1  }
0x172: {  	(erf) = vrcp.f32 v2;
	_ =	sdelay $0x4  }
0x173: {  	v1 =	vld [tilespmem:$0xB820]  }
0x174: {  	v2 =	vld [tilespmem:$0xB8A0]  }
0x175: {  	s30 =	sor.u32 $0x10, s22  }
0x176: {  	p6 =	slt.u32 s30, $0x50910;
	v3 =	vpop (erf)  }
0x177: {  	v3 =	vpsel !p6, $0x0, v3;
	v4 =	vpop (erf)  }
0x178: {  	v3 =	vmul.f32 v3, v4;
	_ =	sdelay $0x1  }
0x179: {  	[tilespmem:$0xB910] =	vst v3  }
0x17a: {  	v1 =	vld.idx.msk [tilespmem:v1+s31+$0x0], $0xffff  }
0x17b: {  	v3 =	vld.idx.msk [tilespmem:v2+s0+$0x0], $0xffff;
	_ =	sdelay $0x4  }
0x17c: {  	v1 =	vadd.f32 v3, v1  }
0x17d: {  	v2 =	vld.idx.msk [tilespmem:v2+s28+$0x0], $0xffff  }
0x17e: {  	v3 =	vmul.f32 $2.000000030e-01, v1;
	_ =	sdelay $0x1  }
0x17f: {  	v1 =	vmax.f32 v1, v3  }
0x180: {  	v1 =	vmul.f32 $1.442695020e+00, v1  }
0x181: {  	v2 =	vadd.f32 $1.000000020e-16, v2  }
0x182: {  	(erf) = vpow2.f32 v1  }
0x183: {  	(erf) = vrcp.f32 v2;
	_ =	sdelay $0x4  }
0x184: {  	v1 =	vld [tilespmem:$0xB830]  }
0x185: {  	v2 =	vld [tilespmem:$0xB8B0]  }
0x186: {  	s10 =	sor.u32 $0x20, s22  }
0x187: {  	p1 =	slt.u32 s10, $0x50910;
	v3 =	vpop (erf)  }
0x188: {  	v3 =	vpsel !p1, $0x0, v3;
	v4 =	vpop (erf)  }
0x189: {  	v3 =	vmul.f32 v3, v4;
	_ =	sdelay $0x1  }
0x18a: {  	[tilespmem:$0xB920] =	vst v3  }
0x18b: {  	v1 =	vld.idx.msk [tilespmem:v1+s31+$0x0], $0xffff  }
0x18c: {  	v3 =	vld.idx.msk [tilespmem:v2+s0+$0x0], $0xffff;
	_ =	sdelay $0x4  }
0x18d: {  	v1 =	vadd.f32 v3, v1  }
0x18e: {  	v2 =	vld.idx.msk [tilespmem:v2+s28+$0x0], $0xffff  }
0x18f: {  	v3 =	vmul.f32 $2.000000030e-01, v1;
	_ =	sdelay $0x1  }
0x190: {  	v1 =	vmax.f32 v1, v3  }
0x191: {  	v1 =	vmul.f32 $1.442695020e+00, v1  }
0x192: {  	v2 =	vadd.f32 $1.000000020e-16, v2  }
0x193: {  	(erf) = vpow2.f32 v1  }
0x194: {  	(erf) = vrcp.f32 v2;
	_ =	sdelay $0x4  }
0x195: {  	v1 =	vld [tilespmem:$0xB840]  }
0x196: {  	v2 =	vld [tilespmem:$0xB8C0]  }
0x197: {  	s11 =	sor.u32 $0x30, s22  }
0x198: {  	p2 =	slt.u32 s11, $0x50910;
	v3 =	vpop (erf)  }
0x199: {  	v3 =	vpsel !p2, $0x0, v3;
	v4 =	vpop (erf)  }
0x19a: {  	v3 =	vmul.f32 v3, v4;
	_ =	sdelay $0x1  }
0x19b: {  	[tilespmem:$0xB930] =	vst v3  }
0x19c: {  	v1 =	vld.idx.msk [tilespmem:v1+s31+$0x0], $0xffff  }
0x19d: {  	v3 =	vld.idx.msk [tilespmem:v2+s0+$0x0], $0xffff;
	_ =	sdelay $0x4  }
0x19e: {  	v1 =	vadd.f32 v3, v1  }
0x19f: {  	v2 =	vld.idx.msk [tilespmem:v2+s28+$0x0], $0xffff  }
0x1a0: {  	v3 =	vmul.f32 $2.000000030e-01, v1;
	_ =	sdelay $0x1  }
0x1a1: {  	v1 =	vmax.f32 v1, v3  }
0x1a2: {  	v1 =	vmul.f32 $1.442695020e+00, v1  }
0x1a3: {  	v2 =	vadd.f32 $1.000000020e-16, v2  }
0x1a4: {  	(erf) = vpow2.f32 v1  }
0x1a5: {  	(erf) = vrcp.f32 v2;
	_ =	sdelay $0x4  }
0x1a6: {  	v1 =	vld [tilespmem:$0xB850]  }
0x1a7: {  	v2 =	vld [tilespmem:$0xB8D0]  }
0x1a8: {  	s12 =	sor.u32 $0x40, s22  }
0x1a9: {  	p3 =	slt.u32 s12, $0x50910;
	v3 =	vpop (erf)  }
0x1aa: {  	v3 =	vpsel !p3, $0x0, v3;
	v4 =	vpop (erf)  }
0x1ab: {  	v3 =	vmul.f32 v3, v4;
	_ =	sdelay $0x1  }
0x1ac: {  	[tilespmem:$0xB940] =	vst v3  }
0x1ad: {  	v1 =	vld.idx.msk [tilespmem:v1+s31+$0x0], $0xffff  }
0x1ae: {  	v3 =	vld.idx.msk [tilespmem:v2+s0+$0x0], $0xffff;
	_ =	sdelay $0x4  }
0x1af: {  	v1 =	vadd.f32 v3, v1  }
0x1b0: {  	v2 =	vld.idx.msk [tilespmem:v2+s28+$0x0], $0xffff  }
0x1b1: {  	v3 =	vmul.f32 $2.000000030e-01, v1;
	_ =	sdelay $0x1  }
0x1b2: {  	v1 =	vmax.f32 v1, v3  }
0x1b3: {  	v1 =	vmul.f32 $1.442695020e+00, v1  }
0x1b4: {  	v2 =	vadd.f32 $1.000000020e-16, v2  }
0x1b5: {  	(erf) = vpow2.f32 v1  }
0x1b6: {  	(erf) = vrcp.f32 v2;
	_ =	sdelay $0x4  }
0x1b7: {  	v1 =	vld [tilespmem:$0xB860]  }
0x1b8: {  	v2 =	vld [tilespmem:$0xB8E0]  }
0x1b9: {  	s20 =	sor.u32 $0x50, s22  }
0x1ba: {  	p4 =	slt.u32 s20, $0x50910;
	v3 =	vpop (erf)  }
0x1bb: {  	v3 =	vpsel !p4, $0x0, v3;
	v4 =	vpop (erf)  }
0x1bc: {  	v3 =	vmul.f32 v3, v4;
	_ =	sdelay $0x1  }
0x1bd: {  	[tilespmem:$0xB950] =	vst v3  }
0x1be: {  	v1 =	vld.idx.msk [tilespmem:v1+s31+$0x0], $0xffff  }
0x1bf: {  	v3 =	vld.idx.msk [tilespmem:v2+s0+$0x0], $0xffff;
	_ =	sdelay $0x4  }
0x1c0: {  	v1 =	vadd.f32 v3, v1  }
0x1c1: {  	v2 =	vld.idx.msk [tilespmem:v2+s28+$0x0], $0xffff  }
0x1c2: {  	v3 =	vmul.f32 $2.000000030e-01, v1;
	_ =	sdelay $0x1  }
0x1c3: {  	v1 =	vmax.f32 v1, v3  }
0x1c4: {  	v1 =	vmul.f32 $1.442695020e+00, v1  }
0x1c5: {  	v2 =	vadd.f32 $1.000000020e-16, v2  }
0x1c6: {  	(erf) = vpow2.f32 v1  }
0x1c7: {  	(erf) = vrcp.f32 v2;
	_ =	sdelay $0x4  }
0x1c8: {  	v1 =	vld [tilespmem:$0xB870]  }
0x1c9: {  	v2 =	vld [tilespmem:$0xB8F0]  }
0x1ca: {  	s25 =	sor.u32 $0x60, s22  }
0x1cb: {  	p5 =	slt.u32 s25, $0x50910;
	v3 =	vpop (erf)  }
0x1cc: {  	v3 =	vpsel !p5, $0x0, v3;
	v4 =	vpop (erf)  }
0x1cd: {  	v3 =	vmul.f32 v3, v4;
	_ =	sdelay $0x1  }
0x1ce: {  	[tilespmem:$0xB960] =	vst v3  }
0x1cf: {  	v1 =	vld.idx.msk [tilespmem:v1+s31+$0x0], $0xffff  }
0x1d0: {  	v3 =	vld.idx.msk [tilespmem:v2+s0+$0x0], $0xffff;
	_ =	sdelay $0x4  }
0x1d1: {  	v1 =	vadd.f32 v3, v1  }
0x1d2: {  	v2 =	vld.idx.msk [tilespmem:v2+s28+$0x0], $0xffff  }
0x1d3: {  	v3 =	vmul.f32 $2.000000030e-01, v1;
	_ =	sdelay $0x1  }
0x1d4: {  	v1 =	vmax.f32 v1, v3  }
0x1d5: {  	v1 =	vmul.f32 $1.442695020e+00, v1  }
0x1d6: {  	v2 =	vadd.f32 $1.000000020e-16, v2  }
0x1d7: {  	(erf) = vpow2.f32 v1  }
0x1d8: {  	(erf) = vrcp.f32 v2;
	_ =	sdelay $0x6  }
0x1d9: {  	s30 =	sor.u32 $0x70, s22  }
0x1da: {  	p6 =	slt.u32 s30, $0x50910;
	v1 =	vpop (erf)  }
0x1db: {  	v1 =	vpsel !p6, $0x0, v1;
	v2 =	vpop (erf)  }
0x1dc: {  	v1 =	vmul.f32 v1, v2  }
0x1dd: {  	v2 =	vmov s19  }
0x1de: {  	s9 =	simm.s32 $0x40;
	[tilespmem:$0xB970] =	vst v1  }
0x1df: {  	v5 =	vld [tilespmem:s9+$0x30]  }
0x1e0: {  	v8 =	vld [tilespmem:s9+$0x10]  }
0x1e1: {  	v6 =	vld [tilespmem:s9+$0xFFFFFFC0]  }
0x1e2: {  	v2 =	vld.idx.msk [tilespmem:v2+s14+$0x0], $0xffff  }
0x1e3: {  	v10 =	vld [tilespmem:s9+$0xFFFFFFE0]  }
0x1e4: {  	v1 =	vld [tilespmem:s9+$0xFFFFFFF0]  }
0x1e5: {  	v3 =	vld [tilespmem:s9+$0x20]  }
0x1e6: {  	v4 =	vld [tilespmem:s9+$0xFFFFFFD0]  }
0x1e7: {  	v9 =	vmul.f32 v5, v2;
	v5 =	vld [tilespmem:s9+$0x0]  }
0x1e8: {  	v7 =	vmul.f32 v6, v2  }
0x1e9: {  	s11 =	simm.s32 $0x40;
	s10 =	simm.s32 $0x1;
	v6 =	vmul.f32 v10, v2;
	v8 =	vmul.f32 v8, v2  }
.LBB2_9:
0x1ea: {  	p0 =	sne.s32 s10, $0x7F  }
0x1eb: {  	v4 =	vmul.f32 v4, v2;
	v3 =	vmul.f32 v3, v2;
	[tilespmem:s9+$0x30] =	vst v9;
	s11 =	sadd.s32 $0x80, s11;
	s12 =	smov.u32 s10;
	s10 =	sadd.s32 $0x1, s10  }
0x1ec: {  	[tilespmem:s9+$0xFFFFFFC0] =	vst v7;
	v7 =	vmul.f32 v1, v2;
	v2 =	vmul.f32 v5, v2  }
0x1ed: {  	[tilespmem:s9+$0x10] =	vst v8  }
0x1ee: {  	v5 =	vmov s12;
	[tilespmem:s9+$0xFFFFFFE0] =	vst v6  }
0x1ef: {  	v1 =	vld [tilespmem:s11+$0xFFFFFFF0];
	[tilespmem:s9+$0xFFFFFFF0] =	vst v7  }
0x1f0: {  	v6 =	vld [tilespmem:s11+$0x30];
	[tilespmem:s9+$0x0] =	vst v2  }
0x1f1: {  	v8 =	vld [tilespmem:s11+$0x10];
	[tilespmem:s9+$0x20] =	vst v3  }
0x1f2: {  	v7 =	vld [tilespmem:s11+$0xFFFFFFC0];
	[tilespmem:s9+$0xFFFFFFD0] =	vst v4;
	s9 =	smov.u32 s11  }
0x1f3: {  	v2 =	vld.idx.msk [tilespmem:v5+s14+$0x0], $0xffff  }
0x1f4: {  	v10 =	vld [tilespmem:s11+$0xFFFFFFE0]  }
0x1f5: {  	v3 =	vld [tilespmem:s11+$0x20]  }
.Ltmp3:
0x1f6: {  	v4 =	vld [tilespmem:s11+$0xFFFFFFD0];
	(pc) =	sbr.rel @p0 .LBB2_9-.Ltmp3, $3  }
0x1f7: {  	v5 =	vld [tilespmem:s11+$0x0];
	_ =	sdelay $0x1  }
0x1f8: {  	v7 =	vmul.f32 v7, v2;
	v9 =	vmul.f32 v6, v2  }
0x1f9: {  	v8 =	vmul.f32 v8, v2;
	v6 =	vmul.f32 v10, v2  }
0x1fa: {  	[tilespmem:s9+$0x30] =	vst v9  }
0x1fb: {  	[tilespmem:s9+$0xFFFFFFC0] =	vst v7  }
0x1fc: {  	v1 =	vmul.f32 v1, v2;
	[tilespmem:s9+$0x10] =	vst v8  }
0x1fd: {  	v3 =	vmul.f32 v3, v2;
	[tilespmem:s9+$0xFFFFFFE0] =	vst v6  }
0x1fe: {  	v5 =	vmul.f32 v5, v2;
	[tilespmem:s9+$0xFFFFFFF0] =	vst v1  }
0x1ff: {  	s21 =	sadd.s32 $0x1, s21;
	v1 =	vmul.f32 v4, v2;
	[tilespmem:s9+$0x20] =	vst v3  }
0x200: {  	p0 =	sne.s32 s21, $0x51;
	[tilespmem:s9+$0x0] =	vst v5  }
.Ltmp4:
0x201: {  	[tilespmem:s9+$0xFFFFFFD0] =	vst v1;
	(pc) =	sbr.rel @p0 .LBB2_8-.Ltmp4, $4  }
0x202: {  	[spmem:s2] =	stream.indirect.scatter.add.f32 [tilespmem:s5], [sflag:$0x2], $0x80, s7, s29, $0xb8;
	[tilespmem:$0x1FC00] =	vst v63  }
0x203: {  	_ =	swait.ge [sflag:s26], $0x4000  }
0x204: {  	[sflag:s26] =	ssyncset.done $0x0  }
0x205: {  	[sflag:s26] =	ssyncadd.s32 $0xFFFFC000  }
0x206: {  	[bflag:$0x0] =	sbarrier.arrive $0xFFFF  }
0x207: {  	[tilespmem:s5], [sflag:$0x2] =	stream.linear.gather [spmem:s13], $0x4000, $0x38;
	[tilespmem:$0x1FC00] =	vst v63  }
0x208: {  	_ =	swait.ge [sflag:s26], $0x4000  }
0x209: {  	[sflag:s26] =	ssyncset.done $0x0  }
0x20a: {  	s9 =	rddreg [dreg:$0xa];
	[sflag:s26] =	ssyncadd.s32 $0xFFFFC000  }
0x20b: {  	[hbm4b:s9+s5] =	stream.linear.scatter [tilespmem:s5], [sflag:$0x2], $0x4000, $0x38;
	[tilespmem:$0x1FC00] =	vst v63  }
0x20c: {  	_ =	swait.ge [sflag:s26], $0x4000  }
0x20d: {  	[sflag:s26] =	ssyncset.done $0x0  }
0x20e: {  	s22 =	rddreg [dreg:$0x7];
	[sflag:s26] =	ssyncadd.s32 $0xFFFFC000  }
0x20f: {  	[tilespmem:s5], [sflag:$0x2] =	stream.linear.gather [spmem:s22], $0x4000, $0x38;
	[tilespmem:$0x1FC00] =	vst v63  }
0x210: {  	_ =	swait.ge [sflag:s26], $0x4000  }
0x211: {  	[sflag:s26] =	ssyncset.done $0x0  }
0x212: {  	s21 =	smov.u32 s13;
	s13 =	rddreg [dreg:$0xb];
	[sflag:s26] =	ssyncadd.s32 $0xFFFFC000  }
0x213: {  	[hbm4b:s13+s5] =	stream.linear.scatter [tilespmem:s5], [sflag:$0x2], $0x4000, $0x38;
	[tilespmem:$0x1FC00] =	vst v63  }
0x214: {  	_ =	swait.ge [sflag:s26], $0x4000  }
0x215: {  	[sflag:s26] =	ssyncset.done $0x0  }
0x216: {  	[sflag:s26] =	ssyncadd.s32 $0xFFFFC000  }
0x217: {  	[tilespmem:s5], [sflag:$0x2] =	stream.linear.gather [spmem:s23], $0x4000, $0x38;
	[tilespmem:$0x1FC00] =	vst v63  }
0x218: {  	_ =	swait.ge [sflag:s26], $0x4000  }
0x219: {  	[sflag:s26] =	ssyncset.done $0x0  }
0x21a: {  	s19 =	rddreg [dreg:$0xc];
	[sflag:s26] =	ssyncadd.s32 $0xFFFFC000  }
0x21b: {  	[hbm4b:s19+s5] =	stream.linear.scatter [tilespmem:s5], [sflag:$0x2], $0x4000, $0x38;
	[tilespmem:$0x1FC00] =	vst v63  }
0x21c: {  	_ =	swait.ge [sflag:s26], $0x4000  }
0x21d: {  	[sflag:s26] =	ssyncset.done $0x0  }
0x21e: {  	s12 =	rddreg [dreg:$0x6];
	[sflag:s26] =	ssyncadd.s32 $0xFFFFC000  }
0x21f: {  	[tilespmem:s5], [sflag:$0x2] =	stream.linear.gather [spmem:s12], $0x4000, $0x38;
	[tilespmem:$0x1FC00] =	vst v63  }
0x220: {  	_ =	swait.ge [sflag:s26], $0x4000  }
0x221: {  	[sflag:s26] =	ssyncset.done $0x0  }
0x222: {  	s20 =	rddreg [dreg:$0xd];
	[sflag:s26] =	ssyncadd.s32 $0xFFFFC000  }
0x223: {  	[hbm4b:s20+s5] =	stream.linear.scatter [tilespmem:s5], [sflag:$0x2], $0x4000, $0x38;
	[tilespmem:$0x1FC00] =	vst v63  }
0x224: {  	_ =	swait.ge [sflag:s26], $0x4000  }
0x225: {  	[sflag:s26] =	ssyncset.done $0x0  }
0x226: {  	[sflag:s26] =	ssyncadd.s32 $0xFFFFC000  }
0x227: {  	[tilespmem:s5], [sflag:$0x2] =	stream.linear.gather [spmem:s24], $0x4000, $0x38;
	[tilespmem:$0x1FC00] =	vst v63  }
0x228: {  	_ =	swait.ge [sflag:s26], $0x4000  }
0x229: {  	[sflag:s26] =	ssyncset.done $0x0  }
0x22a: {  	s25 =	rddreg [dreg:$0xe];
	[sflag:s26] =	ssyncadd.s32 $0xFFFFC000  }
0x22b: {  	[hbm4b:s25+s5] =	stream.linear.scatter [tilespmem:s5], [sflag:$0x2], $0x4000, $0x38;
	[tilespmem:$0x1FC00] =	vst v63  }
0x22c: {  	_ =	swait.ge [sflag:s26], $0x4000  }
0x22d: {  	s18 =	sadd.s32 $0x1, s18;
	s30 =	rddreg [dreg:$0xf]  }
0x22e: {  	p0 =	sne.s32 s18, s30  }
.Ltmp5:
0x22f: {  	_ = 	snop;
	(pc) =	sbr.rel @p0 .LBB2_1-.Ltmp5, $3  }
0x230: {  	_ =	sdelay $0x1  }
0x231: {  	[sflag:s26] =	ssyncset.done $0x0  }
0x232: {  	[sflag:s26] =	ssyncadd.s32 $0xFFFFC000  }
0x233: {  	_ =	sfence.sel $0x180000  }
0x234: {  	[bflag:$0x0] =	sbarrier.arrive $0xFFFF  }
0x235: {  	_ =	strace $0x9000004A  }
0x236: {  	s0 =	stileid.u32;
	[bflag:$0x2] =	sbarrier.arrive $0xFFFF  }
0x237: {  	p0 =	sne.s32 s0, $0x0;
	s0 =	rddreg [dreg:$0x4]  }
0x238: {  	s0 =	sadd.s32 @!p0 $0x100000, s0  }
0x239: {  	[sflag:s0] =	ssyncadd.tile.s32 @!p0 $0x1;
	_ =	shalt  }
.Lfunc_end2:
_tile_overlayer_lowered:
.L_overlay_start_2:
0x23a: {  	(tag) =	ssettag $0x2  }
0x23b: {  	s0 =	rddreg [dreg:$0x0];
	s2 =	stileid.u32  }
0x23c: {  	s1 =	rddreg [dreg:$0x1];
	p0 =	sne.s32 s2, $0x0  }
0x23d: {  	s3 =	rddreg [dreg:$0x2];
	[bflag:$0x3] =	sbarrier.arrive $0xFFFF;
	s2 =	simm.s32 @!p0 $0x1C02  }
0x23e: {  	[timem:s3], [sflag:s2] =	dma.local @!p0 [hbm:s0], s1  }
0x23f: {  	s0 =	simm.s32 @!p0 $0x2  }
0x240: {  	_ =	swait.ge @!p0 [sflag:s0], s1  }
0x241: {  	s1 =	ssub.s32 @!p0 $0x0, s1;
	[sflag:s0] =	ssyncset.done @!p0 $0x0  }
0x242: {  	[sflag:s0] =	ssyncadd.s32 @!p0 s1  }
0x243: {  	[bflag:$0x3] =	sbarrier.arrive $0xFFFF  }
0x244: {  	_ =	shalt  }

// kernel: kernel.9.cloned.1.call-start
scs
__scs_entry_jumppad:
0x0: {  	(pc) =	sbr.rel $0x88, $3  }
0x1: {  	(tag) =	ssettag $0x0;
	lr =	simm.s32 $0x1  }
0x2: {  	[smem:$0x3F93] =	sst lr;
	_ =	strace $0xD0000000  }
0x3: {  	_ = 	snop  }
0x4: {  	_ = 	snop  }
0x5: {  	_ = 	snop  }
0x6: {  	_ = 	snop  }
0x7: {  	_ = 	snop  }
__scs_overlays_trampoline_lowered:
0x8: {  	[smem:$0x3FA2] =	sst s0  }
0x9: {  	[smem:$0x3FA3] =	sst s1  }
0xa: {  	[smem:$0x3FA4] =	sst s2  }
0xb: {  	[smem:$0x3FA5] =	sst s3  }
0xc: {  	[smem:$0x3FA6] =	sst s4  }
0xd: {  	[smem:$0x3FA7] =	sst s5  }
0xe: {  	[smem:$0x3FA8] =	sst s6  }
0xf: {  	[smem:$0x3FA9] =	sst s7  }
0x10: {  	[smem:$0x3FAA] =	sst s8  }
0x11: {  	[smem:$0x3FAB] =	sst s9;
	s0 =	simm.s32 @!p0 $0x0  }
0x12: {  	s1 =	sld [smem:$0x3F91];
	s0 =	simm.s32 @p0 $0x1  }
0x13: {  	[smem:$0x3FAC] =	sst s0;
	s0 =	simm.s32 @!p1 $0x0  }
0x14: {  	s2 =	sld [smem:$0x3F90];
	s0 =	simm.s32 @p1 $0x1  }
0x15: {  	[smem:$0x3FAD] =	sst s0;
	s0 =	simm.s32 @!p2 $0x0  }
0x16: {  	s3 =	sld [smem:$0x3FDB];
	s0 =	simm.s32 @p2 $0x1  }
0x17: {  	s4 =	simm.s32 $0x1BF5;
	[smem:$0x3FAF] =	sst s0  }
0x18: {  	s0 =	sld [smem:$0x3F92];
	_ =	swait.ge [sflag:s4], $0x0  }
0x19: {  	s7 =	sld [smem:$0x3F93]  }
0x1a: {  	s8 =	sadd.s32 $0xFFFFE003, lr  }
0x1b: {  	s9 =	sadd.s32 $0xFFFFFEF7, lr;
	s5 =	simm.s32 $0xFFFFFFFF;
	p2 =	slt.u32 s8, $0xFFFFF086  }
0x1c: {  	p1 =	slt.u32 s9, $0xF7A;
	s5 =	simm.s32 @!p2 $0x0  }
0x1d: {  	s5 =	simm.s32 @p1 $0x1;
	p0 =	seq.s32 s7, s2  }
0x1e: {  	s7 =	smul.u32 @!p0 $0xF7A, s2;
	p2 =	seq.s32 @!p0 s5, $0x0  }
0x1f: {  	s9 =	smul.u32 $0xF7A, s1;
	s8 =	simm.s32 @!p0 $0x1BF5;
	p2 =	por !p2, p0  }
0x20: {  	[sflag:s8] =	ssyncset.s32 @!p0 $0xFFFFF086;
	s6 =	sadd.s32 @!p0 s3, s7;
	s7 =	simm.s32 @!p0 $0x108  }
0x21: {  	s3 =	sadd.s32 s3, s9;
	s6 =	sadd.s32 @!p0 $0x88, s6;
	s7 =	simm.s32 @p2 $0x1082  }
0x22: {  	[simem:s7], [sflag:s8] =	dma.local @!p0 [hbm:s6], $0xF7A  }
0x23: {  	s9 =	sor.u32 $0xD0000000, s2;
	s6 =	simm.s32 $0x108;
	_ =	swait.ge @!p0 [sflag:s8], $0x0  }
0x24: {  	s3 =	sadd.s32 $0x88, s3;
	s6 =	simm.s32 @!p1 $0x1082;
	[sflag:s4] =	ssyncset.s32 $0xFFFFF086  }
0x25: {  	[simem:s6], [sflag:s4] =	dma.local [hbm:s3], $0xF7A  }
0x26: {  	[smem:$0x3F93] =	sst s1;
	(tag) =	ssettag s2;
	_ =	strace s9  }
0x27: {  	s1 =	sld [smem:$0x3FA3]  }
0x28: {  	s2 =	sld [smem:$0x3FA4]  }
0x29: {  	s4 =	sld [smem:$0x3FA6]  }
0x2a: {  	p0 =	seq.s32 s5, $0x0;
	s5 =	sld [smem:$0x3FA7]  }
0x2b: {  	s6 =	sld [smem:$0x3FA8]  }
0x2c: {  	s7 =	sld [smem:$0x3FA9]  }
0x2d: {  	s3 =	simm.s32 $0x108;
	s8 =	sld [smem:$0x3FAA]  }
0x2e: {  	s3 =	simm.s32 @!p0 $0x1082;
	s9 =	sld [smem:$0x3FAB]  }
0x2f: {  	lr =	sadd.s32 s0, s3;
	s0 =	sld [smem:$0x3FA2]  }
0x30: {  	s3 =	sld [smem:$0x3FA5]  }
0x31: {  	[smem:$0x3FAE] =	sst s10  }
0x32: {  	s10 =	sld [smem:$0x3FAC];
	_ =	sdelay $0x3  }
0x33: {  	p0 =	seq.s32 s10, $0x1;
	s10 =	sld [smem:$0x3FAE];
	_ =	sdelay $0x3  }
0x34: {  	[smem:$0x3FAE] =	sst s10  }
0x35: {  	s10 =	sld [smem:$0x3FAD];
	_ =	sdelay $0x3  }
0x36: {  	p1 =	seq.s32 s10, $0x1;
	s10 =	sld [smem:$0x3FAE];
	_ =	sdelay $0x3  }
0x37: {  	[smem:$0x3FAE] =	sst s10  }
0x38: {  	s10 =	sld [smem:$0x3FAF]  }
0x39: {  	_ = 	snop;
	(pc) =	sbr.ind lr, $3  }
0x3a: {  	_ = 	snop  }
0x3b: {  	_ = 	snop  }
0x3c: {  	p2 =	seq.s32 s10, $0x1;
	s10 =	sld [smem:$0x3FAE]  }
0x3d: {  	_ =	shalt  }
0x3e: {  	_ =	shalt  }
0x3f: {  	_ =	shalt  }
0x40: {  	_ =	shalt  }
0x41: {  	_ =	shalt  }
0x42: {  	_ =	shalt  }
0x43: {  	_ =	shalt  }
0x44: {  	_ =	shalt  }
0x45: {  	_ =	shalt  }
0x46: {  	_ =	shalt  }
0x47: {  	_ =	shalt  }
0x48: {  	_ =	shalt  }
0x49: {  	_ =	shalt  }
0x4a: {  	_ =	shalt  }
0x4b: {  	_ =	shalt  }
0x4c: {  	_ =	shalt  }
0x4d: {  	_ =	shalt  }
0x4e: {  	_ =	shalt  }
0x4f: {  	_ =	shalt  }
0x50: {  	_ =	shalt  }
0x51: {  	_ =	shalt  }
0x52: {  	_ =	shalt  }
0x53: {  	_ =	shalt  }
0x54: {  	_ =	shalt  }
0x55: {  	_ =	shalt  }
0x56: {  	_ =	shalt  }
0x57: {  	_ =	shalt  }
0x58: {  	_ =	shalt  }
0x59: {  	_ =	shalt  }
0x5a: {  	_ =	shalt  }
0x5b: {  	_ =	shalt  }
0x5c: {  	_ =	shalt  }
0x5d: {  	_ =	shalt  }
0x5e: {  	_ =	shalt  }
0x5f: {  	_ =	shalt  }
0x60: {  	_ =	shalt  }
0x61: {  	_ =	shalt  }
0x62: {  	_ =	shalt  }
0x63: {  	_ =	shalt  }
0x64: {  	_ =	shalt  }
0x65: {  	_ =	shalt  }
0x66: {  	_ =	shalt  }
0x67: {  	_ =	shalt  }
0x68: {  	_ =	shalt  }
0x69: {  	_ =	shalt  }
0x6a: {  	_ =	shalt  }
0x6b: {  	_ =	shalt  }
0x6c: {  	_ =	shalt  }
0x6d: {  	_ =	shalt  }
0x6e: {  	_ =	shalt  }
0x6f: {  	_ =	shalt  }
0x70: {  	_ =	shalt  }
0x71: {  	_ =	shalt  }
0x72: {  	_ =	shalt  }
0x73: {  	_ =	shalt  }
0x74: {  	_ =	shalt  }
0x75: {  	_ =	shalt  }
0x76: {  	_ =	shalt  }
0x77: {  	_ =	shalt  }
0x78: {  	_ =	shalt  }
0x79: {  	_ =	shalt  }
0x7a: {  	_ =	shalt  }
0x7b: {  	_ =	shalt  }
0x7c: {  	_ =	shalt  }
0x7d: {  	_ =	shalt  }
0x7e: {  	_ =	shalt  }
0x7f: {  	_ =	shalt  }
0x80: {  	_ =	shalt  }
0x81: {  	_ =	shalt  }
0x82: {  	_ =	shalt  }
0x83: {  	_ =	shalt  }
0x84: {  	_ =	shalt  }
0x85: {  	_ =	shalt  }
0x86: {  	_ =	shalt  }
0x87: {  	_ =	shalt  }
.Lfunc_end0:
.L_simem_size_0:
called_computation_lowered:
.L_overlay_start_0:
0x88: {  	s2 =	sld [smem:$0x3FD9]  }
0x89: {  	s3 =	sld [smem:$0x3FFE];
	_ =	sdelay $0x1  }
0x8a: {  	s1 =	srdreg.scid  }
0x8b: {  	s0 =	sand.u32 $0x1, s1  }
0x8c: {  	s17 =	sshll.u32 s0, $0xA;
	s2 =	sadd.s32 s3, s2  }
0x8d: {  	s2 =	sadd.s32 s2, s17  }
0x8e: {  	[smem:$0x3FBA] =	sst s2  }
0x8f: {  	_ = 	snop  }
0x90: {  	s2 =	sld [smem:$0x3FD0];
	(tm) =	ssettm $0x1  }
0x91: {  	s18 =	sld [smem:$0x3FFB];
	_ =	sdelay $0x3  }
0x92: {  	_ =	strace s18  }
0x93: {  	s3 =	sld [smem:$0x3FFC];
	_ =	sdelay $0x3  }
0x94: {  	_ =	strace s3  }
0x95: {  	s3 =	sld [smem:$0x3FFD];
	_ =	sdelay $0x3  }
0x96: {  	_ =	strace s3  }
0x97: {  	_ =	strace $0x8FFFFFFF  }
0x98: {  	s19 =	sld [smem:$0x3FDB];
	_ =	sdelay $0x1  }
0x99: {  	s4 =	simm.s32 $_scs_section_size  }
0x9a: {  	s5 =	simm.s32 $_size__tile_overlayer_lowered;
	s6 =	simm.s32 $_tile_overlayer_lowered  }
0x9b: {  	s22 =	simm.s32 $0x1BFF;
	s21 =	sshll.u32 s6, $0x1;
	s3 =	sadd.s32 s4, s19  }
0x9c: {  	s7 =	simm.s32 $0x0;
	s20 =	sshll.u32 s5, $0x1;
	s5 =	sadd.s32 s21, s3  }
0x9d: {  	[timem:s7], [sflag:s22] =	dma.local [hbm:s5], s20  }
0x9e: {  	_ =	swait.ge [sflag:s22], s20  }
0x9f: {  	s4 =	ssub.s32 $0x0, s20;
	[sflag:s22] =	ssyncset.done $0x0  }
0xa0: {  	[sflag:s22] =	ssyncadd.s32 s4;
	_ =	sdelay $0x1  }
0xa1: {  	s23 =	simm.s32 $0x1B8B  }
0xa2: {  	_ =	swait.ge [sflag:s23], $0x1  }
0xa3: {  	[sflag:s23] =	ssyncset.done $0x0  }
0xa4: {  	s25 =	simm.s32 $0x1B8E;
	s24 =	sld [smem:$0x3FFE];
	[sflag:s23] =	ssyncadd.s32 $0xFFFFFFFF  }
0xa5: {  	s26 =	simm.s32 $execute0_lowered;
	[smem:$0x3FD2] =	sst s25  }
0xa6: {  	s5 =	sshll.u32 s26, $0x1;
	_ =	strace $0x80000046;
	[dreg:$0x1] =	wrdreg $0xFFFFFFFF  }
0xa7: {  	s28 =	simm.s32 $_size_execute0_lowered;
	s3 =	sadd.s32 s3, s5;
	[dreg:$0x0] =	wrdreg $0x0  }
0xa8: {  	s5 =	sshll.u32 s28, $0x1;
	[dreg:$0x2] =	wrdreg s3  }
0xa9: {  	[dreg:$0x3] =	wrdreg s5  }
0xaa: {  	[dreg:$0x4] =	wrdreg $0xC0  }
0xab: {  	_ =	task [dreg:s7], $0x5FFFF  }
0xac: {  	[dreg:$0x1] =	wrdreg $0xFFFFFFFF  }
0xad: {  	[dreg:$0x0] =	wrdreg $0x60  }
0xae: {  	[dreg:$0x2] =	wrdreg s24  }
0xaf: {  	[dreg:$0x3] =	wrdreg s2  }
0xb0: {  	[dreg:$0x4] =	wrdreg $0xBA000  }
0xb1: {  	[dreg:$0x5] =	wrdreg $0x1FA000  }
0xb2: {  	[dreg:$0x6] =	wrdreg $0x9  }
0xb3: {  	_ =	task.clear_ibuf [dreg:s7], $0x7FFFF;
	_ =	strace $0x90000046  }
0xb4: {  	s29 =	simm.s32 $0x9;
	_ =	strace $0x80000048  }
0xb5: {  	_ =	swait.ge [sflag:s29], $0x1  }
0xb6: {  	[sflag:s29] =	ssyncadd.s32 $0xFFFFFFFF  }
0xb7: {  	_ =	strace $0x90000048  }
0xb8: {  	_ =	sfence  }
0xb9: {  	s30 =	sld [smem:$0x0];
	_ =	sdelay $0x2  }
0xba: {  	s31 =	sshll.u32 s1, $0xD;
	s1 =	sshrl.u32 s1, $0x2  }
0xbb: {  	s3 =	sand.u32 $0x4000, s31;
	s1 =	sadd.s32 s1, s30  }
0xbc: {  	s0 =	sor.u32 s3, s0;
	s1 =	sshll.u32 s1, $0x11  }
0xbd: {  	s0 =	sor.u32 s1, s0  }
0xbe: {  	s0 =	sadd.s32 $0x8F2B, s0  }
0xbf: {  	[sflag:s0] =	ssyncadd.remote.s32 $0x1  }
0xc0: {  	_ =	sfence.sel $0xFFFF  }
0xc1: {  	[dreg:$0x0] =	wrdreg $0xFFFFFFFF;
	(pc) =	sbr.abs _section_cstart, $3  }
0xc2: {  	[dreg:$0x1] =	wrdreg $0xFFFFFFFF  }
0xc3: {  	_ =	task.clear_ibuf [dreg:s7], $0x2FFFF;
	_ =	strace $0x9FFFFFFF  }
0xc4: {  	(tm) =	ssettm $0x7FFFFFFF  }
0xc5: {  	_ =	shalt  }
tec
execute0_lowered:
.L_overlay_start_1:
0x0: {  	(tag) =	ssettag $0x1  }
0x1: {  	s0 =	rddreg [dreg:$0x0]  }
0x2: {  	s1 =	rddreg [dreg:$0x1]  }
0x3: {  	s2 =	rddreg [dreg:$0x2]  }
0x4: {  	s3 =	rddreg [dreg:$0x3]  }
0x5: {  	s4 =	simm.s32 $0x0;
	s5 =	srdreg.scid;
	s19 =	stileid.u32  }
0x6: {  	s28 =	simm.s32 $0x80;
	s30 =	simm.s32 $0x4000;
	s8 =	smul.u32 $0x280, s19  }
0x7: {  	s31 =	simm.s32 $0x6800;
	[smem:$0x7FF] =	sst s4;
	s11 =	smul.u32 $0x50000, s19  }
0x8: {  	s5 =	sand.u32 $0x1, s5;
	s6 =	sadd.s32 $0x2C00, s0;
	s16 =	smul.u32 $0x5100, s19  }
0x9: {  	s19 =	smul.u32 $0xA20, s19;
	_ =	strace $0x80000047;
	s7 =	sshll.u32 s5, $0x4  }
0xa: {  	s10 =	ssub.s32 $0x2, s5;
	s18 =	smul.u32 $0x2800, s5;
	s9 =	sadd.s32 s7, s0  }
0xb: {  	s7 =	sadd.s32 $0x55400, s0;
	s0 =	sadd.s32 $0x5F600, s0;
	s12 =	sshrl.u32 s10, $0x1  }
0xc: {  	s11 =	sshrl.u32 s11, $0x2;
	s13 =	sadd.s32 $0x80, s8;
	s14 =	sadd.s32 $0x100, s8  }
0xd: {  	s15 =	sadd.s32 $0x180, s8;
	s17 =	sadd.s32 $0x200, s8;
	s25 =	sadd.s32 s8, s3  }
0xe: {  	s10 =	ssub.s32 s10, s12;
	s20 =	sadd.s32 s11, s2;
	s21 =	sshll.u32 s13, $0x7  }
0xf: {  	s22 =	sshll.u32 s14, $0x7;
	s23 =	sshll.u32 s15, $0x7;
	s24 =	sshll.u32 s17, $0x7  }
0x10: {  	[dreg:$0x7] =	wrdreg s25;
	s26 =	sadd.s32 $0x52C00, s9;
	s29 =	sadd.s32 $0x52C20, s9  }
0x11: {  	s9 =	sadd.s32 s8, s18;
	s12 =	sadd.s32 s18, s13;
	s14 =	sadd.s32 s18, s14  }
0x12: {  	s15 =	sadd.s32 s18, s15;
	s17 =	sadd.s32 s18, s17;
	s21 =	sadd.s32 s21, s2  }
0x13: {  	s22 =	sadd.s32 s22, s2;
	s11 =	sadd.s32 s23, s2;
	[dreg:$0x8] =	wrdreg s26  }
0x14: {  	s23 =	sadd.s32 s24, s2;
	[dreg:$0x9] =	wrdreg s29;
	s25 =	smax.u32 s10, $0x1  }
0x15: {  	s5 =	sshll.u32 s9, $0x4;
	s26 =	sadd.s32 s19, s7;
	[dreg:$0xf] =	wrdreg s25  }
0x16: {  	s8 =	sshll.u32 s12, $0x4;
	s29 =	sadd.s32 s19, s1;
	[dreg:$0x10] =	wrdreg s26  }
0x17: {  	s9 =	sshll.u32 s17, $0x4;
	s17 =	simm.s32 $0x0;
	[dreg:$0x11] =	wrdreg s29  }
0x18: {  	s5 =	sadd.s32 s0, s5;
	s13 =	sadd.s32 s0, s8;
	[dreg:$0x5] =	wrdreg s11  }
0x19: {  	s8 =	sshll.u32 s15, $0x4;
	s25 =	simm.s32 $0x2;
	[dreg:$0x6] =	wrdreg s23  }
0x1a: {  	s26 =	simm.s32 $0x9000;
	s15 =	simm.s32 $0x1;
	[dreg:$0xa] =	wrdreg s5  }
0x1b: {  	[dreg:$0xb] =	wrdreg s13;
	s5 =	sshll.u32 s14, $0x4;
	s24 =	sadd.s32 s0, s8  }
0x1c: {  	s13 =	simm.s32 $0xB900;
	s5 =	sadd.s32 s0, s5;
	[dreg:$0xd] =	wrdreg s24  }
0x1d: {  	s14 =	simm.s32 $0xB980;
	s0 =	sadd.s32 s0, s9;
	[dreg:$0xc] =	wrdreg s5  }
0x1e: {  	v1 =	vimm.f32 $0.0e+00;
	v0 =	vmov s18;
	[dreg:$0xe] =	wrdreg s0;
	s0 =	simm.s32 $0xB800;
	s5 =	simm.s32 $0xB880  }
.LBB2_1:
0x1f: {  	s8 =	simm.s32 $0x0;
	s9 =	simm.s32 $0x200  }
.LBB2_2:
0x20: {  	p0 =	sne.s32 s9, $0xFE00;
	[tilespmem:s8+$0x70] =	vst v1  }
0x21: {  	[tilespmem:s8+$0x0] =	vst v1  }
0x22: {  	[tilespmem:s8+$0x10] =	vst v1  }
.Ltmp0:
0x23: {  	[tilespmem:s8+$0x20] =	vst v1;
	(pc) =	sbr.rel @p0 .LBB2_2-.Ltmp0, $4  }
0x24: {  	[tilespmem:s8+$0x30] =	vst v1  }
0x25: {  	[tilespmem:s8+$0x40] =	vst v1  }
0x26: {  	[tilespmem:s8+$0x50] =	vst v1  }
0x27: {  	[tilespmem:s8+$0x60] =	vst v1;
	s8 =	sshra.s32 s9, $0x2;
	s9 =	sadd.s32 $0x200, s9  }
0x28: {  	[tilespmem:s8+$0x70] =	vst v1  }
0x29: {  	[tilespmem:s8+$0x0] =	vst v1  }
0x2a: {  	[tilespmem:s8+$0x10] =	vst v1  }
0x2b: {  	[tilespmem:s8+$0x20] =	vst v1  }
0x2c: {  	[tilespmem:s8+$0x30] =	vst v1  }
0x2d: {  	[tilespmem:s8+$0x40] =	vst v1  }
0x2e: {  	[tilespmem:s8+$0x50] =	vst v1  }
0x2f: {  	[tilespmem:s8+$0x60] =	vst v1;
	s8 =	simm.s32 $0x40;
	s9 =	simm.s32 $0x0  }
.LBB2_4:
0x30: {  	p0 =	sne.s32 s8, $0x9FC0;
	[tilespmem:s9+$0x9000] =	vst v1;
	s9 =	smov.u32 s8;
	s8 =	sadd.s32 $0x40, s8  }
.Ltmp1:
0x31: {  	(pc) =	sbr.rel @p0 .LBB2_4-.Ltmp1, $2  }
0x32: {  	_ =	sdelay $0x2  }
0x33: {  	s9 =	sshra.s32 s9, $0x2  }
0x34: {  	[tilespmem:s9+$0x9000] =	vst v1;
	s8 =	simm.s32 $0x0  }
0x35: {  	[spmem:s20] =	stream.linear.scatter [tilespmem:s8], [sflag:$0x2], $0x4000, $0x38;
	[tilespmem:$0x1FC80] =	vst v63  }
0x36: {  	_ =	swait.ge [sflag:s25], $0x4000  }
0x37: {  	[sflag:s25] =	ssyncset.done $0x0  }
0x38: {  	[sflag:s25] =	ssyncadd.s32 $0xFFFFC000  }
0x39: {  	[spmem:s21] =	stream.linear.scatter [tilespmem:s8], [sflag:$0x2], $0x4000, $0x38;
	[tilespmem:$0x1FC80] =	vst v63  }
0x3a: {  	_ =	swait.ge [sflag:s25], $0x4000  }
0x3b: {  	[sflag:s25] =	ssyncset.done $0x0  }
0x3c: {  	[sflag:s25] =	ssyncadd.s32 $0xFFFFC000  }
0x3d: {  	[spmem:s22] =	stream.linear.scatter [tilespmem:s8], [sflag:$0x2], $0x4000, $0x38;
	[tilespmem:$0x1FC80] =	vst v63  }
0x3e: {  	_ =	swait.ge [sflag:s25], $0x4000  }
0x3f: {  	[sflag:s25] =	ssyncset.done $0x0  }
0x40: {  	[sflag:s25] =	ssyncadd.s32 $0xFFFFC000  }
0x41: {  	[spmem:s11] =	stream.linear.scatter [tilespmem:s8], [sflag:$0x2], $0x4000, $0x38;
	[tilespmem:$0x1FC80] =	vst v63  }
0x42: {  	_ =	swait.ge [sflag:s25], $0x4000  }
0x43: {  	[sflag:s25] =	ssyncset.done $0x0  }
0x44: {  	[sflag:s25] =	ssyncadd.s32 $0xFFFFC000  }
0x45: {  	[spmem:s23] =	stream.linear.scatter [tilespmem:s8], [sflag:$0x2], $0x4000, $0x38;
	[tilespmem:$0x1FC80] =	vst v63  }
0x46: {  	_ =	swait.ge [sflag:s25], $0x4000  }
0x47: {  	[sflag:s25] =	ssyncset.done $0x0  }
0x48: {  	s29 =	smov.u32 s21;
	s21 =	rddreg [dreg:$0x7];
	[sflag:s25] =	ssyncadd.s32 $0xFFFFC000  }
0x49: {  	[spmem:s21] =	stream.linear.scatter [tilespmem:s26], [sflag:$0x2], $0x280, $0x38;
	[tilespmem:$0x1FC80] =	vst v63  }
0x4a: {  	_ =	swait.ge [sflag:s25], $0x280  }
0x4b: {  	s19 =	smov.u32 s22;
	[sflag:s25] =	ssyncset.done $0x0  }
0x4c: {  	s23 =	simm.s32 $0x400;
	s22 =	rddreg [dreg:$0x8];
	[sflag:s25] =	ssyncadd.s32 $0xFFFFFD80  }
0x4d: {  	[tilespmem:s30], [sflag:$0x2] =	stream.strided.gather [hbm4b:s22+s28], $0x2800, s23, s28, $0x38;
	[tilespmem:$0x1FC80] =	vst v63  }
0x4e: {  	_ =	swait.ge [sflag:s25], $0x2800  }
0x4f: {  	[sflag:s25] =	ssyncset.done $0x0  }
0x50: {  	s24 =	rddreg [dreg:$0x9];
	[sflag:s25] =	ssyncadd.s32 $0xFFFFD800  }
0x51: {  	[tilespmem:s31], [sflag:$0x2] =	stream.strided.gather [hbm4b:s24+s28], $0x2800, s23, s28, $0x38;
	[tilespmem:$0x1FC80] =	vst v63  }
0x52: {  	_ =	swait.ge [sflag:s25], $0x2800  }
0x53: {  	[sflag:s25] =	ssyncset.done $0x0  }
0x54: {  	[sflag:s25] =	ssyncadd.s32 $0xFFFFD800  }
0x55: {  	[bflag:$0x0] =	sbarrier.arrive $0xFFFF  }
0x56: {  	s24 =	rddreg [dreg:$0x11]  }
0x57: {  	[tilespmem:s0], [sflag:$0x2] =	stream.linear.gather [hbm4b:s24+s4], $0x80, $0x38;
	[tilespmem:$0x1FC80] =	vst v63  }
0x58: {  	_ =	swait.ge [sflag:s25], $0x80  }
0x59: {  	[sflag:s25] =	ssyncset.done $0x0  }
0x5a: {  	s23 =	rddreg [dreg:$0x10];
	[sflag:s25] =	ssyncadd.s32 $0xFFFFFF80  }
0x5b: {  	[tilespmem:s5], [sflag:$0x2] =	stream.linear.gather [hbm4b:s23+s4], $0x80, $0x38;
	[tilespmem:$0x1FC80] =	vst v63  }
0x5c: {  	_ =	swait.ge [sflag:s25], $0x80  }
0x5d: {  	[sflag:s25] =	ssyncset.done $0x0  }
0x5e: {  	[sflag:s25] =	ssyncadd.s32 $0xFFFFFF80  }
0x5f: {  	v2 =	vld [tilespmem:$0xB800]  }
0x60: {  	v3 =	vld [tilespmem:$0xB880];
	_ =	sdelay $0x6  }
0x61: {  	v2 =	vld.idx.msk [tilespmem:v2+s30+$0x0], $0xffff  }
0x62: {  	v3 =	vld.idx.msk [tilespmem:v3+s31+$0x0], $0xffff;
	_ =	sdelay $0x4  }
0x63: {  	v2 =	vadd.f32 v3, v2;
	_ =	sdelay $0x1  }
0x64: {  	v3 =	vmul.f32 $2.000000030e-01, v2;
	_ =	sdelay $0x1  }
0x65: {  	v2 =	vmax.f32 v2, v3  }
0x66: {  	v2 =	vmul.f32 $1.442695020e+00, v2;
	_ =	sdelay $0x1  }
0x67: {  	(erf) = vpow2.f32 v2;
	_ =	sdelay $0x3  }
0x68: {  	v2 =	vld [tilespmem:$0xB810]  }
0x69: {  	v3 =	vld [tilespmem:$0xB890];
	_ =	sdelay $0x2  }
0x6a: {  	s8 =	sadd.s32 $0x0, s16  }
0x6b: {  	p0 =	slt.u32 s8, $0x50910;
	v4 =	vpop (erf)  }
0x6c: {  	v4 =	vpsel !p0, $0x0, v4  }
0x6d: {  	[tilespmem:$0xB900] =	vst v4  }
0x6e: {  	v2 =	vld.idx.msk [tilespmem:v2+s30+$0x0], $0xffff  }
0x6f: {  	v3 =	vld.idx.msk [tilespmem:v3+s31+$0x0], $0xffff;
	_ =	sdelay $0x4  }
0x70: {  	v2 =	vadd.f32 v3, v2;
	_ =	sdelay $0x1  }
0x71: {  	v3 =	vmul.f32 $2.000000030e-01, v2;
	_ =	sdelay $0x1  }
0x72: {  	v2 =	vmax.f32 v2, v3  }
0x73: {  	v2 =	vmul.f32 $1.442695020e+00, v2;
	_ =	sdelay $0x1  }
0x74: {  	(erf) = vpow2.f32 v2;
	_ =	sdelay $0x3  }
0x75: {  	v2 =	vld [tilespmem:$0xB820]  }
0x76: {  	v3 =	vld [tilespmem:$0xB8A0];
	_ =	sdelay $0x2  }
0x77: {  	s10 =	sadd.s32 $0x10, s8  }
0x78: {  	p1 =	slt.u32 s10, $0x50910;
	v58 =	vpop (erf)  }
0x79: {  	v4 =	vpsel !p1, $0x0, v58  }
0x7a: {  	[tilespmem:$0xB910] =	vst v4  }
0x7b: {  	v2 =	vld.idx.msk [tilespmem:v2+s30+$0x0], $0xffff  }
0x7c: {  	v3 =	vld.idx.msk [tilespmem:v3+s31+$0x0], $0xffff;
	_ =	sdelay $0x4  }
0x7d: {  	v2 =	vadd.f32 v3, v2;
	_ =	sdelay $0x1  }
0x7e: {  	v3 =	vmul.f32 $2.000000030e-01, v2;
	_ =	sdelay $0x1  }
0x7f: {  	v2 =	vmax.f32 v2, v3  }
0x80: {  	v2 =	vmul.f32 $1.442695020e+00, v2;
	_ =	sdelay $0x1  }
0x81: {  	(erf) = vpow2.f32 v2;
	_ =	sdelay $0x3  }
0x82: {  	v2 =	vld [tilespmem:$0xB830]  }
0x83: {  	v3 =	vld [tilespmem:$0xB8B0];
	_ =	sdelay $0x2  }
0x84: {  	s11 =	sadd.s32 $0x20, s8  }
0x85: {  	p2 =	slt.u32 s11, $0x50910;
	v59 =	vpop (erf)  }
0x86: {  	v4 =	vpsel !p2, $0x0, v59  }
0x87: {  	[tilespmem:$0xB920] =	vst v4  }
0x88: {  	v2 =	vld.idx.msk [tilespmem:v2+s30+$0x0], $0xffff  }
0x89: {  	v3 =	vld.idx.msk [tilespmem:v3+s31+$0x0], $0xffff;
	_ =	sdelay $0x4  }
0x8a: {  	v2 =	vadd.f32 v3, v2;
	_ =	sdelay $0x1  }
0x8b: {  	v3 =	vmul.f32 $2.000000030e-01, v2;
	_ =	sdelay $0x1  }
0x8c: {  	v2 =	vmax.f32 v2, v3  }
0x8d: {  	v2 =	vmul.f32 $1.442695020e+00, v2;
	_ =	sdelay $0x1  }
0x8e: {  	(erf) = vpow2.f32 v2;
	_ =	sdelay $0x3  }
0x8f: {  	v2 =	vld [tilespmem:$0xB840]  }
0x90: {  	v3 =	vld [tilespmem:$0xB8C0];
	_ =	sdelay $0x2  }
0x91: {  	s18 =	sadd.s32 $0x30, s8  }
0x92: {  	p3 =	slt.u32 s18, $0x50910;
	v60 =	vpop (erf)  }
0x93: {  	v4 =	vpsel !p3, $0x0, v60  }
0x94: {  	[tilespmem:$0xB930] =	vst v4  }
0x95: {  	v2 =	vld.idx.msk [tilespmem:v2+s30+$0x0], $0xffff  }
0x96: {  	v3 =	vld.idx.msk [tilespmem:v3+s31+$0x0], $0xffff;
	_ =	sdelay $0x4  }
0x97: {  	v2 =	vadd.f32 v3, v2;
	_ =	sdelay $0x1  }
0x98: {  	v3 =	vmul.f32 $2.000000030e-01, v2;
	_ =	sdelay $0x1  }
0x99: {  	v2 =	vmax.f32 v2, v3  }
0x9a: {  	v2 =	vmul.f32 $1.442695020e+00, v2;
	_ =	sdelay $0x1  }
0x9b: {  	(erf) = vpow2.f32 v2;
	_ =	sdelay $0x3  }
0x9c: {  	v2 =	vld [tilespmem:$0xB850]  }
0x9d: {  	v3 =	vld [tilespmem:$0xB8D0];
	_ =	sdelay $0x2  }
0x9e: {  	s12 =	smov.u32 s20;
	s20 =	sadd.s32 $0x40, s8  }
0x9f: {  	p4 =	slt.u32 s20, $0x50910;
	v61 =	vpop (erf)  }
0xa0: {  	v4 =	vpsel !p4, $0x0, v61  }
0xa1: {  	[tilespmem:$0xB940] =	vst v4  }
0xa2: {  	v2 =	vld.idx.msk [tilespmem:v2+s30+$0x0], $0xffff  }
0xa3: {  	v3 =	vld.idx.msk [tilespmem:v3+s31+$0x0], $0xffff;
	_ =	sdelay $0x4  }
0xa4: {  	v2 =	vadd.f32 v3, v2;
	_ =	sdelay $0x1  }
0xa5: {  	v3 =	vmul.f32 $2.000000030e-01, v2;
	_ =	sdelay $0x1  }
0xa6: {  	v2 =	vmax.f32 v2, v3  }
0xa7: {  	v2 =	vmul.f32 $1.442695020e+00, v2;
	_ =	sdelay $0x1  }
0xa8: {  	(erf) = vpow2.f32 v2;
	_ =	sdelay $0x3  }
0xa9: {  	v2 =	vld [tilespmem:$0xB860]  }
0xaa: {  	v3 =	vld [tilespmem:$0xB8E0];
	_ =	sdelay $0x2  }
0xab: {  	s21 =	sadd.s32 $0x50, s8  }
0xac: {  	p5 =	slt.u32 s21, $0x50910;
	v62 =	vpop (erf)  }
0xad: {  	v4 =	vpsel !p5, $0x0, v62  }
0xae: {  	[tilespmem:$0xB950] =	vst v4  }
0xaf: {  	v2 =	vld.idx.msk [tilespmem:v2+s30+$0x0], $0xffff  }
0xb0: {  	v3 =	vld.idx.msk [tilespmem:v3+s31+$0x0], $0xffff;
	_ =	sdelay $0x4  }
0xb1: {  	v2 =	vadd.f32 v3, v2;
	_ =	sdelay $0x1  }
0xb2: {  	v3 =	vmul.f32 $2.000000030e-01, v2;
	_ =	sdelay $0x1  }
0xb3: {  	v2 =	vmax.f32 v2, v3  }
0xb4: {  	v2 =	vmul.f32 $1.442695020e+00, v2;
	_ =	sdelay $0x1  }
0xb5: {  	(erf) = vpow2.f32 v2;
	_ =	sdelay $0x3  }
0xb6: {  	v2 =	vld [tilespmem:$0xB870]  }
0xb7: {  	v3 =	vld [tilespmem:$0xB8F0];
	_ =	sdelay $0x2  }
0xb8: {  	s22 =	sadd.s32 $0x60, s8  }
0xb9: {  	p6 =	slt.u32 s22, $0x50910;
	v63 =	vpop (erf)  }
0xba: {  	v4 =	vpsel !p6, $0x0, v63  }
0xbb: {  	[tilespmem:$0xB960] =	vst v4  }
0xbc: {  	v2 =	vld.idx.msk [tilespmem:v2+s30+$0x0], $0xffff  }
0xbd: {  	v3 =	vld.idx.msk [tilespmem:v3+s31+$0x0], $0xffff;
	_ =	sdelay $0x4  }
0xbe: {  	v2 =	vadd.f32 v3, v2;
	_ =	sdelay $0x1  }
0xbf: {  	v3 =	vmul.f32 $2.000000030e-01, v2;
	_ =	sdelay $0x1  }
0xc0: {  	v2 =	vmax.f32 v2, v3  }
0xc1: {  	v2 =	vmul.f32 $1.442695020e+00, v2;
	_ =	sdelay $0x1  }
0xc2: {  	s8 =	sadd.s32 $0x70, s8;
	(erf) = vpow2.f32 v2  }
0xc3: {  	s18 =	simm.s32 $0x80;
	p1 =	slt.u32 s8, $0x50910  }
.LBB2_6:
0xc4: {  	_ =	sdelay $0x4  }
0xc5: {  	p0 =	sne.s32 s18, $0x5080;
	s23 =	sadd.s32 $0x10, s23;
	s24 =	sadd.s32 $0x10, s24  }
0xc6: {  	s8 =	smov.u32 s18;
	s18 =	sadd.s32 $0x80, s18  }
0xc7: {  	v2 =	vpop (erf)  }
0xc8: {  	v2 =	vpsel !p1, $0x0, v2  }
0xc9: {  	[tilespmem:$0xB970] =	vst v2  }
0xca: {  	[spmem:s3] =	stream.indirect.scatter.add.f32 [tilespmem:s13], [sflag:$0x2], $0x1, s5, s28, $0xb8;
	[tilespmem:$0x1FC80] =	vst v63  }
0xcb: {  	_ =	swait.ge [sflag:s25], $0x80  }
0xcc: {  	[sflag:s25] =	ssyncset.done $0x0  }
0xcd: {  	[sflag:s25] =	ssyncadd.s32 $0xFFFFFF80  }
0xce: {  	[tilespmem:s0], [sflag:$0x2] =	stream.linear.gather [hbm4b:s24+s4], $0x80, $0x38;
	[tilespmem:$0x1FC80] =	vst v63  }
0xcf: {  	_ =	swait.ge [sflag:s25], $0x80  }
0xd0: {  	[sflag:s25] =	ssyncset.done $0x0  }
0xd1: {  	[sflag:s25] =	ssyncadd.s32 $0xFFFFFF80  }
0xd2: {  	[tilespmem:s5], [sflag:$0x2] =	stream.linear.gather [hbm4b:s23+s4], $0x80, $0x38;
	[tilespmem:$0x1FC80] =	vst v63  }
0xd3: {  	_ =	swait.ge [sflag:s25], $0x80  }
0xd4: {  	[sflag:s25] =	ssyncset.done $0x0  }
0xd5: {  	[sflag:s25] =	ssyncadd.s32 $0xFFFFFF80  }
0xd6: {  	v2 =	vld [tilespmem:$0xB800]  }
0xd7: {  	v3 =	vld [tilespmem:$0xB880];
	_ =	sdelay $0x6  }
0xd8: {  	v2 =	vld.idx.msk [tilespmem:v2+s30+$0x0], $0xffff  }
0xd9: {  	v3 =	vld.idx.msk [tilespmem:v3+s31+$0x0], $0xffff;
	_ =	sdelay $0x5  }
0xda: {  	v2 =	vadd.f32 v3, v2;
	_ =	sdelay $0x1  }
0xdb: {  	v3 =	vmul.f32 $2.000000030e-01, v2;
	_ =	sdelay $0x1  }
0xdc: {  	v2 =	vmax.f32 v2, v3  }
0xdd: {  	v2 =	vmul.f32 $1.442695020e+00, v2;
	_ =	sdelay $0x1  }
0xde: {  	(erf) = vpow2.f32 v2;
	_ =	sdelay $0x2  }
0xdf: {  	v2 =	vld [tilespmem:$0xB890]  }
0xe0: {  	v3 =	vld [tilespmem:$0xB810];
	_ =	sdelay $0x2  }
0xe1: {  	s20 =	sadd.s32 s8, s16  }
0xe2: {  	s11 =	sadd.s32 $0x10, s20;
	s10 =	sadd.s32 $0x20, s20;
	p1 =	slt.u32 s20, $0x50910  }
0xe3: {  	s9 =	sadd.s32 $0x30, s20;
	s8 =	sadd.s32 $0x40, s20;
	s22 =	sadd.s32 $0x50, s20;
	v4 =	vpop (erf)  }
0xe4: {  	s21 =	sadd.s32 $0x60, s20;
	s20 =	sadd.s32 $0x70, s20;
	v4 =	vpsel !p1, $0x0, v4  }
0xe5: {  	[tilespmem:$0xB900] =	vst v4  }
0xe6: {  	v3 =	vld.idx.msk [tilespmem:v3+s30+$0x0], $0xffff  }
0xe7: {  	v2 =	vld.idx.msk [tilespmem:v2+s31+$0x0], $0xffff;
	_ =	sdelay $0x5  }
0xe8: {  	v2 =	vadd.f32 v2, v3;
	_ =	sdelay $0x1  }
0xe9: {  	v3 =	vmul.f32 $2.000000030e-01, v2;
	_ =	sdelay $0x1  }
0xea: {  	v2 =	vmax.f32 v2, v3  }
0xeb: {  	v2 =	vmul.f32 $1.442695020e+00, v2;
	_ =	sdelay $0x1  }
0xec: {  	(erf) = vpow2.f32 v2;
	_ =	sdelay $0x2  }
0xed: {  	v2 =	vld [tilespmem:$0xB8A0]  }
0xee: {  	v3 =	vld [tilespmem:$0xB820];
	_ =	sdelay $0x2  }
0xef: {  	p1 =	slt.u32 s11, $0x50910;
	_ =	sdelay $0x1  }
0xf0: {  	v4 =	vpop (erf)  }
0xf1: {  	v4 =	vpsel !p1, $0x0, v4  }
0xf2: {  	[tilespmem:$0xB910] =	vst v4  }
0xf3: {  	v3 =	vld.idx.msk [tilespmem:v3+s30+$0x0], $0xffff  }
0xf4: {  	v2 =	vld.idx.msk [tilespmem:v2+s31+$0x0], $0xffff;
	_ =	sdelay $0x5  }
0xf5: {  	v2 =	vadd.f32 v2, v3;
	_ =	sdelay $0x1  }
0xf6: {  	v3 =	vmul.f32 $2.000000030e-01, v2;
	_ =	sdelay $0x1  }
0xf7: {  	v2 =	vmax.f32 v2, v3  }
0xf8: {  	v2 =	vmul.f32 $1.442695020e+00, v2;
	_ =	sdelay $0x1  }
0xf9: {  	(erf) = vpow2.f32 v2;
	_ =	sdelay $0x2  }
0xfa: {  	v2 =	vld [tilespmem:$0xB8B0]  }
0xfb: {  	v3 =	vld [tilespmem:$0xB830];
	_ =	sdelay $0x1  }
0xfc: {  	p1 =	slt.u32 s10, $0x50910;
	_ =	sdelay $0x2  }
0xfd: {  	v4 =	vpop (erf)  }
0xfe: {  	v4 =	vpsel !p1, $0x0, v4  }
0xff: {  	[tilespmem:$0xB920] =	vst v4  }
0x100: {  	v3 =	vld.idx.msk [tilespmem:v3+s30+$0x0], $0xffff  }
0x101: {  	v2 =	vld.idx.msk [tilespmem:v2+s31+$0x0], $0xffff;
	_ =	sdelay $0x5  }
0x102: {  	v2 =	vadd.f32 v2, v3;
	_ =	sdelay $0x1  }
0x103: {  	v3 =	vmul.f32 $2.000000030e-01, v2;
	_ =	sdelay $0x1  }
0x104: {  	v2 =	vmax.f32 v2, v3  }
0x105: {  	v2 =	vmul.f32 $1.442695020e+00, v2;
	_ =	sdelay $0x1  }
0x106: {  	(erf) = vpow2.f32 v2;
	_ =	sdelay $0x2  }
0x107: {  	v2 =	vld [tilespmem:$0xB8C0]  }
0x108: {  	v3 =	vld [tilespmem:$0xB840]  }
0x109: {  	p1 =	slt.u32 s9, $0x50910;
	_ =	sdelay $0x3  }
0x10a: {  	v4 =	vpop (erf)  }
0x10b: {  	v4 =	vpsel !p1, $0x0, v4  }
0x10c: {  	[tilespmem:$0xB930] =	vst v4  }
0x10d: {  	v3 =	vld.idx.msk [tilespmem:v3+s30+$0x0], $0xffff  }
0x10e: {  	v2 =	vld.idx.msk [tilespmem:v2+s31+$0x0], $0xffff;
	_ =	sdelay $0x5  }
0x10f: {  	v2 =	vadd.f32 v2, v3;
	_ =	sdelay $0x1  }
0x110: {  	v3 =	vmul.f32 $2.000000030e-01, v2;
	_ =	sdelay $0x1  }
0x111: {  	v2 =	vmax.f32 v2, v3  }
0x112: {  	v2 =	vmul.f32 $1.442695020e+00, v2;
	_ =	sdelay $0x1  }
0x113: {  	(erf) = vpow2.f32 v2;
	_ =	sdelay $0x2  }
0x114: {  	v2 =	vld [tilespmem:$0xB8D0]  }
0x115: {  	p1 =	slt.u32 s8, $0x50910;
	v3 =	vld [tilespmem:$0xB850];
	_ =	sdelay $0x4  }
0x116: {  	v4 =	vpop (erf)  }
0x117: {  	v4 =	vpsel !p1, $0x0, v4  }
0x118: {  	[tilespmem:$0xB940] =	vst v4  }
0x119: {  	v3 =	vld.idx.msk [tilespmem:v3+s30+$0x0], $0xffff  }
0x11a: {  	v2 =	vld.idx.msk [tilespmem:v2+s31+$0x0], $0xffff;
	_ =	sdelay $0x5  }
0x11b: {  	v2 =	vadd.f32 v2, v3;
	_ =	sdelay $0x1  }
0x11c: {  	v3 =	vmul.f32 $2.000000030e-01, v2;
	_ =	sdelay $0x1  }
0x11d: {  	v2 =	vmax.f32 v2, v3  }
0x11e: {  	v2 =	vmul.f32 $1.442695020e+00, v2;
	_ =	sdelay $0x1  }
0x11f: {  	(erf) = vpow2.f32 v2;
	_ =	sdelay $0x2  }
0x120: {  	p1 =	slt.u32 s22, $0x50910;
	v2 =	vld [tilespmem:$0xB8E0]  }
0x121: {  	v3 =	vld [tilespmem:$0xB860];
	_ =	sdelay $0x4  }
0x122: {  	v4 =	vpop (erf)  }
0x123: {  	v4 =	vpsel !p1, $0x0, v4  }
0x124: {  	[tilespmem:$0xB950] =	vst v4  }
0x125: {  	v3 =	vld.idx.msk [tilespmem:v3+s30+$0x0], $0xffff  }
0x126: {  	v2 =	vld.idx.msk [tilespmem:v2+s31+$0x0], $0xffff;
	_ =	sdelay $0x5  }
0x127: {  	v2 =	vadd.f32 v2, v3;
	_ =	sdelay $0x1  }
0x128: {  	v3 =	vmul.f32 $2.000000030e-01, v2;
	_ =	sdelay $0x1  }
0x129: {  	v2 =	vmax.f32 v2, v3  }
0x12a: {  	v2 =	vmul.f32 $1.442695020e+00, v2;
	_ =	sdelay $0x1  }
0x12b: {  	(erf) = vpow2.f32 v2;
	_ =	sdelay $0x1  }
0x12c: {  	p1 =	slt.u32 s21, $0x50910  }
0x12d: {  	v2 =	vld [tilespmem:$0xB8F0]  }
0x12e: {  	v3 =	vld [tilespmem:$0xB870];
	_ =	sdelay $0x4  }
0x12f: {  	v4 =	vpop (erf)  }
0x130: {  	v4 =	vpsel !p1, $0x0, v4  }
0x131: {  	[tilespmem:$0xB960] =	vst v4  }
0x132: {  	v3 =	vld.idx.msk [tilespmem:v3+s30+$0x0], $0xffff  }
0x133: {  	v2 =	vld.idx.msk [tilespmem:v2+s31+$0x0], $0xffff;
	_ =	sdelay $0x5  }
0x134: {  	v2 =	vadd.f32 v2, v3;
	_ =	sdelay $0x1  }
0x135: {  	v3 =	vmul.f32 $2.000000030e-01, v2;
	_ =	sdelay $0x1  }
.Ltmp2:
0x136: {  	v2 =	vmax.f32 v2, v3;
	(pc) =	sbr.rel @p0 .LBB2_6-.Ltmp2, $3  }
0x137: {  	v2 =	vmul.f32 $1.442695020e+00, v2;
	_ =	sdelay $0x1  }
0x138: {  	(erf) = vpow2.f32 v2  }
0x139: {  	p1 =	slt.u32 s20, $0x50910  }
0x13a: {  	_ =	sdelay $0x6  }
0x13b: {  	v2 =	vpop (erf)  }
0x13c: {  	v2 =	vpsel !p1, $0x0, v2  }
0x13d: {  	[tilespmem:$0xB970] =	vst v2  }
0x13e: {  	[spmem:s3] =	stream.indirect.scatter.add.f32 [tilespmem:s13], [sflag:$0x2], $0x1, s5, s28, $0xb8;
	[tilespmem:$0x1FC80] =	vst v63  }
0x13f: {  	_ =	swait.ge [sflag:s25], $0x80  }
0x140: {  	[sflag:s25] =	ssyncset.done $0x0  }
0x141: {  	[sflag:s25] =	ssyncadd.s32 $0xFFFFFF80  }
0x142: {  	[bflag:$0x0] =	sbarrier.arrive $0xFFFF  }
0x143: {  	[tilespmem:s26], [sflag:$0x2] =	stream.linear.gather [spmem:s3], $0x2800, $0x38;
	[tilespmem:$0x1FC80] =	vst v63  }
0x144: {  	_ =	swait.ge [sflag:s25], $0x2800  }
0x145: {  	s18 =	simm.s32 $0x0;
	s23 =	simm.s32 $0x0;
	[sflag:s25] =	ssyncset.done $0x0  }
0x146: {  	s21 =	smov.u32 s29;
	s22 =	smov.u32 s19;
	[sflag:s25] =	ssyncadd.s32 $0xFFFFD800  }
.LBB2_8:
0x147: {  	s8 =	sshll.u32 s23, $0x7  }
0x148: {  	s20 =	sadd.s32 s16, s8  }
0x149: {  	s8 =	sshrl.u32 s20, $0x3  }
0x14a: {  	s9 =	sadd.s32 s1, s8  }
0x14b: {  	[tilespmem:s0], [sflag:$0x2] =	stream.linear.gather [hbm4b:s9+s18], $0x80, $0x38;
	[tilespmem:$0x1FC80] =	vst v63  }
0x14c: {  	_ =	swait.ge [sflag:s25], $0x80  }
0x14d: {  	[sflag:s25] =	ssyncset.done $0x0  }
0x14e: {  	s8 =	sadd.s32 s7, s8;
	[sflag:s25] =	ssyncadd.s32 $0xFFFFFF80  }
0x14f: {  	[tilespmem:s5], [sflag:$0x2] =	stream.linear.gather [hbm4b:s8+s18], $0x80, $0x38;
	[tilespmem:$0x1FC80] =	vst v63  }
0x150: {  	_ =	swait.ge [sflag:s25], $0x80  }
0x151: {  	[sflag:s25] =	ssyncset.done $0x0  }
0x152: {  	[sflag:s25] =	ssyncadd.s32 $0xFFFFFF80  }
0x153: {  	v2 =	vld [tilespmem:$0xB800]  }
0x154: {  	v3 =	vld [tilespmem:$0xB810]  }
0x155: {  	v4 =	vld [tilespmem:$0xB820]  }
0x156: {  	v5 =	vld [tilespmem:$0xB830]  }
0x157: {  	v6 =	vld [tilespmem:$0xB840]  }
0x158: {  	v7 =	vld [tilespmem:$0xB850];
	v2 =	vadd.s32 v0, v2  }
0x159: {  	[tilespmem:$0xB980] =	vst v2;
	v2 =	vadd.s32 v0, v3;
	v3 =	vld [tilespmem:$0xB860]  }
0x15a: {  	[tilespmem:$0xB990] =	vst v2;
	v2 =	vadd.s32 v0, v4;
	v4 =	vld [tilespmem:$0xB870]  }
0x15b: {  	[tilespmem:$0xB9A0] =	vst v2;
	v2 =	vadd.s32 v0, v5  }
0x15c: {  	[tilespmem:$0xB9B0] =	vst v2;
	v2 =	vadd.s32 v0, v6  }
0x15d: {  	[tilespmem:$0xB9C0] =	vst v2;
	v2 =	vadd.s32 v0, v7  }
0x15e: {  	[tilespmem:$0xB9D0] =	vst v2;
	v2 =	vadd.s32 v0, v3  }
0x15f: {  	[tilespmem:$0xB9E0] =	vst v2;
	v2 =	vadd.s32 v0, v4  }
0x160: {  	[tilespmem:$0xB9F0] =	vst v2  }
0x161: {  	[tilespmem:s18], [sflag:$0x1] =	stream.indirect.gather [hbm4b:s6+s28], $0x80, s14, s28, $0xb8;
	[tilespmem:$0x1FC80] =	vst v63  }
0x162: {  	_ =	swait.ge [sflag:s15], $0x4000  }
0x163: {  	[sflag:s15] =	ssyncset.done $0x0  }
0x164: {  	[sflag:s15] =	ssyncadd.s32 $0xFFFFC000  }
0x165: {  	v2 =	vld [tilespmem:$0xB800]  }
0x166: {  	v3 =	vld [tilespmem:$0xB880];
	_ =	sdelay $0x6  }
0x167: {  	v2 =	vld.idx.msk [tilespmem:v2+s30+$0x0], $0xffff  }
0x168: {  	v4 =	vld.idx.msk [tilespmem:v3+s31+$0x0], $0xffff;
	_ =	sdelay $0x4  }
0x169: {  	v2 =	vadd.f32 v4, v2  }
0x16a: {  	v3 =	vld.idx.msk [tilespmem:v3+s26+$0x0], $0xffff  }
0x16b: {  	v4 =	vmul.f32 $2.000000030e-01, v2;
	_ =	sdelay $0x1  }
0x16c: {  	v2 =	vmax.f32 v2, v4  }
0x16d: {  	v2 =	vmul.f32 $1.442695020e+00, v2  }
0x16e: {  	v3 =	vadd.f32 $1.000000020e-16, v3  }
0x16f: {  	(erf) = vpow2.f32 v2  }
0x170: {  	(erf) = vrcp.f32 v3;
	_ =	sdelay $0x4  }
0x171: {  	v2 =	vld [tilespmem:$0xB810]  }
0x172: {  	v3 =	vld [tilespmem:$0xB890];
	_ =	sdelay $0x1  }
0x173: {  	p0 =	slt.u32 s20, $0x50910;
	v4 =	vpop (erf)  }
0x174: {  	v4 =	vpsel !p0, $0x0, v4;
	v5 =	vpop (erf)  }
0x175: {  	v4 =	vmul.f32 v4, v5;
	_ =	sdelay $0x1  }
0x176: {  	[tilespmem:$0xB900] =	vst v4  }
0x177: {  	v2 =	vld.idx.msk [tilespmem:v2+s30+$0x0], $0xffff  }
0x178: {  	v4 =	vld.idx.msk [tilespmem:v3+s31+$0x0], $0xffff;
	_ =	sdelay $0x4  }
0x179: {  	v2 =	vadd.f32 v4, v2  }
0x17a: {  	v3 =	vld.idx.msk [tilespmem:v3+s26+$0x0], $0xffff  }
0x17b: {  	v4 =	vmul.f32 $2.000000030e-01, v2;
	_ =	sdelay $0x1  }
0x17c: {  	v2 =	vmax.f32 v2, v4  }
0x17d: {  	v2 =	vmul.f32 $1.442695020e+00, v2  }
0x17e: {  	v3 =	vadd.f32 $1.000000020e-16, v3  }
0x17f: {  	(erf) = vpow2.f32 v2  }
0x180: {  	(erf) = vrcp.f32 v3;
	_ =	sdelay $0x4  }
0x181: {  	v2 =	vld [tilespmem:$0xB820]  }
0x182: {  	v3 =	vld [tilespmem:$0xB8A0]  }
0x183: {  	s29 =	sor.u32 $0x10, s20  }
0x184: {  	p6 =	slt.u32 s29, $0x50910;
	v4 =	vpop (erf)  }
0x185: {  	v4 =	vpsel !p6, $0x0, v4;
	v5 =	vpop (erf)  }
0x186: {  	v4 =	vmul.f32 v4, v5;
	_ =	sdelay $0x1  }
0x187: {  	[tilespmem:$0xB910] =	vst v4  }
0x188: {  	v2 =	vld.idx.msk [tilespmem:v2+s30+$0x0], $0xffff  }
0x189: {  	v4 =	vld.idx.msk [tilespmem:v3+s31+$0x0], $0xffff;
	_ =	sdelay $0x4  }
0x18a: {  	v2 =	vadd.f32 v4, v2  }
0x18b: {  	v3 =	vld.idx.msk [tilespmem:v3+s26+$0x0], $0xffff  }
0x18c: {  	v4 =	vmul.f32 $2.000000030e-01, v2;
	_ =	sdelay $0x1  }
0x18d: {  	v2 =	vmax.f32 v2, v4  }
0x18e: {  	v2 =	vmul.f32 $1.442695020e+00, v2  }
0x18f: {  	v3 =	vadd.f32 $1.000000020e-16, v3  }
0x190: {  	(erf) = vpow2.f32 v2  }
0x191: {  	(erf) = vrcp.f32 v3;
	_ =	sdelay $0x4  }
0x192: {  	v2 =	vld [tilespmem:$0xB830]  }
0x193: {  	v3 =	vld [tilespmem:$0xB8B0]  }
0x194: {  	s9 =	sor.u32 $0x20, s20  }
0x195: {  	p1 =	slt.u32 s9, $0x50910;
	v4 =	vpop (erf)  }
0x196: {  	v4 =	vpsel !p1, $0x0, v4;
	v5 =	vpop (erf)  }
0x197: {  	v4 =	vmul.f32 v4, v5;
	_ =	sdelay $0x1  }
0x198: {  	[tilespmem:$0xB920] =	vst v4  }
0x199: {  	v2 =	vld.idx.msk [tilespmem:v2+s30+$0x0], $0xffff  }
0x19a: {  	v4 =	vld.idx.msk [tilespmem:v3+s31+$0x0], $0xffff;
	_ =	sdelay $0x4  }
0x19b: {  	v2 =	vadd.f32 v4, v2  }
0x19c: {  	v3 =	vld.idx.msk [tilespmem:v3+s26+$0x0], $0xffff  }
0x19d: {  	v4 =	vmul.f32 $2.000000030e-01, v2;
	_ =	sdelay $0x1  }
0x19e: {  	v2 =	vmax.f32 v2, v4  }
0x19f: {  	v2 =	vmul.f32 $1.442695020e+00, v2  }
0x1a0: {  	v3 =	vadd.f32 $1.000000020e-16, v3  }
0x1a1: {  	(erf) = vpow2.f32 v2  }
0x1a2: {  	(erf) = vrcp.f32 v3;
	_ =	sdelay $0x4  }
0x1a3: {  	v2 =	vld [tilespmem:$0xB840]  }
0x1a4: {  	v3 =	vld [tilespmem:$0xB8C0]  }
0x1a5: {  	s10 =	sor.u32 $0x30, s20  }
0x1a6: {  	p2 =	slt.u32 s10, $0x50910;
	v4 =	vpop (erf)  }
0x1a7: {  	v4 =	vpsel !p2, $0x0, v4;
	v5 =	vpop (erf)  }
0x1a8: {  	v4 =	vmul.f32 v4, v5;
	_ =	sdelay $0x1  }
0x1a9: {  	[tilespmem:$0xB930] =	vst v4  }
0x1aa: {  	v2 =	vld.idx.msk [tilespmem:v2+s30+$0x0], $0xffff  }
0x1ab: {  	v4 =	vld.idx.msk [tilespmem:v3+s31+$0x0], $0xffff;
	_ =	sdelay $0x4  }
0x1ac: {  	v2 =	vadd.f32 v4, v2  }
0x1ad: {  	v3 =	vld.idx.msk [tilespmem:v3+s26+$0x0], $0xffff  }
0x1ae: {  	v4 =	vmul.f32 $2.000000030e-01, v2;
	_ =	sdelay $0x1  }
0x1af: {  	v2 =	vmax.f32 v2, v4  }
0x1b0: {  	v2 =	vmul.f32 $1.442695020e+00, v2  }
0x1b1: {  	v3 =	vadd.f32 $1.000000020e-16, v3  }
0x1b2: {  	(erf) = vpow2.f32 v2  }
0x1b3: {  	(erf) = vrcp.f32 v3;
	_ =	sdelay $0x4  }
0x1b4: {  	v2 =	vld [tilespmem:$0xB850]  }
0x1b5: {  	v3 =	vld [tilespmem:$0xB8D0]  }
0x1b6: {  	s11 =	sor.u32 $0x40, s20  }
0x1b7: {  	p3 =	slt.u32 s11, $0x50910;
	v4 =	vpop (erf)  }
0x1b8: {  	v4 =	vpsel !p3, $0x0, v4;
	v5 =	vpop (erf)  }
0x1b9: {  	v4 =	vmul.f32 v4, v5;
	_ =	sdelay $0x1  }
0x1ba: {  	[tilespmem:$0xB940] =	vst v4  }
0x1bb: {  	v2 =	vld.idx.msk [tilespmem:v2+s30+$0x0], $0xffff  }
0x1bc: {  	v4 =	vld.idx.msk [tilespmem:v3+s31+$0x0], $0xffff;
	_ =	sdelay $0x4  }
0x1bd: {  	v2 =	vadd.f32 v4, v2  }
0x1be: {  	v3 =	vld.idx.msk [tilespmem:v3+s26+$0x0], $0xffff  }
0x1bf: {  	v4 =	vmul.f32 $2.000000030e-01, v2;
	_ =	sdelay $0x1  }
0x1c0: {  	v2 =	vmax.f32 v2, v4  }
0x1c1: {  	v2 =	vmul.f32 $1.442695020e+00, v2  }
0x1c2: {  	v3 =	vadd.f32 $1.000000020e-16, v3  }
0x1c3: {  	(erf) = vpow2.f32 v2  }
0x1c4: {  	(erf) = vrcp.f32 v3;
	_ =	sdelay $0x4  }
0x1c5: {  	v2 =	vld [tilespmem:$0xB860]  }
0x1c6: {  	v3 =	vld [tilespmem:$0xB8E0]  }
0x1c7: {  	s19 =	sor.u32 $0x50, s20  }
0x1c8: {  	p4 =	slt.u32 s19, $0x50910;
	v4 =	vpop (erf)  }
0x1c9: {  	v4 =	vpsel !p4, $0x0, v4;
	v5 =	vpop (erf)  }
0x1ca: {  	v4 =	vmul.f32 v4, v5;
	_ =	sdelay $0x1  }
0x1cb: {  	[tilespmem:$0xB950] =	vst v4  }
0x1cc: {  	v2 =	vld.idx.msk [tilespmem:v2+s30+$0x0], $0xffff  }
0x1cd: {  	v4 =	vld.idx.msk [tilespmem:v3+s31+$0x0], $0xffff;
	_ =	sdelay $0x4  }
0x1ce: {  	v2 =	vadd.f32 v4, v2  }
0x1cf: {  	v3 =	vld.idx.msk [tilespmem:v3+s26+$0x0], $0xffff  }
0x1d0: {  	v4 =	vmul.f32 $2.000000030e-01, v2;
	_ =	sdelay $0x1  }
0x1d1: {  	v2 =	vmax.f32 v2, v4  }
0x1d2: {  	v2 =	vmul.f32 $1.442695020e+00, v2  }
0x1d3: {  	v3 =	vadd.f32 $1.000000020e-16, v3  }
0x1d4: {  	(erf) = vpow2.f32 v2  }
0x1d5: {  	(erf) = vrcp.f32 v3;
	_ =	sdelay $0x4  }
0x1d6: {  	v2 =	vld [tilespmem:$0xB870]  }
0x1d7: {  	v3 =	vld [tilespmem:$0xB8F0]  }
0x1d8: {  	s24 =	sor.u32 $0x60, s20  }
0x1d9: {  	p5 =	slt.u32 s24, $0x50910;
	v4 =	vpop (erf)  }
0x1da: {  	v4 =	vpsel !p5, $0x0, v4;
	v5 =	vpop (erf)  }
0x1db: {  	v4 =	vmul.f32 v4, v5;
	_ =	sdelay $0x1  }
0x1dc: {  	[tilespmem:$0xB960] =	vst v4  }
0x1dd: {  	v2 =	vld.idx.msk [tilespmem:v2+s30+$0x0], $0xffff  }
0x1de: {  	v4 =	vld.idx.msk [tilespmem:v3+s31+$0x0], $0xffff;
	_ =	sdelay $0x4  }
0x1df: {  	v2 =	vadd.f32 v4, v2  }
0x1e0: {  	v3 =	vld.idx.msk [tilespmem:v3+s26+$0x0], $0xffff  }
0x1e1: {  	v4 =	vmul.f32 $2.000000030e-01, v2;
	_ =	sdelay $0x1  }
0x1e2: {  	v2 =	vmax.f32 v2, v4  }
0x1e3: {  	v2 =	vmul.f32 $1.442695020e+00, v2  }
0x1e4: {  	v3 =	vadd.f32 $1.000000020e-16, v3  }
0x1e5: {  	(erf) = vpow2.f32 v2  }
0x1e6: {  	(erf) = vrcp.f32 v3;
	_ =	sdelay $0x6  }
0x1e7: {  	s29 =	sor.u32 $0x70, s20  }
0x1e8: {  	p6 =	slt.u32 s29, $0x50910;
	v2 =	vpop (erf)  }
0x1e9: {  	v2 =	vpsel !p6, $0x0, v2;
	v3 =	vpop (erf)  }
0x1ea: {  	v2 =	vmul.f32 v2, v3  }
0x1eb: {  	v3 =	vmov s18  }
0x1ec: {  	s8 =	simm.s32 $0x40;
	[tilespmem:$0xB970] =	vst v2  }
0x1ed: {  	v6 =	vld [tilespmem:s8+$0x30]  }
0x1ee: {  	v9 =	vld [tilespmem:s8+$0x10]  }
0x1ef: {  	v7 =	vld [tilespmem:s8+$0xFFFFFFC0]  }
0x1f0: {  	v3 =	vld.idx.msk [tilespmem:v3+s13+$0x0], $0xffff  }
0x1f1: {  	v11 =	vld [tilespmem:s8+$0xFFFFFFE0]  }
0x1f2: {  	v2 =	vld [tilespmem:s8+$0xFFFFFFF0]  }
0x1f3: {  	v4 =	vld [tilespmem:s8+$0x20]  }
0x1f4: {  	v5 =	vld [tilespmem:s8+$0xFFFFFFD0]  }
0x1f5: {  	v10 =	vmul.f32 v6, v3;
	v6 =	vld [tilespmem:s8+$0x0]  }
0x1f6: {  	v8 =	vmul.f32 v7, v3  }
0x1f7: {  	s10 =	simm.s32 $0x40;
	s9 =	simm.s32 $0x1;
	v7 =	vmul.f32 v11, v3;
	v9 =	vmul.f32 v9, v3  }
.LBB2_9:
0x1f8: {  	p0 =	sne.s32 s9, $0x7F  }
0x1f9: {  	v5 =	vmul.f32 v5, v3;
	v4 =	vmul.f32 v4, v3;
	[tilespmem:s8+$0x30] =	vst v10;
	s10 =	sadd.s32 $0x80, s10;
	s11 =	smov.u32 s9;
	s9 =	sadd.s32 $0x1, s9  }
0x1fa: {  	[tilespmem:s8+$0xFFFFFFC0] =	vst v8;
	v8 =	vmul.f32 v2, v3;
	v3 =	vmul.f32 v6, v3  }
0x1fb: {  	[tilespmem:s8+$0x10] =	vst v9  }
0x1fc: {  	v6 =	vmov s11;
	[tilespmem:s8+$0xFFFFFFE0] =	vst v7  }
0x1fd: {  	v2 =	vld [tilespmem:s10+$0xFFFFFFF0];
	[tilespmem:s8+$0xFFFFFFF0] =	vst v8  }
0x1fe: {  	v7 =	vld [tilespmem:s10+$0x30];
	[tilespmem:s8+$0x0] =	vst v3  }
0x1ff: {  	v9 =	vld [tilespmem:s10+$0x10];
	[tilespmem:s8+$0x20] =	vst v4  }
0x200: {  	v8 =	vld [tilespmem:s10+$0xFFFFFFC0];
	[tilespmem:s8+$0xFFFFFFD0] =	vst v5;
	s8 =	smov.u32 s10  }
0x201: {  	v3 =	vld.idx.msk [tilespmem:v6+s13+$0x0], $0xffff  }
0x202: {  	v11 =	vld [tilespmem:s10+$0xFFFFFFE0]  }
0x203: {  	v4 =	vld [tilespmem:s10+$0x20]  }
.Ltmp3:
0x204: {  	v5 =	vld [tilespmem:s10+$0xFFFFFFD0];
	(pc) =	sbr.rel @p0 .LBB2_9-.Ltmp3, $3  }
0x205: {  	v6 =	vld [tilespmem:s10+$0x0];
	_ =	sdelay $0x1  }
0x206: {  	v8 =	vmul.f32 v8, v3;
	v10 =	vmul.f32 v7, v3  }
0x207: {  	v9 =	vmul.f32 v9, v3;
	v7 =	vmul.f32 v11, v3  }
0x208: {  	[tilespmem:s8+$0x30] =	vst v10  }
0x209: {  	[tilespmem:s8+$0xFFFFFFC0] =	vst v8  }
0x20a: {  	v2 =	vmul.f32 v2, v3;
	[tilespmem:s8+$0x10] =	vst v9  }
0x20b: {  	v4 =	vmul.f32 v4, v3;
	[tilespmem:s8+$0xFFFFFFE0] =	vst v7  }
0x20c: {  	v6 =	vmul.f32 v6, v3;
	[tilespmem:s8+$0xFFFFFFF0] =	vst v2  }
0x20d: {  	s23 =	sadd.s32 $0x1, s23;
	v2 =	vmul.f32 v5, v3;
	[tilespmem:s8+$0x20] =	vst v4  }
0x20e: {  	p0 =	sne.s32 s23, $0xA2;
	[tilespmem:s8+$0x0] =	vst v6  }
.Ltmp4:
0x20f: {  	[tilespmem:s8+$0xFFFFFFD0] =	vst v2;
	(pc) =	sbr.rel @p0 .LBB2_8-.Ltmp4, $4  }
0x210: {  	[spmem:s2] =	stream.indirect.scatter.add.f32 [tilespmem:s4], [sflag:$0x2], $0x80, s5, s28, $0xb8;
	[tilespmem:$0x1FC80] =	vst v63  }
0x211: {  	_ =	swait.ge [sflag:s25], $0x4000  }
0x212: {  	[sflag:s25] =	ssyncset.done $0x0  }
0x213: {  	[sflag:s25] =	ssyncadd.s32 $0xFFFFC000  }
0x214: {  	[bflag:$0x0] =	sbarrier.arrive $0xFFFF  }
0x215: {  	[tilespmem:s4], [sflag:$0x2] =	stream.linear.gather [spmem:s12], $0x4000, $0x38;
	[tilespmem:$0x1FC80] =	vst v63  }
0x216: {  	_ =	swait.ge [sflag:s25], $0x4000  }
0x217: {  	[sflag:s25] =	ssyncset.done $0x0  }
0x218: {  	s8 =	rddreg [dreg:$0xa];
	[sflag:s25] =	ssyncadd.s32 $0xFFFFC000  }
0x219: {  	[hbm4b:s8+s4] =	stream.linear.scatter [tilespmem:s4], [sflag:$0x2], $0x4000, $0x38;
	[tilespmem:$0x1FC80] =	vst v63  }
0x21a: {  	_ =	swait.ge [sflag:s25], $0x4000  }
0x21b: {  	[sflag:s25] =	ssyncset.done $0x0  }
0x21c: {  	[sflag:s25] =	ssyncadd.s32 $0xFFFFC000  }
0x21d: {  	[tilespmem:s4], [sflag:$0x2] =	stream.linear.gather [spmem:s21], $0x4000, $0x38;
	[tilespmem:$0x1FC80] =	vst v63  }
0x21e: {  	_ =	swait.ge [sflag:s25], $0x4000  }
0x21f: {  	[sflag:s25] =	ssyncset.done $0x0  }
0x220: {  	s18 =	rddreg [dreg:$0xb];
	[sflag:s25] =	ssyncadd.s32 $0xFFFFC000  }
0x221: {  	[hbm4b:s18+s4] =	stream.linear.scatter [tilespmem:s4], [sflag:$0x2], $0x4000, $0x38;
	[tilespmem:$0x1FC80] =	vst v63  }
0x222: {  	_ =	swait.ge [sflag:s25], $0x4000  }
0x223: {  	[sflag:s25] =	ssyncset.done $0x0  }
0x224: {  	[sflag:s25] =	ssyncadd.s32 $0xFFFFC000  }
0x225: {  	[tilespmem:s4], [sflag:$0x2] =	stream.linear.gather [spmem:s22], $0x4000, $0x38;
	[tilespmem:$0x1FC80] =	vst v63  }
0x226: {  	_ =	swait.ge [sflag:s25], $0x4000  }
0x227: {  	[sflag:s25] =	ssyncset.done $0x0  }
0x228: {  	s19 =	rddreg [dreg:$0xc];
	[sflag:s25] =	ssyncadd.s32 $0xFFFFC000  }
0x229: {  	[hbm4b:s19+s4] =	stream.linear.scatter [tilespmem:s4], [sflag:$0x2], $0x4000, $0x38;
	[tilespmem:$0x1FC80] =	vst v63  }
0x22a: {  	_ =	swait.ge [sflag:s25], $0x4000  }
0x22b: {  	[sflag:s25] =	ssyncset.done $0x0  }
0x22c: {  	s11 =	rddreg [dreg:$0x5];
	[sflag:s25] =	ssyncadd.s32 $0xFFFFC000  }
0x22d: {  	[tilespmem:s4], [sflag:$0x2] =	stream.linear.gather [spmem:s11], $0x4000, $0x38;
	[tilespmem:$0x1FC80] =	vst v63  }
0x22e: {  	_ =	swait.ge [sflag:s25], $0x4000  }
0x22f: {  	[sflag:s25] =	ssyncset.done $0x0  }
0x230: {  	s23 =	rddreg [dreg:$0xd];
	[sflag:s25] =	ssyncadd.s32 $0xFFFFC000  }
0x231: {  	[hbm4b:s23+s4] =	stream.linear.scatter [tilespmem:s4], [sflag:$0x2], $0x4000, $0x38;
	[tilespmem:$0x1FC80] =	vst v63  }
0x232: {  	_ =	swait.ge [sflag:s25], $0x4000  }
0x233: {  	[sflag:s25] =	ssyncset.done $0x0  }
0x234: {  	s23 =	rddreg [dreg:$0x6];
	[sflag:s25] =	ssyncadd.s32 $0xFFFFC000  }
0x235: {  	[tilespmem:s4], [sflag:$0x2] =	stream.linear.gather [spmem:s23], $0x4000, $0x38;
	[tilespmem:$0x1FC80] =	vst v63  }
0x236: {  	_ =	swait.ge [sflag:s25], $0x4000  }
0x237: {  	[sflag:s25] =	ssyncset.done $0x0  }
0x238: {  	s24 =	rddreg [dreg:$0xe];
	[sflag:s25] =	ssyncadd.s32 $0xFFFFC000  }
0x239: {  	[hbm4b:s24+s4] =	stream.linear.scatter [tilespmem:s4], [sflag:$0x2], $0x4000, $0x38;
	[tilespmem:$0x1FC80] =	vst v63  }
0x23a: {  	_ =	swait.ge [sflag:s25], $0x4000  }
0x23b: {  	s17 =	sadd.s32 $0x1, s17;
	s29 =	rddreg [dreg:$0xf]  }
0x23c: {  	p0 =	sne.s32 s17, s29  }
.Ltmp5:
0x23d: {  	_ = 	snop;
	(pc) =	sbr.rel @p0 .LBB2_1-.Ltmp5, $3  }
0x23e: {  	_ =	sdelay $0x1  }
0x23f: {  	[sflag:s25] =	ssyncset.done $0x0  }
0x240: {  	s20 =	smov.u32 s12;
	[sflag:s25] =	ssyncadd.s32 $0xFFFFC000  }
0x241: {  	_ =	sfence.sel $0x180000  }
0x242: {  	[bflag:$0x0] =	sbarrier.arrive $0xFFFF  }
0x243: {  	_ =	strace $0x90000047  }
0x244: {  	s0 =	stileid.u32;
	[bflag:$0x2] =	sbarrier.arrive $0xFFFF  }
0x245: {  	p0 =	sne.s32 s0, $0x0;
	s0 =	rddreg [dreg:$0x4]  }
0x246: {  	s0 =	sadd.s32 @!p0 $0x100000, s0  }
0x247: {  	[sflag:s0] =	ssyncadd.tile.s32 @!p0 $0x1;
	_ =	shalt  }
.Lfunc_end2:
_tile_overlayer_lowered:
.L_overlay_start_2:
0x248: {  	(tag) =	ssettag $0x2  }
0x249: {  	s0 =	rddreg [dreg:$0x0];
	s2 =	stileid.u32  }
0x24a: {  	s1 =	rddreg [dreg:$0x1];
	p0 =	sne.s32 s2, $0x0  }
0x24b: {  	s3 =	rddreg [dreg:$0x2];
	[bflag:$0x3] =	sbarrier.arrive $0xFFFF;
	s2 =	simm.s32 @!p0 $0x1C02  }
0x24c: {  	[timem:s3], [sflag:s2] =	dma.local @!p0 [hbm:s0], s1  }
0x24d: {  	s0 =	simm.s32 @!p0 $0x2  }
0x24e: {  	_ =	swait.ge @!p0 [sflag:s0], s1  }
0x24f: {  	s1 =	ssub.s32 @!p0 $0x0, s1;
	[sflag:s0] =	ssyncset.done @!p0 $0x0  }
0x250: {  	[sflag:s0] =	ssyncadd.s32 @!p0 s1  }
0x251: {  	[bflag:$0x3] =	sbarrier.arrive $0xFFFF  }
0x252: {  	_ =	shalt  }

</sc_bundles>
